<compile_context>
chip_gen: v7x
topology: tpu7x:2x2x1
jax: 0.10.2.dev20260603
libtpu: 0.0.44.dev20260713+nightly
codegen_flags: <defaults>
</compile_context>

<pallas_src>
import functools

import jax
import jax.numpy as jnp
from jax import lax
from jax.experimental import pallas as pl
from jax.experimental.pallas import tpu as pltpu
from jax.experimental.pallas import tpu_sc as plsc

NCORES = 2
NSUB = 16
NW = NCORES * NSUB
CH = 128
FP = 128


def _sc_mesh():
    return plsc.VectorSubcoreMesh(
        core_axis_name="c", subcore_axis_name="s",
        num_cores=NCORES, num_subcores=NSUB)


def _degree_counts(dst2, n_pad):
    nchunks = dst2.shape[0]
    cpw = nchunks // NW
    assert nchunks == cpw * NW and n_pad % (NSUB * CH) == 0
    z_len = n_pad // NSUB

    @functools.partial(
        pl.kernel,
        out_type=jax.ShapeDtypeStruct((NCORES, n_pad), jnp.float32),
        mesh=_sc_mesh(),
        scratch_types=[
            pltpu.VMEM_SHARED((n_pad,), jnp.float32),
            pltpu.VMEM((cpw, CH), jnp.int32),
            pltpu.VMEM((CH,), jnp.float32),
            pltpu.VMEM((z_len,), jnp.float32),
        ],
    )
    def k(dst_hbm, out_hbm, deg_sp, idx_v, ones_v, zero_v):
        c = lax.axis_index("c")
        s = lax.axis_index("s")
        wid = c * NSUB + s

        @pl.loop(0, CH // 16)
        def _(i):
            ones_v[pl.ds(i * 16, 16)] = jnp.full((16,), 1.0, jnp.float32)

        @pl.loop(0, z_len // 16)
        def _(i):
            zero_v[pl.ds(i * 16, 16)] = jnp.zeros((16,), jnp.float32)

        span = pl.ds(s * z_len, z_len)
        pltpu.sync_copy(zero_v, deg_sp.at[span])
        pltpu.sync_copy(dst_hbm.at[pl.ds(wid * cpw, cpw)], idx_v)
        plsc.subcore_barrier()

        @pl.loop(0, cpw)
        def _(i):
            pltpu.sync_copy(ones_v, deg_sp.at[idx_v.at[i]], add=True)

        plsc.subcore_barrier()
        pltpu.sync_copy(deg_sp.at[span], out_hbm.at[c].at[span])

    return k(dst2)


def _edge_sum(y, src2, dst2):
    n, f = y.shape
    assert f == FP
    nchunks = src2.shape[0]
    cpw = nchunks // NW
    assert nchunks == cpw * NW and (cpw - 2) % 3 == 0 and n % 8 == 0
    r_big = ((n // NSUB + 7) // 8) * 8
    r_last = n - (NSUB - 1) * r_big
    assert 0 < r_last <= r_big

    @functools.partial(
        pl.kernel,
        out_type=jax.ShapeDtypeStruct((NCORES, n, f), jnp.float32),
        mesh=_sc_mesh(),
        scratch_types=[
            pltpu.VMEM_SHARED((n, f), jnp.float32),
            [pltpu.VMEM((CH,), jnp.int32)] * 3,
            [pltpu.VMEM((CH,), jnp.int32)] * 3,
            [pltpu.VMEM((CH, f), jnp.float32)] * 3,
            [pltpu.SemaphoreType.DMA] * 3,
            [pltpu.SemaphoreType.DMA] * 3,
            [pltpu.SemaphoreType.DMA] * 3,
        ],
    )
    def k(y_hbm, src_hbm, dst_hbm, out_hbm, z_sp, srcs, dsts, bufs,
          isem, gsem, ssem):
        c = lax.axis_index("c")
        s = lax.axis_index("s")
        wid = c * NSUB + s
        base = wid * cpw

        @pl.when(s < NSUB - 1)
        def _():
            rows = pl.ds(s * r_big, r_big)
            pltpu.sync_copy(y_hbm.at[rows], z_sp.at[rows])

        @pl.when(s == NSUB - 1)
        def _():
            rows = pl.ds((NSUB - 1) * r_big, r_last)
            pltpu.sync_copy(y_hbm.at[rows], z_sp.at[rows])

        plsc.subcore_barrier()

        def issue_idx(kk, b):
            pltpu.async_copy(src_hbm.at[base + kk], srcs[b], isem[b])
            pltpu.async_copy(dst_hbm.at[base + kk], dsts[b], isem[b])

        def wait_idx(b):
            pltpu.make_async_copy(src_hbm.at[0], srcs[b], isem[b]).wait()
            pltpu.make_async_copy(dst_hbm.at[0], dsts[b], isem[b]).wait()

        def issue_gather(b):
            pltpu.async_copy(y_hbm.at[srcs[b]], bufs[b], gsem[b])

        def wait_gather(b):
            pltpu.make_async_copy(y_hbm.at[pl.ds(0, CH)], bufs[b],
                                  gsem[b]).wait()

        def issue_scatter(b):
            pltpu.async_copy(bufs[b], z_sp.at[dsts[b]], ssem[b], add=True)

        def wait_scatter(b):
            pltpu.make_async_copy(y_hbm.at[pl.ds(0, CH)], bufs[b],
                                  ssem[b]).wait()

        issue_idx(0, 0)
        issue_idx(1, 1)
        wait_idx(0)
        issue_gather(0)
        issue_idx(2, 2)

        @pl.loop(0, (cpw - 2) // 3)
        def _(i):
            for j in range(3):
                kk = 3 * i + 1 + j
                b = (j + 1) % 3
                bp = j
                bn = (j + 2) % 3
                wait_idx(b)
                issue_gather(b)

                @pl.when(kk >= 2)
                def _():
                    wait_scatter(bn)
                    issue_idx(kk + 1, bn)

                wait_gather(bp)
                issue_scatter(bp)

        bl = (cpw - 1) % 3
        blp = (cpw - 2) % 3
        bll = (cpw - 3) % 3
        wait_idx(bl)
        issue_gather(bl)
        wait_gather(blp)
        issue_scatter(blp)
        wait_gather(bl)
        issue_scatter(bl)
        wait_scatter(bll)
        wait_scatter(blp)
        wait_scatter(bl)

        plsc.subcore_barrier()

        @pl.when(s < NSUB - 1)
        def _():
            rows = pl.ds(s * r_big, r_big)
            pltpu.sync_copy(z_sp.at[rows], out_hbm.at[c].at[rows])

        @pl.when(s == NSUB - 1)
        def _():
            rows = pl.ds((NSUB - 1) * r_big, r_last)
            pltpu.sync_copy(z_sp.at[rows], out_hbm.at[c].at[rows])

    return k(y, src2, dst2)


_RB = 1000


def _pad_cols(x, width):
    n, f = x.shape
    if f == width:
        return x
    return jnp.concatenate(
        [x, jnp.zeros((n, width - f), jnp.float32)], axis=1)


def _tc_first(data, w1, t, cnt_t, nz):
    n, cin = data.shape
    f = w1.shape[1]
    grid = (n // _RB,)

    def body(t_ref, data_ref, w1_ref, cnt_ref, y_ref, dinv_ref):
        deg = cnt_ref[:, 0:1] + cnt_ref[:, 1:2] + 1.0
        dinv = lax.rsqrt(deg)
        xw = jnp.dot(data_ref[...], w1_ref[1:, :],
                     preferred_element_type=jnp.float32)
        xw = xw + t_ref[0, 0] * w1_ref[0:1, :]
        y_ref[...] = _pad_cols(xw * dinv, FP)
        dinv_ref[...] = dinv

    return pl.pallas_call(
        body,
        grid=grid,
        in_specs=[
            pl.BlockSpec((1, 1), lambda i: (0, 0)),
            pl.BlockSpec((_RB, cin), lambda i: (i, 0)),
            pl.BlockSpec((cin + 1, f), lambda i: (0, 0)),
            pl.BlockSpec((_RB, 2), lambda i: (i, 0)),
        ],
        out_specs=[
            pl.BlockSpec((_RB, FP), lambda i: (i, 0)),
            pl.BlockSpec((_RB, 1), lambda i: (i, 0)),
        ],
        out_shape=[
            jax.ShapeDtypeStruct((nz, FP), jnp.float32),
            jax.ShapeDtypeStruct((n, 1), jnp.float32),
        ],
    )(t.reshape(1, 1), data, w1, cnt_t)


def _tc_mid(zz, y, dinv, b, w):
    nz = y.shape[0]
    n = dinv.shape[0]
    f, f2 = w.shape
    grid = (n // _RB,)

    def body(zz_ref, y_ref, dinv_ref, b_ref, w_ref, out_ref):
        dinv = dinv_ref[...]
        z = (zz_ref[0] + zz_ref[1] - y_ref[...])[:, :f]
        a = jnp.tanh(z * dinv + b_ref[...])
        nxt = jnp.dot(a, w_ref[...], preferred_element_type=jnp.float32)
        out_ref[...] = _pad_cols(nxt * dinv, FP)

    return pl.pallas_call(
        body,
        grid=grid,
        in_specs=[
            pl.BlockSpec((NCORES, _RB, FP), lambda i: (0, i, 0)),
            pl.BlockSpec((_RB, FP), lambda i: (i, 0)),
            pl.BlockSpec((_RB, 1), lambda i: (i, 0)),
            pl.BlockSpec((1, f), lambda i: (0, 0)),
            pl.BlockSpec((f, f2), lambda i: (0, 0)),
        ],
        out_specs=pl.BlockSpec((_RB, FP), lambda i: (i, 0)),
        out_shape=jax.ShapeDtypeStruct((nz, FP), jnp.float32),
    )(zz, y, dinv, b.reshape(1, f), w)


def _tc_final(zz, y, dinv, b, f):
    n = dinv.shape[0]
    grid = (n // _RB,)

    def body(zz_ref, y_ref, dinv_ref, b_ref, out_ref):
        z = (zz_ref[0] + zz_ref[1] - y_ref[...])[:, :f]
        u = z * dinv_ref[...] + b_ref[...]
        m = jnp.max(u, axis=1, keepdims=True)
        ex = jnp.exp(u - m)
        out_ref[...] = ex / jnp.sum(ex, axis=1, keepdims=True)

    return pl.pallas_call(
        body,
        grid=grid,
        in_specs=[
            pl.BlockSpec((NCORES, _RB, FP), lambda i: (0, i, 0)),
            pl.BlockSpec((_RB, FP), lambda i: (i, 0)),
            pl.BlockSpec((_RB, 1), lambda i: (i, 0)),
            pl.BlockSpec((1, f), lambda i: (0, 0)),
        ],
        out_specs=pl.BlockSpec((_RB, f), lambda i: (i, 0)),
        out_shape=jax.ShapeDtypeStruct((n, f), jnp.float32),
    )(zz, y, dinv, b.reshape(1, f))


def kernel(t, data, edges, W1, b1, W2, b2, W3, b3, W4, b4):
    n = data.shape[0]
    e = edges.shape[1]
    nz = n + 64
    n_deg = ((nz + NSUB * CH - 1) // (NSUB * CH)) * (NSUB * CH)
    unit = 2 * NW * CH
    e_pad = ((e + unit - 1) // unit) * unit
    npad = e_pad - e
    ar = jnp.arange(npad, dtype=jnp.int32)
    src = jnp.concatenate([edges[0], ar % n]).reshape(e_pad // CH, CH)
    dst = jnp.concatenate([edges[1], n + ar % (nz - n)]).reshape(
        e_pad // CH, CH)

    cnt = _degree_counts(dst, n_deg)
    y1, dinv = _tc_first(data, W1, t, cnt.T, nz)
    zz = _edge_sum(y1, src, dst)
    y2 = _tc_mid(zz, y1, dinv, b1, W2)
    zz = _edge_sum(y2, src, dst)
    y3 = _tc_mid(zz, y2, dinv, b2, W3)
    zz = _edge_sum(y3, src, dst)
    y4 = _tc_mid(zz, y3, dinv, b3, W4)
    zz = _edge_sum(y4, src, dst)
    return _tc_final(zz, y4, dinv, b4, W4.shape[1])

# --- scband reference (transcript-rebuilt; emitter-appended) ---
"""Pipeline reference for scband-graph-flow-mpnn-22471268892732 (READ-ONLY COPY).

The authoritative reference and input builder live on the scoring server;
editing this copy changes nothing except your own understanding.
"""

import jax, jax.numpy as jnp
import numpy as np

N = 10000
E = 320000
C_IN = 128
C_OUT = 32


def _glorot(key, shape):
    fan_in, fan_out = shape[0], shape[1]
    limit = np.sqrt(6.0 / (fan_in + fan_out))
    return jax.random.uniform(key, shape, dtype=jnp.float32, minval=-limit, maxval=limit)


def setup_inputs(seed: int = 0) -> dict:
    key = jax.random.key(seed)
    ks = jax.random.split(key, 12)
    t = jax.random.uniform(ks[0], (1,), dtype=jnp.float32)
    data = jax.random.normal(ks[1], (N, C_IN), dtype=jnp.float32)
    edges = jax.random.randint(ks[2], (2, E), 0, N, dtype=jnp.int32)
    W1 = _glorot(ks[3], (C_IN + 1, 64))
    b1 = jnp.zeros((64,), dtype=jnp.float32)
    W2 = _glorot(ks[4], (64, 64))
    b2 = jnp.zeros((64,), dtype=jnp.float32)
    W3 = _glorot(ks[5], (64, 32))
    b3 = jnp.zeros((32,), dtype=jnp.float32)
    W4 = _glorot(ks[6], (32, C_OUT))
    b4 = jnp.zeros((C_OUT,), dtype=jnp.float32)
    return {"t": t, "data": data, "edges": edges,
            "W1": W1, "b1": b1, "W2": W2, "b2": b2,
            "W3": W3, "b3": b3, "W4": W4, "b4": b4}


def _gcn_conv(x, src, dst, W, b):
    # torch_geometric GCNConv: add self-loops, symmetric normalization,
    # linear transform, gather-from-src, scatter-add-to-dst, add bias.
    num_nodes = x.shape[0]
    loop = jnp.arange(num_nodes, dtype=src.dtype)
    s = jnp.concatenate([src, loop])
    d = jnp.concatenate([dst, loop])
    deg = jnp.zeros((num_nodes,), dtype=x.dtype).at[d].add(1.0)
    dinv = jnp.where(deg > 0, jax.lax.rsqrt(jnp.maximum(deg, 1e-12)), 0.0)
    norm = dinv[s] * dinv[d]
    xw = x @ W
    msg = xw[s] * norm[:, None]
    out = jnp.zeros((num_nodes, W.shape[1]), dtype=x.dtype).at[d].add(msg)
    return out + b


def reference(t, data, edges, W1, b1, W2, b2, W3, b3, W4, b4):
    src = edges[0]
    dst = edges[1]
    dx = data.astype(jnp.float32)
    tt = jnp.ones_like(dx[:, :1]) * t
    h = jnp.concatenate([tt, dx], axis=1)
    h = jnp.tanh(_gcn_conv(h, src, dst, W1, b1))
    h = jnp.tanh(_gcn_conv(h, src, dst, W2, b2))
    h = jnp.tanh(_gcn_conv(h, src, dst, W3, b3))
    h = jax.nn.softmax(_gcn_conv(h, src, dst, W4, b4), axis=1)
    return h

if __name__ == "__main__":
    import jax
    _d = setup_inputs()
    print(jax.jit(kernel)(*tuple(_d.values())))

</pallas_src>

<mosaic_0001>
#map = affine_map<(d0, d1) -> (0, 0)>
#map1 = affine_map<(d0, d1) -> (0, 0, 0)>
module attributes {stable_mosaic.version = 14 : i64} {
  func.func @k(%arg0: i32, %arg1: i32, %arg2: memref<10064x128xf32, #tpu.memory_space<hbm>>, %arg3: memref<2560x128xi32, #tpu.memory_space<hbm>>, %arg4: memref<2560x128xi32, #tpu.memory_space<hbm>>, %arg5: memref<2x10064x128xf32, #tpu.memory_space<hbm>>, %arg6: memref<10064x128xf32, #tpu.memory_space<vmem_shared>>, %arg7: memref<128xi32, #tpu.memory_space<vmem>>, %arg8: memref<128xi32, #tpu.memory_space<vmem>>, %arg9: memref<128xi32, #tpu.memory_space<vmem>>, %arg10: memref<128xi32, #tpu.memory_space<vmem>>, %arg11: memref<128xi32, #tpu.memory_space<vmem>>, %arg12: memref<128xi32, #tpu.memory_space<vmem>>, %arg13: memref<128x128xf32, #tpu.memory_space<vmem>>, %arg14: memref<128x128xf32, #tpu.memory_space<vmem>>, %arg15: memref<128x128xf32, #tpu.memory_space<vmem>>, %arg16: memref<!tpu.dma_semaphore, #tpu.memory_space<semaphore_mem>>, %arg17: memref<!tpu.dma_semaphore, #tpu.memory_space<semaphore_mem>>, %arg18: memref<!tpu.dma_semaphore, #tpu.memory_space<semaphore_mem>>, %arg19: memref<!tpu.dma_semaphore, #tpu.memory_space<semaphore_mem>>, %arg20: memref<!tpu.dma_semaphore, #tpu.memory_space<semaphore_mem>>, %arg21: memref<!tpu.dma_semaphore, #tpu.memory_space<semaphore_mem>>, %arg22: memref<!tpu.dma_semaphore, #tpu.memory_space<semaphore_mem>>, %arg23: memref<!tpu.dma_semaphore, #tpu.memory_space<semaphore_mem>>, %arg24: memref<!tpu.dma_semaphore, #tpu.memory_space<semaphore_mem>>) attributes {dimension_semantics = [#tpu.dimension_semantics<core_parallel>, #tpu.dimension_semantics<subcore_parallel>], iteration_bounds = array<i64: 2, 16>, scalar_prefetch = 0 : i64, scratch_operands = 19 : i64, tpu.core_type = #tpu.core_type<sc_vector_subcore>, window_params = [{transform_indices = #map}, {transform_indices = #map}, {transform_indices = #map}, {transform_indices = #map1}]} {
    %mul3A = arith.constant 16 : i32
    %mul3A_0 = arith.muli %arg0, %mul3A : i32
    %add3A = arith.addi %mul3A_0, %arg1 : i32
    %mul3A_1 = arith.constant 80 : i32
    %mul3A_2 = arith.muli %add3A, %mul3A_1 : i32
    %lt3A = arith.constant 15 : i32
    %lt3A_3 = arith.cmpi slt, %arg1, %lt3A : i32
    %convert_element_type3A = arith.extui %lt3A_3 : i1 to i32
    %cond3A = arith.constant 0 : i32
    %cond3A_4 = arith.cmpi ne, %convert_element_type3A, %cond3A : i32
    scf.if %cond3A_4 {
      %mul3A_140 = arith.constant 632 : i32
      %mul3A_141 = arith.muli %arg1, %mul3A_140 : i32
      "tpu.region"() ({
        %run_scoped3A = tpu.sem_alloc : memref<!tpu.dma_semaphore, #tpu.memory_space<semaphore_mem>>
        %dma_start3A_142 = arith.constant 0 : i32
        %dma_start3A_143 = tpu.memref_slice %arg6[%mul3A_141, %dma_start3A_142] : memref<10064x128xf32, #tpu.memory_space<vmem_shared>> -> memref<632x128xf32, #tpu.memory_space<vmem_shared>>
        %dma_start3A_144 = arith.constant 0 : i32
        %dma_start3A_145 = tpu.memref_slice %arg2[%mul3A_141, %dma_start3A_144] : memref<10064x128xf32, #tpu.memory_space<hbm>> -> memref<632x128xf32, #tpu.memory_space<hbm>>
        tpu.enqueue_dma source(%dma_start3A_145 : memref<632x128xf32, #tpu.memory_space<hbm>>) target(%dma_start3A_143 : memref<632x128xf32, #tpu.memory_space<vmem_shared>>) target_semaphore(%run_scoped3A : memref<!tpu.dma_semaphore, #tpu.memory_space<semaphore_mem>>)
        %dma_wait3A_146 = arith.constant 0 : i32
        %dma_wait3A_147 = tpu.memref_slice %arg6[%mul3A_141, %dma_wait3A_146] : memref<10064x128xf32, #tpu.memory_space<vmem_shared>> -> memref<632x128xf32, #tpu.memory_space<vmem_shared>>
        %dma_wait3A_148 = arith.constant 0 : i32
        %dma_wait3A_149 = tpu.memref_slice %arg2[%mul3A_141, %dma_wait3A_148] : memref<10064x128xf32, #tpu.memory_space<hbm>> -> memref<632x128xf32, #tpu.memory_space<hbm>>
        tpu.wait_dma2 semaphore(%run_scoped3A : memref<!tpu.dma_semaphore, #tpu.memory_space<semaphore_mem>>) src(%dma_wait3A_149 : memref<632x128xf32, #tpu.memory_space<hbm>>) dst(%dma_wait3A_147 : memref<632x128xf32, #tpu.memory_space<vmem_shared>>)
        tpu.yield
      }) : () -> ()
    } else {
    }
    %eq3A = arith.constant 15 : i32
    %eq3A_5 = arith.cmpi eq, %arg1, %eq3A : i32
    %convert_element_type3A_6 = arith.extui %eq3A_5 : i1 to i32
    %cond3A_7 = arith.constant 0 : i32
    %cond3A_8 = arith.cmpi ne, %convert_element_type3A_6, %cond3A_7 : i32
    scf.if %cond3A_8 {
      "tpu.region"() ({
        %run_scoped3A = tpu.sem_alloc : memref<!tpu.dma_semaphore, #tpu.memory_space<semaphore_mem>>
        %dma_start3A_140 = arith.constant 9480 : i32
        %dma_start3A_141 = arith.constant 0 : i32
        %dma_start3A_142 = tpu.memref_slice %arg6[%dma_start3A_140, %dma_start3A_141] : memref<10064x128xf32, #tpu.memory_space<vmem_shared>> -> memref<584x128xf32, #tpu.memory_space<vmem_shared>>
        %dma_start3A_143 = arith.constant 9480 : i32
        %dma_start3A_144 = arith.constant 0 : i32
        %dma_start3A_145 = tpu.memref_slice %arg2[%dma_start3A_143, %dma_start3A_144] : memref<10064x128xf32, #tpu.memory_space<hbm>> -> memref<584x128xf32, #tpu.memory_space<hbm>>
        tpu.enqueue_dma source(%dma_start3A_145 : memref<584x128xf32, #tpu.memory_space<hbm>>) target(%dma_start3A_142 : memref<584x128xf32, #tpu.memory_space<vmem_shared>>) target_semaphore(%run_scoped3A : memref<!tpu.dma_semaphore, #tpu.memory_space<semaphore_mem>>)
        %dma_wait3A_146 = arith.constant 9480 : i32
        %dma_wait3A_147 = arith.constant 0 : i32
        %dma_wait3A_148 = tpu.memref_slice %arg6[%dma_wait3A_146, %dma_wait3A_147] : memref<10064x128xf32, #tpu.memory_space<vmem_shared>> -> memref<584x128xf32, #tpu.memory_space<vmem_shared>>
        %dma_wait3A_149 = arith.constant 9480 : i32
        %dma_wait3A_150 = arith.constant 0 : i32
        %dma_wait3A_151 = tpu.memref_slice %arg2[%dma_wait3A_149, %dma_wait3A_150] : memref<10064x128xf32, #tpu.memory_space<hbm>> -> memref<584x128xf32, #tpu.memory_space<hbm>>
        tpu.wait_dma2 semaphore(%run_scoped3A : memref<!tpu.dma_semaphore, #tpu.memory_space<semaphore_mem>>) src(%dma_wait3A_151 : memref<584x128xf32, #tpu.memory_space<hbm>>) dst(%dma_wait3A_148 : memref<584x128xf32, #tpu.memory_space<vmem_shared>>)
        tpu.yield
      }) : () -> ()
    } else {
    }
    %barrier3A = arith.constant 0 : index
    tpu.barrier barrier_id(%barrier3A)
    %add3A_9 = arith.constant 0 : i32
    %add3A_10 = arith.addi %mul3A_2, %add3A_9 : i32
    %dma_start3A = arith.constant 0 : i32
    %dma_start3A_11 = tpu.memref_slice %arg3[%add3A_10, %dma_start3A] : memref<2560x128xi32, #tpu.memory_space<hbm>> -> memref<1x128xi32, #tpu.memory_space<hbm>>
    %dma_start3A_12 = tpu.memref_squeeze %dma_start3A_11 : memref<1x128xi32, #tpu.memory_space<hbm>> -> memref<128xi32, #tpu.memory_space<hbm>>
    %dma_start3A_13 = arith.constant 0 : i32
    %dma_start3A_14 = tpu.memref_slice %arg3[%add3A_10, %dma_start3A_13] : memref<2560x128xi32, #tpu.memory_space<hbm>> -> memref<1x128xi32, #tpu.memory_space<hbm>>
    %dma_start3A_15 = tpu.memref_squeeze %dma_start3A_14 : memref<1x128xi32, #tpu.memory_space<hbm>> -> memref<128xi32, #tpu.memory_space<hbm>>
    tpu.enqueue_dma source(%dma_start3A_15 : memref<128xi32, #tpu.memory_space<hbm>>) target(%arg7 : memref<128xi32, #tpu.memory_space<vmem>>) target_semaphore(%arg16 : memref<!tpu.dma_semaphore, #tpu.memory_space<semaphore_mem>>)
    %add3A_16 = arith.constant 0 : i32
    %add3A_17 = arith.addi %mul3A_2, %add3A_16 : i32
    %dma_start3A_18 = arith.constant 0 : i32
    %dma_start3A_19 = tpu.memref_slice %arg4[%add3A_17, %dma_start3A_18] : memref<2560x128xi32, #tpu.memory_space<hbm>> -> memref<1x128xi32, #tpu.memory_space<hbm>>
    %dma_start3A_20 = tpu.memref_squeeze %dma_start3A_19 : memref<1x128xi32, #tpu.memory_space<hbm>> -> memref<128xi32, #tpu.memory_space<hbm>>
    %dma_start3A_21 = arith.constant 0 : i32
    %dma_start3A_22 = tpu.memref_slice %arg4[%add3A_17, %dma_start3A_21] : memref<2560x128xi32, #tpu.memory_space<hbm>> -> memref<1x128xi32, #tpu.memory_space<hbm>>
    %dma_start3A_23 = tpu.memref_squeeze %dma_start3A_22 : memref<1x128xi32, #tpu.memory_space<hbm>> -> memref<128xi32, #tpu.memory_space<hbm>>
    tpu.enqueue_dma source(%dma_start3A_23 : memref<128xi32, #tpu.memory_space<hbm>>) target(%arg10 : memref<128xi32, #tpu.memory_space<vmem>>) target_semaphore(%arg16 : memref<!tpu.dma_semaphore, #tpu.memory_space<semaphore_mem>>)
    %add3A_24 = arith.constant 1 : i32
    %add3A_25 = arith.addi %mul3A_2, %add3A_24 : i32
    %dma_start3A_26 = arith.constant 0 : i32
    %dma_start3A_27 = tpu.memref_slice %arg3[%add3A_25, %dma_start3A_26] : memref<2560x128xi32, #tpu.memory_space<hbm>> -> memref<1x128xi32, #tpu.memory_space<hbm>>
    %dma_start3A_28 = tpu.memref_squeeze %dma_start3A_27 : memref<1x128xi32, #tpu.memory_space<hbm>> -> memref<128xi32, #tpu.memory_space<hbm>>
    %dma_start3A_29 = arith.constant 0 : i32
    %dma_start3A_30 = tpu.memref_slice %arg3[%add3A_25, %dma_start3A_29] : memref<2560x128xi32, #tpu.memory_space<hbm>> -> memref<1x128xi32, #tpu.memory_space<hbm>>
    %dma_start3A_31 = tpu.memref_squeeze %dma_start3A_30 : memref<1x128xi32, #tpu.memory_space<hbm>> -> memref<128xi32, #tpu.memory_space<hbm>>
    tpu.enqueue_dma source(%dma_start3A_31 : memref<128xi32, #tpu.memory_space<hbm>>) target(%arg8 : memref<128xi32, #tpu.memory_space<vmem>>) target_semaphore(%arg17 : memref<!tpu.dma_semaphore, #tpu.memory_space<semaphore_mem>>)
    %add3A_32 = arith.constant 1 : i32
    %add3A_33 = arith.addi %mul3A_2, %add3A_32 : i32
    %dma_start3A_34 = arith.constant 0 : i32
    %dma_start3A_35 = tpu.memref_slice %arg4[%add3A_33, %dma_start3A_34] : memref<2560x128xi32, #tpu.memory_space<hbm>> -> memref<1x128xi32, #tpu.memory_space<hbm>>
    %dma_start3A_36 = tpu.memref_squeeze %dma_start3A_35 : memref<1x128xi32, #tpu.memory_space<hbm>> -> memref<128xi32, #tpu.memory_space<hbm>>
    %dma_start3A_37 = arith.constant 0 : i32
    %dma_start3A_38 = tpu.memref_slice %arg4[%add3A_33, %dma_start3A_37] : memref<2560x128xi32, #tpu.memory_space<hbm>> -> memref<1x128xi32, #tpu.memory_space<hbm>>
    %dma_start3A_39 = tpu.memref_squeeze %dma_start3A_38 : memref<1x128xi32, #tpu.memory_space<hbm>> -> memref<128xi32, #tpu.memory_space<hbm>>
    tpu.enqueue_dma source(%dma_start3A_39 : memref<128xi32, #tpu.memory_space<hbm>>) target(%arg11 : memref<128xi32, #tpu.memory_space<vmem>>) target_semaphore(%arg17 : memref<!tpu.dma_semaphore, #tpu.memory_space<semaphore_mem>>)
    %dma_wait3A = arith.constant 0 : i32
    %dma_wait3A_40 = arith.constant 0 : i32
    %dma_wait3A_41 = tpu.memref_slice %arg3[%dma_wait3A, %dma_wait3A_40] : memref<2560x128xi32, #tpu.memory_space<hbm>> -> memref<1x128xi32, #tpu.memory_space<hbm>>
    %dma_wait3A_42 = tpu.memref_squeeze %dma_wait3A_41 : memref<1x128xi32, #tpu.memory_space<hbm>> -> memref<128xi32, #tpu.memory_space<hbm>>
    %dma_wait3A_43 = arith.constant 0 : i32
    %dma_wait3A_44 = tpu.memref_slice %arg3[%dma_wait3A, %dma_wait3A_43] : memref<2560x128xi32, #tpu.memory_space<hbm>> -> memref<1x128xi32, #tpu.memory_space<hbm>>
    %dma_wait3A_45 = tpu.memref_squeeze %dma_wait3A_44 : memref<1x128xi32, #tpu.memory_space<hbm>> -> memref<128xi32, #tpu.memory_space<hbm>>
    tpu.wait_dma2 semaphore(%arg16 : memref<!tpu.dma_semaphore, #tpu.memory_space<semaphore_mem>>) src(%dma_wait3A_45 : memref<128xi32, #tpu.memory_space<hbm>>) dst(%arg7 : memref<128xi32, #tpu.memory_space<vmem>>)
    %dma_wait3A_46 = arith.constant 0 : i32
    %dma_wait3A_47 = arith.constant 0 : i32
    %dma_wait3A_48 = tpu.memref_slice %arg4[%dma_wait3A_46, %dma_wait3A_47] : memref<2560x128xi32, #tpu.memory_space<hbm>> -> memref<1x128xi32, #tpu.memory_space<hbm>>
    %dma_wait3A_49 = tpu.memref_squeeze %dma_wait3A_48 : memref<1x128xi32, #tpu.memory_space<hbm>> -> memref<128xi32, #tpu.memory_space<hbm>>
    %dma_wait3A_50 = arith.constant 0 : i32
    %dma_wait3A_51 = tpu.memref_slice %arg4[%dma_wait3A_46, %dma_wait3A_50] : memref<2560x128xi32, #tpu.memory_space<hbm>> -> memref<1x128xi32, #tpu.memory_space<hbm>>
    %dma_wait3A_52 = tpu.memref_squeeze %dma_wait3A_51 : memref<1x128xi32, #tpu.memory_space<hbm>> -> memref<128xi32, #tpu.memory_space<hbm>>
    tpu.wait_dma2 semaphore(%arg16 : memref<!tpu.dma_semaphore, #tpu.memory_space<semaphore_mem>>) src(%dma_wait3A_52 : memref<128xi32, #tpu.memory_space<hbm>>) dst(%arg10 : memref<128xi32, #tpu.memory_space<vmem>>)
    %dma_start3A_53 = arith.constant 0 : i32
    %dma_start3A_54 = arith.constant 0 : i32
    %dma_start3A_55 = tpu.memref_slice %arg2[%dma_start3A_53, %dma_start3A_54] : memref<10064x128xf32, #tpu.memory_space<hbm>> -> memref<10064x128xf32, #tpu.memory_space<hbm>>
    tpu.enqueue_indirect_dma source(%dma_start3A_55 : memref<10064x128xf32, #tpu.memory_space<hbm>>) target(%arg13 : memref<128x128xf32, #tpu.memory_space<vmem>>) offsets(%arg7 : memref<128xi32, #tpu.memory_space<vmem>>) semaphore(%arg19 : memref<!tpu.dma_semaphore, #tpu.memory_space<semaphore_mem>>)
    %add3A_56 = arith.constant 2 : i32
    %add3A_57 = arith.addi %mul3A_2, %add3A_56 : i32
    %dma_start3A_58 = arith.constant 0 : i32
    %dma_start3A_59 = tpu.memref_slice %arg3[%add3A_57, %dma_start3A_58] : memref<2560x128xi32, #tpu.memory_space<hbm>> -> memref<1x128xi32, #tpu.memory_space<hbm>>
    %dma_start3A_60 = tpu.memref_squeeze %dma_start3A_59 : memref<1x128xi32, #tpu.memory_space<hbm>> -> memref<128xi32, #tpu.memory_space<hbm>>
    %dma_start3A_61 = arith.constant 0 : i32
    %dma_start3A_62 = tpu.memref_slice %arg3[%add3A_57, %dma_start3A_61] : memref<2560x128xi32, #tpu.memory_space<hbm>> -> memref<1x128xi32, #tpu.memory_space<hbm>>
    %dma_start3A_63 = tpu.memref_squeeze %dma_start3A_62 : memref<1x128xi32, #tpu.memory_space<hbm>> -> memref<128xi32, #tpu.memory_space<hbm>>
    tpu.enqueue_dma source(%dma_start3A_63 : memref<128xi32, #tpu.memory_space<hbm>>) target(%arg9 : memref<128xi32, #tpu.memory_space<vmem>>) target_semaphore(%arg18 : memref<!tpu.dma_semaphore, #tpu.memory_space<semaphore_mem>>)
    %add3A_64 = arith.constant 2 : i32
    %add3A_65 = arith.addi %mul3A_2, %add3A_64 : i32
    %dma_start3A_66 = arith.constant 0 : i32
    %dma_start3A_67 = tpu.memref_slice %arg4[%add3A_65, %dma_start3A_66] : memref<2560x128xi32, #tpu.memory_space<hbm>> -> memref<1x128xi32, #tpu.memory_space<hbm>>
    %dma_start3A_68 = tpu.memref_squeeze %dma_start3A_67 : memref<1x128xi32, #tpu.memory_space<hbm>> -> memref<128xi32, #tpu.memory_space<hbm>>
    %dma_start3A_69 = arith.constant 0 : i32
    %dma_start3A_70 = tpu.memref_slice %arg4[%add3A_65, %dma_start3A_69] : memref<2560x128xi32, #tpu.memory_space<hbm>> -> memref<1x128xi32, #tpu.memory_space<hbm>>
    %dma_start3A_71 = tpu.memref_squeeze %dma_start3A_70 : memref<1x128xi32, #tpu.memory_space<hbm>> -> memref<128xi32, #tpu.memory_space<hbm>>
    tpu.enqueue_dma source(%dma_start3A_71 : memref<128xi32, #tpu.memory_space<hbm>>) target(%arg12 : memref<128xi32, #tpu.memory_space<vmem>>) target_semaphore(%arg18 : memref<!tpu.dma_semaphore, #tpu.memory_space<semaphore_mem>>)
    %scan3A = arith.constant 0 : i32
    %scan3A_72 = arith.constant 26 : i32
    %scan3A_73 = arith.addi %scan3A, %scan3A_72 : i32
    %scan3A_74 = arith.constant 1 : i32
    scf.for %scan3A_140 = %scan3A to %scan3A_73 step %scan3A_74  : i32 {
      %mul3A_141 = arith.constant 1 : i32
      %mul3A_142 = arith.muli %scan3A_140, %mul3A_141 : i32
      %add3A_143 = arith.constant 0 : i32
      %add3A_144 = arith.addi %add3A_143, %mul3A_142 : i32
      %mul3A_145 = arith.constant 3 : i32
      %mul3A_146 = arith.muli %mul3A_145, %add3A_144 : i32
      %add3A_147 = arith.constant 1 : i32
      %add3A_148 = arith.addi %mul3A_146, %add3A_147 : i32
      %add3A_149 = arith.constant 0 : i32
      %add3A_150 = arith.addi %add3A_148, %add3A_149 : i32
      %dma_wait3A_151 = arith.constant 0 : i32
      %dma_wait3A_152 = arith.constant 0 : i32
      %dma_wait3A_153 = tpu.memref_slice %arg3[%dma_wait3A_151, %dma_wait3A_152] : memref<2560x128xi32, #tpu.memory_space<hbm>> -> memref<1x128xi32, #tpu.memory_space<hbm>>
      %dma_wait3A_154 = tpu.memref_squeeze %dma_wait3A_153 : memref<1x128xi32, #tpu.memory_space<hbm>> -> memref<128xi32, #tpu.memory_space<hbm>>
      %dma_wait3A_155 = arith.constant 0 : i32
      %dma_wait3A_156 = tpu.memref_slice %arg3[%dma_wait3A_151, %dma_wait3A_155] : memref<2560x128xi32, #tpu.memory_space<hbm>> -> memref<1x128xi32, #tpu.memory_space<hbm>>
      %dma_wait3A_157 = tpu.memref_squeeze %dma_wait3A_156 : memref<1x128xi32, #tpu.memory_space<hbm>> -> memref<128xi32, #tpu.memory_space<hbm>>
      tpu.wait_dma2 semaphore(%arg17 : memref<!tpu.dma_semaphore, #tpu.memory_space<semaphore_mem>>) src(%dma_wait3A_157 : memref<128xi32, #tpu.memory_space<hbm>>) dst(%arg8 : memref<128xi32, #tpu.memory_space<vmem>>)
      %dma_wait3A_158 = arith.constant 0 : i32
      %dma_wait3A_159 = arith.constant 0 : i32
      %dma_wait3A_160 = tpu.memref_slice %arg4[%dma_wait3A_158, %dma_wait3A_159] : memref<2560x128xi32, #tpu.memory_space<hbm>> -> memref<1x128xi32, #tpu.memory_space<hbm>>
      %dma_wait3A_161 = tpu.memref_squeeze %dma_wait3A_160 : memref<1x128xi32, #tpu.memory_space<hbm>> -> memref<128xi32, #tpu.memory_space<hbm>>
      %dma_wait3A_162 = arith.constant 0 : i32
      %dma_wait3A_163 = tpu.memref_slice %arg4[%dma_wait3A_158, %dma_wait3A_162] : memref<2560x128xi32, #tpu.memory_space<hbm>> -> memref<1x128xi32, #tpu.memory_space<hbm>>
      %dma_wait3A_164 = tpu.memref_squeeze %dma_wait3A_163 : memref<1x128xi32, #tpu.memory_space<hbm>> -> memref<128xi32, #tpu.memory_space<hbm>>
      tpu.wait_dma2 semaphore(%arg17 : memref<!tpu.dma_semaphore, #tpu.memory_space<semaphore_mem>>) src(%dma_wait3A_164 : memref<128xi32, #tpu.memory_space<hbm>>) dst(%arg11 : memref<128xi32, #tpu.memory_space<vmem>>)
      %dma_start3A_165 = arith.constant 0 : i32
      %dma_start3A_166 = arith.constant 0 : i32
      %dma_start3A_167 = tpu.memref_slice %arg2[%dma_start3A_165, %dma_start3A_166] : memref<10064x128xf32, #tpu.memory_space<hbm>> -> memref<10064x128xf32, #tpu.memory_space<hbm>>
      tpu.enqueue_indirect_dma source(%dma_start3A_167 : memref<10064x128xf32, #tpu.memory_space<hbm>>) target(%arg14 : memref<128x128xf32, #tpu.memory_space<vmem>>) offsets(%arg8 : memref<128xi32, #tpu.memory_space<vmem>>) semaphore(%arg20 : memref<!tpu.dma_semaphore, #tpu.memory_space<semaphore_mem>>)
      %ge3A = arith.constant 2 : i32
      %ge3A_168 = arith.cmpi sge, %add3A_150, %ge3A : i32
      %convert_element_type3A_169 = arith.extui %ge3A_168 : i1 to i32
      %cond3A_170 = arith.constant 0 : i32
      %cond3A_171 = arith.cmpi ne, %convert_element_type3A_169, %cond3A_170 : i32
      scf.if %cond3A_171 {
        %dma_wait3A_255 = arith.constant 0 : i32
        %dma_wait3A_256 = arith.constant 0 : i32
        %dma_wait3A_257 = tpu.memref_slice %arg2[%dma_wait3A_255, %dma_wait3A_256] : memref<10064x128xf32, #tpu.memory_space<hbm>> -> memref<128x128xf32, #tpu.memory_space<hbm>>
        %dma_wait3A_258 = arith.constant 0 : i32
        %dma_wait3A_259 = arith.constant 0 : i32
        %dma_wait3A_260 = tpu.memref_slice %arg2[%dma_wait3A_258, %dma_wait3A_259] : memref<10064x128xf32, #tpu.memory_space<hbm>> -> memref<128x128xf32, #tpu.memory_space<hbm>>
        tpu.wait_dma2 semaphore(%arg24 : memref<!tpu.dma_semaphore, #tpu.memory_space<semaphore_mem>>) src(%dma_wait3A_260 : memref<128x128xf32, #tpu.memory_space<hbm>>) dst(%arg15 : memref<128x128xf32, #tpu.memory_space<vmem>>)
        %add3A_261 = arith.constant 1 : i32
        %add3A_262 = arith.addi %add3A_150, %add3A_261 : i32
        %add3A_263 = arith.addi %mul3A_2, %add3A_262 : i32
        %dma_start3A_264 = arith.constant 0 : i32
        %dma_start3A_265 = tpu.memref_slice %arg3[%add3A_263, %dma_start3A_264] : memref<2560x128xi32, #tpu.memory_space<hbm>> -> memref<1x128xi32, #tpu.memory_space<hbm>>
        %dma_start3A_266 = tpu.memref_squeeze %dma_start3A_265 : memref<1x128xi32, #tpu.memory_space<hbm>> -> memref<128xi32, #tpu.memory_space<hbm>>
        %dma_start3A_267 = arith.constant 0 : i32
        %dma_start3A_268 = tpu.memref_slice %arg3[%add3A_263, %dma_start3A_267] : memref<2560x128xi32, #tpu.memory_space<hbm>> -> memref<1x128xi32, #tpu.memory_space<hbm>>
        %dma_start3A_269 = tpu.memref_squeeze %dma_start3A_268 : memref<1x128xi32, #tpu.memory_space<hbm>> -> memref<128xi32, #tpu.memory_space<hbm>>
        tpu.enqueue_dma source(%dma_start3A_269 : memref<128xi32, #tpu.memory_space<hbm>>) target(%arg9 : memref<128xi32, #tpu.memory_space<vmem>>) target_semaphore(%arg18 : memref<!tpu.dma_semaphore, #tpu.memory_space<semaphore_mem>>)
        %add3A_270 = arith.addi %mul3A_2, %add3A_262 : i32
        %dma_start3A_271 = arith.constant 0 : i32
        %dma_start3A_272 = tpu.memref_slice %arg4[%add3A_270, %dma_start3A_271] : memref<2560x128xi32, #tpu.memory_space<hbm>> -> memref<1x128xi32, #tpu.memory_space<hbm>>
        %dma_start3A_273 = tpu.memref_squeeze %dma_start3A_272 : memref<1x128xi32, #tpu.memory_space<hbm>> -> memref<128xi32, #tpu.memory_space<hbm>>
        %dma_start3A_274 = arith.constant 0 : i32
        %dma_start3A_275 = tpu.memref_slice %arg4[%add3A_270, %dma_start3A_274] : memref<2560x128xi32, #tpu.memory_space<hbm>> -> memref<1x128xi32, #tpu.memory_space<hbm>>
        %dma_start3A_276 = tpu.memref_squeeze %dma_start3A_275 : memref<1x128xi32, #tpu.memory_space<hbm>> -> memref<128xi32, #tpu.memory_space<hbm>>
        tpu.enqueue_dma source(%dma_start3A_276 : memref<128xi32, #tpu.memory_space<hbm>>) target(%arg12 : memref<128xi32, #tpu.memory_space<vmem>>) target_semaphore(%arg18 : memref<!tpu.dma_semaphore, #tpu.memory_space<semaphore_mem>>)
      } else {
      }
      %dma_wait3A_172 = arith.constant 0 : i32
      %dma_wait3A_173 = arith.constant 0 : i32
      %dma_wait3A_174 = tpu.memref_slice %arg2[%dma_wait3A_172, %dma_wait3A_173] : memref<10064x128xf32, #tpu.memory_space<hbm>> -> memref<128x128xf32, #tpu.memory_space<hbm>>
      %dma_wait3A_175 = arith.constant 0 : i32
      %dma_wait3A_176 = arith.constant 0 : i32
      %dma_wait3A_177 = tpu.memref_slice %arg2[%dma_wait3A_175, %dma_wait3A_176] : memref<10064x128xf32, #tpu.memory_space<hbm>> -> memref<128x128xf32, #tpu.memory_space<hbm>>
      tpu.wait_dma2 semaphore(%arg19 : memref<!tpu.dma_semaphore, #tpu.memory_space<semaphore_mem>>) src(%dma_wait3A_177 : memref<128x128xf32, #tpu.memory_space<hbm>>) dst(%arg13 : memref<128x128xf32, #tpu.memory_space<vmem>>)
      %dma_start3A_178 = arith.constant 0 : i32
      %dma_start3A_179 = arith.constant 0 : i32
      %dma_start3A_180 = tpu.memref_slice %arg6[%dma_start3A_178, %dma_start3A_179] : memref<10064x128xf32, #tpu.memory_space<vmem_shared>> -> memref<10064x128xf32, #tpu.memory_space<vmem_shared>>
      tpu.enqueue_indirect_dma source(%arg13 : memref<128x128xf32, #tpu.memory_space<vmem>>) target(%dma_start3A_180 : memref<10064x128xf32, #tpu.memory_space<vmem_shared>>) offsets(%arg10 : memref<128xi32, #tpu.memory_space<vmem>>) semaphore(%arg22 : memref<!tpu.dma_semaphore, #tpu.memory_space<semaphore_mem>>) {add = true}
      %mul3A_181 = arith.constant 3 : i32
      %mul3A_182 = arith.muli %mul3A_181, %add3A_144 : i32
      %add3A_183 = arith.constant 1 : i32
      %add3A_184 = arith.addi %mul3A_182, %add3A_183 : i32
      %add3A_185 = arith.constant 1 : i32
      %add3A_186 = arith.addi %add3A_184, %add3A_185 : i32
      %dma_wait3A_187 = arith.constant 0 : i32
      %dma_wait3A_188 = arith.constant 0 : i32
      %dma_wait3A_189 = tpu.memref_slice %arg3[%dma_wait3A_187, %dma_wait3A_188] : memref<2560x128xi32, #tpu.memory_space<hbm>> -> memref<1x128xi32, #tpu.memory_space<hbm>>
      %dma_wait3A_190 = tpu.memref_squeeze %dma_wait3A_189 : memref<1x128xi32, #tpu.memory_space<hbm>> -> memref<128xi32, #tpu.memory_space<hbm>>
      %dma_wait3A_191 = arith.constant 0 : i32
      %dma_wait3A_192 = tpu.memref_slice %arg3[%dma_wait3A_187, %dma_wait3A_191] : memref<2560x128xi32, #tpu.memory_space<hbm>> -> memref<1x128xi32, #tpu.memory_space<hbm>>
      %dma_wait3A_193 = tpu.memref_squeeze %dma_wait3A_192 : memref<1x128xi32, #tpu.memory_space<hbm>> -> memref<128xi32, #tpu.memory_space<hbm>>
      tpu.wait_dma2 semaphore(%arg18 : memref<!tpu.dma_semaphore, #tpu.memory_space<semaphore_mem>>) src(%dma_wait3A_193 : memref<128xi32, #tpu.memory_space<hbm>>) dst(%arg9 : memref<128xi32, #tpu.memory_space<vmem>>)
      %dma_wait3A_194 = arith.constant 0 : i32
      %dma_wait3A_195 = arith.constant 0 : i32
      %dma_wait3A_196 = tpu.memref_slice %arg4[%dma_wait3A_194, %dma_wait3A_195] : memref<2560x128xi32, #tpu.memory_space<hbm>> -> memref<1x128xi32, #tpu.memory_space<hbm>>
      %dma_wait3A_197 = tpu.memref_squeeze %dma_wait3A_196 : memref<1x128xi32, #tpu.memory_space<hbm>> -> memref<128xi32, #tpu.memory_space<hbm>>
      %dma_wait3A_198 = arith.constant 0 : i32
      %dma_wait3A_199 = tpu.memref_slice %arg4[%dma_wait3A_194, %dma_wait3A_198] : memref<2560x128xi32, #tpu.memory_space<hbm>> -> memref<1x128xi32, #tpu.memory_space<hbm>>
      %dma_wait3A_200 = tpu.memref_squeeze %dma_wait3A_199 : memref<1x128xi32, #tpu.memory_space<hbm>> -> memref<128xi32, #tpu.memory_space<hbm>>
      tpu.wait_dma2 semaphore(%arg18 : memref<!tpu.dma_semaphore, #tpu.memory_space<semaphore_mem>>) src(%dma_wait3A_200 : memref<128xi32, #tpu.memory_space<hbm>>) dst(%arg12 : memref<128xi32, #tpu.memory_space<vmem>>)
      %dma_start3A_201 = arith.constant 0 : i32
      %dma_start3A_202 = arith.constant 0 : i32
      %dma_start3A_203 = tpu.memref_slice %arg2[%dma_start3A_201, %dma_start3A_202] : memref<10064x128xf32, #tpu.memory_space<hbm>> -> memref<10064x128xf32, #tpu.memory_space<hbm>>
      tpu.enqueue_indirect_dma source(%dma_start3A_203 : memref<10064x128xf32, #tpu.memory_space<hbm>>) target(%arg15 : memref<128x128xf32, #tpu.memory_space<vmem>>) offsets(%arg9 : memref<128xi32, #tpu.memory_space<vmem>>) semaphore(%arg21 : memref<!tpu.dma_semaphore, #tpu.memory_space<semaphore_mem>>)
      %ge3A_204 = arith.constant 2 : i32
      %ge3A_205 = arith.cmpi sge, %add3A_186, %ge3A_204 : i32
      %convert_element_type3A_206 = arith.extui %ge3A_205 : i1 to i32
      %cond3A_207 = arith.constant 0 : i32
      %cond3A_208 = arith.cmpi ne, %convert_element_type3A_206, %cond3A_207 : i32
      scf.if %cond3A_208 {
        %dma_wait3A_255 = arith.constant 0 : i32
        %dma_wait3A_256 = arith.constant 0 : i32
        %dma_wait3A_257 = tpu.memref_slice %arg2[%dma_wait3A_255, %dma_wait3A_256] : memref<10064x128xf32, #tpu.memory_space<hbm>> -> memref<128x128xf32, #tpu.memory_space<hbm>>
        %dma_wait3A_258 = arith.constant 0 : i32
        %dma_wait3A_259 = arith.constant 0 : i32
        %dma_wait3A_260 = tpu.memref_slice %arg2[%dma_wait3A_258, %dma_wait3A_259] : memref<10064x128xf32, #tpu.memory_space<hbm>> -> memref<128x128xf32, #tpu.memory_space<hbm>>
        tpu.wait_dma2 semaphore(%arg22 : memref<!tpu.dma_semaphore, #tpu.memory_space<semaphore_mem>>) src(%dma_wait3A_260 : memref<128x128xf32, #tpu.memory_space<hbm>>) dst(%arg13 : memref<128x128xf32, #tpu.memory_space<vmem>>)
        %add3A_261 = arith.constant 1 : i32
        %add3A_262 = arith.addi %add3A_186, %add3A_261 : i32
        %add3A_263 = arith.addi %mul3A_2, %add3A_262 : i32
        %dma_start3A_264 = arith.constant 0 : i32
        %dma_start3A_265 = tpu.memref_slice %arg3[%add3A_263, %dma_start3A_264] : memref<2560x128xi32, #tpu.memory_space<hbm>> -> memref<1x128xi32, #tpu.memory_space<hbm>>
        %dma_start3A_266 = tpu.memref_squeeze %dma_start3A_265 : memref<1x128xi32, #tpu.memory_space<hbm>> -> memref<128xi32, #tpu.memory_space<hbm>>
        %dma_start3A_267 = arith.constant 0 : i32
        %dma_start3A_268 = tpu.memref_slice %arg3[%add3A_263, %dma_start3A_267] : memref<2560x128xi32, #tpu.memory_space<hbm>> -> memref<1x128xi32, #tpu.memory_space<hbm>>
        %dma_start3A_269 = tpu.memref_squeeze %dma_start3A_268 : memref<1x128xi32, #tpu.memory_space<hbm>> -> memref<128xi32, #tpu.memory_space<hbm>>
        tpu.enqueue_dma source(%dma_start3A_269 : memref<128xi32, #tpu.memory_space<hbm>>) target(%arg7 : memref<128xi32, #tpu.memory_space<vmem>>) target_semaphore(%arg16 : memref<!tpu.dma_semaphore, #tpu.memory_space<semaphore_mem>>)
        %add3A_270 = arith.addi %mul3A_2, %add3A_262 : i32
        %dma_start3A_271 = arith.constant 0 : i32
        %dma_start3A_272 = tpu.memref_slice %arg4[%add3A_270, %dma_start3A_271] : memref<2560x128xi32, #tpu.memory_space<hbm>> -> memref<1x128xi32, #tpu.memory_space<hbm>>
        %dma_start3A_273 = tpu.memref_squeeze %dma_start3A_272 : memref<1x128xi32, #tpu.memory_space<hbm>> -> memref<128xi32, #tpu.memory_space<hbm>>
        %dma_start3A_274 = arith.constant 0 : i32
        %dma_start3A_275 = tpu.memref_slice %arg4[%add3A_270, %dma_start3A_274] : memref<2560x128xi32, #tpu.memory_space<hbm>> -> memref<1x128xi32, #tpu.memory_space<hbm>>
        %dma_start3A_276 = tpu.memref_squeeze %dma_start3A_275 : memref<1x128xi32, #tpu.memory_space<hbm>> -> memref<128xi32, #tpu.memory_space<hbm>>
        tpu.enqueue_dma source(%dma_start3A_276 : memref<128xi32, #tpu.memory_space<hbm>>) target(%arg10 : memref<128xi32, #tpu.memory_space<vmem>>) target_semaphore(%arg16 : memref<!tpu.dma_semaphore, #tpu.memory_space<semaphore_mem>>)
      } else {
      }
      %dma_wait3A_209 = arith.constant 0 : i32
      %dma_wait3A_210 = arith.constant 0 : i32
      %dma_wait3A_211 = tpu.memref_slice %arg2[%dma_wait3A_209, %dma_wait3A_210] : memref<10064x128xf32, #tpu.memory_space<hbm>> -> memref<128x128xf32, #tpu.memory_space<hbm>>
      %dma_wait3A_212 = arith.constant 0 : i32
      %dma_wait3A_213 = arith.constant 0 : i32
      %dma_wait3A_214 = tpu.memref_slice %arg2[%dma_wait3A_212, %dma_wait3A_213] : memref<10064x128xf32, #tpu.memory_space<hbm>> -> memref<128x128xf32, #tpu.memory_space<hbm>>
      tpu.wait_dma2 semaphore(%arg20 : memref<!tpu.dma_semaphore, #tpu.memory_space<semaphore_mem>>) src(%dma_wait3A_214 : memref<128x128xf32, #tpu.memory_space<hbm>>) dst(%arg14 : memref<128x128xf32, #tpu.memory_space<vmem>>)
      %dma_start3A_215 = arith.constant 0 : i32
      %dma_start3A_216 = arith.constant 0 : i32
      %dma_start3A_217 = tpu.memref_slice %arg6[%dma_start3A_215, %dma_start3A_216] : memref<10064x128xf32, #tpu.memory_space<vmem_shared>> -> memref<10064x128xf32, #tpu.memory_space<vmem_shared>>
      tpu.enqueue_indirect_dma source(%arg14 : memref<128x128xf32, #tpu.memory_space<vmem>>) target(%dma_start3A_217 : memref<10064x128xf32, #tpu.memory_space<vmem_shared>>) offsets(%arg11 : memref<128xi32, #tpu.memory_space<vmem>>) semaphore(%arg23 : memref<!tpu.dma_semaphore, #tpu.memory_space<semaphore_mem>>) {add = true}
      %mul3A_218 = arith.constant 3 : i32
      %mul3A_219 = arith.muli %mul3A_218, %add3A_144 : i32
      %add3A_220 = arith.constant 1 : i32
      %add3A_221 = arith.addi %mul3A_219, %add3A_220 : i32
      %add3A_222 = arith.constant 2 : i32
      %add3A_223 = arith.addi %add3A_221, %add3A_222 : i32
      %dma_wait3A_224 = arith.constant 0 : i32
      %dma_wait3A_225 = arith.constant 0 : i32
      %dma_wait3A_226 = tpu.memref_slice %arg3[%dma_wait3A_224, %dma_wait3A_225] : memref<2560x128xi32, #tpu.memory_space<hbm>> -> memref<1x128xi32, #tpu.memory_space<hbm>>
      %dma_wait3A_227 = tpu.memref_squeeze %dma_wait3A_226 : memref<1x128xi32, #tpu.memory_space<hbm>> -> memref<128xi32, #tpu.memory_space<hbm>>
      %dma_wait3A_228 = arith.constant 0 : i32
      %dma_wait3A_229 = tpu.memref_slice %arg3[%dma_wait3A_224, %dma_wait3A_228] : memref<2560x128xi32, #tpu.memory_space<hbm>> -> memref<1x128xi32, #tpu.memory_space<hbm>>
      %dma_wait3A_230 = tpu.memref_squeeze %dma_wait3A_229 : memref<1x128xi32, #tpu.memory_space<hbm>> -> memref<128xi32, #tpu.memory_space<hbm>>
      tpu.wait_dma2 semaphore(%arg16 : memref<!tpu.dma_semaphore, #tpu.memory_space<semaphore_mem>>) src(%dma_wait3A_230 : memref<128xi32, #tpu.memory_space<hbm>>) dst(%arg7 : memref<128xi32, #tpu.memory_space<vmem>>)
      %dma_wait3A_231 = arith.constant 0 : i32
      %dma_wait3A_232 = arith.constant 0 : i32
      %dma_wait3A_233 = tpu.memref_slice %arg4[%dma_wait3A_231, %dma_wait3A_232] : memref<2560x128xi32, #tpu.memory_space<hbm>> -> memref<1x128xi32, #tpu.memory_space<hbm>>
      %dma_wait3A_234 = tpu.memref_squeeze %dma_wait3A_233 : memref<1x128xi32, #tpu.memory_space<hbm>> -> memref<128xi32, #tpu.memory_space<hbm>>
      %dma_wait3A_235 = arith.constant 0 : i32
      %dma_wait3A_236 = tpu.memref_slice %arg4[%dma_wait3A_231, %dma_wait3A_235] : memref<2560x128xi32, #tpu.memory_space<hbm>> -> memref<1x128xi32, #tpu.memory_space<hbm>>
      %dma_wait3A_237 = tpu.memref_squeeze %dma_wait3A_236 : memref<1x128xi32, #tpu.memory_space<hbm>> -> memref<128xi32, #tpu.memory_space<hbm>>
      tpu.wait_dma2 semaphore(%arg16 : memref<!tpu.dma_semaphore, #tpu.memory_space<semaphore_mem>>) src(%dma_wait3A_237 : memref<128xi32, #tpu.memory_space<hbm>>) dst(%arg10 : memref<128xi32, #tpu.memory_space<vmem>>)
      %dma_start3A_238 = arith.constant 0 : i32
      %dma_start3A_239 = arith.constant 0 : i32
      %dma_start3A_240 = tpu.memref_slice %arg2[%dma_start3A_238, %dma_start3A_239] : memref<10064x128xf32, #tpu.memory_space<hbm>> -> memref<10064x128xf32, #tpu.memory_space<hbm>>
      tpu.enqueue_indirect_dma source(%dma_start3A_240 : memref<10064x128xf32, #tpu.memory_space<hbm>>) target(%arg13 : memref<128x128xf32, #tpu.memory_space<vmem>>) offsets(%arg7 : memref<128xi32, #tpu.memory_space<vmem>>) semaphore(%arg19 : memref<!tpu.dma_semaphore, #tpu.memory_space<semaphore_mem>>)
      %ge3A_241 = arith.constant 2 : i32
      %ge3A_242 = arith.cmpi sge, %add3A_223, %ge3A_241 : i32
      %convert_element_type3A_243 = arith.extui %ge3A_242 : i1 to i32
      %cond3A_244 = arith.constant 0 : i32
      %cond3A_245 = arith.cmpi ne, %convert_element_type3A_243, %cond3A_244 : i32
      scf.if %cond3A_245 {
        %dma_wait3A_255 = arith.constant 0 : i32
        %dma_wait3A_256 = arith.constant 0 : i32
        %dma_wait3A_257 = tpu.memref_slice %arg2[%dma_wait3A_255, %dma_wait3A_256] : memref<10064x128xf32, #tpu.memory_space<hbm>> -> memref<128x128xf32, #tpu.memory_space<hbm>>
        %dma_wait3A_258 = arith.constant 0 : i32
        %dma_wait3A_259 = arith.constant 0 : i32
        %dma_wait3A_260 = tpu.memref_slice %arg2[%dma_wait3A_258, %dma_wait3A_259] : memref<10064x128xf32, #tpu.memory_space<hbm>> -> memref<128x128xf32, #tpu.memory_space<hbm>>
        tpu.wait_dma2 semaphore(%arg23 : memref<!tpu.dma_semaphore, #tpu.memory_space<semaphore_mem>>) src(%dma_wait3A_260 : memref<128x128xf32, #tpu.memory_space<hbm>>) dst(%arg14 : memref<128x128xf32, #tpu.memory_space<vmem>>)
        %add3A_261 = arith.constant 1 : i32
        %add3A_262 = arith.addi %add3A_223, %add3A_261 : i32
        %add3A_263 = arith.addi %mul3A_2, %add3A_262 : i32
        %dma_start3A_264 = arith.constant 0 : i32
        %dma_start3A_265 = tpu.memref_slice %arg3[%add3A_263, %dma_start3A_264] : memref<2560x128xi32, #tpu.memory_space<hbm>> -> memref<1x128xi32, #tpu.memory_space<hbm>>
        %dma_start3A_266 = tpu.memref_squeeze %dma_start3A_265 : memref<1x128xi32, #tpu.memory_space<hbm>> -> memref<128xi32, #tpu.memory_space<hbm>>
        %dma_start3A_267 = arith.constant 0 : i32
        %dma_start3A_268 = tpu.memref_slice %arg3[%add3A_263, %dma_start3A_267] : memref<2560x128xi32, #tpu.memory_space<hbm>> -> memref<1x128xi32, #tpu.memory_space<hbm>>
        %dma_start3A_269 = tpu.memref_squeeze %dma_start3A_268 : memref<1x128xi32, #tpu.memory_space<hbm>> -> memref<128xi32, #tpu.memory_space<hbm>>
        tpu.enqueue_dma source(%dma_start3A_269 : memref<128xi32, #tpu.memory_space<hbm>>) target(%arg8 : memref<128xi32, #tpu.memory_space<vmem>>) target_semaphore(%arg17 : memref<!tpu.dma_semaphore, #tpu.memory_space<semaphore_mem>>)
        %add3A_270 = arith.addi %mul3A_2, %add3A_262 : i32
        %dma_start3A_271 = arith.constant 0 : i32
        %dma_start3A_272 = tpu.memref_slice %arg4[%add3A_270, %dma_start3A_271] : memref<2560x128xi32, #tpu.memory_space<hbm>> -> memref<1x128xi32, #tpu.memory_space<hbm>>
        %dma_start3A_273 = tpu.memref_squeeze %dma_start3A_272 : memref<1x128xi32, #tpu.memory_space<hbm>> -> memref<128xi32, #tpu.memory_space<hbm>>
        %dma_start3A_274 = arith.constant 0 : i32
        %dma_start3A_275 = tpu.memref_slice %arg4[%add3A_270, %dma_start3A_274] : memref<2560x128xi32, #tpu.memory_space<hbm>> -> memref<1x128xi32, #tpu.memory_space<hbm>>
        %dma_start3A_276 = tpu.memref_squeeze %dma_start3A_275 : memref<1x128xi32, #tpu.memory_space<hbm>> -> memref<128xi32, #tpu.memory_space<hbm>>
        tpu.enqueue_dma source(%dma_start3A_276 : memref<128xi32, #tpu.memory_space<hbm>>) target(%arg11 : memref<128xi32, #tpu.memory_space<vmem>>) target_semaphore(%arg17 : memref<!tpu.dma_semaphore, #tpu.memory_space<semaphore_mem>>)
      } else {
      }
      %dma_wait3A_246 = arith.constant 0 : i32
      %dma_wait3A_247 = arith.constant 0 : i32
      %dma_wait3A_248 = tpu.memref_slice %arg2[%dma_wait3A_246, %dma_wait3A_247] : memref<10064x128xf32, #tpu.memory_space<hbm>> -> memref<128x128xf32, #tpu.memory_space<hbm>>
      %dma_wait3A_249 = arith.constant 0 : i32
      %dma_wait3A_250 = arith.constant 0 : i32
      %dma_wait3A_251 = tpu.memref_slice %arg2[%dma_wait3A_249, %dma_wait3A_250] : memref<10064x128xf32, #tpu.memory_space<hbm>> -> memref<128x128xf32, #tpu.memory_space<hbm>>
      tpu.wait_dma2 semaphore(%arg21 : memref<!tpu.dma_semaphore, #tpu.memory_space<semaphore_mem>>) src(%dma_wait3A_251 : memref<128x128xf32, #tpu.memory_space<hbm>>) dst(%arg15 : memref<128x128xf32, #tpu.memory_space<vmem>>)
      %dma_start3A_252 = arith.constant 0 : i32
      %dma_start3A_253 = arith.constant 0 : i32
      %dma_start3A_254 = tpu.memref_slice %arg6[%dma_start3A_252, %dma_start3A_253] : memref<10064x128xf32, #tpu.memory_space<vmem_shared>> -> memref<10064x128xf32, #tpu.memory_space<vmem_shared>>
      tpu.enqueue_indirect_dma source(%arg15 : memref<128x128xf32, #tpu.memory_space<vmem>>) target(%dma_start3A_254 : memref<10064x128xf32, #tpu.memory_space<vmem_shared>>) offsets(%arg12 : memref<128xi32, #tpu.memory_space<vmem>>) semaphore(%arg24 : memref<!tpu.dma_semaphore, #tpu.memory_space<semaphore_mem>>) {add = true}
    }
    %scan3A_75 = arith.constant 26 : i32
    %dma_wait3A_76 = arith.constant 0 : i32
    %dma_wait3A_77 = arith.constant 0 : i32
    %dma_wait3A_78 = tpu.memref_slice %arg3[%dma_wait3A_76, %dma_wait3A_77] : memref<2560x128xi32, #tpu.memory_space<hbm>> -> memref<1x128xi32, #tpu.memory_space<hbm>>
    %dma_wait3A_79 = tpu.memref_squeeze %dma_wait3A_78 : memref<1x128xi32, #tpu.memory_space<hbm>> -> memref<128xi32, #tpu.memory_space<hbm>>
    %dma_wait3A_80 = arith.constant 0 : i32
    %dma_wait3A_81 = tpu.memref_slice %arg3[%dma_wait3A_76, %dma_wait3A_80] : memref<2560x128xi32, #tpu.memory_space<hbm>> -> memref<1x128xi32, #tpu.memory_space<hbm>>
    %dma_wait3A_82 = tpu.memref_squeeze %dma_wait3A_81 : memref<1x128xi32, #tpu.memory_space<hbm>> -> memref<128xi32, #tpu.memory_space<hbm>>
    tpu.wait_dma2 semaphore(%arg17 : memref<!tpu.dma_semaphore, #tpu.memory_space<semaphore_mem>>) src(%dma_wait3A_82 : memref<128xi32, #tpu.memory_space<hbm>>) dst(%arg8 : memref<128xi32, #tpu.memory_space<vmem>>)
    %dma_wait3A_83 = arith.constant 0 : i32
    %dma_wait3A_84 = arith.constant 0 : i32
    %dma_wait3A_85 = tpu.memref_slice %arg4[%dma_wait3A_83, %dma_wait3A_84] : memref<2560x128xi32, #tpu.memory_space<hbm>> -> memref<1x128xi32, #tpu.memory_space<hbm>>
    %dma_wait3A_86 = tpu.memref_squeeze %dma_wait3A_85 : memref<1x128xi32, #tpu.memory_space<hbm>> -> memref<128xi32, #tpu.memory_space<hbm>>
    %dma_wait3A_87 = arith.constant 0 : i32
    %dma_wait3A_88 = tpu.memref_slice %arg4[%dma_wait3A_83, %dma_wait3A_87] : memref<2560x128xi32, #tpu.memory_space<hbm>> -> memref<1x128xi32, #tpu.memory_space<hbm>>
    %dma_wait3A_89 = tpu.memref_squeeze %dma_wait3A_88 : memref<1x128xi32, #tpu.memory_space<hbm>> -> memref<128xi32, #tpu.memory_space<hbm>>
    tpu.wait_dma2 semaphore(%arg17 : memref<!tpu.dma_semaphore, #tpu.memory_space<semaphore_mem>>) src(%dma_wait3A_89 : memref<128xi32, #tpu.memory_space<hbm>>) dst(%arg11 : memref<128xi32, #tpu.memory_space<vmem>>)
    %dma_start3A_90 = arith.constant 0 : i32
    %dma_start3A_91 = arith.constant 0 : i32
    %dma_start3A_92 = tpu.memref_slice %arg2[%dma_start3A_90, %dma_start3A_91] : memref<10064x128xf32, #tpu.memory_space<hbm>> -> memref<10064x128xf32, #tpu.memory_space<hbm>>
    tpu.enqueue_indirect_dma source(%dma_start3A_92 : memref<10064x128xf32, #tpu.memory_space<hbm>>) target(%arg14 : memref<128x128xf32, #tpu.memory_space<vmem>>) offsets(%arg8 : memref<128xi32, #tpu.memory_space<vmem>>) semaphore(%arg20 : memref<!tpu.dma_semaphore, #tpu.memory_space<semaphore_mem>>)
    %dma_wait3A_93 = arith.constant 0 : i32
    %dma_wait3A_94 = arith.constant 0 : i32
    %dma_wait3A_95 = tpu.memref_slice %arg2[%dma_wait3A_93, %dma_wait3A_94] : memref<10064x128xf32, #tpu.memory_space<hbm>> -> memref<128x128xf32, #tpu.memory_space<hbm>>
    %dma_wait3A_96 = arith.constant 0 : i32
    %dma_wait3A_97 = arith.constant 0 : i32
    %dma_wait3A_98 = tpu.memref_slice %arg2[%dma_wait3A_96, %dma_wait3A_97] : memref<10064x128xf32, #tpu.memory_space<hbm>> -> memref<128x128xf32, #tpu.memory_space<hbm>>
    tpu.wait_dma2 semaphore(%arg19 : memref<!tpu.dma_semaphore, #tpu.memory_space<semaphore_mem>>) src(%dma_wait3A_98 : memref<128x128xf32, #tpu.memory_space<hbm>>) dst(%arg13 : memref<128x128xf32, #tpu.memory_space<vmem>>)
    %dma_start3A_99 = arith.constant 0 : i32
    %dma_start3A_100 = arith.constant 0 : i32
    %dma_start3A_101 = tpu.memref_slice %arg6[%dma_start3A_99, %dma_start3A_100] : memref<10064x128xf32, #tpu.memory_space<vmem_shared>> -> memref<10064x128xf32, #tpu.memory_space<vmem_shared>>
    tpu.enqueue_indirect_dma source(%arg13 : memref<128x128xf32, #tpu.memory_space<vmem>>) target(%dma_start3A_101 : memref<10064x128xf32, #tpu.memory_space<vmem_shared>>) offsets(%arg10 : memref<128xi32, #tpu.memory_space<vmem>>) semaphore(%arg22 : memref<!tpu.dma_semaphore, #tpu.memory_space<semaphore_mem>>) {add = true}
    %dma_wait3A_102 = arith.constant 0 : i32
    %dma_wait3A_103 = arith.constant 0 : i32
    %dma_wait3A_104 = tpu.memref_slice %arg2[%dma_wait3A_102, %dma_wait3A_103] : memref<10064x128xf32, #tpu.memory_space<hbm>> -> memref<128x128xf32, #tpu.memory_space<hbm>>
    %dma_wait3A_105 = arith.constant 0 : i32
    %dma_wait3A_106 = arith.constant 0 : i32
    %dma_wait3A_107 = tpu.memref_slice %arg2[%dma_wait3A_105, %dma_wait3A_106] : memref<10064x128xf32, #tpu.memory_space<hbm>> -> memref<128x128xf32, #tpu.memory_space<hbm>>
    tpu.wait_dma2 semaphore(%arg20 : memref<!tpu.dma_semaphore, #tpu.memory_space<semaphore_mem>>) src(%dma_wait3A_107 : memref<128x128xf32, #tpu.memory_space<hbm>>) dst(%arg14 : memref<128x128xf32, #tpu.memory_space<vmem>>)
    %dma_start3A_108 = arith.constant 0 : i32
    %dma_start3A_109 = arith.constant 0 : i32
    %dma_start3A_110 = tpu.memref_slice %arg6[%dma_start3A_108, %dma_start3A_109] : memref<10064x128xf32, #tpu.memory_space<vmem_shared>> -> memref<10064x128xf32, #tpu.memory_space<vmem_shared>>
    tpu.enqueue_indirect_dma source(%arg14 : memref<128x128xf32, #tpu.memory_space<vmem>>) target(%dma_start3A_110 : memref<10064x128xf32, #tpu.memory_space<vmem_shared>>) offsets(%arg11 : memref<128xi32, #tpu.memory_space<vmem>>) semaphore(%arg23 : memref<!tpu.dma_semaphore, #tpu.memory_space<semaphore_mem>>) {add = true}
    %dma_wait3A_111 = arith.constant 0 : i32
    %dma_wait3A_112 = arith.constant 0 : i32
    %dma_wait3A_113 = tpu.memref_slice %arg2[%dma_wait3A_111, %dma_wait3A_112] : memref<10064x128xf32, #tpu.memory_space<hbm>> -> memref<128x128xf32, #tpu.memory_space<hbm>>
    %dma_wait3A_114 = arith.constant 0 : i32
    %dma_wait3A_115 = arith.constant 0 : i32
    %dma_wait3A_116 = tpu.memref_slice %arg2[%dma_wait3A_114, %dma_wait3A_115] : memref<10064x128xf32, #tpu.memory_space<hbm>> -> memref<128x128xf32, #tpu.memory_space<hbm>>
    tpu.wait_dma2 semaphore(%arg24 : memref<!tpu.dma_semaphore, #tpu.memory_space<semaphore_mem>>) src(%dma_wait3A_116 : memref<128x128xf32, #tpu.memory_space<hbm>>) dst(%arg15 : memref<128x128xf32, #tpu.memory_space<vmem>>)
    %dma_wait3A_117 = arith.constant 0 : i32
    %dma_wait3A_118 = arith.constant 0 : i32
    %dma_wait3A_119 = tpu.memref_slice %arg2[%dma_wait3A_117, %dma_wait3A_118] : memref<10064x128xf32, #tpu.memory_space<hbm>> -> memref<128x128xf32, #tpu.memory_space<hbm>>
    %dma_wait3A_120 = arith.constant 0 : i32
    %dma_wait3A_121 = arith.constant 0 : i32
    %dma_wait3A_122 = tpu.memref_slice %arg2[%dma_wait3A_120, %dma_wait3A_121] : memref<10064x128xf32, #tpu.memory_space<hbm>> -> memref<128x128xf32, #tpu.memory_space<hbm>>
    tpu.wait_dma2 semaphore(%arg22 : memref<!tpu.dma_semaphore, #tpu.memory_space<semaphore_mem>>) src(%dma_wait3A_122 : memref<128x128xf32, #tpu.memory_space<hbm>>) dst(%arg13 : memref<128x128xf32, #tpu.memory_space<vmem>>)
    %dma_wait3A_123 = arith.constant 0 : i32
    %dma_wait3A_124 = arith.constant 0 : i32
    %dma_wait3A_125 = tpu.memref_slice %arg2[%dma_wait3A_123, %dma_wait3A_124] : memref<10064x128xf32, #tpu.memory_space<hbm>> -> memref<128x128xf32, #tpu.memory_space<hbm>>
    %dma_wait3A_126 = arith.constant 0 : i32
    %dma_wait3A_127 = arith.constant 0 : i32
    %dma_wait3A_128 = tpu.memref_slice %arg2[%dma_wait3A_126, %dma_wait3A_127] : memref<10064x128xf32, #tpu.memory_space<hbm>> -> memref<128x128xf32, #tpu.memory_space<hbm>>
    tpu.wait_dma2 semaphore(%arg23 : memref<!tpu.dma_semaphore, #tpu.memory_space<semaphore_mem>>) src(%dma_wait3A_128 : memref<128x128xf32, #tpu.memory_space<hbm>>) dst(%arg14 : memref<128x128xf32, #tpu.memory_space<vmem>>)
    %barrier3A_129 = arith.constant 0 : index
    tpu.barrier barrier_id(%barrier3A_129)
    %lt3A_130 = arith.constant 15 : i32
    %lt3A_131 = arith.cmpi slt, %arg1, %lt3A_130 : i32
    %convert_element_type3A_132 = arith.extui %lt3A_131 : i1 to i32
    %cond3A_133 = arith.constant 0 : i32
    %cond3A_134 = arith.cmpi ne, %convert_element_type3A_132, %cond3A_133 : i32
    scf.if %cond3A_134 {
      %mul3A_140 = arith.constant 632 : i32
      %mul3A_141 = arith.muli %arg1, %mul3A_140 : i32
      "tpu.region"() ({
        %run_scoped3A = tpu.sem_alloc : memref<!tpu.dma_semaphore, #tpu.memory_space<semaphore_mem>>
        %dma_start3A_142 = arith.constant 0 : i32
        %dma_start3A_143 = arith.constant 0 : i32
        %dma_start3A_144 = tpu.memref_slice %arg5[%arg0, %dma_start3A_142, %dma_start3A_143] : memref<2x10064x128xf32, #tpu.memory_space<hbm>> -> memref<1x10064x128xf32, #tpu.memory_space<hbm>>
        %dma_start3A_145 = tpu.memref_squeeze %dma_start3A_144 : memref<1x10064x128xf32, #tpu.memory_space<hbm>> -> memref<10064x128xf32, #tpu.memory_space<hbm>>
        %dma_start3A_146 = arith.constant 0 : i32
        %dma_start3A_147 = tpu.memref_slice %dma_start3A_145[%mul3A_141, %dma_start3A_146] : memref<10064x128xf32, #tpu.memory_space<hbm>> -> memref<632x128xf32, #tpu.memory_space<hbm>>
        %dma_start3A_148 = arith.constant 0 : i32
        %dma_start3A_149 = tpu.memref_slice %arg6[%mul3A_141, %dma_start3A_148] : memref<10064x128xf32, #tpu.memory_space<vmem_shared>> -> memref<632x128xf32, #tpu.memory_space<vmem_shared>>
        tpu.enqueue_dma source(%dma_start3A_149 : memref<632x128xf32, #tpu.memory_space<vmem_shared>>) target(%dma_start3A_147 : memref<632x128xf32, #tpu.memory_space<hbm>>) target_semaphore(%run_scoped3A : memref<!tpu.dma_semaphore, #tpu.memory_space<semaphore_mem>>)
        %dma_wait3A_150 = arith.constant 0 : i32
        %dma_wait3A_151 = arith.constant 0 : i32
        %dma_wait3A_152 = tpu.memref_slice %arg5[%arg0, %dma_wait3A_150, %dma_wait3A_151] : memref<2x10064x128xf32, #tpu.memory_space<hbm>> -> memref<1x10064x128xf32, #tpu.memory_space<hbm>>
        %dma_wait3A_153 = tpu.memref_squeeze %dma_wait3A_152 : memref<1x10064x128xf32, #tpu.memory_space<hbm>> -> memref<10064x128xf32, #tpu.memory_space<hbm>>
        %dma_wait3A_154 = arith.constant 0 : i32
        %dma_wait3A_155 = tpu.memref_slice %dma_wait3A_153[%mul3A_141, %dma_wait3A_154] : memref<10064x128xf32, #tpu.memory_space<hbm>> -> memref<632x128xf32, #tpu.memory_space<hbm>>
        %dma_wait3A_156 = arith.constant 0 : i32
        %dma_wait3A_157 = tpu.memref_slice %arg6[%mul3A_141, %dma_wait3A_156] : memref<10064x128xf32, #tpu.memory_space<vmem_shared>> -> memref<632x128xf32, #tpu.memory_space<vmem_shared>>
        tpu.wait_dma2 semaphore(%run_scoped3A : memref<!tpu.dma_semaphore, #tpu.memory_space<semaphore_mem>>) src(%dma_wait3A_157 : memref<632x128xf32, #tpu.memory_space<vmem_shared>>) dst(%dma_wait3A_155 : memref<632x128xf32, #tpu.memory_space<hbm>>)
        tpu.yield
      }) : () -> ()
    } else {
    }
    %eq3A_135 = arith.constant 15 : i32
    %eq3A_136 = arith.cmpi eq, %arg1, %eq3A_135 : i32
    %convert_element_type3A_137 = arith.extui %eq3A_136 : i1 to i32
    %cond3A_138 = arith.constant 0 : i32
    %cond3A_139 = arith.cmpi ne, %convert_element_type3A_137, %cond3A_138 : i32
    scf.if %cond3A_139 {
      "tpu.region"() ({
        %run_scoped3A = tpu.sem_alloc : memref<!tpu.dma_semaphore, #tpu.memory_space<semaphore_mem>>
        %dma_start3A_140 = arith.constant 0 : i32
        %dma_start3A_141 = arith.constant 0 : i32
        %dma_start3A_142 = tpu.memref_slice %arg5[%arg0, %dma_start3A_140, %dma_start3A_141] : memref<2x10064x128xf32, #tpu.memory_space<hbm>> -> memref<1x10064x128xf32, #tpu.memory_space<hbm>>
        %dma_start3A_143 = tpu.memref_squeeze %dma_start3A_142 : memref<1x10064x128xf32, #tpu.memory_space<hbm>> -> memref<10064x128xf32, #tpu.memory_space<hbm>>
        %dma_start3A_144 = arith.constant 9480 : i32
        %dma_start3A_145 = arith.constant 0 : i32
        %dma_start3A_146 = tpu.memref_slice %dma_start3A_143[%dma_start3A_144, %dma_start3A_145] : memref<10064x128xf32, #tpu.memory_space<hbm>> -> memref<584x128xf32, #tpu.memory_space<hbm>>
        %dma_start3A_147 = arith.constant 9480 : i32
        %dma_start3A_148 = arith.constant 0 : i32
        %dma_start3A_149 = tpu.memref_slice %arg6[%dma_start3A_147, %dma_start3A_148] : memref<10064x128xf32, #tpu.memory_space<vmem_shared>> -> memref<584x128xf32, #tpu.memory_space<vmem_shared>>
        tpu.enqueue_dma source(%dma_start3A_149 : memref<584x128xf32, #tpu.memory_space<vmem_shared>>) target(%dma_start3A_146 : memref<584x128xf32, #tpu.memory_space<hbm>>) target_semaphore(%run_scoped3A : memref<!tpu.dma_semaphore, #tpu.memory_space<semaphore_mem>>)
        %dma_wait3A_150 = arith.constant 0 : i32
        %dma_wait3A_151 = arith.constant 0 : i32
        %dma_wait3A_152 = tpu.memref_slice %arg5[%arg0, %dma_wait3A_150, %dma_wait3A_151] : memref<2x10064x128xf32, #tpu.memory_space<hbm>> -> memref<1x10064x128xf32, #tpu.memory_space<hbm>>
        %dma_wait3A_153 = tpu.memref_squeeze %dma_wait3A_152 : memref<1x10064x128xf32, #tpu.memory_space<hbm>> -> memref<10064x128xf32, #tpu.memory_space<hbm>>
        %dma_wait3A_154 = arith.constant 9480 : i32
        %dma_wait3A_155 = arith.constant 0 : i32
        %dma_wait3A_156 = tpu.memref_slice %dma_wait3A_153[%dma_wait3A_154, %dma_wait3A_155] : memref<10064x128xf32, #tpu.memory_space<hbm>> -> memref<584x128xf32, #tpu.memory_space<hbm>>
        %dma_wait3A_157 = arith.constant 9480 : i32
        %dma_wait3A_158 = arith.constant 0 : i32
        %dma_wait3A_159 = tpu.memref_slice %arg6[%dma_wait3A_157, %dma_wait3A_158] : memref<10064x128xf32, #tpu.memory_space<vmem_shared>> -> memref<584x128xf32, #tpu.memory_space<vmem_shared>>
        tpu.wait_dma2 semaphore(%run_scoped3A : memref<!tpu.dma_semaphore, #tpu.memory_space<semaphore_mem>>) src(%dma_wait3A_159 : memref<584x128xf32, #tpu.memory_space<vmem_shared>>) dst(%dma_wait3A_156 : memref<584x128xf32, #tpu.memory_space<hbm>>)
        tpu.yield
      }) : () -> ()
    } else {
    }
    return
  }
}

#map = affine_map<(d0, d1) -> (0, 0)>
module attributes {stable_mosaic.version = 14 : i64} {
  func.func @k(%arg0: i32, %arg1: i32, %arg2: memref<2560x128xi32, #tpu.memory_space<hbm>>, %arg3: memref<2x10240xf32, #tpu.memory_space<hbm>>, %arg4: memref<10240xf32, #tpu.memory_space<vmem_shared>>, %arg5: memref<80x128xi32, #tpu.memory_space<vmem>>, %arg6: memref<128xf32, #tpu.memory_space<vmem>>, %arg7: memref<640xf32, #tpu.memory_space<vmem>>) attributes {dimension_semantics = [#tpu.dimension_semantics<core_parallel>, #tpu.dimension_semantics<subcore_parallel>], iteration_bounds = array<i64: 2, 16>, scalar_prefetch = 0 : i64, scratch_operands = 4 : i64, tpu.core_type = #tpu.core_type<sc_vector_subcore>, window_params = [{transform_indices = #map}, {transform_indices = #map}]} {
    %mul3A = arith.constant 16 : i32
    %mul3A_0 = arith.muli %arg0, %mul3A : i32
    %add3A = arith.addi %mul3A_0, %arg1 : i32
    %scan3A = arith.constant 0 : i32
    %scan3A_1 = arith.constant 8 : i32
    %scan3A_2 = arith.addi %scan3A, %scan3A_1 : i32
    %scan3A_3 = arith.constant 1 : i32
    scf.for %scan3A_20 = %scan3A to %scan3A_2 step %scan3A_3  : i32 {
      %mul3A_21 = arith.constant 1 : i32
      %mul3A_22 = arith.muli %scan3A_20, %mul3A_21 : i32
      %add3A_23 = arith.constant 0 : i32
      %add3A_24 = arith.addi %add3A_23, %mul3A_22 : i32
      %broadcast_in_dim3A = arith.constant 1.000000e+00 : f32
      %broadcast_in_dim3A_25 = vector.broadcast %broadcast_in_dim3A : f32 to vector<16xf32>
      %mul3A_26 = arith.constant 16 : i32
      %mul3A_27 = arith.muli %add3A_24, %mul3A_26 : i32
      %swap3A = arith.index_cast %mul3A_27 : i32 to index
      %swap3A_28 = tpu.vector_load %arg6[%swap3A] {strides = array<i32>} : memref<128xf32, #tpu.memory_space<vmem>>, vector<16xf32>,
      %swap3A_29 = vector.shape_cast %swap3A_28 : vector<16xf32> to vector<16xf32>
      %swap3A_30 = vector.shape_cast %broadcast_in_dim3A_25 : vector<16xf32> to vector<16xf32>
      tpu.vector_store %arg6[%swap3A], %swap3A_30 {strides = array<i32>} : memref<128xf32, #tpu.memory_space<vmem>>, vector<16xf32>,
    }
    %scan3A_4 = arith.constant 8 : i32
    %scan3A_5 = arith.constant 0 : i32
    %scan3A_6 = arith.constant 40 : i32
    %scan3A_7 = arith.addi %scan3A_5, %scan3A_6 : i32
    %scan3A_8 = arith.constant 1 : i32
    scf.for %scan3A_20 = %scan3A_5 to %scan3A_7 step %scan3A_8  : i32 {
      %mul3A_21 = arith.constant 1 : i32
      %mul3A_22 = arith.muli %scan3A_20, %mul3A_21 : i32
      %add3A_23 = arith.constant 0 : i32
      %add3A_24 = arith.addi %add3A_23, %mul3A_22 : i32
      %broadcast_in_dim3A = arith.constant 0.000000e+00 : f32
      %broadcast_in_dim3A_25 = vector.broadcast %broadcast_in_dim3A : f32 to vector<16xf32>
      %mul3A_26 = arith.constant 16 : i32
      %mul3A_27 = arith.muli %add3A_24, %mul3A_26 : i32
      %swap3A = arith.index_cast %mul3A_27 : i32 to index
      %swap3A_28 = tpu.vector_load %arg7[%swap3A] {strides = array<i32>} : memref<640xf32, #tpu.memory_space<vmem>>, vector<16xf32>,
      %swap3A_29 = vector.shape_cast %swap3A_28 : vector<16xf32> to vector<16xf32>
      %swap3A_30 = vector.shape_cast %broadcast_in_dim3A_25 : vector<16xf32> to vector<16xf32>
      tpu.vector_store %arg7[%swap3A], %swap3A_30 {strides = array<i32>} : memref<640xf32, #tpu.memory_space<vmem>>, vector<16xf32>,
    }
    %scan3A_9 = arith.constant 40 : i32
    %mul3A_10 = arith.constant 640 : i32
    %mul3A_11 = arith.muli %arg1, %mul3A_10 : i32
    "tpu.region"() ({
      %run_scoped3A = tpu.sem_alloc : memref<!tpu.dma_semaphore, #tpu.memory_space<semaphore_mem>>
      %dma_start3A = tpu.memref_slice %arg4[%mul3A_11] : memref<10240xf32, #tpu.memory_space<vmem_shared>> -> memref<640xf32, #tpu.memory_space<vmem_shared>>
      %dma_start3A_20 = tpu.memref_slice %arg4[%mul3A_11] : memref<10240xf32, #tpu.memory_space<vmem_shared>> -> memref<640xf32, #tpu.memory_space<vmem_shared>>
      tpu.enqueue_dma source(%arg7 : memref<640xf32, #tpu.memory_space<vmem>>) target(%dma_start3A_20 : memref<640xf32, #tpu.memory_space<vmem_shared>>) target_semaphore(%run_scoped3A : memref<!tpu.dma_semaphore, #tpu.memory_space<semaphore_mem>>)
      %dma_wait3A = tpu.memref_slice %arg4[%mul3A_11] : memref<10240xf32, #tpu.memory_space<vmem_shared>> -> memref<640xf32, #tpu.memory_space<vmem_shared>>
      %dma_wait3A_21 = tpu.memref_slice %arg4[%mul3A_11] : memref<10240xf32, #tpu.memory_space<vmem_shared>> -> memref<640xf32, #tpu.memory_space<vmem_shared>>
      tpu.wait_dma2 semaphore(%run_scoped3A : memref<!tpu.dma_semaphore, #tpu.memory_space<semaphore_mem>>) src(%arg7 : memref<640xf32, #tpu.memory_space<vmem>>) dst(%dma_wait3A_21 : memref<640xf32, #tpu.memory_space<vmem_shared>>)
      tpu.yield
    }) : () -> ()
    %mul3A_12 = arith.constant 80 : i32
    %mul3A_13 = arith.muli %add3A, %mul3A_12 : i32
    "tpu.region"() ({
      %run_scoped3A = tpu.sem_alloc : memref<!tpu.dma_semaphore, #tpu.memory_space<semaphore_mem>>
      %dma_start3A = arith.constant 0 : i32
      %dma_start3A_20 = tpu.memref_slice %arg2[%mul3A_13, %dma_start3A] : memref<2560x128xi32, #tpu.memory_space<hbm>> -> memref<80x128xi32, #tpu.memory_space<hbm>>
      %dma_start3A_21 = arith.constant 0 : i32
      %dma_start3A_22 = tpu.memref_slice %arg2[%mul3A_13, %dma_start3A_21] : memref<2560x128xi32, #tpu.memory_space<hbm>> -> memref<80x128xi32, #tpu.memory_space<hbm>>
      tpu.enqueue_dma source(%dma_start3A_22 : memref<80x128xi32, #tpu.memory_space<hbm>>) target(%arg5 : memref<80x128xi32, #tpu.memory_space<vmem>>) target_semaphore(%run_scoped3A : memref<!tpu.dma_semaphore, #tpu.memory_space<semaphore_mem>>)
      %dma_wait3A = arith.constant 0 : i32
      %dma_wait3A_23 = tpu.memref_slice %arg2[%mul3A_13, %dma_wait3A] : memref<2560x128xi32, #tpu.memory_space<hbm>> -> memref<80x128xi32, #tpu.memory_space<hbm>>
      %dma_wait3A_24 = arith.constant 0 : i32
      %dma_wait3A_25 = tpu.memref_slice %arg2[%mul3A_13, %dma_wait3A_24] : memref<2560x128xi32, #tpu.memory_space<hbm>> -> memref<80x128xi32, #tpu.memory_space<hbm>>
      tpu.wait_dma2 semaphore(%run_scoped3A : memref<!tpu.dma_semaphore, #tpu.memory_space<semaphore_mem>>) src(%dma_wait3A_25 : memref<80x128xi32, #tpu.memory_space<hbm>>) dst(%arg5 : memref<80x128xi32, #tpu.memory_space<vmem>>)
      tpu.yield
    }) : () -> ()
    %barrier3A = arith.constant 0 : index
    tpu.barrier barrier_id(%barrier3A)
    %scan3A_14 = arith.constant 0 : i32
    %scan3A_15 = arith.constant 80 : i32
    %scan3A_16 = arith.addi %scan3A_14, %scan3A_15 : i32
    %scan3A_17 = arith.constant 1 : i32
    scf.for %scan3A_20 = %scan3A_14 to %scan3A_16 step %scan3A_17  : i32 {
      %mul3A_21 = arith.constant 1 : i32
      %mul3A_22 = arith.muli %scan3A_20, %mul3A_21 : i32
      %add3A_23 = arith.constant 0 : i32
      %add3A_24 = arith.addi %add3A_23, %mul3A_22 : i32
      "tpu.region"() ({
        %run_scoped3A = tpu.sem_alloc : memref<!tpu.dma_semaphore, #tpu.memory_space<semaphore_mem>>
        %dma_start3A = arith.constant 0 : i32
        %dma_start3A_25 = tpu.memref_slice %arg5[%add3A_24, %dma_start3A] : memref<80x128xi32, #tpu.memory_space<vmem>> -> memref<1x128xi32, #tpu.memory_space<vmem>>
        %dma_start3A_26 = tpu.memref_squeeze %dma_start3A_25 : memref<1x128xi32, #tpu.memory_space<vmem>> -> memref<128xi32, #tpu.memory_space<vmem>>
        %dma_start3A_27 = arith.constant 0 : i32
        %dma_start3A_28 = tpu.memref_slice %arg4[%dma_start3A_27] : memref<10240xf32, #tpu.memory_space<vmem_shared>> -> memref<10240xf32, #tpu.memory_space<vmem_shared>>
        tpu.enqueue_indirect_dma source(%arg6 : memref<128xf32, #tpu.memory_space<vmem>>) target(%dma_start3A_28 : memref<10240xf32, #tpu.memory_space<vmem_shared>>) offsets(%dma_start3A_26 : memref<128xi32, #tpu.memory_space<vmem>>) semaphore(%run_scoped3A : memref<!tpu.dma_semaphore, #tpu.memory_space<semaphore_mem>>) {add = true}
        %dma_wait3A = arith.constant 0 : i32
        %dma_wait3A_29 = tpu.memref_slice %arg5[%add3A_24, %dma_wait3A] : memref<80x128xi32, #tpu.memory_space<vmem>> -> memref<1x128xi32, #tpu.memory_space<vmem>>
        %dma_wait3A_30 = tpu.memref_squeeze %dma_wait3A_29 : memref<1x128xi32, #tpu.memory_space<vmem>> -> memref<128xi32, #tpu.memory_space<vmem>>
        %dma_wait3A_31 = arith.constant 0 : i32
        %dma_wait3A_32 = tpu.memref_slice %arg4[%dma_wait3A_31] : memref<10240xf32, #tpu.memory_space<vmem_shared>> -> memref<10240xf32, #tpu.memory_space<vmem_shared>>
        tpu.wait_indirect_dma semaphore(%run_scoped3A : memref<!tpu.dma_semaphore, #tpu.memory_space<semaphore_mem>>) src(%arg6 : memref<128xf32, #tpu.memory_space<vmem>>) dst(%dma_wait3A_32 : memref<10240xf32, #tpu.memory_space<vmem_shared>>)
        tpu.yield
      }) : () -> ()
    }
    %scan3A_18 = arith.constant 80 : i32
    %barrier3A_19 = arith.constant 0 : index
    tpu.barrier barrier_id(%barrier3A_19)
    "tpu.region"() ({
      %run_scoped3A = tpu.sem_alloc : memref<!tpu.dma_semaphore, #tpu.memory_space<semaphore_mem>>
      %dma_start3A = arith.constant 0 : i32
      %dma_start3A_20 = tpu.memref_slice %arg3[%arg0, %dma_start3A] : memref<2x10240xf32, #tpu.memory_space<hbm>> -> memref<1x10240xf32, #tpu.memory_space<hbm>>
      %dma_start3A_21 = tpu.memref_squeeze %dma_start3A_20 : memref<1x10240xf32, #tpu.memory_space<hbm>> -> memref<10240xf32, #tpu.memory_space<hbm>>
      %dma_start3A_22 = tpu.memref_slice %dma_start3A_21[%mul3A_11] : memref<10240xf32, #tpu.memory_space<hbm>> -> memref<640xf32, #tpu.memory_space<hbm>>
      %dma_start3A_23 = tpu.memref_slice %arg4[%mul3A_11] : memref<10240xf32, #tpu.memory_space<vmem_shared>> -> memref<640xf32, #tpu.memory_space<vmem_shared>>
      tpu.enqueue_dma source(%dma_start3A_23 : memref<640xf32, #tpu.memory_space<vmem_shared>>) target(%dma_start3A_22 : memref<640xf32, #tpu.memory_space<hbm>>) target_semaphore(%run_scoped3A : memref<!tpu.dma_semaphore, #tpu.memory_space<semaphore_mem>>)
      %dma_wait3A = arith.constant 0 : i32
      %dma_wait3A_24 = tpu.memref_slice %arg3[%arg0, %dma_wait3A] : memref<2x10240xf32, #tpu.memory_space<hbm>> -> memref<1x10240xf32, #tpu.memory_space<hbm>>
      %dma_wait3A_25 = tpu.memref_squeeze %dma_wait3A_24 : memref<1x10240xf32, #tpu.memory_space<hbm>> -> memref<10240xf32, #tpu.memory_space<hbm>>
      %dma_wait3A_26 = tpu.memref_slice %dma_wait3A_25[%mul3A_11] : memref<10240xf32, #tpu.memory_space<hbm>> -> memref<640xf32, #tpu.memory_space<hbm>>
      %dma_wait3A_27 = tpu.memref_slice %arg4[%mul3A_11] : memref<10240xf32, #tpu.memory_space<vmem_shared>> -> memref<640xf32, #tpu.memory_space<vmem_shared>>
      tpu.wait_dma2 semaphore(%run_scoped3A : memref<!tpu.dma_semaphore, #tpu.memory_space<semaphore_mem>>) src(%dma_wait3A_27 : memref<640xf32, #tpu.memory_space<vmem_shared>>) dst(%dma_wait3A_26 : memref<640xf32, #tpu.memory_space<hbm>>)
      tpu.yield
    }) : () -> ()
    return
  }
}

#map = affine_map<(d0, d1) -> (0, 0)>
#map1 = affine_map<(d0, d1) -> (0, 0, 0)>
module attributes {stable_mosaic.version = 14 : i64} {
  func.func @k(%arg0: i32, %arg1: i32, %arg2: memref<10064x128xf32, #tpu.memory_space<hbm>>, %arg3: memref<2560x128xi32, #tpu.memory_space<hbm>>, %arg4: memref<2560x128xi32, #tpu.memory_space<hbm>>, %arg5: memref<2x10064x128xf32, #tpu.memory_space<hbm>>, %arg6: memref<10064x128xf32, #tpu.memory_space<vmem_shared>>, %arg7: memref<128xi32, #tpu.memory_space<vmem>>, %arg8: memref<128xi32, #tpu.memory_space<vmem>>, %arg9: memref<128xi32, #tpu.memory_space<vmem>>, %arg10: memref<128xi32, #tpu.memory_space<vmem>>, %arg11: memref<128xi32, #tpu.memory_space<vmem>>, %arg12: memref<128xi32, #tpu.memory_space<vmem>>, %arg13: memref<128x128xf32, #tpu.memory_space<vmem>>, %arg14: memref<128x128xf32, #tpu.memory_space<vmem>>, %arg15: memref<128x128xf32, #tpu.memory_space<vmem>>, %arg16: memref<!tpu.dma_semaphore, #tpu.memory_space<semaphore_mem>>, %arg17: memref<!tpu.dma_semaphore, #tpu.memory_space<semaphore_mem>>, %arg18: memref<!tpu.dma_semaphore, #tpu.memory_space<semaphore_mem>>, %arg19: memref<!tpu.dma_semaphore, #tpu.memory_space<semaphore_mem>>, %arg20: memref<!tpu.dma_semaphore, #tpu.memory_space<semaphore_mem>>, %arg21: memref<!tpu.dma_semaphore, #tpu.memory_space<semaphore_mem>>, %arg22: memref<!tpu.dma_semaphore, #tpu.memory_space<semaphore_mem>>, %arg23: memref<!tpu.dma_semaphore, #tpu.memory_space<semaphore_mem>>, %arg24: memref<!tpu.dma_semaphore, #tpu.memory_space<semaphore_mem>>) attributes {dimension_semantics = [#tpu.dimension_semantics<core_parallel>, #tpu.dimension_semantics<subcore_parallel>], iteration_bounds = array<i64: 2, 16>, scalar_prefetch = 0 : i64, scratch_operands = 19 : i64, tpu.core_type = #tpu.core_type<sc_vector_subcore>, window_params = [{transform_indices = #map}, {transform_indices = #map}, {transform_indices = #map}, {transform_indices = #map1}]} {
    %mul3A = arith.constant 16 : i32
    %mul3A_0 = arith.muli %arg0, %mul3A : i32
    %add3A = arith.addi %mul3A_0, %arg1 : i32
    %mul3A_1 = arith.constant 80 : i32
    %mul3A_2 = arith.muli %add3A, %mul3A_1 : i32
    %lt3A = arith.constant 15 : i32
    %lt3A_3 = arith.cmpi slt, %arg1, %lt3A : i32
    %convert_element_type3A = arith.extui %lt3A_3 : i1 to i32
    %cond3A = arith.constant 0 : i32
    %cond3A_4 = arith.cmpi ne, %convert_element_type3A, %cond3A : i32
    scf.if %cond3A_4 {
      %mul3A_140 = arith.constant 632 : i32
      %mul3A_141 = arith.muli %arg1, %mul3A_140 : i32
      "tpu.region"() ({
        %run_scoped3A = tpu.sem_alloc : memref<!tpu.dma_semaphore, #tpu.memory_space<semaphore_mem>>
        %dma_start3A_142 = arith.constant 0 : i32
        %dma_start3A_143 = tpu.memref_slice %arg6[%mul3A_141, %dma_start3A_142] : memref<10064x128xf32, #tpu.memory_space<vmem_shared>> -> memref<632x128xf32, #tpu.memory_space<vmem_shared>>
        %dma_start3A_144 = arith.constant 0 : i32
        %dma_start3A_145 = tpu.memref_slice %arg2[%mul3A_141, %dma_start3A_144] : memref<10064x128xf32, #tpu.memory_space<hbm>> -> memref<632x128xf32, #tpu.memory_space<hbm>>
        tpu.enqueue_dma source(%dma_start3A_145 : memref<632x128xf32, #tpu.memory_space<hbm>>) target(%dma_start3A_143 : memref<632x128xf32, #tpu.memory_space<vmem_shared>>) target_semaphore(%run_scoped3A : memref<!tpu.dma_semaphore, #tpu.memory_space<semaphore_mem>>)
        %dma_wait3A_146 = arith.constant 0 : i32
        %dma_wait3A_147 = tpu.memref_slice %arg6[%mul3A_141, %dma_wait3A_146] : memref<10064x128xf32, #tpu.memory_space<vmem_shared>> -> memref<632x128xf32, #tpu.memory_space<vmem_shared>>
        %dma_wait3A_148 = arith.constant 0 : i32
        %dma_wait3A_149 = tpu.memref_slice %arg2[%mul3A_141, %dma_wait3A_148] : memref<10064x128xf32, #tpu.memory_space<hbm>> -> memref<632x128xf32, #tpu.memory_space<hbm>>
        tpu.wait_dma2 semaphore(%run_scoped3A : memref<!tpu.dma_semaphore, #tpu.memory_space<semaphore_mem>>) src(%dma_wait3A_149 : memref<632x128xf32, #tpu.memory_space<hbm>>) dst(%dma_wait3A_147 : memref<632x128xf32, #tpu.memory_space<vmem_shared>>)
        tpu.yield
      }) : () -> ()
    } else {
    }
    %eq3A = arith.constant 15 : i32
    %eq3A_5 = arith.cmpi eq, %arg1, %eq3A : i32
    %convert_element_type3A_6 = arith.extui %eq3A_5 : i1 to i32
    %cond3A_7 = arith.constant 0 : i32
    %cond3A_8 = arith.cmpi ne, %convert_element_type3A_6, %cond3A_7 : i32
    scf.if %cond3A_8 {
      "tpu.region"() ({
        %run_scoped3A = tpu.sem_alloc : memref<!tpu.dma_semaphore, #tpu.memory_space<semaphore_mem>>
        %dma_start3A_140 = arith.constant 9480 : i32
        %dma_start3A_141 = arith.constant 0 : i32
        %dma_start3A_142 = tpu.memref_slice %arg6[%dma_start3A_140, %dma_start3A_141] : memref<10064x128xf32, #tpu.memory_space<vmem_shared>> -> memref<584x128xf32, #tpu.memory_space<vmem_shared>>
        %dma_start3A_143 = arith.constant 9480 : i32
        %dma_start3A_144 = arith.constant 0 : i32
        %dma_start3A_145 = tpu.memref_slice %arg2[%dma_start3A_143, %dma_start3A_144] : memref<10064x128xf32, #tpu.memory_space<hbm>> -> memref<584x128xf32, #tpu.memory_space<hbm>>
        tpu.enqueue_dma source(%dma_start3A_145 : memref<584x128xf32, #tpu.memory_space<hbm>>) target(%dma_start3A_142 : memref<584x128xf32, #tpu.memory_space<vmem_shared>>) target_semaphore(%run_scoped3A : memref<!tpu.dma_semaphore, #tpu.memory_space<semaphore_mem>>)
        %dma_wait3A_146 = arith.constant 9480 : i32
        %dma_wait3A_147 = arith.constant 0 : i32
        %dma_wait3A_148 = tpu.memref_slice %arg6[%dma_wait3A_146, %dma_wait3A_147] : memref<10064x128xf32, #tpu.memory_space<vmem_shared>> -> memref<584x128xf32, #tpu.memory_space<vmem_shared>>
        %dma_wait3A_149 = arith.constant 9480 : i32
        %dma_wait3A_150 = arith.constant 0 : i32
        %dma_wait3A_151 = tpu.memref_slice %arg2[%dma_wait3A_149, %dma_wait3A_150] : memref<10064x128xf32, #tpu.memory_space<hbm>> -> memref<584x128xf32, #tpu.memory_space<hbm>>
        tpu.wait_dma2 semaphore(%run_scoped3A : memref<!tpu.dma_semaphore, #tpu.memory_space<semaphore_mem>>) src(%dma_wait3A_151 : memref<584x128xf32, #tpu.memory_space<hbm>>) dst(%dma_wait3A_148 : memref<584x128xf32, #tpu.memory_space<vmem_shared>>)
        tpu.yield
      }) : () -> ()
    } else {
    }
    %barrier3A = arith.constant 0 : index
    tpu.barrier barrier_id(%barrier3A)
    %add3A_9 = arith.constant 0 : i32
    %add3A_10 = arith.addi %mul3A_2, %add3A_9 : i32
    %dma_start3A = arith.constant 0 : i32
    %dma_start3A_11 = tpu.memref_slice %arg3[%add3A_10, %dma_start3A] : memref<2560x128xi32, #tpu.memory_space<hbm>> -> memref<1x128xi32, #tpu.memory_space<hbm>>
    %dma_start3A_12 = tpu.memref_squeeze %dma_start3A_11 : memref<1x128xi32, #tpu.memory_space<hbm>> -> memref<128xi32, #tpu.memory_space<hbm>>
    %dma_start3A_13 = arith.constant 0 : i32
    %dma_start3A_14 = tpu.memref_slice %arg3[%add3A_10, %dma_start3A_13] : memref<2560x128xi32, #tpu.memory_space<hbm>> -> memref<1x128xi32, #tpu.memory_space<hbm>>
    %dma_start3A_15 = tpu.memref_squeeze %dma_start3A_14 : memref<1x128xi32, #tpu.memory_space<hbm>> -> memref<128xi32, #tpu.memory_space<hbm>>
    tpu.enqueue_dma source(%dma_start3A_15 : memref<128xi32, #tpu.memory_space<hbm>>) target(%arg7 : memref<128xi32, #tpu.memory_space<vmem>>) target_semaphore(%arg16 : memref<!tpu.dma_semaphore, #tpu.memory_space<semaphore_mem>>)
    %add3A_16 = arith.constant 0 : i32
    %add3A_17 = arith.addi %mul3A_2, %add3A_16 : i32
    %dma_start3A_18 = arith.constant 0 : i32
    %dma_start3A_19 = tpu.memref_slice %arg4[%add3A_17, %dma_start3A_18] : memref<2560x128xi32, #tpu.memory_space<hbm>> -> memref<1x128xi32, #tpu.memory_space<hbm>>
    %dma_start3A_20 = tpu.memref_squeeze %dma_start3A_19 : memref<1x128xi32, #tpu.memory_space<hbm>> -> memref<128xi32, #tpu.memory_space<hbm>>
    %dma_start3A_21 = arith.constant 0 : i32
    %dma_start3A_22 = tpu.memref_slice %arg4[%add3A_17, %dma_start3A_21] : memref<2560x128xi32, #tpu.memory_space<hbm>> -> memref<1x128xi32, #tpu.memory_space<hbm>>
    %dma_start3A_23 = tpu.memref_squeeze %dma_start3A_22 : memref<1x128xi32, #tpu.memory_space<hbm>> -> memref<128xi32, #tpu.memory_space<hbm>>
    tpu.enqueue_dma source(%dma_start3A_23 : memref<128xi32, #tpu.memory_space<hbm>>) target(%arg10 : memref<128xi32, #tpu.memory_space<vmem>>) target_semaphore(%arg16 : memref<!tpu.dma_semaphore, #tpu.memory_space<semaphore_mem>>)
    %add3A_24 = arith.constant 1 : i32
    %add3A_25 = arith.addi %mul3A_2, %add3A_24 : i32
    %dma_start3A_26 = arith.constant 0 : i32
    %dma_start3A_27 = tpu.memref_slice %arg3[%add3A_25, %dma_start3A_26] : memref<2560x128xi32, #tpu.memory_space<hbm>> -> memref<1x128xi32, #tpu.memory_space<hbm>>
    %dma_start3A_28 = tpu.memref_squeeze %dma_start3A_27 : memref<1x128xi32, #tpu.memory_space<hbm>> -> memref<128xi32, #tpu.memory_space<hbm>>
    %dma_start3A_29 = arith.constant 0 : i32
    %dma_start3A_30 = tpu.memref_slice %arg3[%add3A_25, %dma_start3A_29] : memref<2560x128xi32, #tpu.memory_space<hbm>> -> memref<1x128xi32, #tpu.memory_space<hbm>>
    %dma_start3A_31 = tpu.memref_squeeze %dma_start3A_30 : memref<1x128xi32, #tpu.memory_space<hbm>> -> memref<128xi32, #tpu.memory_space<hbm>>
    tpu.enqueue_dma source(%dma_start3A_31 : memref<128xi32, #tpu.memory_space<hbm>>) target(%arg8 : memref<128xi32, #tpu.memory_space<vmem>>) target_semaphore(%arg17 : memref<!tpu.dma_semaphore, #tpu.memory_space<semaphore_mem>>)
    %add3A_32 = arith.constant 1 : i32
    %add3A_33 = arith.addi %mul3A_2, %add3A_32 : i32
    %dma_start3A_34 = arith.constant 0 : i32
    %dma_start3A_35 = tpu.memref_slice %arg4[%add3A_33, %dma_start3A_34] : memref<2560x128xi32, #tpu.memory_space<hbm>> -> memref<1x128xi32, #tpu.memory_space<hbm>>
    %dma_start3A_36 = tpu.memref_squeeze %dma_start3A_35 : memref<1x128xi32, #tpu.memory_space<hbm>> -> memref<128xi32, #tpu.memory_space<hbm>>
    %dma_start3A_37 = arith.constant 0 : i32
    %dma_start3A_38 = tpu.memref_slice %arg4[%add3A_33, %dma_start3A_37] : memref<2560x128xi32, #tpu.memory_space<hbm>> -> memref<1x128xi32, #tpu.memory_space<hbm>>
    %dma_start3A_39 = tpu.memref_squeeze %dma_start3A_38 : memref<1x128xi32, #tpu.memory_space<hbm>> -> memref<128xi32, #tpu.memory_space<hbm>>
    tpu.enqueue_dma source(%dma_start3A_39 : memref<128xi32, #tpu.memory_space<hbm>>) target(%arg11 : memref<128xi32, #tpu.memory_space<vmem>>) target_semaphore(%arg17 : memref<!tpu.dma_semaphore, #tpu.memory_space<semaphore_mem>>)
    %dma_wait3A = arith.constant 0 : i32
    %dma_wait3A_40 = arith.constant 0 : i32
    %dma_wait3A_41 = tpu.memref_slice %arg3[%dma_wait3A, %dma_wait3A_40] : memref<2560x128xi32, #tpu.memory_space<hbm>> -> memref<1x128xi32, #tpu.memory_space<hbm>>
    %dma_wait3A_42 = tpu.memref_squeeze %dma_wait3A_41 : memref<1x128xi32, #tpu.memory_space<hbm>> -> memref<128xi32, #tpu.memory_space<hbm>>
    %dma_wait3A_43 = arith.constant 0 : i32
    %dma_wait3A_44 = tpu.memref_slice %arg3[%dma_wait3A, %dma_wait3A_43] : memref<2560x128xi32, #tpu.memory_space<hbm>> -> memref<1x128xi32, #tpu.memory_space<hbm>>
    %dma_wait3A_45 = tpu.memref_squeeze %dma_wait3A_44 : memref<1x128xi32, #tpu.memory_space<hbm>> -> memref<128xi32, #tpu.memory_space<hbm>>
    tpu.wait_dma2 semaphore(%arg16 : memref<!tpu.dma_semaphore, #tpu.memory_space<semaphore_mem>>) src(%dma_wait3A_45 : memref<128xi32, #tpu.memory_space<hbm>>) dst(%arg7 : memref<128xi32, #tpu.memory_space<vmem>>)
    %dma_wait3A_46 = arith.constant 0 : i32
    %dma_wait3A_47 = arith.constant 0 : i32
    %dma_wait3A_48 = tpu.memref_slice %arg4[%dma_wait3A_46, %dma_wait3A_47] : memref<2560x128xi32, #tpu.memory_space<hbm>> -> memref<1x128xi32, #tpu.memory_space<hbm>>
    %dma_wait3A_49 = tpu.memref_squeeze %dma_wait3A_48 : memref<1x128xi32, #tpu.memory_space<hbm>> -> memref<128xi32, #tpu.memory_space<hbm>>
    %dma_wait3A_50 = arith.constant 0 : i32
    %dma_wait3A_51 = tpu.memref_slice %arg4[%dma_wait3A_46, %dma_wait3A_50] : memref<2560x128xi32, #tpu.memory_space<hbm>> -> memref<1x128xi32, #tpu.memory_space<hbm>>
    %dma_wait3A_52 = tpu.memref_squeeze %dma_wait3A_51 : memref<1x128xi32, #tpu.memory_space<hbm>> -> memref<128xi32, #tpu.memory_space<hbm>>
    tpu.wait_dma2 semaphore(%arg16 : memref<!tpu.dma_semaphore, #tpu.memory_space<semaphore_mem>>) src(%dma_wait3A_52 : memref<128xi32, #tpu.memory_space<hbm>>) dst(%arg10 : memref<128xi32, #tpu.memory_space<vmem>>)
    %dma_start3A_53 = arith.constant 0 : i32
    %dma_start3A_54 = arith.constant 0 : i32
    %dma_start3A_55 = tpu.memref_slice %arg2[%dma_start3A_53, %dma_start3A_54] : memref<10064x128xf32, #tpu.memory_space<hbm>> -> memref<10064x128xf32, #tpu.memory_space<hbm>>
    tpu.enqueue_indirect_dma source(%dma_start3A_55 : memref<10064x128xf32, #tpu.memory_space<hbm>>) target(%arg13 : memref<128x128xf32, #tpu.memory_space<vmem>>) offsets(%arg7 : memref<128xi32, #tpu.memory_space<vmem>>) semaphore(%arg19 : memref<!tpu.dma_semaphore, #tpu.memory_space<semaphore_mem>>)
    %add3A_56 = arith.constant 2 : i32
    %add3A_57 = arith.addi %mul3A_2, %add3A_56 : i32
    %dma_start3A_58 = arith.constant 0 : i32
    %dma_start3A_59 = tpu.memref_slice %arg3[%add3A_57, %dma_start3A_58] : memref<2560x128xi32, #tpu.memory_space<hbm>> -> memref<1x128xi32, #tpu.memory_space<hbm>>
    %dma_start3A_60 = tpu.memref_squeeze %dma_start3A_59 : memref<1x128xi32, #tpu.memory_space<hbm>> -> memref<128xi32, #tpu.memory_space<hbm>>
    %dma_start3A_61 = arith.constant 0 : i32
    %dma_start3A_62 = tpu.memref_slice %arg3[%add3A_57, %dma_start3A_61] : memref<2560x128xi32, #tpu.memory_space<hbm>> -> memref<1x128xi32, #tpu.memory_space<hbm>>
    %dma_start3A_63 = tpu.memref_squeeze %dma_start3A_62 : memref<1x128xi32, #tpu.memory_space<hbm>> -> memref<128xi32, #tpu.memory_space<hbm>>
    tpu.enqueue_dma source(%dma_start3A_63 : memref<128xi32, #tpu.memory_space<hbm>>) target(%arg9 : memref<128xi32, #tpu.memory_space<vmem>>) target_semaphore(%arg18 : memref<!tpu.dma_semaphore, #tpu.memory_space<semaphore_mem>>)
    %add3A_64 = arith.constant 2 : i32
    %add3A_65 = arith.addi %mul3A_2, %add3A_64 : i32
    %dma_start3A_66 = arith.constant 0 : i32
    %dma_start3A_67 = tpu.memref_slice %arg4[%add3A_65, %dma_start3A_66] : memref<2560x128xi32, #tpu.memory_space<hbm>> -> memref<1x128xi32, #tpu.memory_space<hbm>>
    %dma_start3A_68 = tpu.memref_squeeze %dma_start3A_67 : memref<1x128xi32, #tpu.memory_space<hbm>> -> memref<128xi32, #tpu.memory_space<hbm>>
    %dma_start3A_69 = arith.constant 0 : i32
    %dma_start3A_70 = tpu.memref_slice %arg4[%add3A_65, %dma_start3A_69] : memref<2560x128xi32, #tpu.memory_space<hbm>> -> memref<1x128xi32, #tpu.memory_space<hbm>>
    %dma_start3A_71 = tpu.memref_squeeze %dma_start3A_70 : memref<1x128xi32, #tpu.memory_space<hbm>> -> memref<128xi32, #tpu.memory_space<hbm>>
    tpu.enqueue_dma source(%dma_start3A_71 : memref<128xi32, #tpu.memory_space<hbm>>) target(%arg12 : memref<128xi32, #tpu.memory_space<vmem>>) target_semaphore(%arg18 : memref<!tpu.dma_semaphore, #tpu.memory_space<semaphore_mem>>)
    %scan3A = arith.constant 0 : i32
    %scan3A_72 = arith.constant 26 : i32
    %scan3A_73 = arith.addi %scan3A, %scan3A_72 : i32
    %scan3A_74 = arith.constant 1 : i32
    scf.for %scan3A_140 = %scan3A to %scan3A_73 step %scan3A_74  : i32 {
      %mul3A_141 = arith.constant 1 : i32
      %mul3A_142 = arith.muli %scan3A_140, %mul3A_141 : i32
      %add3A_143 = arith.constant 0 : i32
      %add3A_144 = arith.addi %add3A_143, %mul3A_142 : i32
      %mul3A_145 = arith.constant 3 : i32
      %mul3A_146 = arith.muli %mul3A_145, %add3A_144 : i32
      %add3A_147 = arith.constant 1 : i32
      %add3A_148 = arith.addi %mul3A_146, %add3A_147 : i32
      %add3A_149 = arith.constant 0 : i32
      %add3A_150 = arith.addi %add3A_148, %add3A_149 : i32
      %dma_wait3A_151 = arith.constant 0 : i32
      %dma_wait3A_152 = arith.constant 0 : i32
      %dma_wait3A_153 = tpu.memref_slice %arg3[%dma_wait3A_151, %dma_wait3A_152] : memref<2560x128xi32, #tpu.memory_space<hbm>> -> memref<1x128xi32, #tpu.memory_space<hbm>>
      %dma_wait3A_154 = tpu.memref_squeeze %dma_wait3A_153 : memref<1x128xi32, #tpu.memory_space<hbm>> -> memref<128xi32, #tpu.memory_space<hbm>>
      %dma_wait3A_155 = arith.constant 0 : i32
      %dma_wait3A_156 = tpu.memref_slice %arg3[%dma_wait3A_151, %dma_wait3A_155] : memref<2560x128xi32, #tpu.memory_space<hbm>> -> memref<1x128xi32, #tpu.memory_space<hbm>>
      %dma_wait3A_157 = tpu.memref_squeeze %dma_wait3A_156 : memref<1x128xi32, #tpu.memory_space<hbm>> -> memref<128xi32, #tpu.memory_space<hbm>>
      tpu.wait_dma2 semaphore(%arg17 : memref<!tpu.dma_semaphore, #tpu.memory_space<semaphore_mem>>) src(%dma_wait3A_157 : memref<128xi32, #tpu.memory_space<hbm>>) dst(%arg8 : memref<128xi32, #tpu.memory_space<vmem>>)
      %dma_wait3A_158 = arith.constant 0 : i32
      %dma_wait3A_159 = arith.constant 0 : i32
      %dma_wait3A_160 = tpu.memref_slice %arg4[%dma_wait3A_158, %dma_wait3A_159] : memref<2560x128xi32, #tpu.memory_space<hbm>> -> memref<1x128xi32, #tpu.memory_space<hbm>>
      %dma_wait3A_161 = tpu.memref_squeeze %dma_wait3A_160 : memref<1x128xi32, #tpu.memory_space<hbm>> -> memref<128xi32, #tpu.memory_space<hbm>>
      %dma_wait3A_162 = arith.constant 0 : i32
      %dma_wait3A_163 = tpu.memref_slice %arg4[%dma_wait3A_158, %dma_wait3A_162] : memref<2560x128xi32, #tpu.memory_space<hbm>> -> memref<1x128xi32, #tpu.memory_space<hbm>>
      %dma_wait3A_164 = tpu.memref_squeeze %dma_wait3A_163 : memref<1x128xi32, #tpu.memory_space<hbm>> -> memref<128xi32, #tpu.memory_space<hbm>>
      tpu.wait_dma2 semaphore(%arg17 : memref<!tpu.dma_semaphore, #tpu.memory_space<semaphore_mem>>) src(%dma_wait3A_164 : memref<128xi32, #tpu.memory_space<hbm>>) dst(%arg11 : memref<128xi32, #tpu.memory_space<vmem>>)
      %dma_start3A_165 = arith.constant 0 : i32
      %dma_start3A_166 = arith.constant 0 : i32
      %dma_start3A_167 = tpu.memref_slice %arg2[%dma_start3A_165, %dma_start3A_166] : memref<10064x128xf32, #tpu.memory_space<hbm>> -> memref<10064x128xf32, #tpu.memory_space<hbm>>
      tpu.enqueue_indirect_dma source(%dma_start3A_167 : memref<10064x128xf32, #tpu.memory_space<hbm>>) target(%arg14 : memref<128x128xf32, #tpu.memory_space<vmem>>) offsets(%arg8 : memref<128xi32, #tpu.memory_space<vmem>>) semaphore(%arg20 : memref<!tpu.dma_semaphore, #tpu.memory_space<semaphore_mem>>)
      %ge3A = arith.constant 2 : i32
      %ge3A_168 = arith.cmpi sge, %add3A_150, %ge3A : i32
      %convert_element_type3A_169 = arith.extui %ge3A_168 : i1 to i32
      %cond3A_170 = arith.constant 0 : i32
      %cond3A_171 = arith.cmpi ne, %convert_element_type3A_169, %cond3A_170 : i32
      scf.if %cond3A_171 {
        %dma_wait3A_255 = arith.constant 0 : i32
        %dma_wait3A_256 = arith.constant 0 : i32
        %dma_wait3A_257 = tpu.memref_slice %arg2[%dma_wait3A_255, %dma_wait3A_256] : memref<10064x128xf32, #tpu.memory_space<hbm>> -> memref<128x128xf32, #tpu.memory_space<hbm>>
        %dma_wait3A_258 = arith.constant 0 : i32
        %dma_wait3A_259 = arith.constant 0 : i32
        %dma_wait3A_260 = tpu.memref_slice %arg2[%dma_wait3A_258, %dma_wait3A_259] : memref<10064x128xf32, #tpu.memory_space<hbm>> -> memref<128x128xf32, #tpu.memory_space<hbm>>
        tpu.wait_dma2 semaphore(%arg24 : memref<!tpu.dma_semaphore, #tpu.memory_space<semaphore_mem>>) src(%dma_wait3A_260 : memref<128x128xf32, #tpu.memory_space<hbm>>) dst(%arg15 : memref<128x128xf32, #tpu.memory_space<vmem>>)
        %add3A_261 = arith.constant 1 : i32
        %add3A_262 = arith.addi %add3A_150, %add3A_261 : i32
        %add3A_263 = arith.addi %mul3A_2, %add3A_262 : i32
        %dma_start3A_264 = arith.constant 0 : i32
        %dma_start3A_265 = tpu.memref_slice %arg3[%add3A_263, %dma_start3A_264] : memref<2560x128xi32, #tpu.memory_space<hbm>> -> memref<1x128xi32, #tpu.memory_space<hbm>>
        %dma_start3A_266 = tpu.memref_squeeze %dma_start3A_265 : memref<1x128xi32, #tpu.memory_space<hbm>> -> memref<128xi32, #tpu.memory_space<hbm>>
        %dma_start3A_267 = arith.constant 0 : i32
        %dma_start3A_268 = tpu.memref_slice %arg3[%add3A_263, %dma_start3A_267] : memref<2560x128xi32, #tpu.memory_space<hbm>> -> memref<1x128xi32, #tpu.memory_space<hbm>>
        %dma_start3A_269 = tpu.memref_squeeze %dma_start3A_268 : memref<1x128xi32, #tpu.memory_space<hbm>> -> memref<128xi32, #tpu.memory_space<hbm>>
        tpu.enqueue_dma source(%dma_start3A_269 : memref<128xi32, #tpu.memory_space<hbm>>) target(%arg9 : memref<128xi32, #tpu.memory_space<vmem>>) target_semaphore(%arg18 : memref<!tpu.dma_semaphore, #tpu.memory_space<semaphore_mem>>)
        %add3A_270 = arith.addi %mul3A_2, %add3A_262 : i32
        %dma_start3A_271 = arith.constant 0 : i32
        %dma_start3A_272 = tpu.memref_slice %arg4[%add3A_270, %dma_start3A_271] : memref<2560x128xi32, #tpu.memory_space<hbm>> -> memref<1x128xi32, #tpu.memory_space<hbm>>
        %dma_start3A_273 = tpu.memref_squeeze %dma_start3A_272 : memref<1x128xi32, #tpu.memory_space<hbm>> -> memref<128xi32, #tpu.memory_space<hbm>>
        %dma_start3A_274 = arith.constant 0 : i32
        %dma_start3A_275 = tpu.memref_slice %arg4[%add3A_270, %dma_start3A_274] : memref<2560x128xi32, #tpu.memory_space<hbm>> -> memref<1x128xi32, #tpu.memory_space<hbm>>
        %dma_start3A_276 = tpu.memref_squeeze %dma_start3A_275 : memref<1x128xi32, #tpu.memory_space<hbm>> -> memref<128xi32, #tpu.memory_space<hbm>>
        tpu.enqueue_dma source(%dma_start3A_276 : memref<128xi32, #tpu.memory_space<hbm>>) target(%arg12 : memref<128xi32, #tpu.memory_space<vmem>>) target_semaphore(%arg18 : memref<!tpu.dma_semaphore, #tpu.memory_space<semaphore_mem>>)
      } else {
      }
      %dma_wait3A_172 = arith.constant 0 : i32
      %dma_wait3A_173 = arith.constant 0 : i32
      %dma_wait3A_174 = tpu.memref_slice %arg2[%dma_wait3A_172, %dma_wait3A_173] : memref<10064x128xf32, #tpu.memory_space<hbm>> -> memref<128x128xf32, #tpu.memory_space<hbm>>
      %dma_wait3A_175 = arith.constant 0 : i32
      %dma_wait3A_176 = arith.constant 0 : i32
      %dma_wait3A_177 = tpu.memref_slice %arg2[%dma_wait3A_175, %dma_wait3A_176] : memref<10064x128xf32, #tpu.memory_space<hbm>> -> memref<128x128xf32, #tpu.memory_space<hbm>>
      tpu.wait_dma2 semaphore(%arg19 : memref<!tpu.dma_semaphore, #tpu.memory_space<semaphore_mem>>) src(%dma_wait3A_177 : memref<128x128xf32, #tpu.memory_space<hbm>>) dst(%arg13 : memref<128x128xf32, #tpu.memory_space<vmem>>)
      %dma_start3A_178 = arith.constant 0 : i32
      %dma_start3A_179 = arith.constant 0 : i32
      %dma_start3A_180 = tpu.memref_slice %arg6[%dma_start3A_178, %dma_start3A_179] : memref<10064x128xf32, #tpu.memory_space<vmem_shared>> -> memref<10064x128xf32, #tpu.memory_space<vmem_shared>>
      tpu.enqueue_indirect_dma source(%arg13 : memref<128x128xf32, #tpu.memory_space<vmem>>) target(%dma_start3A_180 : memref<10064x128xf32, #tpu.memory_space<vmem_shared>>) offsets(%arg10 : memref<128xi32, #tpu.memory_space<vmem>>) semaphore(%arg22 : memref<!tpu.dma_semaphore, #tpu.memory_space<semaphore_mem>>) {add = true}
      %mul3A_181 = arith.constant 3 : i32
      %mul3A_182 = arith.muli %mul3A_181, %add3A_144 : i32
      %add3A_183 = arith.constant 1 : i32
      %add3A_184 = arith.addi %mul3A_182, %add3A_183 : i32
      %add3A_185 = arith.constant 1 : i32
      %add3A_186 = arith.addi %add3A_184, %add3A_185 : i32
      %dma_wait3A_187 = arith.constant 0 : i32
      %dma_wait3A_188 = arith.constant 0 : i32
      %dma_wait3A_189 = tpu.memref_slice %arg3[%dma_wait3A_187, %dma_wait3A_188] : memref<2560x128xi32, #tpu.memory_space<hbm>> -> memref<1x128xi32, #tpu.memory_space<hbm>>
      %dma_wait3A_190 = tpu.memref_squeeze %dma_wait3A_189 : memref<1x128xi32, #tpu.memory_space<hbm>> -> memref<128xi32, #tpu.memory_space<hbm>>
      %dma_wait3A_191 = arith.constant 0 : i32
      %dma_wait3A_192 = tpu.memref_slice %arg3[%dma_wait3A_187, %dma_wait3A_191] : memref<2560x128xi32, #tpu.memory_space<hbm>> -> memref<1x128xi32, #tpu.memory_space<hbm>>
      %dma_wait3A_193 = tpu.memref_squeeze %dma_wait3A_192 : memref<1x128xi32, #tpu.memory_space<hbm>> -> memref<128xi32, #tpu.memory_space<hbm>>
      tpu.wait_dma2 semaphore(%arg18 : memref<!tpu.dma_semaphore, #tpu.memory_space<semaphore_mem>>) src(%dma_wait3A_193 : memref<128xi32, #tpu.memory_space<hbm>>) dst(%arg9 : memref<128xi32, #tpu.memory_space<vmem>>)
      %dma_wait3A_194 = arith.constant 0 : i32
      %dma_wait3A_195 = arith.constant 0 : i32
      %dma_wait3A_196 = tpu.memref_slice %arg4[%dma_wait3A_194, %dma_wait3A_195] : memref<2560x128xi32, #tpu.memory_space<hbm>> -> memref<1x128xi32, #tpu.memory_space<hbm>>
      %dma_wait3A_197 = tpu.memref_squeeze %dma_wait3A_196 : memref<1x128xi32, #tpu.memory_space<hbm>> -> memref<128xi32, #tpu.memory_space<hbm>>
      %dma_wait3A_198 = arith.constant 0 : i32
      %dma_wait3A_199 = tpu.memref_slice %arg4[%dma_wait3A_194, %dma_wait3A_198] : memref<2560x128xi32, #tpu.memory_space<hbm>> -> memref<1x128xi32, #tpu.memory_space<hbm>>
      %dma_wait3A_200 = tpu.memref_squeeze %dma_wait3A_199 : memref<1x128xi32, #tpu.memory_space<hbm>> -> memref<128xi32, #tpu.memory_space<hbm>>
      tpu.wait_dma2 semaphore(%arg18 : memref<!tpu.dma_semaphore, #tpu.memory_space<semaphore_mem>>) src(%dma_wait3A_200 : memref<128xi32, #tpu.memory_space<hbm>>) dst(%arg12 : memref<128xi32, #tpu.memory_space<vmem>>)
      %dma_start3A_201 = arith.constant 0 : i32
      %dma_start3A_202 = arith.constant 0 : i32
      %dma_start3A_203 = tpu.memref_slice %arg2[%dma_start3A_201, %dma_start3A_202] : memref<10064x128xf32, #tpu.memory_space<hbm>> -> memref<10064x128xf32, #tpu.memory_space<hbm>>
      tpu.enqueue_indirect_dma source(%dma_start3A_203 : memref<10064x128xf32, #tpu.memory_space<hbm>>) target(%arg15 : memref<128x128xf32, #tpu.memory_space<vmem>>) offsets(%arg9 : memref<128xi32, #tpu.memory_space<vmem>>) semaphore(%arg21 : memref<!tpu.dma_semaphore, #tpu.memory_space<semaphore_mem>>)
      %ge3A_204 = arith.constant 2 : i32
      %ge3A_205 = arith.cmpi sge, %add3A_186, %ge3A_204 : i32
      %convert_element_type3A_206 = arith.extui %ge3A_205 : i1 to i32
      %cond3A_207 = arith.constant 0 : i32
      %cond3A_208 = arith.cmpi ne, %convert_element_type3A_206, %cond3A_207 : i32
      scf.if %cond3A_208 {
        %dma_wait3A_255 = arith.constant 0 : i32
        %dma_wait3A_256 = arith.constant 0 : i32
        %dma_wait3A_257 = tpu.memref_slice %arg2[%dma_wait3A_255, %dma_wait3A_256] : memref<10064x128xf32, #tpu.memory_space<hbm>> -> memref<128x128xf32, #tpu.memory_space<hbm>>
        %dma_wait3A_258 = arith.constant 0 : i32
        %dma_wait3A_259 = arith.constant 0 : i32
        %dma_wait3A_260 = tpu.memref_slice %arg2[%dma_wait3A_258, %dma_wait3A_259] : memref<10064x128xf32, #tpu.memory_space<hbm>> -> memref<128x128xf32, #tpu.memory_space<hbm>>
        tpu.wait_dma2 semaphore(%arg22 : memref<!tpu.dma_semaphore, #tpu.memory_space<semaphore_mem>>) src(%dma_wait3A_260 : memref<128x128xf32, #tpu.memory_space<hbm>>) dst(%arg13 : memref<128x128xf32, #tpu.memory_space<vmem>>)
        %add3A_261 = arith.constant 1 : i32
        %add3A_262 = arith.addi %add3A_186, %add3A_261 : i32
        %add3A_263 = arith.addi %mul3A_2, %add3A_262 : i32
        %dma_start3A_264 = arith.constant 0 : i32
        %dma_start3A_265 = tpu.memref_slice %arg3[%add3A_263, %dma_start3A_264] : memref<2560x128xi32, #tpu.memory_space<hbm>> -> memref<1x128xi32, #tpu.memory_space<hbm>>
        %dma_start3A_266 = tpu.memref_squeeze %dma_start3A_265 : memref<1x128xi32, #tpu.memory_space<hbm>> -> memref<128xi32, #tpu.memory_space<hbm>>
        %dma_start3A_267 = arith.constant 0 : i32
        %dma_start3A_268 = tpu.memref_slice %arg3[%add3A_263, %dma_start3A_267] : memref<2560x128xi32, #tpu.memory_space<hbm>> -> memref<1x128xi32, #tpu.memory_space<hbm>>
        %dma_start3A_269 = tpu.memref_squeeze %dma_start3A_268 : memref<1x128xi32, #tpu.memory_space<hbm>> -> memref<128xi32, #tpu.memory_space<hbm>>
        tpu.enqueue_dma source(%dma_start3A_269 : memref<128xi32, #tpu.memory_space<hbm>>) target(%arg7 : memref<128xi32, #tpu.memory_space<vmem>>) target_semaphore(%arg16 : memref<!tpu.dma_semaphore, #tpu.memory_space<semaphore_mem>>)
        %add3A_270 = arith.addi %mul3A_2, %add3A_262 : i32
        %dma_start3A_271 = arith.constant 0 : i32
        %dma_start3A_272 = tpu.memref_slice %arg4[%add3A_270, %dma_start3A_271] : memref<2560x128xi32, #tpu.memory_space<hbm>> -> memref<1x128xi32, #tpu.memory_space<hbm>>
        %dma_start3A_273 = tpu.memref_squeeze %dma_start3A_272 : memref<1x128xi32, #tpu.memory_space<hbm>> -> memref<128xi32, #tpu.memory_space<hbm>>
        %dma_start3A_274 = arith.constant 0 : i32
        %dma_start3A_275 = tpu.memref_slice %arg4[%add3A_270, %dma_start3A_274] : memref<2560x128xi32, #tpu.memory_space<hbm>> -> memref<1x128xi32, #tpu.memory_space<hbm>>
        %dma_start3A_276 = tpu.memref_squeeze %dma_start3A_275 : memref<1x128xi32, #tpu.memory_space<hbm>> -> memref<128xi32, #tpu.memory_space<hbm>>
        tpu.enqueue_dma source(%dma_start3A_276 : memref<128xi32, #tpu.memory_space<hbm>>) target(%arg10 : memref<128xi32, #tpu.memory_space<vmem>>) target_semaphore(%arg16 : memref<!tpu.dma_semaphore, #tpu.memory_space<semaphore_mem>>)
      } else {
      }
      %dma_wait3A_209 = arith.constant 0 : i32
      %dma_wait3A_210 = arith.constant 0 : i32
      %dma_wait3A_211 = tpu.memref_slice %arg2[%dma_wait3A_209, %dma_wait3A_210] : memref<10064x128xf32, #tpu.memory_space<hbm>> -> memref<128x128xf32, #tpu.memory_space<hbm>>
      %dma_wait3A_212 = arith.constant 0 : i32
      %dma_wait3A_213 = arith.constant 0 : i32
      %dma_wait3A_214 = tpu.memref_slice %arg2[%dma_wait3A_212, %dma_wait3A_213] : memref<10064x128xf32, #tpu.memory_space<hbm>> -> memref<128x128xf32, #tpu.memory_space<hbm>>
      tpu.wait_dma2 semaphore(%arg20 : memref<!tpu.dma_semaphore, #tpu.memory_space<semaphore_mem>>) src(%dma_wait3A_214 : memref<128x128xf32, #tpu.memory_space<hbm>>) dst(%arg14 : memref<128x128xf32, #tpu.memory_space<vmem>>)
      %dma_start3A_215 = arith.constant 0 : i32
      %dma_start3A_216 = arith.constant 0 : i32
      %dma_start3A_217 = tpu.memref_slice %arg6[%dma_start3A_215, %dma_start3A_216] : memref<10064x128xf32, #tpu.memory_space<vmem_shared>> -> memref<10064x128xf32, #tpu.memory_space<vmem_shared>>
      tpu.enqueue_indirect_dma source(%arg14 : memref<128x128xf32, #tpu.memory_space<vmem>>) target(%dma_start3A_217 : memref<10064x128xf32, #tpu.memory_space<vmem_shared>>) offsets(%arg11 : memref<128xi32, #tpu.memory_space<vmem>>) semaphore(%arg23 : memref<!tpu.dma_semaphore, #tpu.memory_space<semaphore_mem>>) {add = true}
      %mul3A_218 = arith.constant 3 : i32
      %mul3A_219 = arith.muli %mul3A_218, %add3A_144 : i32
      %add3A_220 = arith.constant 1 : i32
      %add3A_221 = arith.addi %mul3A_219, %add3A_220 : i32
      %add3A_222 = arith.constant 2 : i32
      %add3A_223 = arith.addi %add3A_221, %add3A_222 : i32
      %dma_wait3A_224 = arith.constant 0 : i32
      %dma_wait3A_225 = arith.constant 0 : i32
      %dma_wait3A_226 = tpu.memref_slice %arg3[%dma_wait3A_224, %dma_wait3A_225] : memref<2560x128xi32, #tpu.memory_space<hbm>> -> memref<1x128xi32, #tpu.memory_space<hbm>>
      %dma_wait3A_227 = tpu.memref_squeeze %dma_wait3A_226 : memref<1x128xi32, #tpu.memory_space<hbm>> -> memref<128xi32, #tpu.memory_space<hbm>>
      %dma_wait3A_228 = arith.constant 0 : i32
      %dma_wait3A_229 = tpu.memref_slice %arg3[%dma_wait3A_224, %dma_wait3A_228] : memref<2560x128xi32, #tpu.memory_space<hbm>> -> memref<1x128xi32, #tpu.memory_space<hbm>>
      %dma_wait3A_230 = tpu.memref_squeeze %dma_wait3A_229 : memref<1x128xi32, #tpu.memory_space<hbm>> -> memref<128xi32, #tpu.memory_space<hbm>>
      tpu.wait_dma2 semaphore(%arg16 : memref<!tpu.dma_semaphore, #tpu.memory_space<semaphore_mem>>) src(%dma_wait3A_230 : memref<128xi32, #tpu.memory_space<hbm>>) dst(%arg7 : memref<128xi32, #tpu.memory_space<vmem>>)
      %dma_wait3A_231 = arith.constant 0 : i32
      %dma_wait3A_232 = arith.constant 0 : i32
      %dma_wait3A_233 = tpu.memref_slice %arg4[%dma_wait3A_231, %dma_wait3A_232] : memref<2560x128xi32, #tpu.memory_space<hbm>> -> memref<1x128xi32, #tpu.memory_space<hbm>>
      %dma_wait3A_234 = tpu.memref_squeeze %dma_wait3A_233 : memref<1x128xi32, #tpu.memory_space<hbm>> -> memref<128xi32, #tpu.memory_space<hbm>>
      %dma_wait3A_235 = arith.constant 0 : i32
      %dma_wait3A_236 = tpu.memref_slice %arg4[%dma_wait3A_231, %dma_wait3A_235] : memref<2560x128xi32, #tpu.memory_space<hbm>> -> memref<1x128xi32, #tpu.memory_space<hbm>>
      %dma_wait3A_237 = tpu.memref_squeeze %dma_wait3A_236 : memref<1x128xi32, #tpu.memory_space<hbm>> -> memref<128xi32, #tpu.memory_space<hbm>>
      tpu.wait_dma2 semaphore(%arg16 : memref<!tpu.dma_semaphore, #tpu.memory_space<semaphore_mem>>) src(%dma_wait3A_237 : memref<128xi32, #tpu.memory_space<hbm>>) dst(%arg10 : memref<128xi32, #tpu.memory_space<vmem>>)
      %dma_start3A_238 = arith.constant 0 : i32
      %dma_start3A_239 = arith.constant 0 : i32
      %dma_start3A_240 = tpu.memref_slice %arg2[%dma_start3A_238, %dma_start3A_239] : memref<10064x128xf32, #tpu.memory_space<hbm>> -> memref<10064x128xf32, #tpu.memory_space<hbm>>
      tpu.enqueue_indirect_dma source(%dma_start3A_240 : memref<10064x128xf32, #tpu.memory_space<hbm>>) target(%arg13 : memref<128x128xf32, #tpu.memory_space<vmem>>) offsets(%arg7 : memref<128xi32, #tpu.memory_space<vmem>>) semaphore(%arg19 : memref<!tpu.dma_semaphore, #tpu.memory_space<semaphore_mem>>)
      %ge3A_241 = arith.constant 2 : i32
      %ge3A_242 = arith.cmpi sge, %add3A_223, %ge3A_241 : i32
      %convert_element_type3A_243 = arith.extui %ge3A_242 : i1 to i32
      %cond3A_244 = arith.constant 0 : i32
      %cond3A_245 = arith.cmpi ne, %convert_element_type3A_243, %cond3A_244 : i32
      scf.if %cond3A_245 {
        %dma_wait3A_255 = arith.constant 0 : i32
        %dma_wait3A_256 = arith.constant 0 : i32
        %dma_wait3A_257 = tpu.memref_slice %arg2[%dma_wait3A_255, %dma_wait3A_256] : memref<10064x128xf32, #tpu.memory_space<hbm>> -> memref<128x128xf32, #tpu.memory_space<hbm>>
        %dma_wait3A_258 = arith.constant 0 : i32
        %dma_wait3A_259 = arith.constant 0 : i32
        %dma_wait3A_260 = tpu.memref_slice %arg2[%dma_wait3A_258, %dma_wait3A_259] : memref<10064x128xf32, #tpu.memory_space<hbm>> -> memref<128x128xf32, #tpu.memory_space<hbm>>
        tpu.wait_dma2 semaphore(%arg23 : memref<!tpu.dma_semaphore, #tpu.memory_space<semaphore_mem>>) src(%dma_wait3A_260 : memref<128x128xf32, #tpu.memory_space<hbm>>) dst(%arg14 : memref<128x128xf32, #tpu.memory_space<vmem>>)
        %add3A_261 = arith.constant 1 : i32
        %add3A_262 = arith.addi %add3A_223, %add3A_261 : i32
        %add3A_263 = arith.addi %mul3A_2, %add3A_262 : i32
        %dma_start3A_264 = arith.constant 0 : i32
        %dma_start3A_265 = tpu.memref_slice %arg3[%add3A_263, %dma_start3A_264] : memref<2560x128xi32, #tpu.memory_space<hbm>> -> memref<1x128xi32, #tpu.memory_space<hbm>>
        %dma_start3A_266 = tpu.memref_squeeze %dma_start3A_265 : memref<1x128xi32, #tpu.memory_space<hbm>> -> memref<128xi32, #tpu.memory_space<hbm>>
        %dma_start3A_267 = arith.constant 0 : i32
        %dma_start3A_268 = tpu.memref_slice %arg3[%add3A_263, %dma_start3A_267] : memref<2560x128xi32, #tpu.memory_space<hbm>> -> memref<1x128xi32, #tpu.memory_space<hbm>>
        %dma_start3A_269 = tpu.memref_squeeze %dma_start3A_268 : memref<1x128xi32, #tpu.memory_space<hbm>> -> memref<128xi32, #tpu.memory_space<hbm>>
        tpu.enqueue_dma source(%dma_start3A_269 : memref<128xi32, #tpu.memory_space<hbm>>) target(%arg8 : memref<128xi32, #tpu.memory_space<vmem>>) target_semaphore(%arg17 : memref<!tpu.dma_semaphore, #tpu.memory_space<semaphore_mem>>)
        %add3A_270 = arith.addi %mul3A_2, %add3A_262 : i32
        %dma_start3A_271 = arith.constant 0 : i32
        %dma_start3A_272 = tpu.memref_slice %arg4[%add3A_270, %dma_start3A_271] : memref<2560x128xi32, #tpu.memory_space<hbm>> -> memref<1x128xi32, #tpu.memory_space<hbm>>
        %dma_start3A_273 = tpu.memref_squeeze %dma_start3A_272 : memref<1x128xi32, #tpu.memory_space<hbm>> -> memref<128xi32, #tpu.memory_space<hbm>>
        %dma_start3A_274 = arith.constant 0 : i32
        %dma_start3A_275 = tpu.memref_slice %arg4[%add3A_270, %dma_start3A_274] : memref<2560x128xi32, #tpu.memory_space<hbm>> -> memref<1x128xi32, #tpu.memory_space<hbm>>
        %dma_start3A_276 = tpu.memref_squeeze %dma_start3A_275 : memref<1x128xi32, #tpu.memory_space<hbm>> -> memref<128xi32, #tpu.memory_space<hbm>>
        tpu.enqueue_dma source(%dma_start3A_276 : memref<128xi32, #tpu.memory_space<hbm>>) target(%arg11 : memref<128xi32, #tpu.memory_space<vmem>>) target_semaphore(%arg17 : memref<!tpu.dma_semaphore, #tpu.memory_space<semaphore_mem>>)
      } else {
      }
      %dma_wait3A_246 = arith.constant 0 : i32
      %dma_wait3A_247 = arith.constant 0 : i32
      %dma_wait3A_248 = tpu.memref_slice %arg2[%dma_wait3A_246, %dma_wait3A_247] : memref<10064x128xf32, #tpu.memory_space<hbm>> -> memref<128x128xf32, #tpu.memory_space<hbm>>
      %dma_wait3A_249 = arith.constant 0 : i32
      %dma_wait3A_250 = arith.constant 0 : i32
      %dma_wait3A_251 = tpu.memref_slice %arg2[%dma_wait3A_249, %dma_wait3A_250] : memref<10064x128xf32, #tpu.memory_space<hbm>> -> memref<128x128xf32, #tpu.memory_space<hbm>>
      tpu.wait_dma2 semaphore(%arg21 : memref<!tpu.dma_semaphore, #tpu.memory_space<semaphore_mem>>) src(%dma_wait3A_251 : memref<128x128xf32, #tpu.memory_space<hbm>>) dst(%arg15 : memref<128x128xf32, #tpu.memory_space<vmem>>)
      %dma_start3A_252 = arith.constant 0 : i32
      %dma_start3A_253 = arith.constant 0 : i32
      %dma_start3A_254 = tpu.memref_slice %arg6[%dma_start3A_252, %dma_start3A_253] : memref<10064x128xf32, #tpu.memory_space<vmem_shared>> -> memref<10064x128xf32, #tpu.memory_space<vmem_shared>>
      tpu.enqueue_indirect_dma source(%arg15 : memref<128x128xf32, #tpu.memory_space<vmem>>) target(%dma_start3A_254 : memref<10064x128xf32, #tpu.memory_space<vmem_shared>>) offsets(%arg12 : memref<128xi32, #tpu.memory_space<vmem>>) semaphore(%arg24 : memref<!tpu.dma_semaphore, #tpu.memory_space<semaphore_mem>>) {add = true}
    }
    %scan3A_75 = arith.constant 26 : i32
    %dma_wait3A_76 = arith.constant 0 : i32
    %dma_wait3A_77 = arith.constant 0 : i32
    %dma_wait3A_78 = tpu.memref_slice %arg3[%dma_wait3A_76, %dma_wait3A_77] : memref<2560x128xi32, #tpu.memory_space<hbm>> -> memref<1x128xi32, #tpu.memory_space<hbm>>
    %dma_wait3A_79 = tpu.memref_squeeze %dma_wait3A_78 : memref<1x128xi32, #tpu.memory_space<hbm>> -> memref<128xi32, #tpu.memory_space<hbm>>
    %dma_wait3A_80 = arith.constant 0 : i32
    %dma_wait3A_81 = tpu.memref_slice %arg3[%dma_wait3A_76, %dma_wait3A_80] : memref<2560x128xi32, #tpu.memory_space<hbm>> -> memref<1x128xi32, #tpu.memory_space<hbm>>
    %dma_wait3A_82 = tpu.memref_squeeze %dma_wait3A_81 : memref<1x128xi32, #tpu.memory_space<hbm>> -> memref<128xi32, #tpu.memory_space<hbm>>
    tpu.wait_dma2 semaphore(%arg17 : memref<!tpu.dma_semaphore, #tpu.memory_space<semaphore_mem>>) src(%dma_wait3A_82 : memref<128xi32, #tpu.memory_space<hbm>>) dst(%arg8 : memref<128xi32, #tpu.memory_space<vmem>>)
    %dma_wait3A_83 = arith.constant 0 : i32
    %dma_wait3A_84 = arith.constant 0 : i32
    %dma_wait3A_85 = tpu.memref_slice %arg4[%dma_wait3A_83, %dma_wait3A_84] : memref<2560x128xi32, #tpu.memory_space<hbm>> -> memref<1x128xi32, #tpu.memory_space<hbm>>
    %dma_wait3A_86 = tpu.memref_squeeze %dma_wait3A_85 : memref<1x128xi32, #tpu.memory_space<hbm>> -> memref<128xi32, #tpu.memory_space<hbm>>
    %dma_wait3A_87 = arith.constant 0 : i32
    %dma_wait3A_88 = tpu.memref_slice %arg4[%dma_wait3A_83, %dma_wait3A_87] : memref<2560x128xi32, #tpu.memory_space<hbm>> -> memref<1x128xi32, #tpu.memory_space<hbm>>
    %dma_wait3A_89 = tpu.memref_squeeze %dma_wait3A_88 : memref<1x128xi32, #tpu.memory_space<hbm>> -> memref<128xi32, #tpu.memory_space<hbm>>
    tpu.wait_dma2 semaphore(%arg17 : memref<!tpu.dma_semaphore, #tpu.memory_space<semaphore_mem>>) src(%dma_wait3A_89 : memref<128xi32, #tpu.memory_space<hbm>>) dst(%arg11 : memref<128xi32, #tpu.memory_space<vmem>>)
    %dma_start3A_90 = arith.constant 0 : i32
    %dma_start3A_91 = arith.constant 0 : i32
    %dma_start3A_92 = tpu.memref_slice %arg2[%dma_start3A_90, %dma_start3A_91] : memref<10064x128xf32, #tpu.memory_space<hbm>> -> memref<10064x128xf32, #tpu.memory_space<hbm>>
    tpu.enqueue_indirect_dma source(%dma_start3A_92 : memref<10064x128xf32, #tpu.memory_space<hbm>>) target(%arg14 : memref<128x128xf32, #tpu.memory_space<vmem>>) offsets(%arg8 : memref<128xi32, #tpu.memory_space<vmem>>) semaphore(%arg20 : memref<!tpu.dma_semaphore, #tpu.memory_space<semaphore_mem>>)
    %dma_wait3A_93 = arith.constant 0 : i32
    %dma_wait3A_94 = arith.constant 0 : i32
    %dma_wait3A_95 = tpu.memref_slice %arg2[%dma_wait3A_93, %dma_wait3A_94] : memref<10064x128xf32, #tpu.memory_space<hbm>> -> memref<128x128xf32, #tpu.memory_space<hbm>>
    %dma_wait3A_96 = arith.constant 0 : i32
    %dma_wait3A_97 = arith.constant 0 : i32
    %dma_wait3A_98 = tpu.memref_slice %arg2[%dma_wait3A_96, %dma_wait3A_97] : memref<10064x128xf32, #tpu.memory_space<hbm>> -> memref<128x128xf32, #tpu.memory_space<hbm>>
    tpu.wait_dma2 semaphore(%arg19 : memref<!tpu.dma_semaphore, #tpu.memory_space<semaphore_mem>>) src(%dma_wait3A_98 : memref<128x128xf32, #tpu.memory_space<hbm>>) dst(%arg13 : memref<128x128xf32, #tpu.memory_space<vmem>>)
    %dma_start3A_99 = arith.constant 0 : i32
    %dma_start3A_100 = arith.constant 0 : i32
    %dma_start3A_101 = tpu.memref_slice %arg6[%dma_start3A_99, %dma_start3A_100] : memref<10064x128xf32, #tpu.memory_space<vmem_shared>> -> memref<10064x128xf32, #tpu.memory_space<vmem_shared>>
    tpu.enqueue_indirect_dma source(%arg13 : memref<128x128xf32, #tpu.memory_space<vmem>>) target(%dma_start3A_101 : memref<10064x128xf32, #tpu.memory_space<vmem_shared>>) offsets(%arg10 : memref<128xi32, #tpu.memory_space<vmem>>) semaphore(%arg22 : memref<!tpu.dma_semaphore, #tpu.memory_space<semaphore_mem>>) {add = true}
    %dma_wait3A_102 = arith.constant 0 : i32
    %dma_wait3A_103 = arith.constant 0 : i32
    %dma_wait3A_104 = tpu.memref_slice %arg2[%dma_wait3A_102, %dma_wait3A_103] : memref<10064x128xf32, #tpu.memory_space<hbm>> -> memref<128x128xf32, #tpu.memory_space<hbm>>
    %dma_wait3A_105 = arith.constant 0 : i32
    %dma_wait3A_106 = arith.constant 0 : i32
    %dma_wait3A_107 = tpu.memref_slice %arg2[%dma_wait3A_105, %dma_wait3A_106] : memref<10064x128xf32, #tpu.memory_space<hbm>> -> memref<128x128xf32, #tpu.memory_space<hbm>>
    tpu.wait_dma2 semaphore(%arg20 : memref<!tpu.dma_semaphore, #tpu.memory_space<semaphore_mem>>) src(%dma_wait3A_107 : memref<128x128xf32, #tpu.memory_space<hbm>>) dst(%arg14 : memref<128x128xf32, #tpu.memory_space<vmem>>)
    %dma_start3A_108 = arith.constant 0 : i32
    %dma_start3A_109 = arith.constant 0 : i32
    %dma_start3A_110 = tpu.memref_slice %arg6[%dma_start3A_108, %dma_start3A_109] : memref<10064x128xf32, #tpu.memory_space<vmem_shared>> -> memref<10064x128xf32, #tpu.memory_space<vmem_shared>>
    tpu.enqueue_indirect_dma source(%arg14 : memref<128x128xf32, #tpu.memory_space<vmem>>) target(%dma_start3A_110 : memref<10064x128xf32, #tpu.memory_space<vmem_shared>>) offsets(%arg11 : memref<128xi32, #tpu.memory_space<vmem>>) semaphore(%arg23 : memref<!tpu.dma_semaphore, #tpu.memory_space<semaphore_mem>>) {add = true}
    %dma_wait3A_111 = arith.constant 0 : i32
    %dma_wait3A_112 = arith.constant 0 : i32
    %dma_wait3A_113 = tpu.memref_slice %arg2[%dma_wait3A_111, %dma_wait3A_112] : memref<10064x128xf32, #tpu.memory_space<hbm>> -> memref<128x128xf32, #tpu.memory_space<hbm>>
    %dma_wait3A_114 = arith.constant 0 : i32
    %dma_wait3A_115 = arith.constant 0 : i32
    %dma_wait3A_116 = tpu.memref_slice %arg2[%dma_wait3A_114, %dma_wait3A_115] : memref<10064x128xf32, #tpu.memory_space<hbm>> -> memref<128x128xf32, #tpu.memory_space<hbm>>
    tpu.wait_dma2 semaphore(%arg24 : memref<!tpu.dma_semaphore, #tpu.memory_space<semaphore_mem>>) src(%dma_wait3A_116 : memref<128x128xf32, #tpu.memory_space<hbm>>) dst(%arg15 : memref<128x128xf32, #tpu.memory_space<vmem>>)
    %dma_wait3A_117 = arith.constant 0 : i32
    %dma_wait3A_118 = arith.constant 0 : i32
    %dma_wait3A_119 = tpu.memref_slice %arg2[%dma_wait3A_117, %dma_wait3A_118] : memref<10064x128xf32, #tpu.memory_space<hbm>> -> memref<128x128xf32, #tpu.memory_space<hbm>>
    %dma_wait3A_120 = arith.constant 0 : i32
    %dma_wait3A_121 = arith.constant 0 : i32
    %dma_wait3A_122 = tpu.memref_slice %arg2[%dma_wait3A_120, %dma_wait3A_121] : memref<10064x128xf32, #tpu.memory_space<hbm>> -> memref<128x128xf32, #tpu.memory_space<hbm>>
    tpu.wait_dma2 semaphore(%arg22 : memref<!tpu.dma_semaphore, #tpu.memory_space<semaphore_mem>>) src(%dma_wait3A_122 : memref<128x128xf32, #tpu.memory_space<hbm>>) dst(%arg13 : memref<128x128xf32, #tpu.memory_space<vmem>>)
    %dma_wait3A_123 = arith.constant 0 : i32
    %dma_wait3A_124 = arith.constant 0 : i32
    %dma_wait3A_125 = tpu.memref_slice %arg2[%dma_wait3A_123, %dma_wait3A_124] : memref<10064x128xf32, #tpu.memory_space<hbm>> -> memref<128x128xf32, #tpu.memory_space<hbm>>
    %dma_wait3A_126 = arith.constant 0 : i32
    %dma_wait3A_127 = arith.constant 0 : i32
    %dma_wait3A_128 = tpu.memref_slice %arg2[%dma_wait3A_126, %dma_wait3A_127] : memref<10064x128xf32, #tpu.memory_space<hbm>> -> memref<128x128xf32, #tpu.memory_space<hbm>>
    tpu.wait_dma2 semaphore(%arg23 : memref<!tpu.dma_semaphore, #tpu.memory_space<semaphore_mem>>) src(%dma_wait3A_128 : memref<128x128xf32, #tpu.memory_space<hbm>>) dst(%arg14 : memref<128x128xf32, #tpu.memory_space<vmem>>)
    %barrier3A_129 = arith.constant 0 : index
    tpu.barrier barrier_id(%barrier3A_129)
    %lt3A_130 = arith.constant 15 : i32
    %lt3A_131 = arith.cmpi slt, %arg1, %lt3A_130 : i32
    %convert_element_type3A_132 = arith.extui %lt3A_131 : i1 to i32
    %cond3A_133 = arith.constant 0 : i32
    %cond3A_134 = arith.cmpi ne, %convert_element_type3A_132, %cond3A_133 : i32
    scf.if %cond3A_134 {
      %mul3A_140 = arith.constant 632 : i32
      %mul3A_141 = arith.muli %arg1, %mul3A_140 : i32
      "tpu.region"() ({
        %run_scoped3A = tpu.sem_alloc : memref<!tpu.dma_semaphore, #tpu.memory_space<semaphore_mem>>
        %dma_start3A_142 = arith.constant 0 : i32
        %dma_start3A_143 = arith.constant 0 : i32
        %dma_start3A_144 = tpu.memref_slice %arg5[%arg0, %dma_start3A_142, %dma_start3A_143] : memref<2x10064x128xf32, #tpu.memory_space<hbm>> -> memref<1x10064x128xf32, #tpu.memory_space<hbm>>
        %dma_start3A_145 = tpu.memref_squeeze %dma_start3A_144 : memref<1x10064x128xf32, #tpu.memory_space<hbm>> -> memref<10064x128xf32, #tpu.memory_space<hbm>>
        %dma_start3A_146 = arith.constant 0 : i32
        %dma_start3A_147 = tpu.memref_slice %dma_start3A_145[%mul3A_141, %dma_start3A_146] : memref<10064x128xf32, #tpu.memory_space<hbm>> -> memref<632x128xf32, #tpu.memory_space<hbm>>
        %dma_start3A_148 = arith.constant 0 : i32
        %dma_start3A_149 = tpu.memref_slice %arg6[%mul3A_141, %dma_start3A_148] : memref<10064x128xf32, #tpu.memory_space<vmem_shared>> -> memref<632x128xf32, #tpu.memory_space<vmem_shared>>
        tpu.enqueue_dma source(%dma_start3A_149 : memref<632x128xf32, #tpu.memory_space<vmem_shared>>) target(%dma_start3A_147 : memref<632x128xf32, #tpu.memory_space<hbm>>) target_semaphore(%run_scoped3A : memref<!tpu.dma_semaphore, #tpu.memory_space<semaphore_mem>>)
        %dma_wait3A_150 = arith.constant 0 : i32
        %dma_wait3A_151 = arith.constant 0 : i32
        %dma_wait3A_152 = tpu.memref_slice %arg5[%arg0, %dma_wait3A_150, %dma_wait3A_151] : memref<2x10064x128xf32, #tpu.memory_space<hbm>> -> memref<1x10064x128xf32, #tpu.memory_space<hbm>>
        %dma_wait3A_153 = tpu.memref_squeeze %dma_wait3A_152 : memref<1x10064x128xf32, #tpu.memory_space<hbm>> -> memref<10064x128xf32, #tpu.memory_space<hbm>>
        %dma_wait3A_154 = arith.constant 0 : i32
        %dma_wait3A_155 = tpu.memref_slice %dma_wait3A_153[%mul3A_141, %dma_wait3A_154] : memref<10064x128xf32, #tpu.memory_space<hbm>> -> memref<632x128xf32, #tpu.memory_space<hbm>>
        %dma_wait3A_156 = arith.constant 0 : i32
        %dma_wait3A_157 = tpu.memref_slice %arg6[%mul3A_141, %dma_wait3A_156] : memref<10064x128xf32, #tpu.memory_space<vmem_shared>> -> memref<632x128xf32, #tpu.memory_space<vmem_shared>>
        tpu.wait_dma2 semaphore(%run_scoped3A : memref<!tpu.dma_semaphore, #tpu.memory_space<semaphore_mem>>) src(%dma_wait3A_157 : memref<632x128xf32, #tpu.memory_space<vmem_shared>>) dst(%dma_wait3A_155 : memref<632x128xf32, #tpu.memory_space<hbm>>)
        tpu.yield
      }) : () -> ()
    } else {
    }
    %eq3A_135 = arith.constant 15 : i32
    %eq3A_136 = arith.cmpi eq, %arg1, %eq3A_135 : i32
    %convert_element_type3A_137 = arith.extui %eq3A_136 : i1 to i32
    %cond3A_138 = arith.constant 0 : i32
    %cond3A_139 = arith.cmpi ne, %convert_element_type3A_137, %cond3A_138 : i32
    scf.if %cond3A_139 {
      "tpu.region"() ({
        %run_scoped3A = tpu.sem_alloc : memref<!tpu.dma_semaphore, #tpu.memory_space<semaphore_mem>>
        %dma_start3A_140 = arith.constant 0 : i32
        %dma_start3A_141 = arith.constant 0 : i32
        %dma_start3A_142 = tpu.memref_slice %arg5[%arg0, %dma_start3A_140, %dma_start3A_141] : memref<2x10064x128xf32, #tpu.memory_space<hbm>> -> memref<1x10064x128xf32, #tpu.memory_space<hbm>>
        %dma_start3A_143 = tpu.memref_squeeze %dma_start3A_142 : memref<1x10064x128xf32, #tpu.memory_space<hbm>> -> memref<10064x128xf32, #tpu.memory_space<hbm>>
        %dma_start3A_144 = arith.constant 9480 : i32
        %dma_start3A_145 = arith.constant 0 : i32
        %dma_start3A_146 = tpu.memref_slice %dma_start3A_143[%dma_start3A_144, %dma_start3A_145] : memref<10064x128xf32, #tpu.memory_space<hbm>> -> memref<584x128xf32, #tpu.memory_space<hbm>>
        %dma_start3A_147 = arith.constant 9480 : i32
        %dma_start3A_148 = arith.constant 0 : i32
        %dma_start3A_149 = tpu.memref_slice %arg6[%dma_start3A_147, %dma_start3A_148] : memref<10064x128xf32, #tpu.memory_space<vmem_shared>> -> memref<584x128xf32, #tpu.memory_space<vmem_shared>>
        tpu.enqueue_dma source(%dma_start3A_149 : memref<584x128xf32, #tpu.memory_space<vmem_shared>>) target(%dma_start3A_146 : memref<584x128xf32, #tpu.memory_space<hbm>>) target_semaphore(%run_scoped3A : memref<!tpu.dma_semaphore, #tpu.memory_space<semaphore_mem>>)
        %dma_wait3A_150 = arith.constant 0 : i32
        %dma_wait3A_151 = arith.constant 0 : i32
        %dma_wait3A_152 = tpu.memref_slice %arg5[%arg0, %dma_wait3A_150, %dma_wait3A_151] : memref<2x10064x128xf32, #tpu.memory_space<hbm>> -> memref<1x10064x128xf32, #tpu.memory_space<hbm>>
        %dma_wait3A_153 = tpu.memref_squeeze %dma_wait3A_152 : memref<1x10064x128xf32, #tpu.memory_space<hbm>> -> memref<10064x128xf32, #tpu.memory_space<hbm>>
        %dma_wait3A_154 = arith.constant 9480 : i32
        %dma_wait3A_155 = arith.constant 0 : i32
        %dma_wait3A_156 = tpu.memref_slice %dma_wait3A_153[%dma_wait3A_154, %dma_wait3A_155] : memref<10064x128xf32, #tpu.memory_space<hbm>> -> memref<584x128xf32, #tpu.memory_space<hbm>>
        %dma_wait3A_157 = arith.constant 9480 : i32
        %dma_wait3A_158 = arith.constant 0 : i32
        %dma_wait3A_159 = tpu.memref_slice %arg6[%dma_wait3A_157, %dma_wait3A_158] : memref<10064x128xf32, #tpu.memory_space<vmem_shared>> -> memref<584x128xf32, #tpu.memory_space<vmem_shared>>
        tpu.wait_dma2 semaphore(%run_scoped3A : memref<!tpu.dma_semaphore, #tpu.memory_space<semaphore_mem>>) src(%dma_wait3A_159 : memref<584x128xf32, #tpu.memory_space<vmem_shared>>) dst(%dma_wait3A_156 : memref<584x128xf32, #tpu.memory_space<hbm>>)
        tpu.yield
      }) : () -> ()
    } else {
    }
    return
  }
}

#map = affine_map<(d0, d1) -> (0, 0)>
#map1 = affine_map<(d0, d1) -> (0, 0, 0)>
module attributes {stable_mosaic.version = 14 : i64} {
  func.func @k(%arg0: i32, %arg1: i32, %arg2: memref<10064x128xf32, #tpu.memory_space<hbm>>, %arg3: memref<2560x128xi32, #tpu.memory_space<hbm>>, %arg4: memref<2560x128xi32, #tpu.memory_space<hbm>>, %arg5: memref<2x10064x128xf32, #tpu.memory_space<hbm>>, %arg6: memref<10064x128xf32, #tpu.memory_space<vmem_shared>>, %arg7: memref<128xi32, #tpu.memory_space<vmem>>, %arg8: memref<128xi32, #tpu.memory_space<vmem>>, %arg9: memref<128xi32, #tpu.memory_space<vmem>>, %arg10: memref<128xi32, #tpu.memory_space<vmem>>, %arg11: memref<128xi32, #tpu.memory_space<vmem>>, %arg12: memref<128xi32, #tpu.memory_space<vmem>>, %arg13: memref<128x128xf32, #tpu.memory_space<vmem>>, %arg14: memref<128x128xf32, #tpu.memory_space<vmem>>, %arg15: memref<128x128xf32, #tpu.memory_space<vmem>>, %arg16: memref<!tpu.dma_semaphore, #tpu.memory_space<semaphore_mem>>, %arg17: memref<!tpu.dma_semaphore, #tpu.memory_space<semaphore_mem>>, %arg18: memref<!tpu.dma_semaphore, #tpu.memory_space<semaphore_mem>>, %arg19: memref<!tpu.dma_semaphore, #tpu.memory_space<semaphore_mem>>, %arg20: memref<!tpu.dma_semaphore, #tpu.memory_space<semaphore_mem>>, %arg21: memref<!tpu.dma_semaphore, #tpu.memory_space<semaphore_mem>>, %arg22: memref<!tpu.dma_semaphore, #tpu.memory_space<semaphore_mem>>, %arg23: memref<!tpu.dma_semaphore, #tpu.memory_space<semaphore_mem>>, %arg24: memref<!tpu.dma_semaphore, #tpu.memory_space<semaphore_mem>>) attributes {dimension_semantics = [#tpu.dimension_semantics<core_parallel>, #tpu.dimension_semantics<subcore_parallel>], iteration_bounds = array<i64: 2, 16>, scalar_prefetch = 0 : i64, scratch_operands = 19 : i64, tpu.core_type = #tpu.core_type<sc_vector_subcore>, window_params = [{transform_indices = #map}, {transform_indices = #map}, {transform_indices = #map}, {transform_indices = #map1}]} {
    %mul3A = arith.constant 16 : i32
    %mul3A_0 = arith.muli %arg0, %mul3A : i32
    %add3A = arith.addi %mul3A_0, %arg1 : i32
    %mul3A_1 = arith.constant 80 : i32
    %mul3A_2 = arith.muli %add3A, %mul3A_1 : i32
    %lt3A = arith.constant 15 : i32
    %lt3A_3 = arith.cmpi slt, %arg1, %lt3A : i32
    %convert_element_type3A = arith.extui %lt3A_3 : i1 to i32
    %cond3A = arith.constant 0 : i32
    %cond3A_4 = arith.cmpi ne, %convert_element_type3A, %cond3A : i32
    scf.if %cond3A_4 {
      %mul3A_140 = arith.constant 632 : i32
      %mul3A_141 = arith.muli %arg1, %mul3A_140 : i32
      "tpu.region"() ({
        %run_scoped3A = tpu.sem_alloc : memref<!tpu.dma_semaphore, #tpu.memory_space<semaphore_mem>>
        %dma_start3A_142 = arith.constant 0 : i32
        %dma_start3A_143 = tpu.memref_slice %arg6[%mul3A_141, %dma_start3A_142] : memref<10064x128xf32, #tpu.memory_space<vmem_shared>> -> memref<632x128xf32, #tpu.memory_space<vmem_shared>>
        %dma_start3A_144 = arith.constant 0 : i32
        %dma_start3A_145 = tpu.memref_slice %arg2[%mul3A_141, %dma_start3A_144] : memref<10064x128xf32, #tpu.memory_space<hbm>> -> memref<632x128xf32, #tpu.memory_space<hbm>>
        tpu.enqueue_dma source(%dma_start3A_145 : memref<632x128xf32, #tpu.memory_space<hbm>>) target(%dma_start3A_143 : memref<632x128xf32, #tpu.memory_space<vmem_shared>>) target_semaphore(%run_scoped3A : memref<!tpu.dma_semaphore, #tpu.memory_space<semaphore_mem>>)
        %dma_wait3A_146 = arith.constant 0 : i32
        %dma_wait3A_147 = tpu.memref_slice %arg6[%mul3A_141, %dma_wait3A_146] : memref<10064x128xf32, #tpu.memory_space<vmem_shared>> -> memref<632x128xf32, #tpu.memory_space<vmem_shared>>
        %dma_wait3A_148 = arith.constant 0 : i32
        %dma_wait3A_149 = tpu.memref_slice %arg2[%mul3A_141, %dma_wait3A_148] : memref<10064x128xf32, #tpu.memory_space<hbm>> -> memref<632x128xf32, #tpu.memory_space<hbm>>
        tpu.wait_dma2 semaphore(%run_scoped3A : memref<!tpu.dma_semaphore, #tpu.memory_space<semaphore_mem>>) src(%dma_wait3A_149 : memref<632x128xf32, #tpu.memory_space<hbm>>) dst(%dma_wait3A_147 : memref<632x128xf32, #tpu.memory_space<vmem_shared>>)
        tpu.yield
      }) : () -> ()
    } else {
    }
    %eq3A = arith.constant 15 : i32
    %eq3A_5 = arith.cmpi eq, %arg1, %eq3A : i32
    %convert_element_type3A_6 = arith.extui %eq3A_5 : i1 to i32
    %cond3A_7 = arith.constant 0 : i32
    %cond3A_8 = arith.cmpi ne, %convert_element_type3A_6, %cond3A_7 : i32
    scf.if %cond3A_8 {
      "tpu.region"() ({
        %run_scoped3A = tpu.sem_alloc : memref<!tpu.dma_semaphore, #tpu.memory_space<semaphore_mem>>
        %dma_start3A_140 = arith.constant 9480 : i32
        %dma_start3A_141 = arith.constant 0 : i32
        %dma_start3A_142 = tpu.memref_slice %arg6[%dma_start3A_140, %dma_start3A_141] : memref<10064x128xf32, #tpu.memory_space<vmem_shared>> -> memref<584x128xf32, #tpu.memory_space<vmem_shared>>
        %dma_start3A_143 = arith.constant 9480 : i32
        %dma_start3A_144 = arith.constant 0 : i32
        %dma_start3A_145 = tpu.memref_slice %arg2[%dma_start3A_143, %dma_start3A_144] : memref<10064x128xf32, #tpu.memory_space<hbm>> -> memref<584x128xf32, #tpu.memory_space<hbm>>
        tpu.enqueue_dma source(%dma_start3A_145 : memref<584x128xf32, #tpu.memory_space<hbm>>) target(%dma_start3A_142 : memref<584x128xf32, #tpu.memory_space<vmem_shared>>) target_semaphore(%run_scoped3A : memref<!tpu.dma_semaphore, #tpu.memory_space<semaphore_mem>>)
        %dma_wait3A_146 = arith.constant 9480 : i32
        %dma_wait3A_147 = arith.constant 0 : i32
        %dma_wait3A_148 = tpu.memref_slice %arg6[%dma_wait3A_146, %dma_wait3A_147] : memref<10064x128xf32, #tpu.memory_space<vmem_shared>> -> memref<584x128xf32, #tpu.memory_space<vmem_shared>>
        %dma_wait3A_149 = arith.constant 9480 : i32
        %dma_wait3A_150 = arith.constant 0 : i32
        %dma_wait3A_151 = tpu.memref_slice %arg2[%dma_wait3A_149, %dma_wait3A_150] : memref<10064x128xf32, #tpu.memory_space<hbm>> -> memref<584x128xf32, #tpu.memory_space<hbm>>
        tpu.wait_dma2 semaphore(%run_scoped3A : memref<!tpu.dma_semaphore, #tpu.memory_space<semaphore_mem>>) src(%dma_wait3A_151 : memref<584x128xf32, #tpu.memory_space<hbm>>) dst(%dma_wait3A_148 : memref<584x128xf32, #tpu.memory_space<vmem_shared>>)
        tpu.yield
      }) : () -> ()
    } else {
    }
    %barrier3A = arith.constant 0 : index
    tpu.barrier barrier_id(%barrier3A)
    %add3A_9 = arith.constant 0 : i32
    %add3A_10 = arith.addi %mul3A_2, %add3A_9 : i32
    %dma_start3A = arith.constant 0 : i32
    %dma_start3A_11 = tpu.memref_slice %arg3[%add3A_10, %dma_start3A] : memref<2560x128xi32, #tpu.memory_space<hbm>> -> memref<1x128xi32, #tpu.memory_space<hbm>>
    %dma_start3A_12 = tpu.memref_squeeze %dma_start3A_11 : memref<1x128xi32, #tpu.memory_space<hbm>> -> memref<128xi32, #tpu.memory_space<hbm>>
    %dma_start3A_13 = arith.constant 0 : i32
    %dma_start3A_14 = tpu.memref_slice %arg3[%add3A_10, %dma_start3A_13] : memref<2560x128xi32, #tpu.memory_space<hbm>> -> memref<1x128xi32, #tpu.memory_space<hbm>>
    %dma_start3A_15 = tpu.memref_squeeze %dma_start3A_14 : memref<1x128xi32, #tpu.memory_space<hbm>> -> memref<128xi32, #tpu.memory_space<hbm>>
    tpu.enqueue_dma source(%dma_start3A_15 : memref<128xi32, #tpu.memory_space<hbm>>) target(%arg7 : memref<128xi32, #tpu.memory_space<vmem>>) target_semaphore(%arg16 : memref<!tpu.dma_semaphore, #tpu.memory_space<semaphore_mem>>)
    %add3A_16 = arith.constant 0 : i32
    %add3A_17 = arith.addi %mul3A_2, %add3A_16 : i32
    %dma_start3A_18 = arith.constant 0 : i32
    %dma_start3A_19 = tpu.memref_slice %arg4[%add3A_17, %dma_start3A_18] : memref<2560x128xi32, #tpu.memory_space<hbm>> -> memref<1x128xi32, #tpu.memory_space<hbm>>
    %dma_start3A_20 = tpu.memref_squeeze %dma_start3A_19 : memref<1x128xi32, #tpu.memory_space<hbm>> -> memref<128xi32, #tpu.memory_space<hbm>>
    %dma_start3A_21 = arith.constant 0 : i32
    %dma_start3A_22 = tpu.memref_slice %arg4[%add3A_17, %dma_start3A_21] : memref<2560x128xi32, #tpu.memory_space<hbm>> -> memref<1x128xi32, #tpu.memory_space<hbm>>
    %dma_start3A_23 = tpu.memref_squeeze %dma_start3A_22 : memref<1x128xi32, #tpu.memory_space<hbm>> -> memref<128xi32, #tpu.memory_space<hbm>>
    tpu.enqueue_dma source(%dma_start3A_23 : memref<128xi32, #tpu.memory_space<hbm>>) target(%arg10 : memref<128xi32, #tpu.memory_space<vmem>>) target_semaphore(%arg16 : memref<!tpu.dma_semaphore, #tpu.memory_space<semaphore_mem>>)
    %add3A_24 = arith.constant 1 : i32
    %add3A_25 = arith.addi %mul3A_2, %add3A_24 : i32
    %dma_start3A_26 = arith.constant 0 : i32
    %dma_start3A_27 = tpu.memref_slice %arg3[%add3A_25, %dma_start3A_26] : memref<2560x128xi32, #tpu.memory_space<hbm>> -> memref<1x128xi32, #tpu.memory_space<hbm>>
    %dma_start3A_28 = tpu.memref_squeeze %dma_start3A_27 : memref<1x128xi32, #tpu.memory_space<hbm>> -> memref<128xi32, #tpu.memory_space<hbm>>
    %dma_start3A_29 = arith.constant 0 : i32
    %dma_start3A_30 = tpu.memref_slice %arg3[%add3A_25, %dma_start3A_29] : memref<2560x128xi32, #tpu.memory_space<hbm>> -> memref<1x128xi32, #tpu.memory_space<hbm>>
    %dma_start3A_31 = tpu.memref_squeeze %dma_start3A_30 : memref<1x128xi32, #tpu.memory_space<hbm>> -> memref<128xi32, #tpu.memory_space<hbm>>
    tpu.enqueue_dma source(%dma_start3A_31 : memref<128xi32, #tpu.memory_space<hbm>>) target(%arg8 : memref<128xi32, #tpu.memory_space<vmem>>) target_semaphore(%arg17 : memref<!tpu.dma_semaphore, #tpu.memory_space<semaphore_mem>>)
    %add3A_32 = arith.constant 1 : i32
    %add3A_33 = arith.addi %mul3A_2, %add3A_32 : i32
    %dma_start3A_34 = arith.constant 0 : i32
    %dma_start3A_35 = tpu.memref_slice %arg4[%add3A_33, %dma_start3A_34] : memref<2560x128xi32, #tpu.memory_space<hbm>> -> memref<1x128xi32, #tpu.memory_space<hbm>>
    %dma_start3A_36 = tpu.memref_squeeze %dma_start3A_35 : memref<1x128xi32, #tpu.memory_space<hbm>> -> memref<128xi32, #tpu.memory_space<hbm>>
    %dma_start3A_37 = arith.constant 0 : i32
    %dma_start3A_38 = tpu.memref_slice %arg4[%add3A_33, %dma_start3A_37] : memref<2560x128xi32, #tpu.memory_space<hbm>> -> memref<1x128xi32, #tpu.memory_space<hbm>>
    %dma_start3A_39 = tpu.memref_squeeze %dma_start3A_38 : memref<1x128xi32, #tpu.memory_space<hbm>> -> memref<128xi32, #tpu.memory_space<hbm>>
    tpu.enqueue_dma source(%dma_start3A_39 : memref<128xi32, #tpu.memory_space<hbm>>) target(%arg11 : memref<128xi32, #tpu.memory_space<vmem>>) target_semaphore(%arg17 : memref<!tpu.dma_semaphore, #tpu.memory_space<semaphore_mem>>)
    %dma_wait3A = arith.constant 0 : i32
    %dma_wait3A_40 = arith.constant 0 : i32
    %dma_wait3A_41 = tpu.memref_slice %arg3[%dma_wait3A, %dma_wait3A_40] : memref<2560x128xi32, #tpu.memory_space<hbm>> -> memref<1x128xi32, #tpu.memory_space<hbm>>
    %dma_wait3A_42 = tpu.memref_squeeze %dma_wait3A_41 : memref<1x128xi32, #tpu.memory_space<hbm>> -> memref<128xi32, #tpu.memory_space<hbm>>
    %dma_wait3A_43 = arith.constant 0 : i32
    %dma_wait3A_44 = tpu.memref_slice %arg3[%dma_wait3A, %dma_wait3A_43] : memref<2560x128xi32, #tpu.memory_space<hbm>> -> memref<1x128xi32, #tpu.memory_space<hbm>>
    %dma_wait3A_45 = tpu.memref_squeeze %dma_wait3A_44 : memref<1x128xi32, #tpu.memory_space<hbm>> -> memref<128xi32, #tpu.memory_space<hbm>>
    tpu.wait_dma2 semaphore(%arg16 : memref<!tpu.dma_semaphore, #tpu.memory_space<semaphore_mem>>) src(%dma_wait3A_45 : memref<128xi32, #tpu.memory_space<hbm>>) dst(%arg7 : memref<128xi32, #tpu.memory_space<vmem>>)
    %dma_wait3A_46 = arith.constant 0 : i32
    %dma_wait3A_47 = arith.constant 0 : i32
    %dma_wait3A_48 = tpu.memref_slice %arg4[%dma_wait3A_46, %dma_wait3A_47] : memref<2560x128xi32, #tpu.memory_space<hbm>> -> memref<1x128xi32, #tpu.memory_space<hbm>>
    %dma_wait3A_49 = tpu.memref_squeeze %dma_wait3A_48 : memref<1x128xi32, #tpu.memory_space<hbm>> -> memref<128xi32, #tpu.memory_space<hbm>>
    %dma_wait3A_50 = arith.constant 0 : i32
    %dma_wait3A_51 = tpu.memref_slice %arg4[%dma_wait3A_46, %dma_wait3A_50] : memref<2560x128xi32, #tpu.memory_space<hbm>> -> memref<1x128xi32, #tpu.memory_space<hbm>>
    %dma_wait3A_52 = tpu.memref_squeeze %dma_wait3A_51 : memref<1x128xi32, #tpu.memory_space<hbm>> -> memref<128xi32, #tpu.memory_space<hbm>>
    tpu.wait_dma2 semaphore(%arg16 : memref<!tpu.dma_semaphore, #tpu.memory_space<semaphore_mem>>) src(%dma_wait3A_52 : memref<128xi32, #tpu.memory_space<hbm>>) dst(%arg10 : memref<128xi32, #tpu.memory_space<vmem>>)
    %dma_start3A_53 = arith.constant 0 : i32
    %dma_start3A_54 = arith.constant 0 : i32
    %dma_start3A_55 = tpu.memref_slice %arg2[%dma_start3A_53, %dma_start3A_54] : memref<10064x128xf32, #tpu.memory_space<hbm>> -> memref<10064x128xf32, #tpu.memory_space<hbm>>
    tpu.enqueue_indirect_dma source(%dma_start3A_55 : memref<10064x128xf32, #tpu.memory_space<hbm>>) target(%arg13 : memref<128x128xf32, #tpu.memory_space<vmem>>) offsets(%arg7 : memref<128xi32, #tpu.memory_space<vmem>>) semaphore(%arg19 : memref<!tpu.dma_semaphore, #tpu.memory_space<semaphore_mem>>)
    %add3A_56 = arith.constant 2 : i32
    %add3A_57 = arith.addi %mul3A_2, %add3A_56 : i32
    %dma_start3A_58 = arith.constant 0 : i32
    %dma_start3A_59 = tpu.memref_slice %arg3[%add3A_57, %dma_start3A_58] : memref<2560x128xi32, #tpu.memory_space<hbm>> -> memref<1x128xi32, #tpu.memory_space<hbm>>
    %dma_start3A_60 = tpu.memref_squeeze %dma_start3A_59 : memref<1x128xi32, #tpu.memory_space<hbm>> -> memref<128xi32, #tpu.memory_space<hbm>>
    %dma_start3A_61 = arith.constant 0 : i32
    %dma_start3A_62 = tpu.memref_slice %arg3[%add3A_57, %dma_start3A_61] : memref<2560x128xi32, #tpu.memory_space<hbm>> -> memref<1x128xi32, #tpu.memory_space<hbm>>
    %dma_start3A_63 = tpu.memref_squeeze %dma_start3A_62 : memref<1x128xi32, #tpu.memory_space<hbm>> -> memref<128xi32, #tpu.memory_space<hbm>>
    tpu.enqueue_dma source(%dma_start3A_63 : memref<128xi32, #tpu.memory_space<hbm>>) target(%arg9 : memref<128xi32, #tpu.memory_space<vmem>>) target_semaphore(%arg18 : memref<!tpu.dma_semaphore, #tpu.memory_space<semaphore_mem>>)
    %add3A_64 = arith.constant 2 : i32
    %add3A_65 = arith.addi %mul3A_2, %add3A_64 : i32
    %dma_start3A_66 = arith.constant 0 : i32
    %dma_start3A_67 = tpu.memref_slice %arg4[%add3A_65, %dma_start3A_66] : memref<2560x128xi32, #tpu.memory_space<hbm>> -> memref<1x128xi32, #tpu.memory_space<hbm>>
    %dma_start3A_68 = tpu.memref_squeeze %dma_start3A_67 : memref<1x128xi32, #tpu.memory_space<hbm>> -> memref<128xi32, #tpu.memory_space<hbm>>
    %dma_start3A_69 = arith.constant 0 : i32
    %dma_start3A_70 = tpu.memref_slice %arg4[%add3A_65, %dma_start3A_69] : memref<2560x128xi32, #tpu.memory_space<hbm>> -> memref<1x128xi32, #tpu.memory_space<hbm>>
    %dma_start3A_71 = tpu.memref_squeeze %dma_start3A_70 : memref<1x128xi32, #tpu.memory_space<hbm>> -> memref<128xi32, #tpu.memory_space<hbm>>
    tpu.enqueue_dma source(%dma_start3A_71 : memref<128xi32, #tpu.memory_space<hbm>>) target(%arg12 : memref<128xi32, #tpu.memory_space<vmem>>) target_semaphore(%arg18 : memref<!tpu.dma_semaphore, #tpu.memory_space<semaphore_mem>>)
    %scan3A = arith.constant 0 : i32
    %scan3A_72 = arith.constant 26 : i32
    %scan3A_73 = arith.addi %scan3A, %scan3A_72 : i32
    %scan3A_74 = arith.constant 1 : i32
    scf.for %scan3A_140 = %scan3A to %scan3A_73 step %scan3A_74  : i32 {
      %mul3A_141 = arith.constant 1 : i32
      %mul3A_142 = arith.muli %scan3A_140, %mul3A_141 : i32
      %add3A_143 = arith.constant 0 : i32
      %add3A_144 = arith.addi %add3A_143, %mul3A_142 : i32
      %mul3A_145 = arith.constant 3 : i32
      %mul3A_146 = arith.muli %mul3A_145, %add3A_144 : i32
      %add3A_147 = arith.constant 1 : i32
      %add3A_148 = arith.addi %mul3A_146, %add3A_147 : i32
      %add3A_149 = arith.constant 0 : i32
      %add3A_150 = arith.addi %add3A_148, %add3A_149 : i32
      %dma_wait3A_151 = arith.constant 0 : i32
      %dma_wait3A_152 = arith.constant 0 : i32
      %dma_wait3A_153 = tpu.memref_slice %arg3[%dma_wait3A_151, %dma_wait3A_152] : memref<2560x128xi32, #tpu.memory_space<hbm>> -> memref<1x128xi32, #tpu.memory_space<hbm>>
      %dma_wait3A_154 = tpu.memref_squeeze %dma_wait3A_153 : memref<1x128xi32, #tpu.memory_space<hbm>> -> memref<128xi32, #tpu.memory_space<hbm>>
      %dma_wait3A_155 = arith.constant 0 : i32
      %dma_wait3A_156 = tpu.memref_slice %arg3[%dma_wait3A_151, %dma_wait3A_155] : memref<2560x128xi32, #tpu.memory_space<hbm>> -> memref<1x128xi32, #tpu.memory_space<hbm>>
      %dma_wait3A_157 = tpu.memref_squeeze %dma_wait3A_156 : memref<1x128xi32, #tpu.memory_space<hbm>> -> memref<128xi32, #tpu.memory_space<hbm>>
      tpu.wait_dma2 semaphore(%arg17 : memref<!tpu.dma_semaphore, #tpu.memory_space<semaphore_mem>>) src(%dma_wait3A_157 : memref<128xi32, #tpu.memory_space<hbm>>) dst(%arg8 : memref<128xi32, #tpu.memory_space<vmem>>)
      %dma_wait3A_158 = arith.constant 0 : i32
      %dma_wait3A_159 = arith.constant 0 : i32
      %dma_wait3A_160 = tpu.memref_slice %arg4[%dma_wait3A_158, %dma_wait3A_159] : memref<2560x128xi32, #tpu.memory_space<hbm>> -> memref<1x128xi32, #tpu.memory_space<hbm>>
      %dma_wait3A_161 = tpu.memref_squeeze %dma_wait3A_160 : memref<1x128xi32, #tpu.memory_space<hbm>> -> memref<128xi32, #tpu.memory_space<hbm>>
      %dma_wait3A_162 = arith.constant 0 : i32
      %dma_wait3A_163 = tpu.memref_slice %arg4[%dma_wait3A_158, %dma_wait3A_162] : memref<2560x128xi32, #tpu.memory_space<hbm>> -> memref<1x128xi32, #tpu.memory_space<hbm>>
      %dma_wait3A_164 = tpu.memref_squeeze %dma_wait3A_163 : memref<1x128xi32, #tpu.memory_space<hbm>> -> memref<128xi32, #tpu.memory_space<hbm>>
      tpu.wait_dma2 semaphore(%arg17 : memref<!tpu.dma_semaphore, #tpu.memory_space<semaphore_mem>>) src(%dma_wait3A_164 : memref<128xi32, #tpu.memory_space<hbm>>) dst(%arg11 : memref<128xi32, #tpu.memory_space<vmem>>)
      %dma_start3A_165 = arith.constant 0 : i32
      %dma_start3A_166 = arith.constant 0 : i32
      %dma_start3A_167 = tpu.memref_slice %arg2[%dma_start3A_165, %dma_start3A_166] : memref<10064x128xf32, #tpu.memory_space<hbm>> -> memref<10064x128xf32, #tpu.memory_space<hbm>>
      tpu.enqueue_indirect_dma source(%dma_start3A_167 : memref<10064x128xf32, #tpu.memory_space<hbm>>) target(%arg14 : memref<128x128xf32, #tpu.memory_space<vmem>>) offsets(%arg8 : memref<128xi32, #tpu.memory_space<vmem>>) semaphore(%arg20 : memref<!tpu.dma_semaphore, #tpu.memory_space<semaphore_mem>>)
      %ge3A = arith.constant 2 : i32
      %ge3A_168 = arith.cmpi sge, %add3A_150, %ge3A : i32
      %convert_element_type3A_169 = arith.extui %ge3A_168 : i1 to i32
      %cond3A_170 = arith.constant 0 : i32
      %cond3A_171 = arith.cmpi ne, %convert_element_type3A_169, %cond3A_170 : i32
      scf.if %cond3A_171 {
        %dma_wait3A_255 = arith.constant 0 : i32
        %dma_wait3A_256 = arith.constant 0 : i32
        %dma_wait3A_257 = tpu.memref_slice %arg2[%dma_wait3A_255, %dma_wait3A_256] : memref<10064x128xf32, #tpu.memory_space<hbm>> -> memref<128x128xf32, #tpu.memory_space<hbm>>
        %dma_wait3A_258 = arith.constant 0 : i32
        %dma_wait3A_259 = arith.constant 0 : i32
        %dma_wait3A_260 = tpu.memref_slice %arg2[%dma_wait3A_258, %dma_wait3A_259] : memref<10064x128xf32, #tpu.memory_space<hbm>> -> memref<128x128xf32, #tpu.memory_space<hbm>>
        tpu.wait_dma2 semaphore(%arg24 : memref<!tpu.dma_semaphore, #tpu.memory_space<semaphore_mem>>) src(%dma_wait3A_260 : memref<128x128xf32, #tpu.memory_space<hbm>>) dst(%arg15 : memref<128x128xf32, #tpu.memory_space<vmem>>)
        %add3A_261 = arith.constant 1 : i32
        %add3A_262 = arith.addi %add3A_150, %add3A_261 : i32
        %add3A_263 = arith.addi %mul3A_2, %add3A_262 : i32
        %dma_start3A_264 = arith.constant 0 : i32
        %dma_start3A_265 = tpu.memref_slice %arg3[%add3A_263, %dma_start3A_264] : memref<2560x128xi32, #tpu.memory_space<hbm>> -> memref<1x128xi32, #tpu.memory_space<hbm>>
        %dma_start3A_266 = tpu.memref_squeeze %dma_start3A_265 : memref<1x128xi32, #tpu.memory_space<hbm>> -> memref<128xi32, #tpu.memory_space<hbm>>
        %dma_start3A_267 = arith.constant 0 : i32
        %dma_start3A_268 = tpu.memref_slice %arg3[%add3A_263, %dma_start3A_267] : memref<2560x128xi32, #tpu.memory_space<hbm>> -> memref<1x128xi32, #tpu.memory_space<hbm>>
        %dma_start3A_269 = tpu.memref_squeeze %dma_start3A_268 : memref<1x128xi32, #tpu.memory_space<hbm>> -> memref<128xi32, #tpu.memory_space<hbm>>
        tpu.enqueue_dma source(%dma_start3A_269 : memref<128xi32, #tpu.memory_space<hbm>>) target(%arg9 : memref<128xi32, #tpu.memory_space<vmem>>) target_semaphore(%arg18 : memref<!tpu.dma_semaphore, #tpu.memory_space<semaphore_mem>>)
        %add3A_270 = arith.addi %mul3A_2, %add3A_262 : i32
        %dma_start3A_271 = arith.constant 0 : i32
        %dma_start3A_272 = tpu.memref_slice %arg4[%add3A_270, %dma_start3A_271] : memref<2560x128xi32, #tpu.memory_space<hbm>> -> memref<1x128xi32, #tpu.memory_space<hbm>>
        %dma_start3A_273 = tpu.memref_squeeze %dma_start3A_272 : memref<1x128xi32, #tpu.memory_space<hbm>> -> memref<128xi32, #tpu.memory_space<hbm>>
        %dma_start3A_274 = arith.constant 0 : i32
        %dma_start3A_275 = tpu.memref_slice %arg4[%add3A_270, %dma_start3A_274] : memref<2560x128xi32, #tpu.memory_space<hbm>> -> memref<1x128xi32, #tpu.memory_space<hbm>>
        %dma_start3A_276 = tpu.memref_squeeze %dma_start3A_275 : memref<1x128xi32, #tpu.memory_space<hbm>> -> memref<128xi32, #tpu.memory_space<hbm>>
        tpu.enqueue_dma source(%dma_start3A_276 : memref<128xi32, #tpu.memory_space<hbm>>) target(%arg12 : memref<128xi32, #tpu.memory_space<vmem>>) target_semaphore(%arg18 : memref<!tpu.dma_semaphore, #tpu.memory_space<semaphore_mem>>)
      } else {
      }
      %dma_wait3A_172 = arith.constant 0 : i32
      %dma_wait3A_173 = arith.constant 0 : i32
      %dma_wait3A_174 = tpu.memref_slice %arg2[%dma_wait3A_172, %dma_wait3A_173] : memref<10064x128xf32, #tpu.memory_space<hbm>> -> memref<128x128xf32, #tpu.memory_space<hbm>>
      %dma_wait3A_175 = arith.constant 0 : i32
      %dma_wait3A_176 = arith.constant 0 : i32
      %dma_wait3A_177 = tpu.memref_slice %arg2[%dma_wait3A_175, %dma_wait3A_176] : memref<10064x128xf32, #tpu.memory_space<hbm>> -> memref<128x128xf32, #tpu.memory_space<hbm>>
      tpu.wait_dma2 semaphore(%arg19 : memref<!tpu.dma_semaphore, #tpu.memory_space<semaphore_mem>>) src(%dma_wait3A_177 : memref<128x128xf32, #tpu.memory_space<hbm>>) dst(%arg13 : memref<128x128xf32, #tpu.memory_space<vmem>>)
      %dma_start3A_178 = arith.constant 0 : i32
      %dma_start3A_179 = arith.constant 0 : i32
      %dma_start3A_180 = tpu.memref_slice %arg6[%dma_start3A_178, %dma_start3A_179] : memref<10064x128xf32, #tpu.memory_space<vmem_shared>> -> memref<10064x128xf32, #tpu.memory_space<vmem_shared>>
      tpu.enqueue_indirect_dma source(%arg13 : memref<128x128xf32, #tpu.memory_space<vmem>>) target(%dma_start3A_180 : memref<10064x128xf32, #tpu.memory_space<vmem_shared>>) offsets(%arg10 : memref<128xi32, #tpu.memory_space<vmem>>) semaphore(%arg22 : memref<!tpu.dma_semaphore, #tpu.memory_space<semaphore_mem>>) {add = true}
      %mul3A_181 = arith.constant 3 : i32
      %mul3A_182 = arith.muli %mul3A_181, %add3A_144 : i32
      %add3A_183 = arith.constant 1 : i32
      %add3A_184 = arith.addi %mul3A_182, %add3A_183 : i32
      %add3A_185 = arith.constant 1 : i32
      %add3A_186 = arith.addi %add3A_184, %add3A_185 : i32
      %dma_wait3A_187 = arith.constant 0 : i32
      %dma_wait3A_188 = arith.constant 0 : i32
      %dma_wait3A_189 = tpu.memref_slice %arg3[%dma_wait3A_187, %dma_wait3A_188] : memref<2560x128xi32, #tpu.memory_space<hbm>> -> memref<1x128xi32, #tpu.memory_space<hbm>>
      %dma_wait3A_190 = tpu.memref_squeeze %dma_wait3A_189 : memref<1x128xi32, #tpu.memory_space<hbm>> -> memref<128xi32, #tpu.memory_space<hbm>>
      %dma_wait3A_191 = arith.constant 0 : i32
      %dma_wait3A_192 = tpu.memref_slice %arg3[%dma_wait3A_187, %dma_wait3A_191] : memref<2560x128xi32, #tpu.memory_space<hbm>> -> memref<1x128xi32, #tpu.memory_space<hbm>>
      %dma_wait3A_193 = tpu.memref_squeeze %dma_wait3A_192 : memref<1x128xi32, #tpu.memory_space<hbm>> -> memref<128xi32, #tpu.memory_space<hbm>>
      tpu.wait_dma2 semaphore(%arg18 : memref<!tpu.dma_semaphore, #tpu.memory_space<semaphore_mem>>) src(%dma_wait3A_193 : memref<128xi32, #tpu.memory_space<hbm>>) dst(%arg9 : memref<128xi32, #tpu.memory_space<vmem>>)
      %dma_wait3A_194 = arith.constant 0 : i32
      %dma_wait3A_195 = arith.constant 0 : i32
      %dma_wait3A_196 = tpu.memref_slice %arg4[%dma_wait3A_194, %dma_wait3A_195] : memref<2560x128xi32, #tpu.memory_space<hbm>> -> memref<1x128xi32, #tpu.memory_space<hbm>>
      %dma_wait3A_197 = tpu.memref_squeeze %dma_wait3A_196 : memref<1x128xi32, #tpu.memory_space<hbm>> -> memref<128xi32, #tpu.memory_space<hbm>>
      %dma_wait3A_198 = arith.constant 0 : i32
      %dma_wait3A_199 = tpu.memref_slice %arg4[%dma_wait3A_194, %dma_wait3A_198] : memref<2560x128xi32, #tpu.memory_space<hbm>> -> memref<1x128xi32, #tpu.memory_space<hbm>>
      %dma_wait3A_200 = tpu.memref_squeeze %dma_wait3A_199 : memref<1x128xi32, #tpu.memory_space<hbm>> -> memref<128xi32, #tpu.memory_space<hbm>>
      tpu.wait_dma2 semaphore(%arg18 : memref<!tpu.dma_semaphore, #tpu.memory_space<semaphore_mem>>) src(%dma_wait3A_200 : memref<128xi32, #tpu.memory_space<hbm>>) dst(%arg12 : memref<128xi32, #tpu.memory_space<vmem>>)
      %dma_start3A_201 = arith.constant 0 : i32
      %dma_start3A_202 = arith.constant 0 : i32
      %dma_start3A_203 = tpu.memref_slice %arg2[%dma_start3A_201, %dma_start3A_202] : memref<10064x128xf32, #tpu.memory_space<hbm>> -> memref<10064x128xf32, #tpu.memory_space<hbm>>
      tpu.enqueue_indirect_dma source(%dma_start3A_203 : memref<10064x128xf32, #tpu.memory_space<hbm>>) target(%arg15 : memref<128x128xf32, #tpu.memory_space<vmem>>) offsets(%arg9 : memref<128xi32, #tpu.memory_space<vmem>>) semaphore(%arg21 : memref<!tpu.dma_semaphore, #tpu.memory_space<semaphore_mem>>)
      %ge3A_204 = arith.constant 2 : i32
      %ge3A_205 = arith.cmpi sge, %add3A_186, %ge3A_204 : i32
      %convert_element_type3A_206 = arith.extui %ge3A_205 : i1 to i32
      %cond3A_207 = arith.constant 0 : i32
      %cond3A_208 = arith.cmpi ne, %convert_element_type3A_206, %cond3A_207 : i32
      scf.if %cond3A_208 {
        %dma_wait3A_255 = arith.constant 0 : i32
        %dma_wait3A_256 = arith.constant 0 : i32
        %dma_wait3A_257 = tpu.memref_slice %arg2[%dma_wait3A_255, %dma_wait3A_256] : memref<10064x128xf32, #tpu.memory_space<hbm>> -> memref<128x128xf32, #tpu.memory_space<hbm>>
        %dma_wait3A_258 = arith.constant 0 : i32
        %dma_wait3A_259 = arith.constant 0 : i32
        %dma_wait3A_260 = tpu.memref_slice %arg2[%dma_wait3A_258, %dma_wait3A_259] : memref<10064x128xf32, #tpu.memory_space<hbm>> -> memref<128x128xf32, #tpu.memory_space<hbm>>
        tpu.wait_dma2 semaphore(%arg22 : memref<!tpu.dma_semaphore, #tpu.memory_space<semaphore_mem>>) src(%dma_wait3A_260 : memref<128x128xf32, #tpu.memory_space<hbm>>) dst(%arg13 : memref<128x128xf32, #tpu.memory_space<vmem>>)
        %add3A_261 = arith.constant 1 : i32
        %add3A_262 = arith.addi %add3A_186, %add3A_261 : i32
        %add3A_263 = arith.addi %mul3A_2, %add3A_262 : i32
        %dma_start3A_264 = arith.constant 0 : i32
        %dma_start3A_265 = tpu.memref_slice %arg3[%add3A_263, %dma_start3A_264] : memref<2560x128xi32, #tpu.memory_space<hbm>> -> memref<1x128xi32, #tpu.memory_space<hbm>>
        %dma_start3A_266 = tpu.memref_squeeze %dma_start3A_265 : memref<1x128xi32, #tpu.memory_space<hbm>> -> memref<128xi32, #tpu.memory_space<hbm>>
        %dma_start3A_267 = arith.constant 0 : i32
        %dma_start3A_268 = tpu.memref_slice %arg3[%add3A_263, %dma_start3A_267] : memref<2560x128xi32, #tpu.memory_space<hbm>> -> memref<1x128xi32, #tpu.memory_space<hbm>>
        %dma_start3A_269 = tpu.memref_squeeze %dma_start3A_268 : memref<1x128xi32, #tpu.memory_space<hbm>> -> memref<128xi32, #tpu.memory_space<hbm>>
        tpu.enqueue_dma source(%dma_start3A_269 : memref<128xi32, #tpu.memory_space<hbm>>) target(%arg7 : memref<128xi32, #tpu.memory_space<vmem>>) target_semaphore(%arg16 : memref<!tpu.dma_semaphore, #tpu.memory_space<semaphore_mem>>)
        %add3A_270 = arith.addi %mul3A_2, %add3A_262 : i32
        %dma_start3A_271 = arith.constant 0 : i32
        %dma_start3A_272 = tpu.memref_slice %arg4[%add3A_270, %dma_start3A_271] : memref<2560x128xi32, #tpu.memory_space<hbm>> -> memref<1x128xi32, #tpu.memory_space<hbm>>
        %dma_start3A_273 = tpu.memref_squeeze %dma_start3A_272 : memref<1x128xi32, #tpu.memory_space<hbm>> -> memref<128xi32, #tpu.memory_space<hbm>>
        %dma_start3A_274 = arith.constant 0 : i32
        %dma_start3A_275 = tpu.memref_slice %arg4[%add3A_270, %dma_start3A_274] : memref<2560x128xi32, #tpu.memory_space<hbm>> -> memref<1x128xi32, #tpu.memory_space<hbm>>
        %dma_start3A_276 = tpu.memref_squeeze %dma_start3A_275 : memref<1x128xi32, #tpu.memory_space<hbm>> -> memref<128xi32, #tpu.memory_space<hbm>>
        tpu.enqueue_dma source(%dma_start3A_276 : memref<128xi32, #tpu.memory_space<hbm>>) target(%arg10 : memref<128xi32, #tpu.memory_space<vmem>>) target_semaphore(%arg16 : memref<!tpu.dma_semaphore, #tpu.memory_space<semaphore_mem>>)
      } else {
      }
      %dma_wait3A_209 = arith.constant 0 : i32
      %dma_wait3A_210 = arith.constant 0 : i32
      %dma_wait3A_211 = tpu.memref_slice %arg2[%dma_wait3A_209, %dma_wait3A_210] : memref<10064x128xf32, #tpu.memory_space<hbm>> -> memref<128x128xf32, #tpu.memory_space<hbm>>
      %dma_wait3A_212 = arith.constant 0 : i32
      %dma_wait3A_213 = arith.constant 0 : i32
      %dma_wait3A_214 = tpu.memref_slice %arg2[%dma_wait3A_212, %dma_wait3A_213] : memref<10064x128xf32, #tpu.memory_space<hbm>> -> memref<128x128xf32, #tpu.memory_space<hbm>>
      tpu.wait_dma2 semaphore(%arg20 : memref<!tpu.dma_semaphore, #tpu.memory_space<semaphore_mem>>) src(%dma_wait3A_214 : memref<128x128xf32, #tpu.memory_space<hbm>>) dst(%arg14 : memref<128x128xf32, #tpu.memory_space<vmem>>)
      %dma_start3A_215 = arith.constant 0 : i32
      %dma_start3A_216 = arith.constant 0 : i32
      %dma_start3A_217 = tpu.memref_slice %arg6[%dma_start3A_215, %dma_start3A_216] : memref<10064x128xf32, #tpu.memory_space<vmem_shared>> -> memref<10064x128xf32, #tpu.memory_space<vmem_shared>>
      tpu.enqueue_indirect_dma source(%arg14 : memref<128x128xf32, #tpu.memory_space<vmem>>) target(%dma_start3A_217 : memref<10064x128xf32, #tpu.memory_space<vmem_shared>>) offsets(%arg11 : memref<128xi32, #tpu.memory_space<vmem>>) semaphore(%arg23 : memref<!tpu.dma_semaphore, #tpu.memory_space<semaphore_mem>>) {add = true}
      %mul3A_218 = arith.constant 3 : i32
      %mul3A_219 = arith.muli %mul3A_218, %add3A_144 : i32
      %add3A_220 = arith.constant 1 : i32
      %add3A_221 = arith.addi %mul3A_219, %add3A_220 : i32
      %add3A_222 = arith.constant 2 : i32
      %add3A_223 = arith.addi %add3A_221, %add3A_222 : i32
      %dma_wait3A_224 = arith.constant 0 : i32
      %dma_wait3A_225 = arith.constant 0 : i32
      %dma_wait3A_226 = tpu.memref_slice %arg3[%dma_wait3A_224, %dma_wait3A_225] : memref<2560x128xi32, #tpu.memory_space<hbm>> -> memref<1x128xi32, #tpu.memory_space<hbm>>
      %dma_wait3A_227 = tpu.memref_squeeze %dma_wait3A_226 : memref<1x128xi32, #tpu.memory_space<hbm>> -> memref<128xi32, #tpu.memory_space<hbm>>
      %dma_wait3A_228 = arith.constant 0 : i32
      %dma_wait3A_229 = tpu.memref_slice %arg3[%dma_wait3A_224, %dma_wait3A_228] : memref<2560x128xi32, #tpu.memory_space<hbm>> -> memref<1x128xi32, #tpu.memory_space<hbm>>
      %dma_wait3A_230 = tpu.memref_squeeze %dma_wait3A_229 : memref<1x128xi32, #tpu.memory_space<hbm>> -> memref<128xi32, #tpu.memory_space<hbm>>
      tpu.wait_dma2 semaphore(%arg16 : memref<!tpu.dma_semaphore, #tpu.memory_space<semaphore_mem>>) src(%dma_wait3A_230 : memref<128xi32, #tpu.memory_space<hbm>>) dst(%arg7 : memref<128xi32, #tpu.memory_space<vmem>>)
      %dma_wait3A_231 = arith.constant 0 : i32
      %dma_wait3A_232 = arith.constant 0 : i32
      %dma_wait3A_233 = tpu.memref_slice %arg4[%dma_wait3A_231, %dma_wait3A_232] : memref<2560x128xi32, #tpu.memory_space<hbm>> -> memref<1x128xi32, #tpu.memory_space<hbm>>
      %dma_wait3A_234 = tpu.memref_squeeze %dma_wait3A_233 : memref<1x128xi32, #tpu.memory_space<hbm>> -> memref<128xi32, #tpu.memory_space<hbm>>
      %dma_wait3A_235 = arith.constant 0 : i32
      %dma_wait3A_236 = tpu.memref_slice %arg4[%dma_wait3A_231, %dma_wait3A_235] : memref<2560x128xi32, #tpu.memory_space<hbm>> -> memref<1x128xi32, #tpu.memory_space<hbm>>
      %dma_wait3A_237 = tpu.memref_squeeze %dma_wait3A_236 : memref<1x128xi32, #tpu.memory_space<hbm>> -> memref<128xi32, #tpu.memory_space<hbm>>
      tpu.wait_dma2 semaphore(%arg16 : memref<!tpu.dma_semaphore, #tpu.memory_space<semaphore_mem>>) src(%dma_wait3A_237 : memref<128xi32, #tpu.memory_space<hbm>>) dst(%arg10 : memref<128xi32, #tpu.memory_space<vmem>>)
      %dma_start3A_238 = arith.constant 0 : i32
      %dma_start3A_239 = arith.constant 0 : i32
      %dma_start3A_240 = tpu.memref_slice %arg2[%dma_start3A_238, %dma_start3A_239] : memref<10064x128xf32, #tpu.memory_space<hbm>> -> memref<10064x128xf32, #tpu.memory_space<hbm>>
      tpu.enqueue_indirect_dma source(%dma_start3A_240 : memref<10064x128xf32, #tpu.memory_space<hbm>>) target(%arg13 : memref<128x128xf32, #tpu.memory_space<vmem>>) offsets(%arg7 : memref<128xi32, #tpu.memory_space<vmem>>) semaphore(%arg19 : memref<!tpu.dma_semaphore, #tpu.memory_space<semaphore_mem>>)
      %ge3A_241 = arith.constant 2 : i32
      %ge3A_242 = arith.cmpi sge, %add3A_223, %ge3A_241 : i32
      %convert_element_type3A_243 = arith.extui %ge3A_242 : i1 to i32
      %cond3A_244 = arith.constant 0 : i32
      %cond3A_245 = arith.cmpi ne, %convert_element_type3A_243, %cond3A_244 : i32
      scf.if %cond3A_245 {
        %dma_wait3A_255 = arith.constant 0 : i32
        %dma_wait3A_256 = arith.constant 0 : i32
        %dma_wait3A_257 = tpu.memref_slice %arg2[%dma_wait3A_255, %dma_wait3A_256] : memref<10064x128xf32, #tpu.memory_space<hbm>> -> memref<128x128xf32, #tpu.memory_space<hbm>>
        %dma_wait3A_258 = arith.constant 0 : i32
        %dma_wait3A_259 = arith.constant 0 : i32
        %dma_wait3A_260 = tpu.memref_slice %arg2[%dma_wait3A_258, %dma_wait3A_259] : memref<10064x128xf32, #tpu.memory_space<hbm>> -> memref<128x128xf32, #tpu.memory_space<hbm>>
        tpu.wait_dma2 semaphore(%arg23 : memref<!tpu.dma_semaphore, #tpu.memory_space<semaphore_mem>>) src(%dma_wait3A_260 : memref<128x128xf32, #tpu.memory_space<hbm>>) dst(%arg14 : memref<128x128xf32, #tpu.memory_space<vmem>>)
        %add3A_261 = arith.constant 1 : i32
        %add3A_262 = arith.addi %add3A_223, %add3A_261 : i32
        %add3A_263 = arith.addi %mul3A_2, %add3A_262 : i32
        %dma_start3A_264 = arith.constant 0 : i32
        %dma_start3A_265 = tpu.memref_slice %arg3[%add3A_263, %dma_start3A_264] : memref<2560x128xi32, #tpu.memory_space<hbm>> -> memref<1x128xi32, #tpu.memory_space<hbm>>
        %dma_start3A_266 = tpu.memref_squeeze %dma_start3A_265 : memref<1x128xi32, #tpu.memory_space<hbm>> -> memref<128xi32, #tpu.memory_space<hbm>>
        %dma_start3A_267 = arith.constant 0 : i32
        %dma_start3A_268 = tpu.memref_slice %arg3[%add3A_263, %dma_start3A_267] : memref<2560x128xi32, #tpu.memory_space<hbm>> -> memref<1x128xi32, #tpu.memory_space<hbm>>
        %dma_start3A_269 = tpu.memref_squeeze %dma_start3A_268 : memref<1x128xi32, #tpu.memory_space<hbm>> -> memref<128xi32, #tpu.memory_space<hbm>>
        tpu.enqueue_dma source(%dma_start3A_269 : memref<128xi32, #tpu.memory_space<hbm>>) target(%arg8 : memref<128xi32, #tpu.memory_space<vmem>>) target_semaphore(%arg17 : memref<!tpu.dma_semaphore, #tpu.memory_space<semaphore_mem>>)
        %add3A_270 = arith.addi %mul3A_2, %add3A_262 : i32
        %dma_start3A_271 = arith.constant 0 : i32
        %dma_start3A_272 = tpu.memref_slice %arg4[%add3A_270, %dma_start3A_271] : memref<2560x128xi32, #tpu.memory_space<hbm>> -> memref<1x128xi32, #tpu.memory_space<hbm>>
        %dma_start3A_273 = tpu.memref_squeeze %dma_start3A_272 : memref<1x128xi32, #tpu.memory_space<hbm>> -> memref<128xi32, #tpu.memory_space<hbm>>
        %dma_start3A_274 = arith.constant 0 : i32
        %dma_start3A_275 = tpu.memref_slice %arg4[%add3A_270, %dma_start3A_274] : memref<2560x128xi32, #tpu.memory_space<hbm>> -> memref<1x128xi32, #tpu.memory_space<hbm>>
        %dma_start3A_276 = tpu.memref_squeeze %dma_start3A_275 : memref<1x128xi32, #tpu.memory_space<hbm>> -> memref<128xi32, #tpu.memory_space<hbm>>
        tpu.enqueue_dma source(%dma_start3A_276 : memref<128xi32, #tpu.memory_space<hbm>>) target(%arg11 : memref<128xi32, #tpu.memory_space<vmem>>) target_semaphore(%arg17 : memref<!tpu.dma_semaphore, #tpu.memory_space<semaphore_mem>>)
      } else {
      }
      %dma_wait3A_246 = arith.constant 0 : i32
      %dma_wait3A_247 = arith.constant 0 : i32
      %dma_wait3A_248 = tpu.memref_slice %arg2[%dma_wait3A_246, %dma_wait3A_247] : memref<10064x128xf32, #tpu.memory_space<hbm>> -> memref<128x128xf32, #tpu.memory_space<hbm>>
      %dma_wait3A_249 = arith.constant 0 : i32
      %dma_wait3A_250 = arith.constant 0 : i32
      %dma_wait3A_251 = tpu.memref_slice %arg2[%dma_wait3A_249, %dma_wait3A_250] : memref<10064x128xf32, #tpu.memory_space<hbm>> -> memref<128x128xf32, #tpu.memory_space<hbm>>
      tpu.wait_dma2 semaphore(%arg21 : memref<!tpu.dma_semaphore, #tpu.memory_space<semaphore_mem>>) src(%dma_wait3A_251 : memref<128x128xf32, #tpu.memory_space<hbm>>) dst(%arg15 : memref<128x128xf32, #tpu.memory_space<vmem>>)
      %dma_start3A_252 = arith.constant 0 : i32
      %dma_start3A_253 = arith.constant 0 : i32
      %dma_start3A_254 = tpu.memref_slice %arg6[%dma_start3A_252, %dma_start3A_253] : memref<10064x128xf32, #tpu.memory_space<vmem_shared>> -> memref<10064x128xf32, #tpu.memory_space<vmem_shared>>
      tpu.enqueue_indirect_dma source(%arg15 : memref<128x128xf32, #tpu.memory_space<vmem>>) target(%dma_start3A_254 : memref<10064x128xf32, #tpu.memory_space<vmem_shared>>) offsets(%arg12 : memref<128xi32, #tpu.memory_space<vmem>>) semaphore(%arg24 : memref<!tpu.dma_semaphore, #tpu.memory_space<semaphore_mem>>) {add = true}
    }
    %scan3A_75 = arith.constant 26 : i32
    %dma_wait3A_76 = arith.constant 0 : i32
    %dma_wait3A_77 = arith.constant 0 : i32
    %dma_wait3A_78 = tpu.memref_slice %arg3[%dma_wait3A_76, %dma_wait3A_77] : memref<2560x128xi32, #tpu.memory_space<hbm>> -> memref<1x128xi32, #tpu.memory_space<hbm>>
    %dma_wait3A_79 = tpu.memref_squeeze %dma_wait3A_78 : memref<1x128xi32, #tpu.memory_space<hbm>> -> memref<128xi32, #tpu.memory_space<hbm>>
    %dma_wait3A_80 = arith.constant 0 : i32
    %dma_wait3A_81 = tpu.memref_slice %arg3[%dma_wait3A_76, %dma_wait3A_80] : memref<2560x128xi32, #tpu.memory_space<hbm>> -> memref<1x128xi32, #tpu.memory_space<hbm>>
    %dma_wait3A_82 = tpu.memref_squeeze %dma_wait3A_81 : memref<1x128xi32, #tpu.memory_space<hbm>> -> memref<128xi32, #tpu.memory_space<hbm>>
    tpu.wait_dma2 semaphore(%arg17 : memref<!tpu.dma_semaphore, #tpu.memory_space<semaphore_mem>>) src(%dma_wait3A_82 : memref<128xi32, #tpu.memory_space<hbm>>) dst(%arg8 : memref<128xi32, #tpu.memory_space<vmem>>)
    %dma_wait3A_83 = arith.constant 0 : i32
    %dma_wait3A_84 = arith.constant 0 : i32
    %dma_wait3A_85 = tpu.memref_slice %arg4[%dma_wait3A_83, %dma_wait3A_84] : memref<2560x128xi32, #tpu.memory_space<hbm>> -> memref<1x128xi32, #tpu.memory_space<hbm>>
    %dma_wait3A_86 = tpu.memref_squeeze %dma_wait3A_85 : memref<1x128xi32, #tpu.memory_space<hbm>> -> memref<128xi32, #tpu.memory_space<hbm>>
    %dma_wait3A_87 = arith.constant 0 : i32
    %dma_wait3A_88 = tpu.memref_slice %arg4[%dma_wait3A_83, %dma_wait3A_87] : memref<2560x128xi32, #tpu.memory_space<hbm>> -> memref<1x128xi32, #tpu.memory_space<hbm>>
    %dma_wait3A_89 = tpu.memref_squeeze %dma_wait3A_88 : memref<1x128xi32, #tpu.memory_space<hbm>> -> memref<128xi32, #tpu.memory_space<hbm>>
    tpu.wait_dma2 semaphore(%arg17 : memref<!tpu.dma_semaphore, #tpu.memory_space<semaphore_mem>>) src(%dma_wait3A_89 : memref<128xi32, #tpu.memory_space<hbm>>) dst(%arg11 : memref<128xi32, #tpu.memory_space<vmem>>)
    %dma_start3A_90 = arith.constant 0 : i32
    %dma_start3A_91 = arith.constant 0 : i32
    %dma_start3A_92 = tpu.memref_slice %arg2[%dma_start3A_90, %dma_start3A_91] : memref<10064x128xf32, #tpu.memory_space<hbm>> -> memref<10064x128xf32, #tpu.memory_space<hbm>>
    tpu.enqueue_indirect_dma source(%dma_start3A_92 : memref<10064x128xf32, #tpu.memory_space<hbm>>) target(%arg14 : memref<128x128xf32, #tpu.memory_space<vmem>>) offsets(%arg8 : memref<128xi32, #tpu.memory_space<vmem>>) semaphore(%arg20 : memref<!tpu.dma_semaphore, #tpu.memory_space<semaphore_mem>>)
    %dma_wait3A_93 = arith.constant 0 : i32
    %dma_wait3A_94 = arith.constant 0 : i32
    %dma_wait3A_95 = tpu.memref_slice %arg2[%dma_wait3A_93, %dma_wait3A_94] : memref<10064x128xf32, #tpu.memory_space<hbm>> -> memref<128x128xf32, #tpu.memory_space<hbm>>
    %dma_wait3A_96 = arith.constant 0 : i32
    %dma_wait3A_97 = arith.constant 0 : i32
    %dma_wait3A_98 = tpu.memref_slice %arg2[%dma_wait3A_96, %dma_wait3A_97] : memref<10064x128xf32, #tpu.memory_space<hbm>> -> memref<128x128xf32, #tpu.memory_space<hbm>>
    tpu.wait_dma2 semaphore(%arg19 : memref<!tpu.dma_semaphore, #tpu.memory_space<semaphore_mem>>) src(%dma_wait3A_98 : memref<128x128xf32, #tpu.memory_space<hbm>>) dst(%arg13 : memref<128x128xf32, #tpu.memory_space<vmem>>)
    %dma_start3A_99 = arith.constant 0 : i32
    %dma_start3A_100 = arith.constant 0 : i32
    %dma_start3A_101 = tpu.memref_slice %arg6[%dma_start3A_99, %dma_start3A_100] : memref<10064x128xf32, #tpu.memory_space<vmem_shared>> -> memref<10064x128xf32, #tpu.memory_space<vmem_shared>>
    tpu.enqueue_indirect_dma source(%arg13 : memref<128x128xf32, #tpu.memory_space<vmem>>) target(%dma_start3A_101 : memref<10064x128xf32, #tpu.memory_space<vmem_shared>>) offsets(%arg10 : memref<128xi32, #tpu.memory_space<vmem>>) semaphore(%arg22 : memref<!tpu.dma_semaphore, #tpu.memory_space<semaphore_mem>>) {add = true}
    %dma_wait3A_102 = arith.constant 0 : i32
    %dma_wait3A_103 = arith.constant 0 : i32
    %dma_wait3A_104 = tpu.memref_slice %arg2[%dma_wait3A_102, %dma_wait3A_103] : memref<10064x128xf32, #tpu.memory_space<hbm>> -> memref<128x128xf32, #tpu.memory_space<hbm>>
    %dma_wait3A_105 = arith.constant 0 : i32
    %dma_wait3A_106 = arith.constant 0 : i32
    %dma_wait3A_107 = tpu.memref_slice %arg2[%dma_wait3A_105, %dma_wait3A_106] : memref<10064x128xf32, #tpu.memory_space<hbm>> -> memref<128x128xf32, #tpu.memory_space<hbm>>
    tpu.wait_dma2 semaphore(%arg20 : memref<!tpu.dma_semaphore, #tpu.memory_space<semaphore_mem>>) src(%dma_wait3A_107 : memref<128x128xf32, #tpu.memory_space<hbm>>) dst(%arg14 : memref<128x128xf32, #tpu.memory_space<vmem>>)
    %dma_start3A_108 = arith.constant 0 : i32
    %dma_start3A_109 = arith.constant 0 : i32
    %dma_start3A_110 = tpu.memref_slice %arg6[%dma_start3A_108, %dma_start3A_109] : memref<10064x128xf32, #tpu.memory_space<vmem_shared>> -> memref<10064x128xf32, #tpu.memory_space<vmem_shared>>
    tpu.enqueue_indirect_dma source(%arg14 : memref<128x128xf32, #tpu.memory_space<vmem>>) target(%dma_start3A_110 : memref<10064x128xf32, #tpu.memory_space<vmem_shared>>) offsets(%arg11 : memref<128xi32, #tpu.memory_space<vmem>>) semaphore(%arg23 : memref<!tpu.dma_semaphore, #tpu.memory_space<semaphore_mem>>) {add = true}
    %dma_wait3A_111 = arith.constant 0 : i32
    %dma_wait3A_112 = arith.constant 0 : i32
    %dma_wait3A_113 = tpu.memref_slice %arg2[%dma_wait3A_111, %dma_wait3A_112] : memref<10064x128xf32, #tpu.memory_space<hbm>> -> memref<128x128xf32, #tpu.memory_space<hbm>>
    %dma_wait3A_114 = arith.constant 0 : i32
    %dma_wait3A_115 = arith.constant 0 : i32
    %dma_wait3A_116 = tpu.memref_slice %arg2[%dma_wait3A_114, %dma_wait3A_115] : memref<10064x128xf32, #tpu.memory_space<hbm>> -> memref<128x128xf32, #tpu.memory_space<hbm>>
    tpu.wait_dma2 semaphore(%arg24 : memref<!tpu.dma_semaphore, #tpu.memory_space<semaphore_mem>>) src(%dma_wait3A_116 : memref<128x128xf32, #tpu.memory_space<hbm>>) dst(%arg15 : memref<128x128xf32, #tpu.memory_space<vmem>>)
    %dma_wait3A_117 = arith.constant 0 : i32
    %dma_wait3A_118 = arith.constant 0 : i32
    %dma_wait3A_119 = tpu.memref_slice %arg2[%dma_wait3A_117, %dma_wait3A_118] : memref<10064x128xf32, #tpu.memory_space<hbm>> -> memref<128x128xf32, #tpu.memory_space<hbm>>
    %dma_wait3A_120 = arith.constant 0 : i32
    %dma_wait3A_121 = arith.constant 0 : i32
    %dma_wait3A_122 = tpu.memref_slice %arg2[%dma_wait3A_120, %dma_wait3A_121] : memref<10064x128xf32, #tpu.memory_space<hbm>> -> memref<128x128xf32, #tpu.memory_space<hbm>>
    tpu.wait_dma2 semaphore(%arg22 : memref<!tpu.dma_semaphore, #tpu.memory_space<semaphore_mem>>) src(%dma_wait3A_122 : memref<128x128xf32, #tpu.memory_space<hbm>>) dst(%arg13 : memref<128x128xf32, #tpu.memory_space<vmem>>)
    %dma_wait3A_123 = arith.constant 0 : i32
    %dma_wait3A_124 = arith.constant 0 : i32
    %dma_wait3A_125 = tpu.memref_slice %arg2[%dma_wait3A_123, %dma_wait3A_124] : memref<10064x128xf32, #tpu.memory_space<hbm>> -> memref<128x128xf32, #tpu.memory_space<hbm>>
    %dma_wait3A_126 = arith.constant 0 : i32
    %dma_wait3A_127 = arith.constant 0 : i32
    %dma_wait3A_128 = tpu.memref_slice %arg2[%dma_wait3A_126, %dma_wait3A_127] : memref<10064x128xf32, #tpu.memory_space<hbm>> -> memref<128x128xf32, #tpu.memory_space<hbm>>
    tpu.wait_dma2 semaphore(%arg23 : memref<!tpu.dma_semaphore, #tpu.memory_space<semaphore_mem>>) src(%dma_wait3A_128 : memref<128x128xf32, #tpu.memory_space<hbm>>) dst(%arg14 : memref<128x128xf32, #tpu.memory_space<vmem>>)
    %barrier3A_129 = arith.constant 0 : index
    tpu.barrier barrier_id(%barrier3A_129)
    %lt3A_130 = arith.constant 15 : i32
    %lt3A_131 = arith.cmpi slt, %arg1, %lt3A_130 : i32
    %convert_element_type3A_132 = arith.extui %lt3A_131 : i1 to i32
    %cond3A_133 = arith.constant 0 : i32
    %cond3A_134 = arith.cmpi ne, %convert_element_type3A_132, %cond3A_133 : i32
    scf.if %cond3A_134 {
      %mul3A_140 = arith.constant 632 : i32
      %mul3A_141 = arith.muli %arg1, %mul3A_140 : i32
      "tpu.region"() ({
        %run_scoped3A = tpu.sem_alloc : memref<!tpu.dma_semaphore, #tpu.memory_space<semaphore_mem>>
        %dma_start3A_142 = arith.constant 0 : i32
        %dma_start3A_143 = arith.constant 0 : i32
        %dma_start3A_144 = tpu.memref_slice %arg5[%arg0, %dma_start3A_142, %dma_start3A_143] : memref<2x10064x128xf32, #tpu.memory_space<hbm>> -> memref<1x10064x128xf32, #tpu.memory_space<hbm>>
        %dma_start3A_145 = tpu.memref_squeeze %dma_start3A_144 : memref<1x10064x128xf32, #tpu.memory_space<hbm>> -> memref<10064x128xf32, #tpu.memory_space<hbm>>
        %dma_start3A_146 = arith.constant 0 : i32
        %dma_start3A_147 = tpu.memref_slice %dma_start3A_145[%mul3A_141, %dma_start3A_146] : memref<10064x128xf32, #tpu.memory_space<hbm>> -> memref<632x128xf32, #tpu.memory_space<hbm>>
        %dma_start3A_148 = arith.constant 0 : i32
        %dma_start3A_149 = tpu.memref_slice %arg6[%mul3A_141, %dma_start3A_148] : memref<10064x128xf32, #tpu.memory_space<vmem_shared>> -> memref<632x128xf32, #tpu.memory_space<vmem_shared>>
        tpu.enqueue_dma source(%dma_start3A_149 : memref<632x128xf32, #tpu.memory_space<vmem_shared>>) target(%dma_start3A_147 : memref<632x128xf32, #tpu.memory_space<hbm>>) target_semaphore(%run_scoped3A : memref<!tpu.dma_semaphore, #tpu.memory_space<semaphore_mem>>)
        %dma_wait3A_150 = arith.constant 0 : i32
        %dma_wait3A_151 = arith.constant 0 : i32
        %dma_wait3A_152 = tpu.memref_slice %arg5[%arg0, %dma_wait3A_150, %dma_wait3A_151] : memref<2x10064x128xf32, #tpu.memory_space<hbm>> -> memref<1x10064x128xf32, #tpu.memory_space<hbm>>
        %dma_wait3A_153 = tpu.memref_squeeze %dma_wait3A_152 : memref<1x10064x128xf32, #tpu.memory_space<hbm>> -> memref<10064x128xf32, #tpu.memory_space<hbm>>
        %dma_wait3A_154 = arith.constant 0 : i32
        %dma_wait3A_155 = tpu.memref_slice %dma_wait3A_153[%mul3A_141, %dma_wait3A_154] : memref<10064x128xf32, #tpu.memory_space<hbm>> -> memref<632x128xf32, #tpu.memory_space<hbm>>
        %dma_wait3A_156 = arith.constant 0 : i32
        %dma_wait3A_157 = tpu.memref_slice %arg6[%mul3A_141, %dma_wait3A_156] : memref<10064x128xf32, #tpu.memory_space<vmem_shared>> -> memref<632x128xf32, #tpu.memory_space<vmem_shared>>
        tpu.wait_dma2 semaphore(%run_scoped3A : memref<!tpu.dma_semaphore, #tpu.memory_space<semaphore_mem>>) src(%dma_wait3A_157 : memref<632x128xf32, #tpu.memory_space<vmem_shared>>) dst(%dma_wait3A_155 : memref<632x128xf32, #tpu.memory_space<hbm>>)
        tpu.yield
      }) : () -> ()
    } else {
    }
    %eq3A_135 = arith.constant 15 : i32
    %eq3A_136 = arith.cmpi eq, %arg1, %eq3A_135 : i32
    %convert_element_type3A_137 = arith.extui %eq3A_136 : i1 to i32
    %cond3A_138 = arith.constant 0 : i32
    %cond3A_139 = arith.cmpi ne, %convert_element_type3A_137, %cond3A_138 : i32
    scf.if %cond3A_139 {
      "tpu.region"() ({
        %run_scoped3A = tpu.sem_alloc : memref<!tpu.dma_semaphore, #tpu.memory_space<semaphore_mem>>
        %dma_start3A_140 = arith.constant 0 : i32
        %dma_start3A_141 = arith.constant 0 : i32
        %dma_start3A_142 = tpu.memref_slice %arg5[%arg0, %dma_start3A_140, %dma_start3A_141] : memref<2x10064x128xf32, #tpu.memory_space<hbm>> -> memref<1x10064x128xf32, #tpu.memory_space<hbm>>
        %dma_start3A_143 = tpu.memref_squeeze %dma_start3A_142 : memref<1x10064x128xf32, #tpu.memory_space<hbm>> -> memref<10064x128xf32, #tpu.memory_space<hbm>>
        %dma_start3A_144 = arith.constant 9480 : i32
        %dma_start3A_145 = arith.constant 0 : i32
        %dma_start3A_146 = tpu.memref_slice %dma_start3A_143[%dma_start3A_144, %dma_start3A_145] : memref<10064x128xf32, #tpu.memory_space<hbm>> -> memref<584x128xf32, #tpu.memory_space<hbm>>
        %dma_start3A_147 = arith.constant 9480 : i32
        %dma_start3A_148 = arith.constant 0 : i32
        %dma_start3A_149 = tpu.memref_slice %arg6[%dma_start3A_147, %dma_start3A_148] : memref<10064x128xf32, #tpu.memory_space<vmem_shared>> -> memref<584x128xf32, #tpu.memory_space<vmem_shared>>
        tpu.enqueue_dma source(%dma_start3A_149 : memref<584x128xf32, #tpu.memory_space<vmem_shared>>) target(%dma_start3A_146 : memref<584x128xf32, #tpu.memory_space<hbm>>) target_semaphore(%run_scoped3A : memref<!tpu.dma_semaphore, #tpu.memory_space<semaphore_mem>>)
        %dma_wait3A_150 = arith.constant 0 : i32
        %dma_wait3A_151 = arith.constant 0 : i32
        %dma_wait3A_152 = tpu.memref_slice %arg5[%arg0, %dma_wait3A_150, %dma_wait3A_151] : memref<2x10064x128xf32, #tpu.memory_space<hbm>> -> memref<1x10064x128xf32, #tpu.memory_space<hbm>>
        %dma_wait3A_153 = tpu.memref_squeeze %dma_wait3A_152 : memref<1x10064x128xf32, #tpu.memory_space<hbm>> -> memref<10064x128xf32, #tpu.memory_space<hbm>>
        %dma_wait3A_154 = arith.constant 9480 : i32
        %dma_wait3A_155 = arith.constant 0 : i32
        %dma_wait3A_156 = tpu.memref_slice %dma_wait3A_153[%dma_wait3A_154, %dma_wait3A_155] : memref<10064x128xf32, #tpu.memory_space<hbm>> -> memref<584x128xf32, #tpu.memory_space<hbm>>
        %dma_wait3A_157 = arith.constant 9480 : i32
        %dma_wait3A_158 = arith.constant 0 : i32
        %dma_wait3A_159 = tpu.memref_slice %arg6[%dma_wait3A_157, %dma_wait3A_158] : memref<10064x128xf32, #tpu.memory_space<vmem_shared>> -> memref<584x128xf32, #tpu.memory_space<vmem_shared>>
        tpu.wait_dma2 semaphore(%run_scoped3A : memref<!tpu.dma_semaphore, #tpu.memory_space<semaphore_mem>>) src(%dma_wait3A_159 : memref<584x128xf32, #tpu.memory_space<vmem_shared>>) dst(%dma_wait3A_156 : memref<584x128xf32, #tpu.memory_space<hbm>>)
        tpu.yield
      }) : () -> ()
    } else {
    }
    return
  }
}

#map = affine_map<(d0, d1) -> (0, 0)>
#map1 = affine_map<(d0, d1) -> (0, 0, 0)>
module attributes {stable_mosaic.version = 14 : i64} {
  func.func @k(%arg0: i32, %arg1: i32, %arg2: memref<10064x128xf32, #tpu.memory_space<hbm>>, %arg3: memref<2560x128xi32, #tpu.memory_space<hbm>>, %arg4: memref<2560x128xi32, #tpu.memory_space<hbm>>, %arg5: memref<2x10064x128xf32, #tpu.memory_space<hbm>>, %arg6: memref<10064x128xf32, #tpu.memory_space<vmem_shared>>, %arg7: memref<128xi32, #tpu.memory_space<vmem>>, %arg8: memref<128xi32, #tpu.memory_space<vmem>>, %arg9: memref<128xi32, #tpu.memory_space<vmem>>, %arg10: memref<128xi32, #tpu.memory_space<vmem>>, %arg11: memref<128xi32, #tpu.memory_space<vmem>>, %arg12: memref<128xi32, #tpu.memory_space<vmem>>, %arg13: memref<128x128xf32, #tpu.memory_space<vmem>>, %arg14: memref<128x128xf32, #tpu.memory_space<vmem>>, %arg15: memref<128x128xf32, #tpu.memory_space<vmem>>, %arg16: memref<!tpu.dma_semaphore, #tpu.memory_space<semaphore_mem>>, %arg17: memref<!tpu.dma_semaphore, #tpu.memory_space<semaphore_mem>>, %arg18: memref<!tpu.dma_semaphore, #tpu.memory_space<semaphore_mem>>, %arg19: memref<!tpu.dma_semaphore, #tpu.memory_space<semaphore_mem>>, %arg20: memref<!tpu.dma_semaphore, #tpu.memory_space<semaphore_mem>>, %arg21: memref<!tpu.dma_semaphore, #tpu.memory_space<semaphore_mem>>, %arg22: memref<!tpu.dma_semaphore, #tpu.memory_space<semaphore_mem>>, %arg23: memref<!tpu.dma_semaphore, #tpu.memory_space<semaphore_mem>>, %arg24: memref<!tpu.dma_semaphore, #tpu.memory_space<semaphore_mem>>) attributes {dimension_semantics = [#tpu.dimension_semantics<core_parallel>, #tpu.dimension_semantics<subcore_parallel>], iteration_bounds = array<i64: 2, 16>, scalar_prefetch = 0 : i64, scratch_operands = 19 : i64, tpu.core_type = #tpu.core_type<sc_vector_subcore>, window_params = [{transform_indices = #map}, {transform_indices = #map}, {transform_indices = #map}, {transform_indices = #map1}]} {
    %mul3A = arith.constant 16 : i32
    %mul3A_0 = arith.muli %arg0, %mul3A : i32
    %add3A = arith.addi %mul3A_0, %arg1 : i32
    %mul3A_1 = arith.constant 80 : i32
    %mul3A_2 = arith.muli %add3A, %mul3A_1 : i32
    %lt3A = arith.constant 15 : i32
    %lt3A_3 = arith.cmpi slt, %arg1, %lt3A : i32
    %convert_element_type3A = arith.extui %lt3A_3 : i1 to i32
    %cond3A = arith.constant 0 : i32
    %cond3A_4 = arith.cmpi ne, %convert_element_type3A, %cond3A : i32
    scf.if %cond3A_4 {
      %mul3A_140 = arith.constant 632 : i32
      %mul3A_141 = arith.muli %arg1, %mul3A_140 : i32
      "tpu.region"() ({
        %run_scoped3A = tpu.sem_alloc : memref<!tpu.dma_semaphore, #tpu.memory_space<semaphore_mem>>
        %dma_start3A_142 = arith.constant 0 : i32
        %dma_start3A_143 = tpu.memref_slice %arg6[%mul3A_141, %dma_start3A_142] : memref<10064x128xf32, #tpu.memory_space<vmem_shared>> -> memref<632x128xf32, #tpu.memory_space<vmem_shared>>
        %dma_start3A_144 = arith.constant 0 : i32
        %dma_start3A_145 = tpu.memref_slice %arg2[%mul3A_141, %dma_start3A_144] : memref<10064x128xf32, #tpu.memory_space<hbm>> -> memref<632x128xf32, #tpu.memory_space<hbm>>
        tpu.enqueue_dma source(%dma_start3A_145 : memref<632x128xf32, #tpu.memory_space<hbm>>) target(%dma_start3A_143 : memref<632x128xf32, #tpu.memory_space<vmem_shared>>) target_semaphore(%run_scoped3A : memref<!tpu.dma_semaphore, #tpu.memory_space<semaphore_mem>>)
        %dma_wait3A_146 = arith.constant 0 : i32
        %dma_wait3A_147 = tpu.memref_slice %arg6[%mul3A_141, %dma_wait3A_146] : memref<10064x128xf32, #tpu.memory_space<vmem_shared>> -> memref<632x128xf32, #tpu.memory_space<vmem_shared>>
        %dma_wait3A_148 = arith.constant 0 : i32
        %dma_wait3A_149 = tpu.memref_slice %arg2[%mul3A_141, %dma_wait3A_148] : memref<10064x128xf32, #tpu.memory_space<hbm>> -> memref<632x128xf32, #tpu.memory_space<hbm>>
        tpu.wait_dma2 semaphore(%run_scoped3A : memref<!tpu.dma_semaphore, #tpu.memory_space<semaphore_mem>>) src(%dma_wait3A_149 : memref<632x128xf32, #tpu.memory_space<hbm>>) dst(%dma_wait3A_147 : memref<632x128xf32, #tpu.memory_space<vmem_shared>>)
        tpu.yield
      }) : () -> ()
    } else {
    }
    %eq3A = arith.constant 15 : i32
    %eq3A_5 = arith.cmpi eq, %arg1, %eq3A : i32
    %convert_element_type3A_6 = arith.extui %eq3A_5 : i1 to i32
    %cond3A_7 = arith.constant 0 : i32
    %cond3A_8 = arith.cmpi ne, %convert_element_type3A_6, %cond3A_7 : i32
    scf.if %cond3A_8 {
      "tpu.region"() ({
        %run_scoped3A = tpu.sem_alloc : memref<!tpu.dma_semaphore, #tpu.memory_space<semaphore_mem>>
        %dma_start3A_140 = arith.constant 9480 : i32
        %dma_start3A_141 = arith.constant 0 : i32
        %dma_start3A_142 = tpu.memref_slice %arg6[%dma_start3A_140, %dma_start3A_141] : memref<10064x128xf32, #tpu.memory_space<vmem_shared>> -> memref<584x128xf32, #tpu.memory_space<vmem_shared>>
        %dma_start3A_143 = arith.constant 9480 : i32
        %dma_start3A_144 = arith.constant 0 : i32
        %dma_start3A_145 = tpu.memref_slice %arg2[%dma_start3A_143, %dma_start3A_144] : memref<10064x128xf32, #tpu.memory_space<hbm>> -> memref<584x128xf32, #tpu.memory_space<hbm>>
        tpu.enqueue_dma source(%dma_start3A_145 : memref<584x128xf32, #tpu.memory_space<hbm>>) target(%dma_start3A_142 : memref<584x128xf32, #tpu.memory_space<vmem_shared>>) target_semaphore(%run_scoped3A : memref<!tpu.dma_semaphore, #tpu.memory_space<semaphore_mem>>)
        %dma_wait3A_146 = arith.constant 9480 : i32
        %dma_wait3A_147 = arith.constant 0 : i32
        %dma_wait3A_148 = tpu.memref_slice %arg6[%dma_wait3A_146, %dma_wait3A_147] : memref<10064x128xf32, #tpu.memory_space<vmem_shared>> -> memref<584x128xf32, #tpu.memory_space<vmem_shared>>
        %dma_wait3A_149 = arith.constant 9480 : i32
        %dma_wait3A_150 = arith.constant 0 : i32
        %dma_wait3A_151 = tpu.memref_slice %arg2[%dma_wait3A_149, %dma_wait3A_150] : memref<10064x128xf32, #tpu.memory_space<hbm>> -> memref<584x128xf32, #tpu.memory_space<hbm>>
        tpu.wait_dma2 semaphore(%run_scoped3A : memref<!tpu.dma_semaphore, #tpu.memory_space<semaphore_mem>>) src(%dma_wait3A_151 : memref<584x128xf32, #tpu.memory_space<hbm>>) dst(%dma_wait3A_148 : memref<584x128xf32, #tpu.memory_space<vmem_shared>>)
        tpu.yield
      }) : () -> ()
    } else {
    }
    %barrier3A = arith.constant 0 : index
    tpu.barrier barrier_id(%barrier3A)
    %add3A_9 = arith.constant 0 : i32
    %add3A_10 = arith.addi %mul3A_2, %add3A_9 : i32
    %dma_start3A = arith.constant 0 : i32
    %dma_start3A_11 = tpu.memref_slice %arg3[%add3A_10, %dma_start3A] : memref<2560x128xi32, #tpu.memory_space<hbm>> -> memref<1x128xi32, #tpu.memory_space<hbm>>
    %dma_start3A_12 = tpu.memref_squeeze %dma_start3A_11 : memref<1x128xi32, #tpu.memory_space<hbm>> -> memref<128xi32, #tpu.memory_space<hbm>>
    %dma_start3A_13 = arith.constant 0 : i32
    %dma_start3A_14 = tpu.memref_slice %arg3[%add3A_10, %dma_start3A_13] : memref<2560x128xi32, #tpu.memory_space<hbm>> -> memref<1x128xi32, #tpu.memory_space<hbm>>
    %dma_start3A_15 = tpu.memref_squeeze %dma_start3A_14 : memref<1x128xi32, #tpu.memory_space<hbm>> -> memref<128xi32, #tpu.memory_space<hbm>>
    tpu.enqueue_dma source(%dma_start3A_15 : memref<128xi32, #tpu.memory_space<hbm>>) target(%arg7 : memref<128xi32, #tpu.memory_space<vmem>>) target_semaphore(%arg16 : memref<!tpu.dma_semaphore, #tpu.memory_space<semaphore_mem>>)
    %add3A_16 = arith.constant 0 : i32
    %add3A_17 = arith.addi %mul3A_2, %add3A_16 : i32
    %dma_start3A_18 = arith.constant 0 : i32
    %dma_start3A_19 = tpu.memref_slice %arg4[%add3A_17, %dma_start3A_18] : memref<2560x128xi32, #tpu.memory_space<hbm>> -> memref<1x128xi32, #tpu.memory_space<hbm>>
    %dma_start3A_20 = tpu.memref_squeeze %dma_start3A_19 : memref<1x128xi32, #tpu.memory_space<hbm>> -> memref<128xi32, #tpu.memory_space<hbm>>
    %dma_start3A_21 = arith.constant 0 : i32
    %dma_start3A_22 = tpu.memref_slice %arg4[%add3A_17, %dma_start3A_21] : memref<2560x128xi32, #tpu.memory_space<hbm>> -> memref<1x128xi32, #tpu.memory_space<hbm>>
    %dma_start3A_23 = tpu.memref_squeeze %dma_start3A_22 : memref<1x128xi32, #tpu.memory_space<hbm>> -> memref<128xi32, #tpu.memory_space<hbm>>
    tpu.enqueue_dma source(%dma_start3A_23 : memref<128xi32, #tpu.memory_space<hbm>>) target(%arg10 : memref<128xi32, #tpu.memory_space<vmem>>) target_semaphore(%arg16 : memref<!tpu.dma_semaphore, #tpu.memory_space<semaphore_mem>>)
    %add3A_24 = arith.constant 1 : i32
    %add3A_25 = arith.addi %mul3A_2, %add3A_24 : i32
    %dma_start3A_26 = arith.constant 0 : i32
    %dma_start3A_27 = tpu.memref_slice %arg3[%add3A_25, %dma_start3A_26] : memref<2560x128xi32, #tpu.memory_space<hbm>> -> memref<1x128xi32, #tpu.memory_space<hbm>>
    %dma_start3A_28 = tpu.memref_squeeze %dma_start3A_27 : memref<1x128xi32, #tpu.memory_space<hbm>> -> memref<128xi32, #tpu.memory_space<hbm>>
    %dma_start3A_29 = arith.constant 0 : i32
    %dma_start3A_30 = tpu.memref_slice %arg3[%add3A_25, %dma_start3A_29] : memref<2560x128xi32, #tpu.memory_space<hbm>> -> memref<1x128xi32, #tpu.memory_space<hbm>>
    %dma_start3A_31 = tpu.memref_squeeze %dma_start3A_30 : memref<1x128xi32, #tpu.memory_space<hbm>> -> memref<128xi32, #tpu.memory_space<hbm>>
    tpu.enqueue_dma source(%dma_start3A_31 : memref<128xi32, #tpu.memory_space<hbm>>) target(%arg8 : memref<128xi32, #tpu.memory_space<vmem>>) target_semaphore(%arg17 : memref<!tpu.dma_semaphore, #tpu.memory_space<semaphore_mem>>)
    %add3A_32 = arith.constant 1 : i32
    %add3A_33 = arith.addi %mul3A_2, %add3A_32 : i32
    %dma_start3A_34 = arith.constant 0 : i32
    %dma_start3A_35 = tpu.memref_slice %arg4[%add3A_33, %dma_start3A_34] : memref<2560x128xi32, #tpu.memory_space<hbm>> -> memref<1x128xi32, #tpu.memory_space<hbm>>
    %dma_start3A_36 = tpu.memref_squeeze %dma_start3A_35 : memref<1x128xi32, #tpu.memory_space<hbm>> -> memref<128xi32, #tpu.memory_space<hbm>>
    %dma_start3A_37 = arith.constant 0 : i32
    %dma_start3A_38 = tpu.memref_slice %arg4[%add3A_33, %dma_start3A_37] : memref<2560x128xi32, #tpu.memory_space<hbm>> -> memref<1x128xi32, #tpu.memory_space<hbm>>
    %dma_start3A_39 = tpu.memref_squeeze %dma_start3A_38 : memref<1x128xi32, #tpu.memory_space<hbm>> -> memref<128xi32, #tpu.memory_space<hbm>>
    tpu.enqueue_dma source(%dma_start3A_39 : memref<128xi32, #tpu.memory_space<hbm>>) target(%arg11 : memref<128xi32, #tpu.memory_space<vmem>>) target_semaphore(%arg17 : memref<!tpu.dma_semaphore, #tpu.memory_space<semaphore_mem>>)
    %dma_wait3A = arith.constant 0 : i32
    %dma_wait3A_40 = arith.constant 0 : i32
    %dma_wait3A_41 = tpu.memref_slice %arg3[%dma_wait3A, %dma_wait3A_40] : memref<2560x128xi32, #tpu.memory_space<hbm>> -> memref<1x128xi32, #tpu.memory_space<hbm>>
    %dma_wait3A_42 = tpu.memref_squeeze %dma_wait3A_41 : memref<1x128xi32, #tpu.memory_space<hbm>> -> memref<128xi32, #tpu.memory_space<hbm>>
    %dma_wait3A_43 = arith.constant 0 : i32
    %dma_wait3A_44 = tpu.memref_slice %arg3[%dma_wait3A, %dma_wait3A_43] : memref<2560x128xi32, #tpu.memory_space<hbm>> -> memref<1x128xi32, #tpu.memory_space<hbm>>
    %dma_wait3A_45 = tpu.memref_squeeze %dma_wait3A_44 : memref<1x128xi32, #tpu.memory_space<hbm>> -> memref<128xi32, #tpu.memory_space<hbm>>
    tpu.wait_dma2 semaphore(%arg16 : memref<!tpu.dma_semaphore, #tpu.memory_space<semaphore_mem>>) src(%dma_wait3A_45 : memref<128xi32, #tpu.memory_space<hbm>>) dst(%arg7 : memref<128xi32, #tpu.memory_space<vmem>>)
    %dma_wait3A_46 = arith.constant 0 : i32
    %dma_wait3A_47 = arith.constant 0 : i32
    %dma_wait3A_48 = tpu.memref_slice %arg4[%dma_wait3A_46, %dma_wait3A_47] : memref<2560x128xi32, #tpu.memory_space<hbm>> -> memref<1x128xi32, #tpu.memory_space<hbm>>
    %dma_wait3A_49 = tpu.memref_squeeze %dma_wait3A_48 : memref<1x128xi32, #tpu.memory_space<hbm>> -> memref<128xi32, #tpu.memory_space<hbm>>
    %dma_wait3A_50 = arith.constant 0 : i32
    %dma_wait3A_51 = tpu.memref_slice %arg4[%dma_wait3A_46, %dma_wait3A_50] : memref<2560x128xi32, #tpu.memory_space<hbm>> -> memref<1x128xi32, #tpu.memory_space<hbm>>
    %dma_wait3A_52 = tpu.memref_squeeze %dma_wait3A_51 : memref<1x128xi32, #tpu.memory_space<hbm>> -> memref<128xi32, #tpu.memory_space<hbm>>
    tpu.wait_dma2 semaphore(%arg16 : memref<!tpu.dma_semaphore, #tpu.memory_space<semaphore_mem>>) src(%dma_wait3A_52 : memref<128xi32, #tpu.memory_space<hbm>>) dst(%arg10 : memref<128xi32, #tpu.memory_space<vmem>>)
    %dma_start3A_53 = arith.constant 0 : i32
    %dma_start3A_54 = arith.constant 0 : i32
    %dma_start3A_55 = tpu.memref_slice %arg2[%dma_start3A_53, %dma_start3A_54] : memref<10064x128xf32, #tpu.memory_space<hbm>> -> memref<10064x128xf32, #tpu.memory_space<hbm>>
    tpu.enqueue_indirect_dma source(%dma_start3A_55 : memref<10064x128xf32, #tpu.memory_space<hbm>>) target(%arg13 : memref<128x128xf32, #tpu.memory_space<vmem>>) offsets(%arg7 : memref<128xi32, #tpu.memory_space<vmem>>) semaphore(%arg19 : memref<!tpu.dma_semaphore, #tpu.memory_space<semaphore_mem>>)
    %add3A_56 = arith.constant 2 : i32
    %add3A_57 = arith.addi %mul3A_2, %add3A_56 : i32
    %dma_start3A_58 = arith.constant 0 : i32
    %dma_start3A_59 = tpu.memref_slice %arg3[%add3A_57, %dma_start3A_58] : memref<2560x128xi32, #tpu.memory_space<hbm>> -> memref<1x128xi32, #tpu.memory_space<hbm>>
    %dma_start3A_60 = tpu.memref_squeeze %dma_start3A_59 : memref<1x128xi32, #tpu.memory_space<hbm>> -> memref<128xi32, #tpu.memory_space<hbm>>
    %dma_start3A_61 = arith.constant 0 : i32
    %dma_start3A_62 = tpu.memref_slice %arg3[%add3A_57, %dma_start3A_61] : memref<2560x128xi32, #tpu.memory_space<hbm>> -> memref<1x128xi32, #tpu.memory_space<hbm>>
    %dma_start3A_63 = tpu.memref_squeeze %dma_start3A_62 : memref<1x128xi32, #tpu.memory_space<hbm>> -> memref<128xi32, #tpu.memory_space<hbm>>
    tpu.enqueue_dma source(%dma_start3A_63 : memref<128xi32, #tpu.memory_space<hbm>>) target(%arg9 : memref<128xi32, #tpu.memory_space<vmem>>) target_semaphore(%arg18 : memref<!tpu.dma_semaphore, #tpu.memory_space<semaphore_mem>>)
    %add3A_64 = arith.constant 2 : i32
    %add3A_65 = arith.addi %mul3A_2, %add3A_64 : i32
    %dma_start3A_66 = arith.constant 0 : i32
    %dma_start3A_67 = tpu.memref_slice %arg4[%add3A_65, %dma_start3A_66] : memref<2560x128xi32, #tpu.memory_space<hbm>> -> memref<1x128xi32, #tpu.memory_space<hbm>>
    %dma_start3A_68 = tpu.memref_squeeze %dma_start3A_67 : memref<1x128xi32, #tpu.memory_space<hbm>> -> memref<128xi32, #tpu.memory_space<hbm>>
    %dma_start3A_69 = arith.constant 0 : i32
    %dma_start3A_70 = tpu.memref_slice %arg4[%add3A_65, %dma_start3A_69] : memref<2560x128xi32, #tpu.memory_space<hbm>> -> memref<1x128xi32, #tpu.memory_space<hbm>>
    %dma_start3A_71 = tpu.memref_squeeze %dma_start3A_70 : memref<1x128xi32, #tpu.memory_space<hbm>> -> memref<128xi32, #tpu.memory_space<hbm>>
    tpu.enqueue_dma source(%dma_start3A_71 : memref<128xi32, #tpu.memory_space<hbm>>) target(%arg12 : memref<128xi32, #tpu.memory_space<vmem>>) target_semaphore(%arg18 : memref<!tpu.dma_semaphore, #tpu.memory_space<semaphore_mem>>)
    %scan3A = arith.constant 0 : i32
    %scan3A_72 = arith.constant 26 : i32
    %scan3A_73 = arith.addi %scan3A, %scan3A_72 : i32
    %scan3A_74 = arith.constant 1 : i32
    scf.for %scan3A_140 = %scan3A to %scan3A_73 step %scan3A_74  : i32 {
      %mul3A_141 = arith.constant 1 : i32
      %mul3A_142 = arith.muli %scan3A_140, %mul3A_141 : i32
      %add3A_143 = arith.constant 0 : i32
      %add3A_144 = arith.addi %add3A_143, %mul3A_142 : i32
      %mul3A_145 = arith.constant 3 : i32
      %mul3A_146 = arith.muli %mul3A_145, %add3A_144 : i32
      %add3A_147 = arith.constant 1 : i32
      %add3A_148 = arith.addi %mul3A_146, %add3A_147 : i32
      %add3A_149 = arith.constant 0 : i32
      %add3A_150 = arith.addi %add3A_148, %add3A_149 : i32
      %dma_wait3A_151 = arith.constant 0 : i32
      %dma_wait3A_152 = arith.constant 0 : i32
      %dma_wait3A_153 = tpu.memref_slice %arg3[%dma_wait3A_151, %dma_wait3A_152] : memref<2560x128xi32, #tpu.memory_space<hbm>> -> memref<1x128xi32, #tpu.memory_space<hbm>>
      %dma_wait3A_154 = tpu.memref_squeeze %dma_wait3A_153 : memref<1x128xi32, #tpu.memory_space<hbm>> -> memref<128xi32, #tpu.memory_space<hbm>>
      %dma_wait3A_155 = arith.constant 0 : i32
      %dma_wait3A_156 = tpu.memref_slice %arg3[%dma_wait3A_151, %dma_wait3A_155] : memref<2560x128xi32, #tpu.memory_space<hbm>> -> memref<1x128xi32, #tpu.memory_space<hbm>>
      %dma_wait3A_157 = tpu.memref_squeeze %dma_wait3A_156 : memref<1x128xi32, #tpu.memory_space<hbm>> -> memref<128xi32, #tpu.memory_space<hbm>>
      tpu.wait_dma2 semaphore(%arg17 : memref<!tpu.dma_semaphore, #tpu.memory_space<semaphore_mem>>) src(%dma_wait3A_157 : memref<128xi32, #tpu.memory_space<hbm>>) dst(%arg8 : memref<128xi32, #tpu.memory_space<vmem>>)
      %dma_wait3A_158 = arith.constant 0 : i32
      %dma_wait3A_159 = arith.constant 0 : i32
      %dma_wait3A_160 = tpu.memref_slice %arg4[%dma_wait3A_158, %dma_wait3A_159] : memref<2560x128xi32, #tpu.memory_space<hbm>> -> memref<1x128xi32, #tpu.memory_space<hbm>>
      %dma_wait3A_161 = tpu.memref_squeeze %dma_wait3A_160 : memref<1x128xi32, #tpu.memory_space<hbm>> -> memref<128xi32, #tpu.memory_space<hbm>>
      %dma_wait3A_162 = arith.constant 0 : i32
      %dma_wait3A_163 = tpu.memref_slice %arg4[%dma_wait3A_158, %dma_wait3A_162] : memref<2560x128xi32, #tpu.memory_space<hbm>> -> memref<1x128xi32, #tpu.memory_space<hbm>>
      %dma_wait3A_164 = tpu.memref_squeeze %dma_wait3A_163 : memref<1x128xi32, #tpu.memory_space<hbm>> -> memref<128xi32, #tpu.memory_space<hbm>>
      tpu.wait_dma2 semaphore(%arg17 : memref<!tpu.dma_semaphore, #tpu.memory_space<semaphore_mem>>) src(%dma_wait3A_164 : memref<128xi32, #tpu.memory_space<hbm>>) dst(%arg11 : memref<128xi32, #tpu.memory_space<vmem>>)
      %dma_start3A_165 = arith.constant 0 : i32
      %dma_start3A_166 = arith.constant 0 : i32
      %dma_start3A_167 = tpu.memref_slice %arg2[%dma_start3A_165, %dma_start3A_166] : memref<10064x128xf32, #tpu.memory_space<hbm>> -> memref<10064x128xf32, #tpu.memory_space<hbm>>
      tpu.enqueue_indirect_dma source(%dma_start3A_167 : memref<10064x128xf32, #tpu.memory_space<hbm>>) target(%arg14 : memref<128x128xf32, #tpu.memory_space<vmem>>) offsets(%arg8 : memref<128xi32, #tpu.memory_space<vmem>>) semaphore(%arg20 : memref<!tpu.dma_semaphore, #tpu.memory_space<semaphore_mem>>)
      %ge3A = arith.constant 2 : i32
      %ge3A_168 = arith.cmpi sge, %add3A_150, %ge3A : i32
      %convert_element_type3A_169 = arith.extui %ge3A_168 : i1 to i32
      %cond3A_170 = arith.constant 0 : i32
      %cond3A_171 = arith.cmpi ne, %convert_element_type3A_169, %cond3A_170 : i32
      scf.if %cond3A_171 {
        %dma_wait3A_255 = arith.constant 0 : i32
        %dma_wait3A_256 = arith.constant 0 : i32
        %dma_wait3A_257 = tpu.memref_slice %arg2[%dma_wait3A_255, %dma_wait3A_256] : memref<10064x128xf32, #tpu.memory_space<hbm>> -> memref<128x128xf32, #tpu.memory_space<hbm>>
        %dma_wait3A_258 = arith.constant 0 : i32
        %dma_wait3A_259 = arith.constant 0 : i32
        %dma_wait3A_260 = tpu.memref_slice %arg2[%dma_wait3A_258, %dma_wait3A_259] : memref<10064x128xf32, #tpu.memory_space<hbm>> -> memref<128x128xf32, #tpu.memory_space<hbm>>
        tpu.wait_dma2 semaphore(%arg24 : memref<!tpu.dma_semaphore, #tpu.memory_space<semaphore_mem>>) src(%dma_wait3A_260 : memref<128x128xf32, #tpu.memory_space<hbm>>) dst(%arg15 : memref<128x128xf32, #tpu.memory_space<vmem>>)
        %add3A_261 = arith.constant 1 : i32
        %add3A_262 = arith.addi %add3A_150, %add3A_261 : i32
        %add3A_263 = arith.addi %mul3A_2, %add3A_262 : i32
        %dma_start3A_264 = arith.constant 0 : i32
        %dma_start3A_265 = tpu.memref_slice %arg3[%add3A_263, %dma_start3A_264] : memref<2560x128xi32, #tpu.memory_space<hbm>> -> memref<1x128xi32, #tpu.memory_space<hbm>>
        %dma_start3A_266 = tpu.memref_squeeze %dma_start3A_265 : memref<1x128xi32, #tpu.memory_space<hbm>> -> memref<128xi32, #tpu.memory_space<hbm>>
        %dma_start3A_267 = arith.constant 0 : i32
        %dma_start3A_268 = tpu.memref_slice %arg3[%add3A_263, %dma_start3A_267] : memref<2560x128xi32, #tpu.memory_space<hbm>> -> memref<1x128xi32, #tpu.memory_space<hbm>>
        %dma_start3A_269 = tpu.memref_squeeze %dma_start3A_268 : memref<1x128xi32, #tpu.memory_space<hbm>> -> memref<128xi32, #tpu.memory_space<hbm>>
        tpu.enqueue_dma source(%dma_start3A_269 : memref<128xi32, #tpu.memory_space<hbm>>) target(%arg9 : memref<128xi32, #tpu.memory_space<vmem>>) target_semaphore(%arg18 : memref<!tpu.dma_semaphore, #tpu.memory_space<semaphore_mem>>)
        %add3A_270 = arith.addi %mul3A_2, %add3A_262 : i32
        %dma_start3A_271 = arith.constant 0 : i32
        %dma_start3A_272 = tpu.memref_slice %arg4[%add3A_270, %dma_start3A_271] : memref<2560x128xi32, #tpu.memory_space<hbm>> -> memref<1x128xi32, #tpu.memory_space<hbm>>
        %dma_start3A_273 = tpu.memref_squeeze %dma_start3A_272 : memref<1x128xi32, #tpu.memory_space<hbm>> -> memref<128xi32, #tpu.memory_space<hbm>>
        %dma_start3A_274 = arith.constant 0 : i32
        %dma_start3A_275 = tpu.memref_slice %arg4[%add3A_270, %dma_start3A_274] : memref<2560x128xi32, #tpu.memory_space<hbm>> -> memref<1x128xi32, #tpu.memory_space<hbm>>
        %dma_start3A_276 = tpu.memref_squeeze %dma_start3A_275 : memref<1x128xi32, #tpu.memory_space<hbm>> -> memref<128xi32, #tpu.memory_space<hbm>>
        tpu.enqueue_dma source(%dma_start3A_276 : memref<128xi32, #tpu.memory_space<hbm>>) target(%arg12 : memref<128xi32, #tpu.memory_space<vmem>>) target_semaphore(%arg18 : memref<!tpu.dma_semaphore, #tpu.memory_space<semaphore_mem>>)
      } else {
      }
      %dma_wait3A_172 = arith.constant 0 : i32
      %dma_wait3A_173 = arith.constant 0 : i32
      %dma_wait3A_174 = tpu.memref_slice %arg2[%dma_wait3A_172, %dma_wait3A_173] : memref<10064x128xf32, #tpu.memory_space<hbm>> -> memref<128x128xf32, #tpu.memory_space<hbm>>
      %dma_wait3A_175 = arith.constant 0 : i32
      %dma_wait3A_176 = arith.constant 0 : i32
      %dma_wait3A_177 = tpu.memref_slice %arg2[%dma_wait3A_175, %dma_wait3A_176] : memref<10064x128xf32, #tpu.memory_space<hbm>> -> memref<128x128xf32, #tpu.memory_space<hbm>>
      tpu.wait_dma2 semaphore(%arg19 : memref<!tpu.dma_semaphore, #tpu.memory_space<semaphore_mem>>) src(%dma_wait3A_177 : memref<128x128xf32, #tpu.memory_space<hbm>>) dst(%arg13 : memref<128x128xf32, #tpu.memory_space<vmem>>)
      %dma_start3A_178 = arith.constant 0 : i32
      %dma_start3A_179 = arith.constant 0 : i32
      %dma_start3A_180 = tpu.memref_slice %arg6[%dma_start3A_178, %dma_start3A_179] : memref<10064x128xf32, #tpu.memory_space<vmem_shared>> -> memref<10064x128xf32, #tpu.memory_space<vmem_shared>>
      tpu.enqueue_indirect_dma source(%arg13 : memref<128x128xf32, #tpu.memory_space<vmem>>) target(%dma_start3A_180 : memref<10064x128xf32, #tpu.memory_space<vmem_shared>>) offsets(%arg10 : memref<128xi32, #tpu.memory_space<vmem>>) semaphore(%arg22 : memref<!tpu.dma_semaphore, #tpu.memory_space<semaphore_mem>>) {add = true}
      %mul3A_181 = arith.constant 3 : i32
      %mul3A_182 = arith.muli %mul3A_181, %add3A_144 : i32
      %add3A_183 = arith.constant 1 : i32
      %add3A_184 = arith.addi %mul3A_182, %add3A_183 : i32
      %add3A_185 = arith.constant 1 : i32
      %add3A_186 = arith.addi %add3A_184, %add3A_185 : i32
      %dma_wait3A_187 = arith.constant 0 : i32
      %dma_wait3A_188 = arith.constant 0 : i32
      %dma_wait3A_189 = tpu.memref_slice %arg3[%dma_wait3A_187, %dma_wait3A_188] : memref<2560x128xi32, #tpu.memory_space<hbm>> -> memref<1x128xi32, #tpu.memory_space<hbm>>
      %dma_wait3A_190 = tpu.memref_squeeze %dma_wait3A_189 : memref<1x128xi32, #tpu.memory_space<hbm>> -> memref<128xi32, #tpu.memory_space<hbm>>
      %dma_wait3A_191 = arith.constant 0 : i32
      %dma_wait3A_192 = tpu.memref_slice %arg3[%dma_wait3A_187, %dma_wait3A_191] : memref<2560x128xi32, #tpu.memory_space<hbm>> -> memref<1x128xi32, #tpu.memory_space<hbm>>
      %dma_wait3A_193 = tpu.memref_squeeze %dma_wait3A_192 : memref<1x128xi32, #tpu.memory_space<hbm>> -> memref<128xi32, #tpu.memory_space<hbm>>
      tpu.wait_dma2 semaphore(%arg18 : memref<!tpu.dma_semaphore, #tpu.memory_space<semaphore_mem>>) src(%dma_wait3A_193 : memref<128xi32, #tpu.memory_space<hbm>>) dst(%arg9 : memref<128xi32, #tpu.memory_space<vmem>>)
      %dma_wait3A_194 = arith.constant 0 : i32
      %dma_wait3A_195 = arith.constant 0 : i32
      %dma_wait3A_196 = tpu.memref_slice %arg4[%dma_wait3A_194, %dma_wait3A_195] : memref<2560x128xi32, #tpu.memory_space<hbm>> -> memref<1x128xi32, #tpu.memory_space<hbm>>
      %dma_wait3A_197 = tpu.memref_squeeze %dma_wait3A_196 : memref<1x128xi32, #tpu.memory_space<hbm>> -> memref<128xi32, #tpu.memory_space<hbm>>
      %dma_wait3A_198 = arith.constant 0 : i32
      %dma_wait3A_199 = tpu.memref_slice %arg4[%dma_wait3A_194, %dma_wait3A_198] : memref<2560x128xi32, #tpu.memory_space<hbm>> -> memref<1x128xi32, #tpu.memory_space<hbm>>
      %dma_wait3A_200 = tpu.memref_squeeze %dma_wait3A_199 : memref<1x128xi32, #tpu.memory_space<hbm>> -> memref<128xi32, #tpu.memory_space<hbm>>
      tpu.wait_dma2 semaphore(%arg18 : memref<!tpu.dma_semaphore, #tpu.memory_space<semaphore_mem>>) src(%dma_wait3A_200 : memref<128xi32, #tpu.memory_space<hbm>>) dst(%arg12 : memref<128xi32, #tpu.memory_space<vmem>>)
      %dma_start3A_201 = arith.constant 0 : i32
      %dma_start3A_202 = arith.constant 0 : i32
      %dma_start3A_203 = tpu.memref_slice %arg2[%dma_start3A_201, %dma_start3A_202] : memref<10064x128xf32, #tpu.memory_space<hbm>> -> memref<10064x128xf32, #tpu.memory_space<hbm>>
      tpu.enqueue_indirect_dma source(%dma_start3A_203 : memref<10064x128xf32, #tpu.memory_space<hbm>>) target(%arg15 : memref<128x128xf32, #tpu.memory_space<vmem>>) offsets(%arg9 : memref<128xi32, #tpu.memory_space<vmem>>) semaphore(%arg21 : memref<!tpu.dma_semaphore, #tpu.memory_space<semaphore_mem>>)
      %ge3A_204 = arith.constant 2 : i32
      %ge3A_205 = arith.cmpi sge, %add3A_186, %ge3A_204 : i32
      %convert_element_type3A_206 = arith.extui %ge3A_205 : i1 to i32
      %cond3A_207 = arith.constant 0 : i32
      %cond3A_208 = arith.cmpi ne, %convert_element_type3A_206, %cond3A_207 : i32
      scf.if %cond3A_208 {
        %dma_wait3A_255 = arith.constant 0 : i32
        %dma_wait3A_256 = arith.constant 0 : i32
        %dma_wait3A_257 = tpu.memref_slice %arg2[%dma_wait3A_255, %dma_wait3A_256] : memref<10064x128xf32, #tpu.memory_space<hbm>> -> memref<128x128xf32, #tpu.memory_space<hbm>>
        %dma_wait3A_258 = arith.constant 0 : i32
        %dma_wait3A_259 = arith.constant 0 : i32
        %dma_wait3A_260 = tpu.memref_slice %arg2[%dma_wait3A_258, %dma_wait3A_259] : memref<10064x128xf32, #tpu.memory_space<hbm>> -> memref<128x128xf32, #tpu.memory_space<hbm>>
        tpu.wait_dma2 semaphore(%arg22 : memref<!tpu.dma_semaphore, #tpu.memory_space<semaphore_mem>>) src(%dma_wait3A_260 : memref<128x128xf32, #tpu.memory_space<hbm>>) dst(%arg13 : memref<128x128xf32, #tpu.memory_space<vmem>>)
        %add3A_261 = arith.constant 1 : i32
        %add3A_262 = arith.addi %add3A_186, %add3A_261 : i32
        %add3A_263 = arith.addi %mul3A_2, %add3A_262 : i32
        %dma_start3A_264 = arith.constant 0 : i32
        %dma_start3A_265 = tpu.memref_slice %arg3[%add3A_263, %dma_start3A_264] : memref<2560x128xi32, #tpu.memory_space<hbm>> -> memref<1x128xi32, #tpu.memory_space<hbm>>
        %dma_start3A_266 = tpu.memref_squeeze %dma_start3A_265 : memref<1x128xi32, #tpu.memory_space<hbm>> -> memref<128xi32, #tpu.memory_space<hbm>>
        %dma_start3A_267 = arith.constant 0 : i32
        %dma_start3A_268 = tpu.memref_slice %arg3[%add3A_263, %dma_start3A_267] : memref<2560x128xi32, #tpu.memory_space<hbm>> -> memref<1x128xi32, #tpu.memory_space<hbm>>
        %dma_start3A_269 = tpu.memref_squeeze %dma_start3A_268 : memref<1x128xi32, #tpu.memory_space<hbm>> -> memref<128xi32, #tpu.memory_space<hbm>>
        tpu.enqueue_dma source(%dma_start3A_269 : memref<128xi32, #tpu.memory_space<hbm>>) target(%arg7 : memref<128xi32, #tpu.memory_space<vmem>>) target_semaphore(%arg16 : memref<!tpu.dma_semaphore, #tpu.memory_space<semaphore_mem>>)
        %add3A_270 = arith.addi %mul3A_2, %add3A_262 : i32
        %dma_start3A_271 = arith.constant 0 : i32
        %dma_start3A_272 = tpu.memref_slice %arg4[%add3A_270, %dma_start3A_271] : memref<2560x128xi32, #tpu.memory_space<hbm>> -> memref<1x128xi32, #tpu.memory_space<hbm>>
        %dma_start3A_273 = tpu.memref_squeeze %dma_start3A_272 : memref<1x128xi32, #tpu.memory_space<hbm>> -> memref<128xi32, #tpu.memory_space<hbm>>
        %dma_start3A_274 = arith.constant 0 : i32
        %dma_start3A_275 = tpu.memref_slice %arg4[%add3A_270, %dma_start3A_274] : memref<2560x128xi32, #tpu.memory_space<hbm>> -> memref<1x128xi32, #tpu.memory_space<hbm>>
        %dma_start3A_276 = tpu.memref_squeeze %dma_start3A_275 : memref<1x128xi32, #tpu.memory_space<hbm>> -> memref<128xi32, #tpu.memory_space<hbm>>
        tpu.enqueue_dma source(%dma_start3A_276 : memref<128xi32, #tpu.memory_space<hbm>>) target(%arg10 : memref<128xi32, #tpu.memory_space<vmem>>) target_semaphore(%arg16 : memref<!tpu.dma_semaphore, #tpu.memory_space<semaphore_mem>>)
      } else {
      }
      %dma_wait3A_209 = arith.constant 0 : i32
      %dma_wait3A_210 = arith.constant 0 : i32
      %dma_wait3A_211 = tpu.memref_slice %arg2[%dma_wait3A_209, %dma_wait3A_210] : memref<10064x128xf32, #tpu.memory_space<hbm>> -> memref<128x128xf32, #tpu.memory_space<hbm>>
      %dma_wait3A_212 = arith.constant 0 : i32
      %dma_wait3A_213 = arith.constant 0 : i32
      %dma_wait3A_214 = tpu.memref_slice %arg2[%dma_wait3A_212, %dma_wait3A_213] : memref<10064x128xf32, #tpu.memory_space<hbm>> -> memref<128x128xf32, #tpu.memory_space<hbm>>
      tpu.wait_dma2 semaphore(%arg20 : memref<!tpu.dma_semaphore, #tpu.memory_space<semaphore_mem>>) src(%dma_wait3A_214 : memref<128x128xf32, #tpu.memory_space<hbm>>) dst(%arg14 : memref<128x128xf32, #tpu.memory_space<vmem>>)
      %dma_start3A_215 = arith.constant 0 : i32
      %dma_start3A_216 = arith.constant 0 : i32
      %dma_start3A_217 = tpu.memref_slice %arg6[%dma_start3A_215, %dma_start3A_216] : memref<10064x128xf32, #tpu.memory_space<vmem_shared>> -> memref<10064x128xf32, #tpu.memory_space<vmem_shared>>
      tpu.enqueue_indirect_dma source(%arg14 : memref<128x128xf32, #tpu.memory_space<vmem>>) target(%dma_start3A_217 : memref<10064x128xf32, #tpu.memory_space<vmem_shared>>) offsets(%arg11 : memref<128xi32, #tpu.memory_space<vmem>>) semaphore(%arg23 : memref<!tpu.dma_semaphore, #tpu.memory_space<semaphore_mem>>) {add = true}
      %mul3A_218 = arith.constant 3 : i32
      %mul3A_219 = arith.muli %mul3A_218, %add3A_144 : i32
      %add3A_220 = arith.constant 1 : i32
      %add3A_221 = arith.addi %mul3A_219, %add3A_220 : i32
      %add3A_222 = arith.constant 2 : i32
      %add3A_223 = arith.addi %add3A_221, %add3A_222 : i32
      %dma_wait3A_224 = arith.constant 0 : i32
      %dma_wait3A_225 = arith.constant 0 : i32
      %dma_wait3A_226 = tpu.memref_slice %arg3[%dma_wait3A_224, %dma_wait3A_225] : memref<2560x128xi32, #tpu.memory_space<hbm>> -> memref<1x128xi32, #tpu.memory_space<hbm>>
      %dma_wait3A_227 = tpu.memref_squeeze %dma_wait3A_226 : memref<1x128xi32, #tpu.memory_space<hbm>> -> memref<128xi32, #tpu.memory_space<hbm>>
      %dma_wait3A_228 = arith.constant 0 : i32
      %dma_wait3A_229 = tpu.memref_slice %arg3[%dma_wait3A_224, %dma_wait3A_228] : memref<2560x128xi32, #tpu.memory_space<hbm>> -> memref<1x128xi32, #tpu.memory_space<hbm>>
      %dma_wait3A_230 = tpu.memref_squeeze %dma_wait3A_229 : memref<1x128xi32, #tpu.memory_space<hbm>> -> memref<128xi32, #tpu.memory_space<hbm>>
      tpu.wait_dma2 semaphore(%arg16 : memref<!tpu.dma_semaphore, #tpu.memory_space<semaphore_mem>>) src(%dma_wait3A_230 : memref<128xi32, #tpu.memory_space<hbm>>) dst(%arg7 : memref<128xi32, #tpu.memory_space<vmem>>)
      %dma_wait3A_231 = arith.constant 0 : i32
      %dma_wait3A_232 = arith.constant 0 : i32
      %dma_wait3A_233 = tpu.memref_slice %arg4[%dma_wait3A_231, %dma_wait3A_232] : memref<2560x128xi32, #tpu.memory_space<hbm>> -> memref<1x128xi32, #tpu.memory_space<hbm>>
      %dma_wait3A_234 = tpu.memref_squeeze %dma_wait3A_233 : memref<1x128xi32, #tpu.memory_space<hbm>> -> memref<128xi32, #tpu.memory_space<hbm>>
      %dma_wait3A_235 = arith.constant 0 : i32
      %dma_wait3A_236 = tpu.memref_slice %arg4[%dma_wait3A_231, %dma_wait3A_235] : memref<2560x128xi32, #tpu.memory_space<hbm>> -> memref<1x128xi32, #tpu.memory_space<hbm>>
      %dma_wait3A_237 = tpu.memref_squeeze %dma_wait3A_236 : memref<1x128xi32, #tpu.memory_space<hbm>> -> memref<128xi32, #tpu.memory_space<hbm>>
      tpu.wait_dma2 semaphore(%arg16 : memref<!tpu.dma_semaphore, #tpu.memory_space<semaphore_mem>>) src(%dma_wait3A_237 : memref<128xi32, #tpu.memory_space<hbm>>) dst(%arg10 : memref<128xi32, #tpu.memory_space<vmem>>)
      %dma_start3A_238 = arith.constant 0 : i32
      %dma_start3A_239 = arith.constant 0 : i32
      %dma_start3A_240 = tpu.memref_slice %arg2[%dma_start3A_238, %dma_start3A_239] : memref<10064x128xf32, #tpu.memory_space<hbm>> -> memref<10064x128xf32, #tpu.memory_space<hbm>>
      tpu.enqueue_indirect_dma source(%dma_start3A_240 : memref<10064x128xf32, #tpu.memory_space<hbm>>) target(%arg13 : memref<128x128xf32, #tpu.memory_space<vmem>>) offsets(%arg7 : memref<128xi32, #tpu.memory_space<vmem>>) semaphore(%arg19 : memref<!tpu.dma_semaphore, #tpu.memory_space<semaphore_mem>>)
      %ge3A_241 = arith.constant 2 : i32
      %ge3A_242 = arith.cmpi sge, %add3A_223, %ge3A_241 : i32
      %convert_element_type3A_243 = arith.extui %ge3A_242 : i1 to i32
      %cond3A_244 = arith.constant 0 : i32
      %cond3A_245 = arith.cmpi ne, %convert_element_type3A_243, %cond3A_244 : i32
      scf.if %cond3A_245 {
        %dma_wait3A_255 = arith.constant 0 : i32
        %dma_wait3A_256 = arith.constant 0 : i32
        %dma_wait3A_257 = tpu.memref_slice %arg2[%dma_wait3A_255, %dma_wait3A_256] : memref<10064x128xf32, #tpu.memory_space<hbm>> -> memref<128x128xf32, #tpu.memory_space<hbm>>
        %dma_wait3A_258 = arith.constant 0 : i32
        %dma_wait3A_259 = arith.constant 0 : i32
        %dma_wait3A_260 = tpu.memref_slice %arg2[%dma_wait3A_258, %dma_wait3A_259] : memref<10064x128xf32, #tpu.memory_space<hbm>> -> memref<128x128xf32, #tpu.memory_space<hbm>>
        tpu.wait_dma2 semaphore(%arg23 : memref<!tpu.dma_semaphore, #tpu.memory_space<semaphore_mem>>) src(%dma_wait3A_260 : memref<128x128xf32, #tpu.memory_space<hbm>>) dst(%arg14 : memref<128x128xf32, #tpu.memory_space<vmem>>)
        %add3A_261 = arith.constant 1 : i32
        %add3A_262 = arith.addi %add3A_223, %add3A_261 : i32
        %add3A_263 = arith.addi %mul3A_2, %add3A_262 : i32
        %dma_start3A_264 = arith.constant 0 : i32
        %dma_start3A_265 = tpu.memref_slice %arg3[%add3A_263, %dma_start3A_264] : memref<2560x128xi32, #tpu.memory_space<hbm>> -> memref<1x128xi32, #tpu.memory_space<hbm>>
        %dma_start3A_266 = tpu.memref_squeeze %dma_start3A_265 : memref<1x128xi32, #tpu.memory_space<hbm>> -> memref<128xi32, #tpu.memory_space<hbm>>
        %dma_start3A_267 = arith.constant 0 : i32
        %dma_start3A_268 = tpu.memref_slice %arg3[%add3A_263, %dma_start3A_267] : memref<2560x128xi32, #tpu.memory_space<hbm>> -> memref<1x128xi32, #tpu.memory_space<hbm>>
        %dma_start3A_269 = tpu.memref_squeeze %dma_start3A_268 : memref<1x128xi32, #tpu.memory_space<hbm>> -> memref<128xi32, #tpu.memory_space<hbm>>
        tpu.enqueue_dma source(%dma_start3A_269 : memref<128xi32, #tpu.memory_space<hbm>>) target(%arg8 : memref<128xi32, #tpu.memory_space<vmem>>) target_semaphore(%arg17 : memref<!tpu.dma_semaphore, #tpu.memory_space<semaphore_mem>>)
        %add3A_270 = arith.addi %mul3A_2, %add3A_262 : i32
        %dma_start3A_271 = arith.constant 0 : i32
        %dma_start3A_272 = tpu.memref_slice %arg4[%add3A_270, %dma_start3A_271] : memref<2560x128xi32, #tpu.memory_space<hbm>> -> memref<1x128xi32, #tpu.memory_space<hbm>>
        %dma_start3A_273 = tpu.memref_squeeze %dma_start3A_272 : memref<1x128xi32, #tpu.memory_space<hbm>> -> memref<128xi32, #tpu.memory_space<hbm>>
        %dma_start3A_274 = arith.constant 0 : i32
        %dma_start3A_275 = tpu.memref_slice %arg4[%add3A_270, %dma_start3A_274] : memref<2560x128xi32, #tpu.memory_space<hbm>> -> memref<1x128xi32, #tpu.memory_space<hbm>>
        %dma_start3A_276 = tpu.memref_squeeze %dma_start3A_275 : memref<1x128xi32, #tpu.memory_space<hbm>> -> memref<128xi32, #tpu.memory_space<hbm>>
        tpu.enqueue_dma source(%dma_start3A_276 : memref<128xi32, #tpu.memory_space<hbm>>) target(%arg11 : memref<128xi32, #tpu.memory_space<vmem>>) target_semaphore(%arg17 : memref<!tpu.dma_semaphore, #tpu.memory_space<semaphore_mem>>)
      } else {
      }
      %dma_wait3A_246 = arith.constant 0 : i32
      %dma_wait3A_247 = arith.constant 0 : i32
      %dma_wait3A_248 = tpu.memref_slice %arg2[%dma_wait3A_246, %dma_wait3A_247] : memref<10064x128xf32, #tpu.memory_space<hbm>> -> memref<128x128xf32, #tpu.memory_space<hbm>>
      %dma_wait3A_249 = arith.constant 0 : i32
      %dma_wait3A_250 = arith.constant 0 : i32
      %dma_wait3A_251 = tpu.memref_slice %arg2[%dma_wait3A_249, %dma_wait3A_250] : memref<10064x128xf32, #tpu.memory_space<hbm>> -> memref<128x128xf32, #tpu.memory_space<hbm>>
      tpu.wait_dma2 semaphore(%arg21 : memref<!tpu.dma_semaphore, #tpu.memory_space<semaphore_mem>>) src(%dma_wait3A_251 : memref<128x128xf32, #tpu.memory_space<hbm>>) dst(%arg15 : memref<128x128xf32, #tpu.memory_space<vmem>>)
      %dma_start3A_252 = arith.constant 0 : i32
      %dma_start3A_253 = arith.constant 0 : i32
      %dma_start3A_254 = tpu.memref_slice %arg6[%dma_start3A_252, %dma_start3A_253] : memref<10064x128xf32, #tpu.memory_space<vmem_shared>> -> memref<10064x128xf32, #tpu.memory_space<vmem_shared>>
      tpu.enqueue_indirect_dma source(%arg15 : memref<128x128xf32, #tpu.memory_space<vmem>>) target(%dma_start3A_254 : memref<10064x128xf32, #tpu.memory_space<vmem_shared>>) offsets(%arg12 : memref<128xi32, #tpu.memory_space<vmem>>) semaphore(%arg24 : memref<!tpu.dma_semaphore, #tpu.memory_space<semaphore_mem>>) {add = true}
    }
    %scan3A_75 = arith.constant 26 : i32
    %dma_wait3A_76 = arith.constant 0 : i32
    %dma_wait3A_77 = arith.constant 0 : i32
    %dma_wait3A_78 = tpu.memref_slice %arg3[%dma_wait3A_76, %dma_wait3A_77] : memref<2560x128xi32, #tpu.memory_space<hbm>> -> memref<1x128xi32, #tpu.memory_space<hbm>>
    %dma_wait3A_79 = tpu.memref_squeeze %dma_wait3A_78 : memref<1x128xi32, #tpu.memory_space<hbm>> -> memref<128xi32, #tpu.memory_space<hbm>>
    %dma_wait3A_80 = arith.constant 0 : i32
    %dma_wait3A_81 = tpu.memref_slice %arg3[%dma_wait3A_76, %dma_wait3A_80] : memref<2560x128xi32, #tpu.memory_space<hbm>> -> memref<1x128xi32, #tpu.memory_space<hbm>>
    %dma_wait3A_82 = tpu.memref_squeeze %dma_wait3A_81 : memref<1x128xi32, #tpu.memory_space<hbm>> -> memref<128xi32, #tpu.memory_space<hbm>>
    tpu.wait_dma2 semaphore(%arg17 : memref<!tpu.dma_semaphore, #tpu.memory_space<semaphore_mem>>) src(%dma_wait3A_82 : memref<128xi32, #tpu.memory_space<hbm>>) dst(%arg8 : memref<128xi32, #tpu.memory_space<vmem>>)
    %dma_wait3A_83 = arith.constant 0 : i32
    %dma_wait3A_84 = arith.constant 0 : i32
    %dma_wait3A_85 = tpu.memref_slice %arg4[%dma_wait3A_83, %dma_wait3A_84] : memref<2560x128xi32, #tpu.memory_space<hbm>> -> memref<1x128xi32, #tpu.memory_space<hbm>>
    %dma_wait3A_86 = tpu.memref_squeeze %dma_wait3A_85 : memref<1x128xi32, #tpu.memory_space<hbm>> -> memref<128xi32, #tpu.memory_space<hbm>>
    %dma_wait3A_87 = arith.constant 0 : i32
    %dma_wait3A_88 = tpu.memref_slice %arg4[%dma_wait3A_83, %dma_wait3A_87] : memref<2560x128xi32, #tpu.memory_space<hbm>> -> memref<1x128xi32, #tpu.memory_space<hbm>>
    %dma_wait3A_89 = tpu.memref_squeeze %dma_wait3A_88 : memref<1x128xi32, #tpu.memory_space<hbm>> -> memref<128xi32, #tpu.memory_space<hbm>>
    tpu.wait_dma2 semaphore(%arg17 : memref<!tpu.dma_semaphore, #tpu.memory_space<semaphore_mem>>) src(%dma_wait3A_89 : memref<128xi32, #tpu.memory_space<hbm>>) dst(%arg11 : memref<128xi32, #tpu.memory_space<vmem>>)
    %dma_start3A_90 = arith.constant 0 : i32
    %dma_start3A_91 = arith.constant 0 : i32
    %dma_start3A_92 = tpu.memref_slice %arg2[%dma_start3A_90, %dma_start3A_91] : memref<10064x128xf32, #tpu.memory_space<hbm>> -> memref<10064x128xf32, #tpu.memory_space<hbm>>
    tpu.enqueue_indirect_dma source(%dma_start3A_92 : memref<10064x128xf32, #tpu.memory_space<hbm>>) target(%arg14 : memref<128x128xf32, #tpu.memory_space<vmem>>) offsets(%arg8 : memref<128xi32, #tpu.memory_space<vmem>>) semaphore(%arg20 : memref<!tpu.dma_semaphore, #tpu.memory_space<semaphore_mem>>)
    %dma_wait3A_93 = arith.constant 0 : i32
    %dma_wait3A_94 = arith.constant 0 : i32
    %dma_wait3A_95 = tpu.memref_slice %arg2[%dma_wait3A_93, %dma_wait3A_94] : memref<10064x128xf32, #tpu.memory_space<hbm>> -> memref<128x128xf32, #tpu.memory_space<hbm>>
    %dma_wait3A_96 = arith.constant 0 : i32
    %dma_wait3A_97 = arith.constant 0 : i32
    %dma_wait3A_98 = tpu.memref_slice %arg2[%dma_wait3A_96, %dma_wait3A_97] : memref<10064x128xf32, #tpu.memory_space<hbm>> -> memref<128x128xf32, #tpu.memory_space<hbm>>
    tpu.wait_dma2 semaphore(%arg19 : memref<!tpu.dma_semaphore, #tpu.memory_space<semaphore_mem>>) src(%dma_wait3A_98 : memref<128x128xf32, #tpu.memory_space<hbm>>) dst(%arg13 : memref<128x128xf32, #tpu.memory_space<vmem>>)
    %dma_start3A_99 = arith.constant 0 : i32
    %dma_start3A_100 = arith.constant 0 : i32
    %dma_start3A_101 = tpu.memref_slice %arg6[%dma_start3A_99, %dma_start3A_100] : memref<10064x128xf32, #tpu.memory_space<vmem_shared>> -> memref<10064x128xf32, #tpu.memory_space<vmem_shared>>
    tpu.enqueue_indirect_dma source(%arg13 : memref<128x128xf32, #tpu.memory_space<vmem>>) target(%dma_start3A_101 : memref<10064x128xf32, #tpu.memory_space<vmem_shared>>) offsets(%arg10 : memref<128xi32, #tpu.memory_space<vmem>>) semaphore(%arg22 : memref<!tpu.dma_semaphore, #tpu.memory_space<semaphore_mem>>) {add = true}
    %dma_wait3A_102 = arith.constant 0 : i32
    %dma_wait3A_103 = arith.constant 0 : i32
    %dma_wait3A_104 = tpu.memref_slice %arg2[%dma_wait3A_102, %dma_wait3A_103] : memref<10064x128xf32, #tpu.memory_space<hbm>> -> memref<128x128xf32, #tpu.memory_space<hbm>>
    %dma_wait3A_105 = arith.constant 0 : i32
    %dma_wait3A_106 = arith.constant 0 : i32
    %dma_wait3A_107 = tpu.memref_slice %arg2[%dma_wait3A_105, %dma_wait3A_106] : memref<10064x128xf32, #tpu.memory_space<hbm>> -> memref<128x128xf32, #tpu.memory_space<hbm>>
    tpu.wait_dma2 semaphore(%arg20 : memref<!tpu.dma_semaphore, #tpu.memory_space<semaphore_mem>>) src(%dma_wait3A_107 : memref<128x128xf32, #tpu.memory_space<hbm>>) dst(%arg14 : memref<128x128xf32, #tpu.memory_space<vmem>>)
    %dma_start3A_108 = arith.constant 0 : i32
    %dma_start3A_109 = arith.constant 0 : i32
    %dma_start3A_110 = tpu.memref_slice %arg6[%dma_start3A_108, %dma_start3A_109] : memref<10064x128xf32, #tpu.memory_space<vmem_shared>> -> memref<10064x128xf32, #tpu.memory_space<vmem_shared>>
    tpu.enqueue_indirect_dma source(%arg14 : memref<128x128xf32, #tpu.memory_space<vmem>>) target(%dma_start3A_110 : memref<10064x128xf32, #tpu.memory_space<vmem_shared>>) offsets(%arg11 : memref<128xi32, #tpu.memory_space<vmem>>) semaphore(%arg23 : memref<!tpu.dma_semaphore, #tpu.memory_space<semaphore_mem>>) {add = true}
    %dma_wait3A_111 = arith.constant 0 : i32
    %dma_wait3A_112 = arith.constant 0 : i32
    %dma_wait3A_113 = tpu.memref_slice %arg2[%dma_wait3A_111, %dma_wait3A_112] : memref<10064x128xf32, #tpu.memory_space<hbm>> -> memref<128x128xf32, #tpu.memory_space<hbm>>
    %dma_wait3A_114 = arith.constant 0 : i32
    %dma_wait3A_115 = arith.constant 0 : i32
    %dma_wait3A_116 = tpu.memref_slice %arg2[%dma_wait3A_114, %dma_wait3A_115] : memref<10064x128xf32, #tpu.memory_space<hbm>> -> memref<128x128xf32, #tpu.memory_space<hbm>>
    tpu.wait_dma2 semaphore(%arg24 : memref<!tpu.dma_semaphore, #tpu.memory_space<semaphore_mem>>) src(%dma_wait3A_116 : memref<128x128xf32, #tpu.memory_space<hbm>>) dst(%arg15 : memref<128x128xf32, #tpu.memory_space<vmem>>)
    %dma_wait3A_117 = arith.constant 0 : i32
    %dma_wait3A_118 = arith.constant 0 : i32
    %dma_wait3A_119 = tpu.memref_slice %arg2[%dma_wait3A_117, %dma_wait3A_118] : memref<10064x128xf32, #tpu.memory_space<hbm>> -> memref<128x128xf32, #tpu.memory_space<hbm>>
    %dma_wait3A_120 = arith.constant 0 : i32
    %dma_wait3A_121 = arith.constant 0 : i32
    %dma_wait3A_122 = tpu.memref_slice %arg2[%dma_wait3A_120, %dma_wait3A_121] : memref<10064x128xf32, #tpu.memory_space<hbm>> -> memref<128x128xf32, #tpu.memory_space<hbm>>
    tpu.wait_dma2 semaphore(%arg22 : memref<!tpu.dma_semaphore, #tpu.memory_space<semaphore_mem>>) src(%dma_wait3A_122 : memref<128x128xf32, #tpu.memory_space<hbm>>) dst(%arg13 : memref<128x128xf32, #tpu.memory_space<vmem>>)
    %dma_wait3A_123 = arith.constant 0 : i32
    %dma_wait3A_124 = arith.constant 0 : i32
    %dma_wait3A_125 = tpu.memref_slice %arg2[%dma_wait3A_123, %dma_wait3A_124] : memref<10064x128xf32, #tpu.memory_space<hbm>> -> memref<128x128xf32, #tpu.memory_space<hbm>>
    %dma_wait3A_126 = arith.constant 0 : i32
    %dma_wait3A_127 = arith.constant 0 : i32
    %dma_wait3A_128 = tpu.memref_slice %arg2[%dma_wait3A_126, %dma_wait3A_127] : memref<10064x128xf32, #tpu.memory_space<hbm>> -> memref<128x128xf32, #tpu.memory_space<hbm>>
    tpu.wait_dma2 semaphore(%arg23 : memref<!tpu.dma_semaphore, #tpu.memory_space<semaphore_mem>>) src(%dma_wait3A_128 : memref<128x128xf32, #tpu.memory_space<hbm>>) dst(%arg14 : memref<128x128xf32, #tpu.memory_space<vmem>>)
    %barrier3A_129 = arith.constant 0 : index
    tpu.barrier barrier_id(%barrier3A_129)
    %lt3A_130 = arith.constant 15 : i32
    %lt3A_131 = arith.cmpi slt, %arg1, %lt3A_130 : i32
    %convert_element_type3A_132 = arith.extui %lt3A_131 : i1 to i32
    %cond3A_133 = arith.constant 0 : i32
    %cond3A_134 = arith.cmpi ne, %convert_element_type3A_132, %cond3A_133 : i32
    scf.if %cond3A_134 {
      %mul3A_140 = arith.constant 632 : i32
      %mul3A_141 = arith.muli %arg1, %mul3A_140 : i32
      "tpu.region"() ({
        %run_scoped3A = tpu.sem_alloc : memref<!tpu.dma_semaphore, #tpu.memory_space<semaphore_mem>>
        %dma_start3A_142 = arith.constant 0 : i32
        %dma_start3A_143 = arith.constant 0 : i32
        %dma_start3A_144 = tpu.memref_slice %arg5[%arg0, %dma_start3A_142, %dma_start3A_143] : memref<2x10064x128xf32, #tpu.memory_space<hbm>> -> memref<1x10064x128xf32, #tpu.memory_space<hbm>>
        %dma_start3A_145 = tpu.memref_squeeze %dma_start3A_144 : memref<1x10064x128xf32, #tpu.memory_space<hbm>> -> memref<10064x128xf32, #tpu.memory_space<hbm>>
        %dma_start3A_146 = arith.constant 0 : i32
        %dma_start3A_147 = tpu.memref_slice %dma_start3A_145[%mul3A_141, %dma_start3A_146] : memref<10064x128xf32, #tpu.memory_space<hbm>> -> memref<632x128xf32, #tpu.memory_space<hbm>>
        %dma_start3A_148 = arith.constant 0 : i32
        %dma_start3A_149 = tpu.memref_slice %arg6[%mul3A_141, %dma_start3A_148] : memref<10064x128xf32, #tpu.memory_space<vmem_shared>> -> memref<632x128xf32, #tpu.memory_space<vmem_shared>>
        tpu.enqueue_dma source(%dma_start3A_149 : memref<632x128xf32, #tpu.memory_space<vmem_shared>>) target(%dma_start3A_147 : memref<632x128xf32, #tpu.memory_space<hbm>>) target_semaphore(%run_scoped3A : memref<!tpu.dma_semaphore, #tpu.memory_space<semaphore_mem>>)
        %dma_wait3A_150 = arith.constant 0 : i32
        %dma_wait3A_151 = arith.constant 0 : i32
        %dma_wait3A_152 = tpu.memref_slice %arg5[%arg0, %dma_wait3A_150, %dma_wait3A_151] : memref<2x10064x128xf32, #tpu.memory_space<hbm>> -> memref<1x10064x128xf32, #tpu.memory_space<hbm>>
        %dma_wait3A_153 = tpu.memref_squeeze %dma_wait3A_152 : memref<1x10064x128xf32, #tpu.memory_space<hbm>> -> memref<10064x128xf32, #tpu.memory_space<hbm>>
        %dma_wait3A_154 = arith.constant 0 : i32
        %dma_wait3A_155 = tpu.memref_slice %dma_wait3A_153[%mul3A_141, %dma_wait3A_154] : memref<10064x128xf32, #tpu.memory_space<hbm>> -> memref<632x128xf32, #tpu.memory_space<hbm>>
        %dma_wait3A_156 = arith.constant 0 : i32
        %dma_wait3A_157 = tpu.memref_slice %arg6[%mul3A_141, %dma_wait3A_156] : memref<10064x128xf32, #tpu.memory_space<vmem_shared>> -> memref<632x128xf32, #tpu.memory_space<vmem_shared>>
        tpu.wait_dma2 semaphore(%run_scoped3A : memref<!tpu.dma_semaphore, #tpu.memory_space<semaphore_mem>>) src(%dma_wait3A_157 : memref<632x128xf32, #tpu.memory_space<vmem_shared>>) dst(%dma_wait3A_155 : memref<632x128xf32, #tpu.memory_space<hbm>>)
        tpu.yield
      }) : () -> ()
    } else {
    }
    %eq3A_135 = arith.constant 15 : i32
    %eq3A_136 = arith.cmpi eq, %arg1, %eq3A_135 : i32
    %convert_element_type3A_137 = arith.extui %eq3A_136 : i1 to i32
    %cond3A_138 = arith.constant 0 : i32
    %cond3A_139 = arith.cmpi ne, %convert_element_type3A_137, %cond3A_138 : i32
    scf.if %cond3A_139 {
      "tpu.region"() ({
        %run_scoped3A = tpu.sem_alloc : memref<!tpu.dma_semaphore, #tpu.memory_space<semaphore_mem>>
        %dma_start3A_140 = arith.constant 0 : i32
        %dma_start3A_141 = arith.constant 0 : i32
        %dma_start3A_142 = tpu.memref_slice %arg5[%arg0, %dma_start3A_140, %dma_start3A_141] : memref<2x10064x128xf32, #tpu.memory_space<hbm>> -> memref<1x10064x128xf32, #tpu.memory_space<hbm>>
        %dma_start3A_143 = tpu.memref_squeeze %dma_start3A_142 : memref<1x10064x128xf32, #tpu.memory_space<hbm>> -> memref<10064x128xf32, #tpu.memory_space<hbm>>
        %dma_start3A_144 = arith.constant 9480 : i32
        %dma_start3A_145 = arith.constant 0 : i32
        %dma_start3A_146 = tpu.memref_slice %dma_start3A_143[%dma_start3A_144, %dma_start3A_145] : memref<10064x128xf32, #tpu.memory_space<hbm>> -> memref<584x128xf32, #tpu.memory_space<hbm>>
        %dma_start3A_147 = arith.constant 9480 : i32
        %dma_start3A_148 = arith.constant 0 : i32
        %dma_start3A_149 = tpu.memref_slice %arg6[%dma_start3A_147, %dma_start3A_148] : memref<10064x128xf32, #tpu.memory_space<vmem_shared>> -> memref<584x128xf32, #tpu.memory_space<vmem_shared>>
        tpu.enqueue_dma source(%dma_start3A_149 : memref<584x128xf32, #tpu.memory_space<vmem_shared>>) target(%dma_start3A_146 : memref<584x128xf32, #tpu.memory_space<hbm>>) target_semaphore(%run_scoped3A : memref<!tpu.dma_semaphore, #tpu.memory_space<semaphore_mem>>)
        %dma_wait3A_150 = arith.constant 0 : i32
        %dma_wait3A_151 = arith.constant 0 : i32
        %dma_wait3A_152 = tpu.memref_slice %arg5[%arg0, %dma_wait3A_150, %dma_wait3A_151] : memref<2x10064x128xf32, #tpu.memory_space<hbm>> -> memref<1x10064x128xf32, #tpu.memory_space<hbm>>
        %dma_wait3A_153 = tpu.memref_squeeze %dma_wait3A_152 : memref<1x10064x128xf32, #tpu.memory_space<hbm>> -> memref<10064x128xf32, #tpu.memory_space<hbm>>
        %dma_wait3A_154 = arith.constant 9480 : i32
        %dma_wait3A_155 = arith.constant 0 : i32
        %dma_wait3A_156 = tpu.memref_slice %dma_wait3A_153[%dma_wait3A_154, %dma_wait3A_155] : memref<10064x128xf32, #tpu.memory_space<hbm>> -> memref<584x128xf32, #tpu.memory_space<hbm>>
        %dma_wait3A_157 = arith.constant 9480 : i32
        %dma_wait3A_158 = arith.constant 0 : i32
        %dma_wait3A_159 = tpu.memref_slice %arg6[%dma_wait3A_157, %dma_wait3A_158] : memref<10064x128xf32, #tpu.memory_space<vmem_shared>> -> memref<584x128xf32, #tpu.memory_space<vmem_shared>>
        tpu.wait_dma2 semaphore(%run_scoped3A : memref<!tpu.dma_semaphore, #tpu.memory_space<semaphore_mem>>) src(%dma_wait3A_159 : memref<584x128xf32, #tpu.memory_space<vmem_shared>>) dst(%dma_wait3A_156 : memref<584x128xf32, #tpu.memory_space<hbm>>)
        tpu.yield
      }) : () -> ()
    } else {
    }
    return
  }
}

module attributes {stable_mosaic.version = 14 : i64} {
  func.func @body(%arg0: i32, %arg1: memref<1x1xf32, #tpu.memory_space<vmem>>, %arg2: memref<1000x128xf32, #tpu.memory_space<vmem>>, %arg3: memref<129x64xf32, #tpu.memory_space<vmem>>, %arg4: memref<1000x2xf32, #tpu.memory_space<vmem>>, %arg5: memref<1000x128xf32, #tpu.memory_space<vmem>>, %arg6: memref<1000x1xf32, #tpu.memory_space<vmem>>) attributes {dimension_semantics = [#tpu.dimension_semantics<arbitrary>], iteration_bounds = array<i64: 10>, scalar_prefetch = 0 : i64, scratch_operands = 0 : i64, tpu.core_type = #tpu.core_type<tc>, window_params = [{pipeline_mode = #tpu.pipeline_mode<synchronous>, transform_indices = @transform_0, window_bounds = array<i64: 1, 1>}, {transform_indices = @transform_1, window_bounds = array<i64: 1000, 128>}, {pipeline_mode = #tpu.pipeline_mode<synchronous>, transform_indices = @transform_2, window_bounds = array<i64: 129, 64>}, {transform_indices = @transform_3, window_bounds = array<i64: 1000, 2>}, {transform_indices = @transform_4, window_bounds = array<i64: 1000, 128>}, {transform_indices = @transform_5, window_bounds = array<i64: 1000, 1>}]} {
    %get3A = arith.constant 0 : index
    %get3A_0 = arith.constant 0 : index
    %get3A_1 = vector.load %arg4[%get3A, %get3A_0] : memref<1000x2xf32, #tpu.memory_space<vmem>>, vector<1000x1xf32>
    %get3A_2 = arith.constant 0 : index
    %get3A_3 = arith.constant 1 : index
    %get3A_4 = vector.load %arg4[%get3A_2, %get3A_3] : memref<1000x2xf32, #tpu.memory_space<vmem>>, vector<1000x1xf32>
    %add3A = arith.addf %get3A_1, %get3A_4 : vector<1000x1xf32>
    %add3A_5 = arith.constant 1.000000e+00 : f32
    %add3A_6 = vector.broadcast %add3A_5 : f32 to vector<1000x1xf32>
    %add3A_7 = arith.addf %add3A, %add3A_6 : vector<1000x1xf32>
    %rsqrt3A = math.rsqrt %add3A_7 : vector<1000x1xf32>
    %get3A_8 = arith.constant 0 : index
    %get3A_9 = arith.constant 0 : index
    %get3A_10 = vector.load %arg2[%get3A_8, %get3A_9] : memref<1000x128xf32, #tpu.memory_space<vmem>>, vector<1000x128xf32>
    %get3A_11 = arith.constant 1 : index
    %get3A_12 = arith.constant 0 : index
    %get3A_13 = vector.load %arg3[%get3A_11, %get3A_12] : memref<129x64xf32, #tpu.memory_space<vmem>>, vector<128x64xf32>
    %dot_general3A = arith.constant dense<0.000000e+00> : vector<1000x64xf32>
    %dot_general3A_14 = tpu.matmul %get3A_10, %get3A_13, %dot_general3A {dimension_numbers = #tpu.dot_dimension_numbers<[1], [0], [0], [1], [0, 0, 1, 1], [], []>, transpose_lhs_hint = false} : vector<1000x128xf32>, vector<128x64xf32>, vector<1000x64xf32> -> vector<1000x64xf32>
    %get3A_15 = arith.constant 0 : index
    %get3A_16 = arith.constant 0 : index
    %get3A_17 = vector.load %arg1[%get3A_15, %get3A_16] : memref<1x1xf32, #tpu.memory_space<vmem>>, vector<1x1xf32>
    %get3A_18 = vector.extract %get3A_17[0, 0] : f32 from vector<1x1xf32>
    %get3A_19 = arith.constant 0 : index
    %get3A_20 = arith.constant 0 : index
    %get3A_21 = vector.load %arg3[%get3A_19, %get3A_20] : memref<129x64xf32, #tpu.memory_space<vmem>>, vector<1x64xf32>
    %mul3A = vector.broadcast %get3A_18 : f32 to vector<1x64xf32>
    %mul3A_22 = arith.mulf %mul3A, %get3A_21 : vector<1x64xf32>
    %add3A_23 = vector.broadcast %mul3A_22 : vector<1x64xf32> to vector<1000x64xf32>
    %add3A_24 = arith.addf %dot_general3A_14, %add3A_23 : vector<1000x64xf32>
    %mul3A_25 = vector.broadcast %rsqrt3A : vector<1000x1xf32> to vector<1000x64xf32>
    %mul3A_26 = arith.mulf %add3A_24, %mul3A_25 : vector<1000x64xf32>
    %broadcast_in_dim3A = arith.constant 0.000000e+00 : f32
    %broadcast_in_dim3A_27 = vector.broadcast %broadcast_in_dim3A : f32 to vector<1000x64xf32>
    %concatenate3A = tpu.concatenate %mul3A_26, %broadcast_in_dim3A_27 in 1 : vector<1000x64xf32>, vector<1000x64xf32> -> vector<1000x128xf32>
    %swap3A = arith.constant 0 : index
    %swap3A_28 = arith.constant 0 : index
    %swap3A_29 = vector.load %arg5[%swap3A, %swap3A_28] : memref<1000x128xf32, #tpu.memory_space<vmem>>, vector<1000x128xf32>
    tpu.vector_store %arg5[%swap3A, %swap3A_28], %concatenate3A {strides = array<i32>} : memref<1000x128xf32, #tpu.memory_space<vmem>>, vector<1000x128xf32>,
    %swap3A_30 = arith.constant 0 : index
    %swap3A_31 = arith.constant 0 : index
    %swap3A_32 = vector.load %arg6[%swap3A_30, %swap3A_31] : memref<1000x1xf32, #tpu.memory_space<vmem>>, vector<1000x1xf32>
    tpu.vector_store %arg6[%swap3A_30, %swap3A_31], %rsqrt3A {strides = array<i32>} : memref<1000x1xf32, #tpu.memory_space<vmem>>, vector<1000x1xf32>,
    return
  }
  func.func @transform_0(%arg0: i32) -> (i32, i32) {
    %c0_i32 = arith.constant 0 : i32
    %c0_i32_0 = arith.constant 0 : i32
    %c0_i32_1 = arith.constant 0 : i32
    return %c0_i32, %c0_i32_0 : i32, i32
  }
  func.func @transform_1(%arg0: i32) -> (i32, i32) {
    %c0_i32 = arith.constant 0 : i32
    %c0_i32_0 = arith.constant 0 : i32
    return %arg0, %c0_i32 : i32, i32
  }
  func.func @transform_2(%arg0: i32) -> (i32, i32) {
    %c0_i32 = arith.constant 0 : i32
    %c0_i32_0 = arith.constant 0 : i32
    %c0_i32_1 = arith.constant 0 : i32
    return %c0_i32, %c0_i32_0 : i32, i32
  }
  func.func @transform_3(%arg0: i32) -> (i32, i32) {
    %c0_i32 = arith.constant 0 : i32
    %c0_i32_0 = arith.constant 0 : i32
    return %arg0, %c0_i32 : i32, i32
  }
  func.func @transform_4(%arg0: i32) -> (i32, i32) {
    %c0_i32 = arith.constant 0 : i32
    %c0_i32_0 = arith.constant 0 : i32
    return %arg0, %c0_i32 : i32, i32
  }
  func.func @transform_5(%arg0: i32) -> (i32, i32) {
    %c0_i32 = arith.constant 0 : i32
    %c0_i32_0 = arith.constant 0 : i32
    return %arg0, %c0_i32 : i32, i32
  }
}

module attributes {stable_mosaic.version = 14 : i64} {
  func.func @body(%arg0: i32, %arg1: memref<2x1000x128xf32, #tpu.memory_space<vmem>>, %arg2: memref<1000x128xf32, #tpu.memory_space<vmem>>, %arg3: memref<1000x1xf32, #tpu.memory_space<vmem>>, %arg4: memref<1x64xf32, #tpu.memory_space<vmem>>, %arg5: memref<64x64xf32, #tpu.memory_space<vmem>>, %arg6: memref<1000x128xf32, #tpu.memory_space<vmem>>) attributes {dimension_semantics = [#tpu.dimension_semantics<arbitrary>], iteration_bounds = array<i64: 10>, scalar_prefetch = 0 : i64, scratch_operands = 0 : i64, tpu.core_type = #tpu.core_type<tc>, window_params = [{transform_indices = @transform_0, window_bounds = array<i64: 2, 1000, 128>}, {transform_indices = @transform_1, window_bounds = array<i64: 1000, 128>}, {transform_indices = @transform_2, window_bounds = array<i64: 1000, 1>}, {pipeline_mode = #tpu.pipeline_mode<synchronous>, transform_indices = @transform_3, window_bounds = array<i64: 1, 64>}, {pipeline_mode = #tpu.pipeline_mode<synchronous>, transform_indices = @transform_4, window_bounds = array<i64: 64, 64>}, {transform_indices = @transform_5, window_bounds = array<i64: 1000, 128>}]} {
    %get3A = arith.constant 0 : index
    %get3A_0 = arith.constant 0 : index
    %get3A_1 = vector.load %arg3[%get3A, %get3A_0] : memref<1000x1xf32, #tpu.memory_space<vmem>>, vector<1000x1xf32>
    %get3A_2 = arith.constant 0 : index
    %get3A_3 = arith.constant 0 : index
    %get3A_4 = arith.constant 0 : index
    %get3A_5 = vector.load %arg1[%get3A_2, %get3A_3, %get3A_4] : memref<2x1000x128xf32, #tpu.memory_space<vmem>>, vector<1x1000x128xf32>
    %get3A_6 = vector.shape_cast %get3A_5 : vector<1x1000x128xf32> to vector<1000x128xf32>
    %get3A_7 = arith.constant 1 : index
    %get3A_8 = arith.constant 0 : index
    %get3A_9 = arith.constant 0 : index
    %get3A_10 = vector.load %arg1[%get3A_7, %get3A_8, %get3A_9] : memref<2x1000x128xf32, #tpu.memory_space<vmem>>, vector<1x1000x128xf32>
    %get3A_11 = vector.shape_cast %get3A_10 : vector<1x1000x128xf32> to vector<1000x128xf32>
    %add3A = arith.addf %get3A_6, %get3A_11 : vector<1000x128xf32>
    %get3A_12 = arith.constant 0 : index
    %get3A_13 = arith.constant 0 : index
    %get3A_14 = vector.load %arg2[%get3A_12, %get3A_13] : memref<1000x128xf32, #tpu.memory_space<vmem>>, vector<1000x128xf32>
    %sub3A = arith.subf %add3A, %get3A_14 : vector<1000x128xf32>
    %slice3A = vector.extract_strided_slice %sub3A {offsets = [0, 0], sizes = [1000, 64], strides = [1, 1]} : vector<1000x128xf32> to vector<1000x64xf32>
    %mul3A = vector.broadcast %get3A_1 : vector<1000x1xf32> to vector<1000x64xf32>
    %mul3A_15 = arith.mulf %slice3A, %mul3A : vector<1000x64xf32>
    %get3A_16 = arith.constant 0 : index
    %get3A_17 = arith.constant 0 : index
    %get3A_18 = vector.load %arg4[%get3A_16, %get3A_17] : memref<1x64xf32, #tpu.memory_space<vmem>>, vector<1x64xf32>
    %add3A_19 = vector.broadcast %get3A_18 : vector<1x64xf32> to vector<1000x64xf32>
    %add3A_20 = arith.addf %mul3A_15, %add3A_19 : vector<1000x64xf32>
    %tanh3A = math.tanh %add3A_20 : vector<1000x64xf32>
    %get3A_21 = arith.constant 0 : index
    %get3A_22 = arith.constant 0 : index
    %get3A_23 = vector.load %arg5[%get3A_21, %get3A_22] : memref<64x64xf32, #tpu.memory_space<vmem>>, vector<64x64xf32>
    %dot_general3A = arith.constant dense<0.000000e+00> : vector<1000x64xf32>
    %dot_general3A_24 = tpu.matmul %tanh3A, %get3A_23, %dot_general3A {dimension_numbers = #tpu.dot_dimension_numbers<[1], [0], [0], [1], [0, 0, 1, 1], [], []>, transpose_lhs_hint = false} : vector<1000x64xf32>, vector<64x64xf32>, vector<1000x64xf32> -> vector<1000x64xf32>
    %mul3A_25 = vector.broadcast %get3A_1 : vector<1000x1xf32> to vector<1000x64xf32>
    %mul3A_26 = arith.mulf %dot_general3A_24, %mul3A_25 : vector<1000x64xf32>
    %broadcast_in_dim3A = arith.constant 0.000000e+00 : f32
    %broadcast_in_dim3A_27 = vector.broadcast %broadcast_in_dim3A : f32 to vector<1000x64xf32>
    %concatenate3A = tpu.concatenate %mul3A_26, %broadcast_in_dim3A_27 in 1 : vector<1000x64xf32>, vector<1000x64xf32> -> vector<1000x128xf32>
    %swap3A = arith.constant 0 : index
    %swap3A_28 = arith.constant 0 : index
    %swap3A_29 = vector.load %arg6[%swap3A, %swap3A_28] : memref<1000x128xf32, #tpu.memory_space<vmem>>, vector<1000x128xf32>
    tpu.vector_store %arg6[%swap3A, %swap3A_28], %concatenate3A {strides = array<i32>} : memref<1000x128xf32, #tpu.memory_space<vmem>>, vector<1000x128xf32>,
    return
  }
  func.func @transform_0(%arg0: i32) -> (i32, i32, i32) {
    %c0_i32 = arith.constant 0 : i32
    %c0_i32_0 = arith.constant 0 : i32
    %c0_i32_1 = arith.constant 0 : i32
    return %c0_i32, %arg0, %c0_i32_0 : i32, i32, i32
  }
  func.func @transform_1(%arg0: i32) -> (i32, i32) {
    %c0_i32 = arith.constant 0 : i32
    %c0_i32_0 = arith.constant 0 : i32
    return %arg0, %c0_i32 : i32, i32
  }
  func.func @transform_2(%arg0: i32) -> (i32, i32) {
    %c0_i32 = arith.constant 0 : i32
    %c0_i32_0 = arith.constant 0 : i32
    return %arg0, %c0_i32 : i32, i32
  }
  func.func @transform_3(%arg0: i32) -> (i32, i32) {
    %c0_i32 = arith.constant 0 : i32
    %c0_i32_0 = arith.constant 0 : i32
    %c0_i32_1 = arith.constant 0 : i32
    return %c0_i32, %c0_i32_0 : i32, i32
  }
  func.func @transform_4(%arg0: i32) -> (i32, i32) {
    %c0_i32 = arith.constant 0 : i32
    %c0_i32_0 = arith.constant 0 : i32
    %c0_i32_1 = arith.constant 0 : i32
    return %c0_i32, %c0_i32_0 : i32, i32
  }
  func.func @transform_5(%arg0: i32) -> (i32, i32) {
    %c0_i32 = arith.constant 0 : i32
    %c0_i32_0 = arith.constant 0 : i32
    return %arg0, %c0_i32 : i32, i32
  }
}

module attributes {stable_mosaic.version = 14 : i64} {
  func.func @body(%arg0: i32, %arg1: memref<2x1000x128xf32, #tpu.memory_space<vmem>>, %arg2: memref<1000x128xf32, #tpu.memory_space<vmem>>, %arg3: memref<1000x1xf32, #tpu.memory_space<vmem>>, %arg4: memref<1x64xf32, #tpu.memory_space<vmem>>, %arg5: memref<64x32xf32, #tpu.memory_space<vmem>>, %arg6: memref<1000x128xf32, #tpu.memory_space<vmem>>) attributes {dimension_semantics = [#tpu.dimension_semantics<arbitrary>], iteration_bounds = array<i64: 10>, scalar_prefetch = 0 : i64, scratch_operands = 0 : i64, tpu.core_type = #tpu.core_type<tc>, window_params = [{transform_indices = @transform_0, window_bounds = array<i64: 2, 1000, 128>}, {transform_indices = @transform_1, window_bounds = array<i64: 1000, 128>}, {transform_indices = @transform_2, window_bounds = array<i64: 1000, 1>}, {pipeline_mode = #tpu.pipeline_mode<synchronous>, transform_indices = @transform_3, window_bounds = array<i64: 1, 64>}, {pipeline_mode = #tpu.pipeline_mode<synchronous>, transform_indices = @transform_4, window_bounds = array<i64: 64, 32>}, {transform_indices = @transform_5, window_bounds = array<i64: 1000, 128>}]} {
    %get3A = arith.constant 0 : index
    %get3A_0 = arith.constant 0 : index
    %get3A_1 = vector.load %arg3[%get3A, %get3A_0] : memref<1000x1xf32, #tpu.memory_space<vmem>>, vector<1000x1xf32>
    %get3A_2 = arith.constant 0 : index
    %get3A_3 = arith.constant 0 : index
    %get3A_4 = arith.constant 0 : index
    %get3A_5 = vector.load %arg1[%get3A_2, %get3A_3, %get3A_4] : memref<2x1000x128xf32, #tpu.memory_space<vmem>>, vector<1x1000x128xf32>
    %get3A_6 = vector.shape_cast %get3A_5 : vector<1x1000x128xf32> to vector<1000x128xf32>
    %get3A_7 = arith.constant 1 : index
    %get3A_8 = arith.constant 0 : index
    %get3A_9 = arith.constant 0 : index
    %get3A_10 = vector.load %arg1[%get3A_7, %get3A_8, %get3A_9] : memref<2x1000x128xf32, #tpu.memory_space<vmem>>, vector<1x1000x128xf32>
    %get3A_11 = vector.shape_cast %get3A_10 : vector<1x1000x128xf32> to vector<1000x128xf32>
    %add3A = arith.addf %get3A_6, %get3A_11 : vector<1000x128xf32>
    %get3A_12 = arith.constant 0 : index
    %get3A_13 = arith.constant 0 : index
    %get3A_14 = vector.load %arg2[%get3A_12, %get3A_13] : memref<1000x128xf32, #tpu.memory_space<vmem>>, vector<1000x128xf32>
    %sub3A = arith.subf %add3A, %get3A_14 : vector<1000x128xf32>
    %slice3A = vector.extract_strided_slice %sub3A {offsets = [0, 0], sizes = [1000, 64], strides = [1, 1]} : vector<1000x128xf32> to vector<1000x64xf32>
    %mul3A = vector.broadcast %get3A_1 : vector<1000x1xf32> to vector<1000x64xf32>
    %mul3A_15 = arith.mulf %slice3A, %mul3A : vector<1000x64xf32>
    %get3A_16 = arith.constant 0 : index
    %get3A_17 = arith.constant 0 : index
    %get3A_18 = vector.load %arg4[%get3A_16, %get3A_17] : memref<1x64xf32, #tpu.memory_space<vmem>>, vector<1x64xf32>
    %add3A_19 = vector.broadcast %get3A_18 : vector<1x64xf32> to vector<1000x64xf32>
    %add3A_20 = arith.addf %mul3A_15, %add3A_19 : vector<1000x64xf32>
    %tanh3A = math.tanh %add3A_20 : vector<1000x64xf32>
    %get3A_21 = arith.constant 0 : index
    %get3A_22 = arith.constant 0 : index
    %get3A_23 = vector.load %arg5[%get3A_21, %get3A_22] : memref<64x32xf32, #tpu.memory_space<vmem>>, vector<64x32xf32>
    %dot_general3A = arith.constant dense<0.000000e+00> : vector<1000x32xf32>
    %dot_general3A_24 = tpu.matmul %tanh3A, %get3A_23, %dot_general3A {dimension_numbers = #tpu.dot_dimension_numbers<[1], [0], [0], [1], [0, 0, 1, 1], [], []>, transpose_lhs_hint = false} : vector<1000x64xf32>, vector<64x32xf32>, vector<1000x32xf32> -> vector<1000x32xf32>
    %mul3A_25 = vector.broadcast %get3A_1 : vector<1000x1xf32> to vector<1000x32xf32>
    %mul3A_26 = arith.mulf %dot_general3A_24, %mul3A_25 : vector<1000x32xf32>
    %broadcast_in_dim3A = arith.constant 0.000000e+00 : f32
    %broadcast_in_dim3A_27 = vector.broadcast %broadcast_in_dim3A : f32 to vector<1000x96xf32>
    %concatenate3A = tpu.concatenate %mul3A_26, %broadcast_in_dim3A_27 in 1 : vector<1000x32xf32>, vector<1000x96xf32> -> vector<1000x128xf32>
    %swap3A = arith.constant 0 : index
    %swap3A_28 = arith.constant 0 : index
    %swap3A_29 = vector.load %arg6[%swap3A, %swap3A_28] : memref<1000x128xf32, #tpu.memory_space<vmem>>, vector<1000x128xf32>
    tpu.vector_store %arg6[%swap3A, %swap3A_28], %concatenate3A {strides = array<i32>} : memref<1000x128xf32, #tpu.memory_space<vmem>>, vector<1000x128xf32>,
    return
  }
  func.func @transform_0(%arg0: i32) -> (i32, i32, i32) {
    %c0_i32 = arith.constant 0 : i32
    %c0_i32_0 = arith.constant 0 : i32
    %c0_i32_1 = arith.constant 0 : i32
    return %c0_i32, %arg0, %c0_i32_0 : i32, i32, i32
  }
  func.func @transform_1(%arg0: i32) -> (i32, i32) {
    %c0_i32 = arith.constant 0 : i32
    %c0_i32_0 = arith.constant 0 : i32
    return %arg0, %c0_i32 : i32, i32
  }
  func.func @transform_2(%arg0: i32) -> (i32, i32) {
    %c0_i32 = arith.constant 0 : i32
    %c0_i32_0 = arith.constant 0 : i32
    return %arg0, %c0_i32 : i32, i32
  }
  func.func @transform_3(%arg0: i32) -> (i32, i32) {
    %c0_i32 = arith.constant 0 : i32
    %c0_i32_0 = arith.constant 0 : i32
    %c0_i32_1 = arith.constant 0 : i32
    return %c0_i32, %c0_i32_0 : i32, i32
  }
  func.func @transform_4(%arg0: i32) -> (i32, i32) {
    %c0_i32 = arith.constant 0 : i32
    %c0_i32_0 = arith.constant 0 : i32
    %c0_i32_1 = arith.constant 0 : i32
    return %c0_i32, %c0_i32_0 : i32, i32
  }
  func.func @transform_5(%arg0: i32) -> (i32, i32) {
    %c0_i32 = arith.constant 0 : i32
    %c0_i32_0 = arith.constant 0 : i32
    return %arg0, %c0_i32 : i32, i32
  }
}

module attributes {stable_mosaic.version = 14 : i64} {
  func.func @body(%arg0: i32, %arg1: memref<2x1000x128xf32, #tpu.memory_space<vmem>>, %arg2: memref<1000x128xf32, #tpu.memory_space<vmem>>, %arg3: memref<1000x1xf32, #tpu.memory_space<vmem>>, %arg4: memref<1x32xf32, #tpu.memory_space<vmem>>, %arg5: memref<32x32xf32, #tpu.memory_space<vmem>>, %arg6: memref<1000x128xf32, #tpu.memory_space<vmem>>) attributes {dimension_semantics = [#tpu.dimension_semantics<arbitrary>], iteration_bounds = array<i64: 10>, scalar_prefetch = 0 : i64, scratch_operands = 0 : i64, tpu.core_type = #tpu.core_type<tc>, window_params = [{transform_indices = @transform_0, window_bounds = array<i64: 2, 1000, 128>}, {transform_indices = @transform_1, window_bounds = array<i64: 1000, 128>}, {transform_indices = @transform_2, window_bounds = array<i64: 1000, 1>}, {pipeline_mode = #tpu.pipeline_mode<synchronous>, transform_indices = @transform_3, window_bounds = array<i64: 1, 32>}, {pipeline_mode = #tpu.pipeline_mode<synchronous>, transform_indices = @transform_4, window_bounds = array<i64: 32, 32>}, {transform_indices = @transform_5, window_bounds = array<i64: 1000, 128>}]} {
    %get3A = arith.constant 0 : index
    %get3A_0 = arith.constant 0 : index
    %get3A_1 = vector.load %arg3[%get3A, %get3A_0] : memref<1000x1xf32, #tpu.memory_space<vmem>>, vector<1000x1xf32>
    %get3A_2 = arith.constant 0 : index
    %get3A_3 = arith.constant 0 : index
    %get3A_4 = arith.constant 0 : index
    %get3A_5 = vector.load %arg1[%get3A_2, %get3A_3, %get3A_4] : memref<2x1000x128xf32, #tpu.memory_space<vmem>>, vector<1x1000x128xf32>
    %get3A_6 = vector.shape_cast %get3A_5 : vector<1x1000x128xf32> to vector<1000x128xf32>
    %get3A_7 = arith.constant 1 : index
    %get3A_8 = arith.constant 0 : index
    %get3A_9 = arith.constant 0 : index
    %get3A_10 = vector.load %arg1[%get3A_7, %get3A_8, %get3A_9] : memref<2x1000x128xf32, #tpu.memory_space<vmem>>, vector<1x1000x128xf32>
    %get3A_11 = vector.shape_cast %get3A_10 : vector<1x1000x128xf32> to vector<1000x128xf32>
    %add3A = arith.addf %get3A_6, %get3A_11 : vector<1000x128xf32>
    %get3A_12 = arith.constant 0 : index
    %get3A_13 = arith.constant 0 : index
    %get3A_14 = vector.load %arg2[%get3A_12, %get3A_13] : memref<1000x128xf32, #tpu.memory_space<vmem>>, vector<1000x128xf32>
    %sub3A = arith.subf %add3A, %get3A_14 : vector<1000x128xf32>
    %slice3A = vector.extract_strided_slice %sub3A {offsets = [0, 0], sizes = [1000, 32], strides = [1, 1]} : vector<1000x128xf32> to vector<1000x32xf32>
    %mul3A = vector.broadcast %get3A_1 : vector<1000x1xf32> to vector<1000x32xf32>
    %mul3A_15 = arith.mulf %slice3A, %mul3A : vector<1000x32xf32>
    %get3A_16 = arith.constant 0 : index
    %get3A_17 = arith.constant 0 : index
    %get3A_18 = vector.load %arg4[%get3A_16, %get3A_17] : memref<1x32xf32, #tpu.memory_space<vmem>>, vector<1x32xf32>
    %add3A_19 = vector.broadcast %get3A_18 : vector<1x32xf32> to vector<1000x32xf32>
    %add3A_20 = arith.addf %mul3A_15, %add3A_19 : vector<1000x32xf32>
    %tanh3A = math.tanh %add3A_20 : vector<1000x32xf32>
    %get3A_21 = arith.constant 0 : index
    %get3A_22 = arith.constant 0 : index
    %get3A_23 = vector.load %arg5[%get3A_21, %get3A_22] : memref<32x32xf32, #tpu.memory_space<vmem>>, vector<32x32xf32>
    %dot_general3A = arith.constant dense<0.000000e+00> : vector<1000x32xf32>
    %dot_general3A_24 = tpu.matmul %tanh3A, %get3A_23, %dot_general3A {dimension_numbers = #tpu.dot_dimension_numbers<[1], [0], [0], [1], [0, 0, 1, 1], [], []>, transpose_lhs_hint = false} : vector<1000x32xf32>, vector<32x32xf32>, vector<1000x32xf32> -> vector<1000x32xf32>
    %mul3A_25 = vector.broadcast %get3A_1 : vector<1000x1xf32> to vector<1000x32xf32>
    %mul3A_26 = arith.mulf %dot_general3A_24, %mul3A_25 : vector<1000x32xf32>
    %broadcast_in_dim3A = arith.constant 0.000000e+00 : f32
    %broadcast_in_dim3A_27 = vector.broadcast %broadcast_in_dim3A : f32 to vector<1000x96xf32>
    %concatenate3A = tpu.concatenate %mul3A_26, %broadcast_in_dim3A_27 in 1 : vector<1000x32xf32>, vector<1000x96xf32> -> vector<1000x128xf32>
    %swap3A = arith.constant 0 : index
    %swap3A_28 = arith.constant 0 : index
    %swap3A_29 = vector.load %arg6[%swap3A, %swap3A_28] : memref<1000x128xf32, #tpu.memory_space<vmem>>, vector<1000x128xf32>
    tpu.vector_store %arg6[%swap3A, %swap3A_28], %concatenate3A {strides = array<i32>} : memref<1000x128xf32, #tpu.memory_space<vmem>>, vector<1000x128xf32>,
    return
  }
  func.func @transform_0(%arg0: i32) -> (i32, i32, i32) {
    %c0_i32 = arith.constant 0 : i32
    %c0_i32_0 = arith.constant 0 : i32
    %c0_i32_1 = arith.constant 0 : i32
    return %c0_i32, %arg0, %c0_i32_0 : i32, i32, i32
  }
  func.func @transform_1(%arg0: i32) -> (i32, i32) {
    %c0_i32 = arith.constant 0 : i32
    %c0_i32_0 = arith.constant 0 : i32
    return %arg0, %c0_i32 : i32, i32
  }
  func.func @transform_2(%arg0: i32) -> (i32, i32) {
    %c0_i32 = arith.constant 0 : i32
    %c0_i32_0 = arith.constant 0 : i32
    return %arg0, %c0_i32 : i32, i32
  }
  func.func @transform_3(%arg0: i32) -> (i32, i32) {
    %c0_i32 = arith.constant 0 : i32
    %c0_i32_0 = arith.constant 0 : i32
    %c0_i32_1 = arith.constant 0 : i32
    return %c0_i32, %c0_i32_0 : i32, i32
  }
  func.func @transform_4(%arg0: i32) -> (i32, i32) {
    %c0_i32 = arith.constant 0 : i32
    %c0_i32_0 = arith.constant 0 : i32
    %c0_i32_1 = arith.constant 0 : i32
    return %c0_i32, %c0_i32_0 : i32, i32
  }
  func.func @transform_5(%arg0: i32) -> (i32, i32) {
    %c0_i32 = arith.constant 0 : i32
    %c0_i32_0 = arith.constant 0 : i32
    return %arg0, %c0_i32 : i32, i32
  }
}

module attributes {stable_mosaic.version = 14 : i64} {
  func.func @body(%arg0: i32, %arg1: memref<2x1000x128xf32, #tpu.memory_space<vmem>>, %arg2: memref<1000x128xf32, #tpu.memory_space<vmem>>, %arg3: memref<1000x1xf32, #tpu.memory_space<vmem>>, %arg4: memref<1x32xf32, #tpu.memory_space<vmem>>, %arg5: memref<1000x32xf32, #tpu.memory_space<vmem>>) attributes {dimension_semantics = [#tpu.dimension_semantics<arbitrary>], iteration_bounds = array<i64: 10>, scalar_prefetch = 0 : i64, scratch_operands = 0 : i64, tpu.core_type = #tpu.core_type<tc>, window_params = [{transform_indices = @transform_0, window_bounds = array<i64: 2, 1000, 128>}, {transform_indices = @transform_1, window_bounds = array<i64: 1000, 128>}, {transform_indices = @transform_2, window_bounds = array<i64: 1000, 1>}, {pipeline_mode = #tpu.pipeline_mode<synchronous>, transform_indices = @transform_3, window_bounds = array<i64: 1, 32>}, {transform_indices = @transform_4, window_bounds = array<i64: 1000, 32>}]} {
    %get3A = arith.constant 0 : index
    %get3A_0 = arith.constant 0 : index
    %get3A_1 = arith.constant 0 : index
    %get3A_2 = vector.load %arg1[%get3A, %get3A_0, %get3A_1] : memref<2x1000x128xf32, #tpu.memory_space<vmem>>, vector<1x1000x128xf32>
    %get3A_3 = vector.shape_cast %get3A_2 : vector<1x1000x128xf32> to vector<1000x128xf32>
    %get3A_4 = arith.constant 1 : index
    %get3A_5 = arith.constant 0 : index
    %get3A_6 = arith.constant 0 : index
    %get3A_7 = vector.load %arg1[%get3A_4, %get3A_5, %get3A_6] : memref<2x1000x128xf32, #tpu.memory_space<vmem>>, vector<1x1000x128xf32>
    %get3A_8 = vector.shape_cast %get3A_7 : vector<1x1000x128xf32> to vector<1000x128xf32>
    %add3A = arith.addf %get3A_3, %get3A_8 : vector<1000x128xf32>
    %get3A_9 = arith.constant 0 : index
    %get3A_10 = arith.constant 0 : index
    %get3A_11 = vector.load %arg2[%get3A_9, %get3A_10] : memref<1000x128xf32, #tpu.memory_space<vmem>>, vector<1000x128xf32>
    %sub3A = arith.subf %add3A, %get3A_11 : vector<1000x128xf32>
    %slice3A = vector.extract_strided_slice %sub3A {offsets = [0, 0], sizes = [1000, 32], strides = [1, 1]} : vector<1000x128xf32> to vector<1000x32xf32>
    %get3A_12 = arith.constant 0 : index
    %get3A_13 = arith.constant 0 : index
    %get3A_14 = vector.load %arg3[%get3A_12, %get3A_13] : memref<1000x1xf32, #tpu.memory_space<vmem>>, vector<1000x1xf32>
    %mul3A = vector.broadcast %get3A_14 : vector<1000x1xf32> to vector<1000x32xf32>
    %mul3A_15 = arith.mulf %slice3A, %mul3A : vector<1000x32xf32>
    %get3A_16 = arith.constant 0 : index
    %get3A_17 = arith.constant 0 : index
    %get3A_18 = vector.load %arg4[%get3A_16, %get3A_17] : memref<1x32xf32, #tpu.memory_space<vmem>>, vector<1x32xf32>
    %add3A_19 = vector.broadcast %get3A_18 : vector<1x32xf32> to vector<1000x32xf32>
    %add3A_20 = arith.addf %mul3A_15, %add3A_19 : vector<1000x32xf32>
    %reduce_max3A = arith.constant dense<0xFF800000> : vector<1000xf32>
    %reduce_max3A_21 = vector.multi_reduction <maximumf>, %add3A_20, %reduce_max3A [1] : vector<1000x32xf32> to vector<1000xf32>
    %broadcast_in_dim3A = vector.shape_cast %reduce_max3A_21 : vector<1000xf32> to vector<1000x1xf32>
    %sub3A_22 = vector.broadcast %broadcast_in_dim3A : vector<1000x1xf32> to vector<1000x32xf32>
    %sub3A_23 = arith.subf %add3A_20, %sub3A_22 : vector<1000x32xf32>
    %exp3A = math.exp %sub3A_23 : vector<1000x32xf32>
    %reduce_sum3A = arith.constant dense<0.000000e+00> : vector<1000xf32>
    %reduce_sum3A_24 = vector.multi_reduction <add>, %exp3A, %reduce_sum3A [1] : vector<1000x32xf32> to vector<1000xf32>
    %broadcast_in_dim3A_25 = vector.shape_cast %reduce_sum3A_24 : vector<1000xf32> to vector<1000x1xf32>
    %div3A = vector.broadcast %broadcast_in_dim3A_25 : vector<1000x1xf32> to vector<1000x32xf32>
    %div3A_26 = arith.divf %exp3A, %div3A : vector<1000x32xf32>
    %swap3A = arith.constant 0 : index
    %swap3A_27 = arith.constant 0 : index
    %swap3A_28 = vector.load %arg5[%swap3A, %swap3A_27] : memref<1000x32xf32, #tpu.memory_space<vmem>>, vector<1000x32xf32>
    tpu.vector_store %arg5[%swap3A, %swap3A_27], %div3A_26 {strides = array<i32>} : memref<1000x32xf32, #tpu.memory_space<vmem>>, vector<1000x32xf32>,
    return
  }
  func.func @transform_0(%arg0: i32) -> (i32, i32, i32) {
    %c0_i32 = arith.constant 0 : i32
    %c0_i32_0 = arith.constant 0 : i32
    %c0_i32_1 = arith.constant 0 : i32
    return %c0_i32, %arg0, %c0_i32_0 : i32, i32, i32
  }
  func.func @transform_1(%arg0: i32) -> (i32, i32) {
    %c0_i32 = arith.constant 0 : i32
    %c0_i32_0 = arith.constant 0 : i32
    return %arg0, %c0_i32 : i32, i32
  }
  func.func @transform_2(%arg0: i32) -> (i32, i32) {
    %c0_i32 = arith.constant 0 : i32
    %c0_i32_0 = arith.constant 0 : i32
    return %arg0, %c0_i32 : i32, i32
  }
  func.func @transform_3(%arg0: i32) -> (i32, i32) {
    %c0_i32 = arith.constant 0 : i32
    %c0_i32_0 = arith.constant 0 : i32
    %c0_i32_1 = arith.constant 0 : i32
    return %c0_i32, %c0_i32_0 : i32, i32
  }
  func.func @transform_4(%arg0: i32) -> (i32, i32) {
    %c0_i32 = arith.constant 0 : i32
    %c0_i32_0 = arith.constant 0 : i32
    return %arg0, %c0_i32 : i32, i32
  }
}

</mosaic_0001>

<sc_bundles>
// kernel: kernel.12.cloned.1.call-start
scs
__scs_entry_jumppad:
0x0: {  	(pc) =	sbr.rel $0x88, $3  }
0x1: {  	(tag) =	ssettag $0x0;
	lr =	simm.s32 $0x1  }
0x2: {  	[smem:$0x3F96] =	sst lr;
	_ =	strace $0xD0000000  }
0x3: {  	_ = 	snop  }
0x4: {  	_ = 	snop  }
0x5: {  	_ = 	snop  }
0x6: {  	_ = 	snop  }
0x7: {  	_ = 	snop  }
__scs_overlays_trampoline_lowered:
0x8: {  	[smem:$0x3FA5] =	sst s0  }
0x9: {  	[smem:$0x3FA6] =	sst s1  }
0xa: {  	[smem:$0x3FA7] =	sst s2  }
0xb: {  	[smem:$0x3FA8] =	sst s3  }
0xc: {  	[smem:$0x3FA9] =	sst s4  }
0xd: {  	[smem:$0x3FAA] =	sst s5  }
0xe: {  	[smem:$0x3FAB] =	sst s6  }
0xf: {  	[smem:$0x3FAC] =	sst s7  }
0x10: {  	[smem:$0x3FAD] =	sst s8  }
0x11: {  	[smem:$0x3FAE] =	sst s9;
	s0 =	simm.s32 @!p0 $0x0  }
0x12: {  	s1 =	sld [smem:$0x3F94];
	s0 =	simm.s32 @p0 $0x1  }
0x13: {  	[smem:$0x3FAF] =	sst s0;
	s0 =	simm.s32 @!p1 $0x0  }
0x14: {  	s2 =	sld [smem:$0x3F93];
	s0 =	simm.s32 @p1 $0x1  }
0x15: {  	[smem:$0x3FB0] =	sst s0;
	s0 =	simm.s32 @!p2 $0x0  }
0x16: {  	s3 =	sld [smem:$0x3FDB];
	s0 =	simm.s32 @p2 $0x1  }
0x17: {  	s4 =	simm.s32 $0x1BF5;
	[smem:$0x3FB2] =	sst s0  }
0x18: {  	s0 =	sld [smem:$0x3F95];
	_ =	swait.ge [sflag:s4], $0x0  }
0x19: {  	s7 =	sld [smem:$0x3F96]  }
0x1a: {  	s8 =	sadd.s32 $0xFFFFE003, lr  }
0x1b: {  	s9 =	sadd.s32 $0xFFFFFEF7, lr;
	s5 =	simm.s32 $0xFFFFFFFF;
	p2 =	slt.u32 s8, $0xFFFFF086  }
0x1c: {  	p1 =	slt.u32 s9, $0xF7A;
	s5 =	simm.s32 @!p2 $0x0  }
0x1d: {  	s5 =	simm.s32 @p1 $0x1;
	p0 =	seq.s32 s7, s2  }
0x1e: {  	s7 =	smul.u32 @!p0 $0xF7A, s2;
	p2 =	seq.s32 @!p0 s5, $0x0  }
0x1f: {  	s9 =	smul.u32 $0xF7A, s1;
	s8 =	simm.s32 @!p0 $0x1BF5;
	p2 =	por !p2, p0  }
0x20: {  	[sflag:s8] =	ssyncset.s32 @!p0 $0xFFFFF086;
	s6 =	sadd.s32 @!p0 s3, s7;
	s7 =	simm.s32 @!p0 $0x108  }
0x21: {  	s3 =	sadd.s32 s3, s9;
	s6 =	sadd.s32 @!p0 $0x88, s6;
	s7 =	simm.s32 @p2 $0x1082  }
0x22: {  	[simem:s7], [sflag:s8] =	dma.local @!p0 [hbm:s6], $0xF7A  }
0x23: {  	s9 =	sor.u32 $0xD0000000, s2;
	s6 =	simm.s32 $0x108;
	_ =	swait.ge @!p0 [sflag:s8], $0x0  }
0x24: {  	s3 =	sadd.s32 $0x88, s3;
	s6 =	simm.s32 @!p1 $0x1082;
	[sflag:s4] =	ssyncset.s32 $0xFFFFF086  }
0x25: {  	[simem:s6], [sflag:s4] =	dma.local [hbm:s3], $0xF7A  }
0x26: {  	[smem:$0x3F96] =	sst s1;
	(tag) =	ssettag s2;
	_ =	strace s9  }
0x27: {  	s1 =	sld [smem:$0x3FA6]  }
0x28: {  	s2 =	sld [smem:$0x3FA7]  }
0x29: {  	s4 =	sld [smem:$0x3FA9]  }
0x2a: {  	p0 =	seq.s32 s5, $0x0;
	s5 =	sld [smem:$0x3FAA]  }
0x2b: {  	s6 =	sld [smem:$0x3FAB]  }
0x2c: {  	s7 =	sld [smem:$0x3FAC]  }
0x2d: {  	s3 =	simm.s32 $0x108;
	s8 =	sld [smem:$0x3FAD]  }
0x2e: {  	s3 =	simm.s32 @!p0 $0x1082;
	s9 =	sld [smem:$0x3FAE]  }
0x2f: {  	lr =	sadd.s32 s0, s3;
	s0 =	sld [smem:$0x3FA5]  }
0x30: {  	s3 =	sld [smem:$0x3FA8]  }
0x31: {  	[smem:$0x3FB1] =	sst s10  }
0x32: {  	s10 =	sld [smem:$0x3FAF];
	_ =	sdelay $0x3  }
0x33: {  	p0 =	seq.s32 s10, $0x1;
	s10 =	sld [smem:$0x3FB1];
	_ =	sdelay $0x3  }
0x34: {  	[smem:$0x3FB1] =	sst s10  }
0x35: {  	s10 =	sld [smem:$0x3FB0];
	_ =	sdelay $0x3  }
0x36: {  	p1 =	seq.s32 s10, $0x1;
	s10 =	sld [smem:$0x3FB1];
	_ =	sdelay $0x3  }
0x37: {  	[smem:$0x3FB1] =	sst s10  }
0x38: {  	s10 =	sld [smem:$0x3FB2]  }
0x39: {  	_ = 	snop;
	(pc) =	sbr.ind lr, $3  }
0x3a: {  	_ = 	snop  }
0x3b: {  	_ = 	snop  }
0x3c: {  	p2 =	seq.s32 s10, $0x1;
	s10 =	sld [smem:$0x3FB1]  }
0x3d: {  	_ =	shalt  }
0x3e: {  	_ =	shalt  }
0x3f: {  	_ =	shalt  }
0x40: {  	_ =	shalt  }
0x41: {  	_ =	shalt  }
0x42: {  	_ =	shalt  }
0x43: {  	_ =	shalt  }
0x44: {  	_ =	shalt  }
0x45: {  	_ =	shalt  }
0x46: {  	_ =	shalt  }
0x47: {  	_ =	shalt  }
0x48: {  	_ =	shalt  }
0x49: {  	_ =	shalt  }
0x4a: {  	_ =	shalt  }
0x4b: {  	_ =	shalt  }
0x4c: {  	_ =	shalt  }
0x4d: {  	_ =	shalt  }
0x4e: {  	_ =	shalt  }
0x4f: {  	_ =	shalt  }
0x50: {  	_ =	shalt  }
0x51: {  	_ =	shalt  }
0x52: {  	_ =	shalt  }
0x53: {  	_ =	shalt  }
0x54: {  	_ =	shalt  }
0x55: {  	_ =	shalt  }
0x56: {  	_ =	shalt  }
0x57: {  	_ =	shalt  }
0x58: {  	_ =	shalt  }
0x59: {  	_ =	shalt  }
0x5a: {  	_ =	shalt  }
0x5b: {  	_ =	shalt  }
0x5c: {  	_ =	shalt  }
0x5d: {  	_ =	shalt  }
0x5e: {  	_ =	shalt  }
0x5f: {  	_ =	shalt  }
0x60: {  	_ =	shalt  }
0x61: {  	_ =	shalt  }
0x62: {  	_ =	shalt  }
0x63: {  	_ =	shalt  }
0x64: {  	_ =	shalt  }
0x65: {  	_ =	shalt  }
0x66: {  	_ =	shalt  }
0x67: {  	_ =	shalt  }
0x68: {  	_ =	shalt  }
0x69: {  	_ =	shalt  }
0x6a: {  	_ =	shalt  }
0x6b: {  	_ =	shalt  }
0x6c: {  	_ =	shalt  }
0x6d: {  	_ =	shalt  }
0x6e: {  	_ =	shalt  }
0x6f: {  	_ =	shalt  }
0x70: {  	_ =	shalt  }
0x71: {  	_ =	shalt  }
0x72: {  	_ =	shalt  }
0x73: {  	_ =	shalt  }
0x74: {  	_ =	shalt  }
0x75: {  	_ =	shalt  }
0x76: {  	_ =	shalt  }
0x77: {  	_ =	shalt  }
0x78: {  	_ =	shalt  }
0x79: {  	_ =	shalt  }
0x7a: {  	_ =	shalt  }
0x7b: {  	_ =	shalt  }
0x7c: {  	_ =	shalt  }
0x7d: {  	_ =	shalt  }
0x7e: {  	_ =	shalt  }
0x7f: {  	_ =	shalt  }
0x80: {  	_ =	shalt  }
0x81: {  	_ =	shalt  }
0x82: {  	_ =	shalt  }
0x83: {  	_ =	shalt  }
0x84: {  	_ =	shalt  }
0x85: {  	_ =	shalt  }
0x86: {  	_ =	shalt  }
0x87: {  	_ =	shalt  }
.Lfunc_end0:
.L_simem_size_0:
called_computation_lowered:
.L_overlay_start_0:
0x88: {  	s2 =	sld [smem:$0x3FD9]  }
0x89: {  	s3 =	sld [smem:$0x3FFE];
	_ =	sdelay $0x1  }
0x8a: {  	s1 =	srdreg.scid  }
0x8b: {  	s0 =	sand.u32 $0x1, s1  }
0x8c: {  	s17 =	sshll.u32 s0, $0xA;
	s2 =	sadd.s32 s3, s2  }
0x8d: {  	s2 =	sadd.s32 s2, s17  }
0x8e: {  	[smem:$0x3FBD] =	sst s2  }
0x8f: {  	_ = 	snop  }
0x90: {  	s2 =	sld [smem:$0x3FD0];
	(tm) =	ssettm $0x1  }
0x91: {  	s18 =	sld [smem:$0x3FFB];
	_ =	sdelay $0x3  }
0x92: {  	_ =	strace s18  }
0x93: {  	s3 =	sld [smem:$0x3FFC];
	_ =	sdelay $0x3  }
0x94: {  	_ =	strace s3  }
0x95: {  	s3 =	sld [smem:$0x3FFD];
	_ =	sdelay $0x3  }
0x96: {  	_ =	strace s3  }
0x97: {  	_ =	strace $0x8FFFFFFF  }
0x98: {  	s19 =	sld [smem:$0x3FDB];
	_ =	sdelay $0x1  }
0x99: {  	s4 =	simm.s32 $_scs_section_size  }
0x9a: {  	s5 =	simm.s32 $_size__tile_overlayer_lowered;
	s6 =	simm.s32 $_tile_overlayer_lowered  }
0x9b: {  	s22 =	simm.s32 $0x1BFF;
	s21 =	sshll.u32 s6, $0x1;
	s3 =	sadd.s32 s4, s19  }
0x9c: {  	s7 =	simm.s32 $0x0;
	s20 =	sshll.u32 s5, $0x1;
	s5 =	sadd.s32 s21, s3  }
0x9d: {  	[timem:s7], [sflag:s22] =	dma.local [hbm:s5], s20  }
0x9e: {  	_ =	swait.ge [sflag:s22], s20  }
0x9f: {  	s4 =	ssub.s32 $0x0, s20;
	[sflag:s22] =	ssyncset.done $0x0  }
0xa0: {  	[sflag:s22] =	ssyncadd.s32 s4;
	_ =	sdelay $0x1  }
0xa1: {  	s23 =	simm.s32 $0x1B8B  }
0xa2: {  	_ =	swait.ge [sflag:s23], $0x1  }
0xa3: {  	[sflag:s23] =	ssyncset.done $0x0  }
0xa4: {  	s25 =	simm.s32 $0x1B8E;
	s24 =	sld [smem:$0x3FFE];
	[sflag:s23] =	ssyncadd.s32 $0xFFFFFFFF  }
0xa5: {  	s26 =	simm.s32 $execute0_lowered;
	[smem:$0x3FD2] =	sst s25  }
0xa6: {  	s5 =	sshll.u32 s26, $0x1;
	_ =	strace $0x80000046;
	[dreg:$0x1] =	wrdreg $0xFFFFFFFF  }
0xa7: {  	s28 =	simm.s32 $_size_execute0_lowered;
	s3 =	sadd.s32 s3, s5;
	[dreg:$0x0] =	wrdreg $0x0  }
0xa8: {  	s5 =	sshll.u32 s28, $0x1;
	[dreg:$0x2] =	wrdreg s3  }
0xa9: {  	[dreg:$0x3] =	wrdreg s5  }
0xaa: {  	[dreg:$0x4] =	wrdreg $0xC0  }
0xab: {  	_ =	task [dreg:s7], $0x5FFFF  }
0xac: {  	[dreg:$0x1] =	wrdreg $0xFFFFFFFF  }
0xad: {  	[dreg:$0x0] =	wrdreg $0x60  }
0xae: {  	[dreg:$0x2] =	wrdreg s24  }
0xaf: {  	[dreg:$0x3] =	wrdreg s2  }
0xb0: {  	[dreg:$0x4] =	wrdreg $0x0  }
0xb1: {  	[dreg:$0x5] =	wrdreg $0x9  }
0xb2: {  	_ =	task.clear_ibuf [dreg:s7], $0x6FFFF;
	_ =	strace $0x90000046  }
0xb3: {  	s29 =	simm.s32 $0x9;
	_ =	strace $0x80000048  }
0xb4: {  	_ =	swait.ge [sflag:s29], $0x1  }
0xb5: {  	[sflag:s29] =	ssyncadd.s32 $0xFFFFFFFF  }
0xb6: {  	_ =	strace $0x90000048  }
0xb7: {  	_ =	sfence  }
0xb8: {  	s30 =	sld [smem:$0x0];
	_ =	sdelay $0x2  }
0xb9: {  	s31 =	sshll.u32 s1, $0xD;
	s1 =	sshrl.u32 s1, $0x2  }
0xba: {  	s3 =	sand.u32 $0x4000, s31;
	s1 =	sadd.s32 s1, s30  }
0xbb: {  	s0 =	sor.u32 s3, s0;
	s1 =	sshll.u32 s1, $0x11  }
0xbc: {  	s0 =	sor.u32 s1, s0  }
0xbd: {  	s0 =	sadd.s32 $0x8F2B, s0  }
0xbe: {  	[sflag:s0] =	ssyncadd.remote.s32 $0x1  }
0xbf: {  	_ =	sfence.sel $0xFFFF  }
0xc0: {  	[dreg:$0x0] =	wrdreg $0xFFFFFFFF;
	(pc) =	sbr.abs _section_cstart, $3  }
0xc1: {  	[dreg:$0x1] =	wrdreg $0xFFFFFFFF  }
0xc2: {  	_ =	task.clear_ibuf [dreg:s7], $0x2FFFF;
	_ =	strace $0x9FFFFFFF  }
0xc3: {  	(tm) =	ssettm $0x7FFFFFFF  }
tec
execute0_lowered:
.L_overlay_start_1:
0x0: {  	(tag) =	ssettag $0x1  }
0x1: {  	s4 =	rddreg [dreg:$0x0]  }
0x2: {  	s6 =	rddreg [dreg:$0x1]  }
0x3: {  	s2 =	rddreg [dreg:$0x2]  }
0x4: {  	s0 =	srdreg.scid;
	s1 =	rddreg [dreg:$0x3];
	s3 =	simm.s32 $0x0  }
0x5: {  	s11 =	simm.s32 $0x2A80;
	s15 =	simm.s32 $0x20;
	s16 =	simm.s32 $0x10  }
0x6: {  	s17 =	simm.s32 $0x0;
	s5 =	sand.u32 $0x1, s0;
	s0 =	stileid.u32  }
0x7: {  	[smem:$0x7FF] =	sst s3;
	s7 =	sshll.u32 s5, $0x4;
	s9 =	smul.u32 $0xA00, s0  }
0x8: {  	_ =	strace $0x80000047;
	s5 =	ssub.s32 $0x2, s5;
	s13 =	smul.u32 $0xA0, s0  }
0x9: {  	s14 =	sshll.u32 s0, $0x6;
	s8 =	sor.u32 s0, s7;
	s31 =	sshrl.u32 s5, $0x1  }
0xa: {  	s12 =	sadd.s32 s6, s7;
	s7 =	simm.s32 $0x2B00;
	s8 =	smul.u32 $0x500, s8  }
0xb: {  	s9 =	sshrl.u32 s9, $0x2;
	s10 =	ssub.s32 s5, s31;
	s12 =	sadd.s32 s13, s12  }
0xc: {  	s13 =	sor.u32 $0x1C01, s14;
	s6 =	smax.u32 s10, $0x1;
	s10 =	simm.s32 $0x80  }
0xd: {  	s8 =	sadd.s32 s8, s4;
	s4 =	sadd.s32 s9, s2;
	s9 =	simm.s32 $0x280  }
0xe: {  	v0 =	vimm.f32 $1.000000000e+00;
	v1 =	vimm.f32 $0.0e+00;
	s5 =	sadd.s32 $0x3E00, s8;
	s8 =	simm.s32 $0x1;
	s14 =	sshrl.u32 s4, $0x3  }
.LBB2_1:
0xf: {  	[tilespmem:$0x2A80] =	vst v0  }
0x10: {  	[tilespmem:$0x2A90] =	vst v0  }
0x11: {  	[tilespmem:$0x2AA0] =	vst v0  }
0x12: {  	[tilespmem:$0x2AB0] =	vst v0  }
0x13: {  	[tilespmem:$0x2AC0] =	vst v0  }
0x14: {  	[tilespmem:$0x2AD0] =	vst v0  }
0x15: {  	[tilespmem:$0x2AE0] =	vst v0  }
0x16: {  	[tilespmem:$0x2AF0] =	vst v0  }
0x17: {  	[tilespmem:$0x2B00] =	vst v1  }
0x18: {  	[tilespmem:$0x2B10] =	vst v1  }
0x19: {  	[tilespmem:$0x2B20] =	vst v1  }
0x1a: {  	[tilespmem:$0x2B30] =	vst v1  }
0x1b: {  	[tilespmem:$0x2B40] =	vst v1  }
0x1c: {  	[tilespmem:$0x2B50] =	vst v1  }
0x1d: {  	[tilespmem:$0x2B60] =	vst v1  }
0x1e: {  	[tilespmem:$0x2B70] =	vst v1  }
0x1f: {  	[tilespmem:$0x2B80] =	vst v1  }
0x20: {  	[tilespmem:$0x2B90] =	vst v1  }
0x21: {  	[tilespmem:$0x2BA0] =	vst v1  }
0x22: {  	[tilespmem:$0x2BB0] =	vst v1  }
0x23: {  	[tilespmem:$0x2BC0] =	vst v1  }
0x24: {  	[tilespmem:$0x2BD0] =	vst v1  }
0x25: {  	[tilespmem:$0x2BE0] =	vst v1  }
0x26: {  	[tilespmem:$0x2BF0] =	vst v1  }
0x27: {  	[tilespmem:$0x2C00] =	vst v1  }
0x28: {  	[tilespmem:$0x2C10] =	vst v1  }
0x29: {  	[tilespmem:$0x2C20] =	vst v1  }
0x2a: {  	[tilespmem:$0x2C30] =	vst v1  }
0x2b: {  	[tilespmem:$0x2C40] =	vst v1  }
0x2c: {  	[tilespmem:$0x2C50] =	vst v1  }
0x2d: {  	[tilespmem:$0x2C60] =	vst v1  }
0x2e: {  	[tilespmem:$0x2C70] =	vst v1  }
0x2f: {  	[tilespmem:$0x2C80] =	vst v1  }
0x30: {  	[tilespmem:$0x2C90] =	vst v1  }
0x31: {  	[tilespmem:$0x2CA0] =	vst v1  }
0x32: {  	[tilespmem:$0x2CB0] =	vst v1  }
0x33: {  	[tilespmem:$0x2CC0] =	vst v1  }
0x34: {  	[tilespmem:$0x2CD0] =	vst v1  }
0x35: {  	[tilespmem:$0x2CE0] =	vst v1  }
0x36: {  	[tilespmem:$0x2CF0] =	vst v1  }
0x37: {  	[tilespmem:$0x2D00] =	vst v1  }
0x38: {  	[tilespmem:$0x2D10] =	vst v1  }
0x39: {  	[tilespmem:$0x2D20] =	vst v1  }
0x3a: {  	[tilespmem:$0x2D30] =	vst v1  }
0x3b: {  	[tilespmem:$0x2D40] =	vst v1  }
0x3c: {  	[tilespmem:$0x2D50] =	vst v1  }
0x3d: {  	[tilespmem:$0x2D60] =	vst v1  }
0x3e: {  	[tilespmem:$0x2D70] =	vst v1  }
0x3f: {  	[spmem:s4] =	stream.linear.scatter [tilespmem:s7], [sflag:$0x1], $0x280, $0x38;
	[tilespmem:$0x2D80] =	vst v63  }
0x40: {  	_ =	swait.ge [sflag:s8], $0x280  }
0x41: {  	[sflag:s8] =	ssyncset.done $0x0  }
0x42: {  	[sflag:s8] =	ssyncadd.s32 $0xFFFFFD80  }
0x43: {  	[tilespmem:s9], [sflag:$0x1] =	stream.linear.gather [hbm4b:s5+s3], $0x2800, $0x38;
	[tilespmem:$0x2D80] =	vst v63  }
0x44: {  	_ =	swait.ge [sflag:s8], $0x2800  }
0x45: {  	[sflag:s8] =	ssyncset.done $0x0  }
0x46: {  	[sflag:s8] =	ssyncadd.s32 $0xFFFFD800  }
0x47: {  	s18 =	simm.s32 $0x280;
	[bflag:$0x0] =	sbarrier.arrive $0xFFFF  }
0x48: {  	[spmem:s2] =	stream.indirect.scatter.add.f32 [tilespmem:s11], [sflag:$0x1], $0x1, s18, s10, $0xb8;
	[tilespmem:$0x2D80] =	vst v63  }
0x49: {  	s18 =	simm.s32 $0x200;
	_ =	swait.ge [sflag:s8], $0x80  }
.LBB2_2:
0x4a: {  	s19 =	sshra.s32 s18, $0x2;
	[sflag:s8] =	ssyncset.done $0x0;
	p0 =	sne.s32 s18, $0x9E00  }
.Ltmp0:
0x4b: {  	s19 =	sadd.s32 $0x280, s19;
	[sflag:s8] =	ssyncadd.s32 $0xFFFFFF80;
	(pc) =	sbr.rel @p0 .LBB2_2-.Ltmp0, $3  }
0x4c: {  	[spmem:s2] =	stream.indirect.scatter.add.f32 [tilespmem:s11], [sflag:$0x1], $0x1, s19, s10, $0xb8;
	[tilespmem:$0x2D80] =	vst v63  }
0x4d: {  	s18 =	sadd.s32 $0x200, s18;
	_ =	sdelay $0x1  }
0x4e: {  	_ =	swait.ge [sflag:s8], $0x80  }
0x4f: {  	[sflag:s8] =	ssyncset.done $0x0;
	s17 =	sadd.s32 $0x1, s17  }
0x50: {  	[sflag:s8] =	ssyncadd.s32 $0xFFFFFF80;
	p0 =	sne.s32 s17, s6  }
.Ltmp1:
0x51: {  	[bflag:$0x0] =	sbarrier.arrive $0xFFFF;
	(pc) =	sbr.rel @p0 .LBB2_1-.Ltmp1, $4  }
0x52: {  	[hbm:s12@s15], [sflag:s13] =	dma.strided [spmem:s14@s16], $0x50, s8, $0x10   }
0x53: {  	_ =	swait.ge [sflag:s8], $0x50  }
0x54: {  	[sflag:s8] =	ssyncset.done $0x0  }
0x55: {  	[sflag:s8] =	ssyncadd.s32 $0xFFFFFFB0  }
0x56: {  	_ =	sfence.sel $0x180000  }
0x57: {  	[bflag:$0x0] =	sbarrier.arrive $0xFFFF  }
0x58: {  	p0 =	sne.s32 s0, $0x0;
	_ =	strace $0x90000047  }
0x59: {  	s0 =	sadd.s32 @!p0 $0x100000, s1;
	[bflag:$0x2] =	sbarrier.arrive $0xFFFF  }
0x5a: {  	[sflag:s0] =	ssyncadd.tile.s32 @!p0 $0x1;
	_ =	shalt  }
.Lfunc_end2:
_tile_overlayer_lowered:
.L_overlay_start_2:
0x5b: {  	(tag) =	ssettag $0x2  }
0x5c: {  	s0 =	rddreg [dreg:$0x0];
	s2 =	stileid.u32  }
0x5d: {  	s1 =	rddreg [dreg:$0x1];
	p0 =	sne.s32 s2, $0x0  }
0x5e: {  	s3 =	rddreg [dreg:$0x2];
	[bflag:$0x3] =	sbarrier.arrive $0xFFFF;
	s2 =	simm.s32 @!p0 $0x1C01  }
0x5f: {  	[timem:s3], [sflag:s2] =	dma.local @!p0 [hbm:s0], s1  }
0x60: {  	s0 =	simm.s32 @!p0 $0x1  }
0x61: {  	_ =	swait.ge @!p0 [sflag:s0], s1  }
0x62: {  	s1 =	ssub.s32 @!p0 $0x0, s1;
	[sflag:s0] =	ssyncset.done @!p0 $0x0  }
0x63: {  	[sflag:s0] =	ssyncadd.s32 @!p0 s1  }
0x64: {  	[bflag:$0x3] =	sbarrier.arrive $0xFFFF  }
0x65: {  	_ =	shalt  }

// kernel: kernel.15.cloned.1.call-start
scs
__scs_entry_jumppad:
0x0: {  	(pc) =	sbr.rel $0x88, $3  }
0x1: {  	(tag) =	ssettag $0x0;
	lr =	simm.s32 $0x1  }
0x2: {  	[smem:$0x3F96] =	sst lr;
	_ =	strace $0xD0000000  }
0x3: {  	_ = 	snop  }
0x4: {  	_ = 	snop  }
0x5: {  	_ = 	snop  }
0x6: {  	_ = 	snop  }
0x7: {  	_ = 	snop  }
__scs_overlays_trampoline_lowered:
0x8: {  	[smem:$0x3FA5] =	sst s0  }
0x9: {  	[smem:$0x3FA6] =	sst s1  }
0xa: {  	[smem:$0x3FA7] =	sst s2  }
0xb: {  	[smem:$0x3FA8] =	sst s3  }
0xc: {  	[smem:$0x3FA9] =	sst s4  }
0xd: {  	[smem:$0x3FAA] =	sst s5  }
0xe: {  	[smem:$0x3FAB] =	sst s6  }
0xf: {  	[smem:$0x3FAC] =	sst s7  }
0x10: {  	[smem:$0x3FAD] =	sst s8  }
0x11: {  	[smem:$0x3FAE] =	sst s9;
	s0 =	simm.s32 @!p0 $0x0  }
0x12: {  	s1 =	sld [smem:$0x3F94];
	s0 =	simm.s32 @p0 $0x1  }
0x13: {  	[smem:$0x3FAF] =	sst s0;
	s0 =	simm.s32 @!p1 $0x0  }
0x14: {  	s2 =	sld [smem:$0x3F93];
	s0 =	simm.s32 @p1 $0x1  }
0x15: {  	[smem:$0x3FB0] =	sst s0;
	s0 =	simm.s32 @!p2 $0x0  }
0x16: {  	s3 =	sld [smem:$0x3FDB];
	s0 =	simm.s32 @p2 $0x1  }
0x17: {  	s4 =	simm.s32 $0x1BF5;
	[smem:$0x3FB2] =	sst s0  }
0x18: {  	s0 =	sld [smem:$0x3F95];
	_ =	swait.ge [sflag:s4], $0x0  }
0x19: {  	s7 =	sld [smem:$0x3F96]  }
0x1a: {  	s8 =	sadd.s32 $0xFFFFE003, lr  }
0x1b: {  	s9 =	sadd.s32 $0xFFFFFEF7, lr;
	s5 =	simm.s32 $0xFFFFFFFF;
	p2 =	slt.u32 s8, $0xFFFFF086  }
0x1c: {  	p1 =	slt.u32 s9, $0xF7A;
	s5 =	simm.s32 @!p2 $0x0  }
0x1d: {  	s5 =	simm.s32 @p1 $0x1;
	p0 =	seq.s32 s7, s2  }
0x1e: {  	s7 =	smul.u32 @!p0 $0xF7A, s2;
	p2 =	seq.s32 @!p0 s5, $0x0  }
0x1f: {  	s9 =	smul.u32 $0xF7A, s1;
	s8 =	simm.s32 @!p0 $0x1BF5;
	p2 =	por !p2, p0  }
0x20: {  	[sflag:s8] =	ssyncset.s32 @!p0 $0xFFFFF086;
	s6 =	sadd.s32 @!p0 s3, s7;
	s7 =	simm.s32 @!p0 $0x108  }
0x21: {  	s3 =	sadd.s32 s3, s9;
	s6 =	sadd.s32 @!p0 $0x88, s6;
	s7 =	simm.s32 @p2 $0x1082  }
0x22: {  	[simem:s7], [sflag:s8] =	dma.local @!p0 [hbm:s6], $0xF7A  }
0x23: {  	s9 =	sor.u32 $0xD0000000, s2;
	s6 =	simm.s32 $0x108;
	_ =	swait.ge @!p0 [sflag:s8], $0x0  }
0x24: {  	s3 =	sadd.s32 $0x88, s3;
	s6 =	simm.s32 @!p1 $0x1082;
	[sflag:s4] =	ssyncset.s32 $0xFFFFF086  }
0x25: {  	[simem:s6], [sflag:s4] =	dma.local [hbm:s3], $0xF7A  }
0x26: {  	[smem:$0x3F96] =	sst s1;
	(tag) =	ssettag s2;
	_ =	strace s9  }
0x27: {  	s1 =	sld [smem:$0x3FA6]  }
0x28: {  	s2 =	sld [smem:$0x3FA7]  }
0x29: {  	s4 =	sld [smem:$0x3FA9]  }
0x2a: {  	p0 =	seq.s32 s5, $0x0;
	s5 =	sld [smem:$0x3FAA]  }
0x2b: {  	s6 =	sld [smem:$0x3FAB]  }
0x2c: {  	s7 =	sld [smem:$0x3FAC]  }
0x2d: {  	s3 =	simm.s32 $0x108;
	s8 =	sld [smem:$0x3FAD]  }
0x2e: {  	s3 =	simm.s32 @!p0 $0x1082;
	s9 =	sld [smem:$0x3FAE]  }
0x2f: {  	lr =	sadd.s32 s0, s3;
	s0 =	sld [smem:$0x3FA5]  }
0x30: {  	s3 =	sld [smem:$0x3FA8]  }
0x31: {  	[smem:$0x3FB1] =	sst s10  }
0x32: {  	s10 =	sld [smem:$0x3FAF];
	_ =	sdelay $0x3  }
0x33: {  	p0 =	seq.s32 s10, $0x1;
	s10 =	sld [smem:$0x3FB1];
	_ =	sdelay $0x3  }
0x34: {  	[smem:$0x3FB1] =	sst s10  }
0x35: {  	s10 =	sld [smem:$0x3FB0];
	_ =	sdelay $0x3  }
0x36: {  	p1 =	seq.s32 s10, $0x1;
	s10 =	sld [smem:$0x3FB1];
	_ =	sdelay $0x3  }
0x37: {  	[smem:$0x3FB1] =	sst s10  }
0x38: {  	s10 =	sld [smem:$0x3FB2]  }
0x39: {  	_ = 	snop;
	(pc) =	sbr.ind lr, $3  }
0x3a: {  	_ = 	snop  }
0x3b: {  	_ = 	snop  }
0x3c: {  	p2 =	seq.s32 s10, $0x1;
	s10 =	sld [smem:$0x3FB1]  }
0x3d: {  	_ =	shalt  }
0x3e: {  	_ =	shalt  }
0x3f: {  	_ =	shalt  }
0x40: {  	_ =	shalt  }
0x41: {  	_ =	shalt  }
0x42: {  	_ =	shalt  }
0x43: {  	_ =	shalt  }
0x44: {  	_ =	shalt  }
0x45: {  	_ =	shalt  }
0x46: {  	_ =	shalt  }
0x47: {  	_ =	shalt  }
0x48: {  	_ =	shalt  }
0x49: {  	_ =	shalt  }
0x4a: {  	_ =	shalt  }
0x4b: {  	_ =	shalt  }
0x4c: {  	_ =	shalt  }
0x4d: {  	_ =	shalt  }
0x4e: {  	_ =	shalt  }
0x4f: {  	_ =	shalt  }
0x50: {  	_ =	shalt  }
0x51: {  	_ =	shalt  }
0x52: {  	_ =	shalt  }
0x53: {  	_ =	shalt  }
0x54: {  	_ =	shalt  }
0x55: {  	_ =	shalt  }
0x56: {  	_ =	shalt  }
0x57: {  	_ =	shalt  }
0x58: {  	_ =	shalt  }
0x59: {  	_ =	shalt  }
0x5a: {  	_ =	shalt  }
0x5b: {  	_ =	shalt  }
0x5c: {  	_ =	shalt  }
0x5d: {  	_ =	shalt  }
0x5e: {  	_ =	shalt  }
0x5f: {  	_ =	shalt  }
0x60: {  	_ =	shalt  }
0x61: {  	_ =	shalt  }
0x62: {  	_ =	shalt  }
0x63: {  	_ =	shalt  }
0x64: {  	_ =	shalt  }
0x65: {  	_ =	shalt  }
0x66: {  	_ =	shalt  }
0x67: {  	_ =	shalt  }
0x68: {  	_ =	shalt  }
0x69: {  	_ =	shalt  }
0x6a: {  	_ =	shalt  }
0x6b: {  	_ =	shalt  }
0x6c: {  	_ =	shalt  }
0x6d: {  	_ =	shalt  }
0x6e: {  	_ =	shalt  }
0x6f: {  	_ =	shalt  }
0x70: {  	_ =	shalt  }
0x71: {  	_ =	shalt  }
0x72: {  	_ =	shalt  }
0x73: {  	_ =	shalt  }
0x74: {  	_ =	shalt  }
0x75: {  	_ =	shalt  }
0x76: {  	_ =	shalt  }
0x77: {  	_ =	shalt  }
0x78: {  	_ =	shalt  }
0x79: {  	_ =	shalt  }
0x7a: {  	_ =	shalt  }
0x7b: {  	_ =	shalt  }
0x7c: {  	_ =	shalt  }
0x7d: {  	_ =	shalt  }
0x7e: {  	_ =	shalt  }
0x7f: {  	_ =	shalt  }
0x80: {  	_ =	shalt  }
0x81: {  	_ =	shalt  }
0x82: {  	_ =	shalt  }
0x83: {  	_ =	shalt  }
0x84: {  	_ =	shalt  }
0x85: {  	_ =	shalt  }
0x86: {  	_ =	shalt  }
0x87: {  	_ =	shalt  }
.Lfunc_end0:
.L_simem_size_0:
called_computation.1_lowered:
.L_overlay_start_0:
0x88: {  	s2 =	sld [smem:$0x3FD9]  }
0x89: {  	s3 =	sld [smem:$0x3FFE];
	_ =	sdelay $0x1  }
0x8a: {  	s1 =	srdreg.scid  }
0x8b: {  	s0 =	sand.u32 $0x1, s1  }
0x8c: {  	s16 =	sshll.u32 s0, $0xA;
	s2 =	sadd.s32 s3, s2  }
0x8d: {  	s2 =	sadd.s32 s2, s16  }
0x8e: {  	[smem:$0x3FBD] =	sst s2  }
0x8f: {  	_ = 	snop  }
0x90: {  	(tm) =	ssettm $0x1  }
0x91: {  	s17 =	sld [smem:$0x3FFB];
	_ =	sdelay $0x3  }
0x92: {  	_ =	strace s17  }
0x93: {  	s2 =	sld [smem:$0x3FFC];
	_ =	sdelay $0x3  }
0x94: {  	_ =	strace s2  }
0x95: {  	s2 =	sld [smem:$0x3FFD];
	_ =	sdelay $0x3  }
0x96: {  	_ =	strace s2  }
0x97: {  	_ =	strace $0x8FFFFFFF  }
0x98: {  	s18 =	sld [smem:$0x3FDB];
	_ =	sdelay $0x1  }
0x99: {  	s19 =	simm.s32 $_scs_section_size  }
0x9a: {  	s4 =	simm.s32 $_size__tile_overlayer_lowered;
	s5 =	simm.s32 $_tile_overlayer_lowered  }
0x9b: {  	s22 =	simm.s32 $0x1BFF;
	s21 =	sshll.u32 s5, $0x1;
	s2 =	sadd.s32 s19, s18  }
0x9c: {  	s6 =	simm.s32 $0x0;
	s20 =	sshll.u32 s4, $0x1;
	s4 =	sadd.s32 s21, s2  }
0x9d: {  	[timem:s6], [sflag:s22] =	dma.local [hbm:s4], s20  }
0x9e: {  	_ =	swait.ge [sflag:s22], s20  }
0x9f: {  	s3 =	ssub.s32 $0x0, s20;
	[sflag:s22] =	ssyncset.done $0x0  }
0xa0: {  	[sflag:s22] =	ssyncadd.s32 s3;
	_ =	sdelay $0x1  }
0xa1: {  	s23 =	simm.s32 $0x1B8B  }
0xa2: {  	_ =	swait.ge [sflag:s23], $0x1  }
0xa3: {  	[sflag:s23] =	ssyncset.done $0x0  }
0xa4: {  	s25 =	simm.s32 $0x1B8E;
	s24 =	sld [smem:$0x3FFE];
	[sflag:s23] =	ssyncadd.s32 $0xFFFFFFFF  }
0xa5: {  	s26 =	simm.s32 $execute0_lowered;
	[smem:$0x3FD2] =	sst s25  }
0xa6: {  	s4 =	sshll.u32 s26, $0x1;
	_ =	strace $0x80000049;
	[dreg:$0x1] =	wrdreg $0xFFFFFFFF  }
0xa7: {  	s28 =	simm.s32 $_size_execute0_lowered;
	s2 =	sadd.s32 s2, s4;
	[dreg:$0x0] =	wrdreg $0x0  }
0xa8: {  	s4 =	sshll.u32 s28, $0x1;
	[dreg:$0x2] =	wrdreg s2  }
0xa9: {  	[dreg:$0x3] =	wrdreg s4  }
0xaa: {  	[dreg:$0x4] =	wrdreg $0xC0  }
0xab: {  	_ =	task [dreg:s6], $0x5FFFF  }
0xac: {  	[dreg:$0x1] =	wrdreg $0xFFFFFFFF  }
0xad: {  	[dreg:$0x0] =	wrdreg $0x60  }
0xae: {  	[dreg:$0x2] =	wrdreg s24  }
0xaf: {  	[dreg:$0x3] =	wrdreg $0x0  }
0xb0: {  	[dreg:$0x4] =	wrdreg $0x9  }
0xb1: {  	_ =	task.clear_ibuf [dreg:s6], $0x5FFFF;
	_ =	strace $0x90000049  }
0xb2: {  	s29 =	simm.s32 $0x9;
	_ =	strace $0x8000004B  }
0xb3: {  	_ =	swait.ge [sflag:s29], $0x1  }
0xb4: {  	[sflag:s29] =	ssyncadd.s32 $0xFFFFFFFF  }
0xb5: {  	_ =	strace $0x9000004B  }
0xb6: {  	_ =	sfence  }
0xb7: {  	s30 =	sld [smem:$0x0];
	_ =	sdelay $0x2  }
0xb8: {  	s31 =	sshll.u32 s1, $0xD;
	s1 =	sshrl.u32 s1, $0x2  }
0xb9: {  	s3 =	sand.u32 $0x4000, s31;
	s1 =	sadd.s32 s1, s30  }
0xba: {  	s0 =	sor.u32 s3, s0;
	s1 =	sshll.u32 s1, $0x11  }
0xbb: {  	s0 =	sor.u32 s1, s0  }
0xbc: {  	s0 =	sadd.s32 $0x8F2B, s0  }
0xbd: {  	[sflag:s0] =	ssyncadd.remote.s32 $0x1  }
0xbe: {  	_ =	sfence.sel $0xFFFF  }
0xbf: {  	[dreg:$0x0] =	wrdreg $0xFFFFFFFF;
	(pc) =	sbr.abs _section_cstart, $3  }
0xc0: {  	[dreg:$0x1] =	wrdreg $0xFFFFFFFF  }
0xc1: {  	_ =	task.clear_ibuf [dreg:s6], $0x2FFFF;
	_ =	strace $0x9FFFFFFF  }
0xc2: {  	(tm) =	ssettm $0x7FFFFFFF  }
0xc3: {  	_ =	shalt  }
tec
execute0_lowered:
.L_overlay_start_1:
0x0: {  	(tag) =	ssettag $0x1  }
0x1: {  	s0 =	rddreg [dreg:$0x0]  }
0x2: {  	s1 =	rddreg [dreg:$0x1]  }
0x3: {  	s3 =	srdreg.scid;
	s2 =	simm.s32 $0x0;
	s12 =	stileid.u32  }
0x4: {  	s28 =	simm.s32 $0x80;
	s29 =	simm.s32 $0x13D80;
	s30 =	simm.s32 $0x13B80  }
0x5: {  	s31 =	simm.s32 $0x13D00;
	s3 =	sand.u32 $0x1, s3;
	s10 =	smul.u32 $0x4F000, s12  }
0x6: {  	[smem:$0x7FF] =	sst s2;
	s4 =	sadd.s32 $0x17E00, s0;
	s13 =	smul.u32 $0x2780, s12  }
0x7: {  	s5 =	sadd.s32 $0xDE00, s0;
	s6 =	sadd.s32 $0x3E00, s0;
	s25 =	smul.u32 $0x500, s12  }
0x8: {  	p0 =	seq.s32 s12, $0xF;
	s7 =	smul.u32 $0x27500, s3;
	_ =	strace $0x8000004A  }
0x9: {  	s8 =	ssub.s32 $0x2, s3;
	s9 =	sshll.u32 s3, $0x4;
	s23 =	smul.u32 $0x5000, s3  }
0xa: {  	s3 =	simm.s32 $0x17D80;
	s11 =	sshrl.u32 s8, $0x1;
	s9 =	sor.u32 s12, s9  }
0xb: {  	s10 =	sshrl.u32 s10, $0x2;
	[dreg:$0x3] =	wrdreg s13;
	s17 =	sadd.s32 s4, s13  }
0xc: {  	s13 =	simm.s32 $0x6;
	s7 =	sadd.s32 s7, s0;
	s8 =	ssub.s32 s8, s11  }
0xd: {  	s9 =	smul.u32 $0x500, s9;
	[dreg:$0x4] =	wrdreg s17;
	s0 =	sadd.s32 $0x3CE80, s0  }
0xe: {  	s10 =	sadd.s32 s10, s1;
	s11 =	sadd.s32 $0x128400, s1;
	[dreg:$0x5] =	wrdreg s0  }
0xf: {  	s7 =	sadd.s32 $0x3F400, s7;
	s26 =	smax.u32 s8, $0x1;
	s17 =	sshrl.u32 @p0 s11, $0x3  }
0x10: {  	s8 =	simm.s32 $0x4;
	s11 =	simm.s32 $0x7;
	[dreg:$0xc] =	wrdreg s7  }
0x11: {  	s18 =	sadd.s32 s5, s9;
	s19 =	sor.u32 $0x10, s9;
	[dreg:$0xd] =	wrdreg s26  }
0x12: {  	s20 =	sadd.s32 s6, s9;
	s9 =	sor.u32 $0x20, s9;
	[dreg:$0xe] =	wrdreg s17  }
0x13: {  	s7 =	sshll.u32 @!p0 s12, $0x6;
	s26 =	simm.s32 $0x1;
	[dreg:$0x6] =	wrdreg s18  }
0x14: {  	s12 =	simm.s32 $0x8;
	[dreg:$0x7] =	wrdreg s20;
	s21 =	sadd.s32 s5, s19  }
0x15: {  	s0 =	sadd.s32 s6, s19;
	s22 =	sadd.s32 s5, s9;
	s24 =	sadd.s32 s6, s9  }
0x16: {  	s18 =	sadd.s32 s25, s23;
	s16 =	sor.u32 @!p0 $0x1C0A, s7;
	[dreg:$0x8] =	wrdreg s21  }
0x17: {  	s19 =	sshrl.u32 @!p0 s10, $0x3;
	s23 =	simm.s32 $0x13C00;
	[dreg:$0x9] =	wrdreg s0  }
0x18: {  	s25 =	simm.s32 $0x13C80;
	s9 =	simm.s32 $0x3;
	[dreg:$0xa] =	wrdreg s22  }
0x19: {  	s10 =	simm.s32 $0x1BD80;
	s7 =	simm.s32 $0x5;
	[dreg:$0xb] =	wrdreg s24  }
0x1a: {  	s20 =	simm.s32 $0x0;
	s22 =	simm.s32 $0x13A80;
	[dreg:$0xf] =	wrdreg s16  }
0x1b: {  	s24 =	simm.s32 $0x13B00;
	s0 =	simm.s32 $0x2;
	[dreg:$0x10] =	wrdreg s19  }
.LBB2_1:
0x1c: {  	[dreg:$0x11] =	wrdreg s20  }
0x1d: {  	s14 =	simm.s32 @p0 $0x1FCA;
	s15 =	rddreg [dreg:$0x5]  }
0x1e: {  	[spmem:s17], [sflag:s14] =	dma.local @p0 [hbm:s15], $0x2480  }
0x1f: {  	s14 =	simm.s32 @p0 $0xA  }
0x20: {  	_ =	swait.ge @p0 [sflag:s14], $0x2480  }
0x21: {  	[sflag:s14] =	ssyncset.done @p0 $0x0  }
0x22: {  	[sflag:s14] =	ssyncadd.s32 @p0 $0xFFFFDB80;
	s14 =	rddreg [dreg:$0x4]  }
0x23: {  	[spmem:s19], [sflag:s16] =	dma.local @!p0 [hbm:s14], $0x2780  }
0x24: {  	s14 =	simm.s32 @!p0 $0xA  }
0x25: {  	_ =	swait.ge @!p0 [sflag:s14], $0x2780  }
0x26: {  	[sflag:s14] =	ssyncset.done @!p0 $0x0  }
0x27: {  	[sflag:s14] =	ssyncadd.s32 @!p0 $0xFFFFD880  }
0x28: {  	[bflag:$0x0] =	sbarrier.arrive $0xFFFF  }
0x29: {  	s15 =	rddreg [dreg:$0x6]  }
0x2a: {  	[tilespmem:s22], [sflag:$0x1] =	stream.linear.gather [hbm4b:s15+s2], $0x80, $0x38;
	[tilespmem:$0x1FD80] =	vst v63  }
0x2b: {  	s16 =	rddreg [dreg:$0x7]  }
0x2c: {  	[tilespmem:s23], [sflag:$0x1] =	stream.linear.gather [hbm4b:s16+s2], $0x80, $0x38;
	[tilespmem:$0x1FD80] =	vst v63  }
0x2d: {  	s17 =	rddreg [dreg:$0x8]  }
0x2e: {  	[tilespmem:s24], [sflag:$0x2] =	stream.linear.gather [hbm4b:s17+s2], $0x80, $0x38;
	[tilespmem:$0x1FD80] =	vst v63  }
0x2f: {  	s19 =	rddreg [dreg:$0x9]  }
0x30: {  	[tilespmem:s25], [sflag:$0x2] =	stream.linear.gather [hbm4b:s19+s2], $0x80, $0x38;
	[tilespmem:$0x1FD80] =	vst v63  }
0x31: {  	_ =	swait.ge [sflag:s26], $0x80  }
0x32: {  	[sflag:s26] =	ssyncset.done $0x0  }
0x33: {  	[sflag:s26] =	ssyncadd.s32 $0xFFFFFF80  }
0x34: {  	_ =	swait.ge [sflag:s26], $0x80  }
0x35: {  	[sflag:s26] =	ssyncset.done $0x0  }
0x36: {  	[sflag:s26] =	ssyncadd.s32 $0xFFFFFF80  }
0x37: {  	[tilespmem:s29], [sflag:$0x4] =	stream.indirect.gather [hbm4b:s4+s28], $0x80, s22, s28, $0xb8;
	[tilespmem:$0x1FD80] =	vst v63  }
0x38: {  	s20 =	rddreg [dreg:$0xa]  }
0x39: {  	[tilespmem:s30], [sflag:$0x3] =	stream.linear.gather [hbm4b:s20+s2], $0x80, $0x38;
	[tilespmem:$0x1FD80] =	vst v63  }
0x3a: {  	s21 =	rddreg [dreg:$0xb]  }
0x3b: {  	[tilespmem:s31], [sflag:$0x3] =	stream.linear.gather [hbm4b:s21+s2], $0x80, $0x38;
	[tilespmem:$0x1FD80] =	vst v63  }
0x3c: {  	_ =	swait.ge [sflag:s0], $0x80  }
0x3d: {  	[sflag:s0] =	ssyncset.done $0x0  }
0x3e: {  	[sflag:s0] =	ssyncadd.s32 $0xFFFFFF80  }
0x3f: {  	p1 =	por $0x1, $0x1;
	_ =	swait.ge [sflag:s0], $0x80  }
0x40: {  	s14 =	simm.s32 @!p1 $0x9;
	[sflag:s0] =	ssyncset.done $0x0  }
0x41: {  	s16 =	sadd.s32 @!p1 $0x20, s18;
	s17 =	simm.s32 @!p1 $0x20;
	[sflag:s0] =	ssyncadd.s32 $0xFFFFFF80  }
0x42: {  	[tilespmem:s3], [sflag:$0x5] =	stream.indirect.gather [hbm4b:s4+s28], $0x80, s24, s28, $0xb8;
	[tilespmem:$0x1FD80] =	vst v63  }
0x43: {  	s16 =	sand.u32 @!p1 $0xFFFFF80, s16;
	s17 =	sand.u32 @!p1 $0x70, s17;
	_ =	swait.ge @!p1 [sflag:s14], $0x4000  }
0x44: {  	s19 =	simm.s32 @!p1 $0x13B80;
	s16 =	sor.u32 @!p1 s17, s16;
	[sflag:s14] =	ssyncset.done @!p1 $0x0  }
0x45: {  	s17 =	sadd.s32 @!p1 s5, s16;
	[sflag:s14] =	ssyncadd.s32 @!p1 $0xFFFFC000;
	s14 =	simm.s32 @!p1 $0x0  }
0x46: {  	[tilespmem:s19], [sflag:$0x3] =	stream.linear.gather @!p1 [hbm4b:s17+s14], $0x80, $0x38;
	[tilespmem:$0x1FD80] =	vst v63  }
0x47: {  	s16 =	sadd.s32 @!p1 s6, s16;
	s17 =	simm.s32 @!p1 $0x13D00  }
0x48: {  	[tilespmem:s17], [sflag:$0x3] =	stream.linear.gather @!p1 [hbm4b:s16+s14], $0x80, $0x38;
	[tilespmem:$0x1FD80] =	vst v63  }
0x49: {  	_ =	swait.ge [sflag:s8], $0x4000  }
0x4a: {  	[sflag:s8] =	ssyncset.done $0x0  }
0x4b: {  	[sflag:s8] =	ssyncadd.s32 $0xFFFFC000  }
0x4c: {  	[spmem:s1] =	stream.indirect.scatter.add.f32 [tilespmem:s29], [sflag:$0x7], $0x80, s23, s28, $0xb8;
	[tilespmem:$0x1FD80] =	vst v63  }
0x4d: {  	_ =	swait.ge [sflag:s9], $0x80  }
0x4e: {  	[sflag:s9] =	ssyncset.done $0x0  }
0x4f: {  	[sflag:s9] =	ssyncadd.s32 $0xFFFFFF80  }
0x50: {  	_ =	swait.ge [sflag:s9], $0x80  }
0x51: {  	s15 =	sadd.s32 $0x40, s18;
	[sflag:s9] =	ssyncset.done $0x0  }
0x52: {  	s20 =	simm.s32 $0x30;
	s19 =	sadd.s32 $0xFFFFFFF0, s15;
	[sflag:s9] =	ssyncadd.s32 $0xFFFFFF80  }
0x53: {  	[tilespmem:s10], [sflag:$0x6] =	stream.indirect.gather [hbm4b:s4+s28], $0x80, s30, s28, $0xb8;
	[tilespmem:$0x1FD80] =	vst v63  }
0x54: {  	s16 =	sand.u32 $0xFFFFF80, s19;
	s17 =	sand.u32 $0x70, s20;
	_ =	swait.ge [sflag:s11], $0x4000  }
0x55: {  	s16 =	sor.u32 s17, s16;
	[sflag:s11] =	ssyncset.done $0x0  }
0x56: {  	s17 =	sadd.s32 s5, s16;
	[sflag:s11] =	ssyncadd.s32 $0xFFFFC000  }
0x57: {  	[tilespmem:s22], [sflag:$0x1] =	stream.linear.gather [hbm4b:s17+s2], $0x80, $0x38;
	[tilespmem:$0x1FD80] =	vst v63  }
0x58: {  	s16 =	sadd.s32 s6, s16  }
0x59: {  	[tilespmem:s23], [sflag:$0x1] =	stream.linear.gather [hbm4b:s16+s2], $0x80, $0x38;
	[tilespmem:$0x1FD80] =	vst v63  }
0x5a: {  	_ =	swait.ge [sflag:s7], $0x4000  }
0x5b: {  	[sflag:s7] =	ssyncset.done $0x0  }
0x5c: {  	[sflag:s7] =	ssyncadd.s32 $0xFFFFC000  }
0x5d: {  	[spmem:s1] =	stream.indirect.scatter.add.f32 [tilespmem:s3], [sflag:$0x8], $0x80, s25, s28, $0xb8;
	[tilespmem:$0x1FD80] =	vst v63  }
0x5e: {  	_ =	swait.ge [sflag:s26], $0x80  }
0x5f: {  	[sflag:s26] =	ssyncset.done $0x0  }
0x60: {  	[sflag:s26] =	ssyncadd.s32 $0xFFFFFF80  }
0x61: {  	_ =	swait.ge [sflag:s26], $0x80  }
0x62: {  	[sflag:s26] =	ssyncset.done $0x0  }
0x63: {  	s21 =	simm.s32 $0x40;
	[sflag:s26] =	ssyncadd.s32 $0xFFFFFF80  }
0x64: {  	[tilespmem:s29], [sflag:$0x4] =	stream.indirect.gather [hbm4b:s4+s28], $0x80, s22, s28, $0xb8;
	[tilespmem:$0x1FD80] =	vst v63  }
0x65: {  	s14 =	sand.u32 $0xFFFFF80, s15;
	s16 =	sand.u32 $0x70, s21;
	_ =	swait.ge [sflag:s12], $0x4000  }
0x66: {  	s14 =	sor.u32 s16, s14;
	[sflag:s12] =	ssyncset.done $0x0  }
0x67: {  	s16 =	sadd.s32 s5, s14;
	[sflag:s12] =	ssyncadd.s32 $0xFFFFC000  }
0x68: {  	[tilespmem:s24], [sflag:$0x2] =	stream.linear.gather [hbm4b:s16+s2], $0x80, $0x38;
	[tilespmem:$0x1FD80] =	vst v63  }
0x69: {  	s14 =	sadd.s32 s6, s14  }
0x6a: {  	[tilespmem:s25], [sflag:$0x2] =	stream.linear.gather [hbm4b:s14+s2], $0x80, $0x38;
	[tilespmem:$0x1FD80] =	vst v63  }
0x6b: {  	_ =	swait.ge [sflag:s13], $0x4000  }
0x6c: {  	s17 =	simm.s32 $0x70;
	[sflag:s13] =	ssyncset.done $0x0  }
.LBB2_2:
0x6d: {  	[sflag:s13] =	ssyncadd.s32 $0xFFFFC000;
	s14 =	smov.u32 s17;
	s17 =	sadd.s32 $0x30, s17  }
0x6e: {  	[spmem:s1] =	stream.indirect.scatter.add.f32 [tilespmem:s10], [sflag:$0x9], $0x80, s31, s28, $0xb8;
	[tilespmem:$0x1FD80] =	vst v63  }
0x6f: {  	p1 =	sne.s32 s17, $0x520;
	_ =	swait.ge [sflag:s0], $0x80  }
0x70: {  	[sflag:s0] =	ssyncset.done $0x0  }
0x71: {  	[sflag:s0] =	ssyncadd.s32 $0xFFFFFF80  }
0x72: {  	_ =	swait.ge [sflag:s0], $0x80  }
0x73: {  	p2 =	seq.s32 s14, $0x40;
	[sflag:s0] =	ssyncset.done $0x0  }
0x74: {  	s16 =	simm.s32 @!p2 $0x9;
	s19 =	sadd.s32 @!p2 $0xFFFFFFE0, s14;
	[sflag:s0] =	ssyncadd.s32 $0xFFFFFF80  }
0x75: {  	[tilespmem:s3], [sflag:$0x5] =	stream.indirect.gather [hbm4b:s4+s28], $0x80, s24, s28, $0xb8;
	[tilespmem:$0x1FD80] =	vst v63  }
0x76: {  	s20 =	sadd.s32 @!p2 s18, s19;
	s19 =	sand.u32 @!p2 $0x70, s19;
	_ =	swait.ge @!p2 [sflag:s16], $0x4000  }
0x77: {  	s21 =	simm.s32 @!p2 $0x13B80;
	s20 =	sand.u32 @!p2 $0xFFFFF80, s20;
	[sflag:s16] =	ssyncset.done @!p2 $0x0  }
0x78: {  	[sflag:s16] =	ssyncadd.s32 @!p2 $0xFFFFC000;
	s16 =	sor.u32 @!p2 s19, s20;
	s19 =	simm.s32 @!p2 $0x0  }
0x79: {  	s15 =	simm.s32 @!p2 $0x13D00;
	s20 =	sadd.s32 @!p2 s5, s16;
	s16 =	sadd.s32 @!p2 s6, s16  }
0x7a: {  	[tilespmem:s21], [sflag:$0x3] =	stream.linear.gather @!p2 [hbm4b:s20+s19], $0x80, $0x38;
	[tilespmem:$0x1FD80] =	vst v63  }
0x7b: {  	_ = 	snop  }
0x7c: {  	[tilespmem:s15], [sflag:$0x3] =	stream.linear.gather @!p2 [hbm4b:s16+s19], $0x80, $0x38;
	[tilespmem:$0x1FD80] =	vst v63  }
0x7d: {  	_ =	swait.ge [sflag:s8], $0x4000  }
0x7e: {  	[sflag:s8] =	ssyncset.done $0x0  }
0x7f: {  	[sflag:s8] =	ssyncadd.s32 $0xFFFFC000  }
0x80: {  	[spmem:s1] =	stream.indirect.scatter.add.f32 [tilespmem:s29], [sflag:$0x7], $0x80, s23, s28, $0xb8;
	[tilespmem:$0x1FD80] =	vst v63  }
0x81: {  	_ =	swait.ge [sflag:s9], $0x80  }
0x82: {  	[sflag:s9] =	ssyncset.done $0x0  }
0x83: {  	[sflag:s9] =	ssyncadd.s32 $0xFFFFFF80  }
0x84: {  	_ =	swait.ge [sflag:s9], $0x80  }
0x85: {  	s15 =	sadd.s32 s14, s18;
	[sflag:s9] =	ssyncset.done $0x0  }
0x86: {  	s19 =	sadd.s32 $0xFFFFFFF0, s14;
	s16 =	sadd.s32 $0xFFFFFFF0, s15;
	[sflag:s9] =	ssyncadd.s32 $0xFFFFFF80  }
0x87: {  	[tilespmem:s10], [sflag:$0x6] =	stream.indirect.gather [hbm4b:s4+s28], $0x80, s30, s28, $0xb8;
	[tilespmem:$0x1FD80] =	vst v63  }
0x88: {  	s19 =	sand.u32 $0x70, s19;
	s16 =	sand.u32 $0xFFFFF80, s16;
	_ =	swait.ge [sflag:s11], $0x4000  }
0x89: {  	s15 =	sand.u32 $0xFFFFF80, s15;
	s16 =	sor.u32 s19, s16;
	[sflag:s11] =	ssyncset.done $0x0  }
0x8a: {  	s19 =	sadd.s32 s5, s16;
	[sflag:s11] =	ssyncadd.s32 $0xFFFFC000  }
0x8b: {  	[tilespmem:s22], [sflag:$0x1] =	stream.linear.gather [hbm4b:s19+s2], $0x80, $0x38;
	[tilespmem:$0x1FD80] =	vst v63  }
0x8c: {  	s16 =	sadd.s32 s6, s16  }
0x8d: {  	[tilespmem:s23], [sflag:$0x1] =	stream.linear.gather [hbm4b:s16+s2], $0x80, $0x38;
	[tilespmem:$0x1FD80] =	vst v63  }
0x8e: {  	_ =	swait.ge [sflag:s7], $0x4000  }
0x8f: {  	[sflag:s7] =	ssyncset.done $0x0  }
0x90: {  	[sflag:s7] =	ssyncadd.s32 $0xFFFFC000  }
0x91: {  	[spmem:s1] =	stream.indirect.scatter.add.f32 [tilespmem:s3], [sflag:$0x8], $0x80, s25, s28, $0xb8;
	[tilespmem:$0x1FD80] =	vst v63  }
0x92: {  	_ =	swait.ge [sflag:s26], $0x80  }
0x93: {  	[sflag:s26] =	ssyncset.done $0x0  }
0x94: {  	[sflag:s26] =	ssyncadd.s32 $0xFFFFFF80  }
0x95: {  	_ =	swait.ge [sflag:s26], $0x80  }
0x96: {  	[sflag:s26] =	ssyncset.done $0x0  }
0x97: {  	s14 =	sand.u32 $0x70, s14;
	[sflag:s26] =	ssyncadd.s32 $0xFFFFFF80  }
0x98: {  	[tilespmem:s29], [sflag:$0x4] =	stream.indirect.gather [hbm4b:s4+s28], $0x80, s22, s28, $0xb8;
	[tilespmem:$0x1FD80] =	vst v63  }
0x99: {  	s14 =	sor.u32 s14, s15;
	_ =	swait.ge [sflag:s12], $0x4000  }
0x9a: {  	s15 =	sadd.s32 s5, s14;
	[sflag:s12] =	ssyncset.done $0x0  }
0x9b: {  	s14 =	sadd.s32 s6, s14;
	[sflag:s12] =	ssyncadd.s32 $0xFFFFC000  }
0x9c: {  	[tilespmem:s24], [sflag:$0x2] =	stream.linear.gather [hbm4b:s15+s2], $0x80, $0x38;
	[tilespmem:$0x1FD80] =	vst v63  }
.Ltmp0:
0x9d: {  	_ = 	snop;
	(pc) =	sbr.rel @p1 .LBB2_2-.Ltmp0, $4  }
0x9e: {  	_ = 	snop  }
0x9f: {  	[tilespmem:s25], [sflag:$0x2] =	stream.linear.gather [hbm4b:s14+s2], $0x80, $0x38;
	[tilespmem:$0x1FD80] =	vst v63  }
0xa0: {  	_ =	swait.ge [sflag:s13], $0x4000  }
0xa1: {  	[sflag:s13] =	ssyncset.done $0x0  }
0xa2: {  	[sflag:s13] =	ssyncadd.s32 $0xFFFFC000  }
0xa3: {  	[spmem:s1] =	stream.indirect.scatter.add.f32 [tilespmem:s10], [sflag:$0x9], $0x80, s31, s28, $0xb8;
	[tilespmem:$0x1FD80] =	vst v63  }
0xa4: {  	_ =	swait.ge [sflag:s0], $0x80  }
0xa5: {  	[sflag:s0] =	ssyncset.done $0x0  }
0xa6: {  	[sflag:s0] =	ssyncadd.s32 $0xFFFFFF80  }
0xa7: {  	_ =	swait.ge [sflag:s0], $0x80  }
0xa8: {  	[sflag:s0] =	ssyncset.done $0x0  }
0xa9: {  	[sflag:s0] =	ssyncadd.s32 $0xFFFFFF80  }
0xaa: {  	[tilespmem:s3], [sflag:$0x5] =	stream.indirect.gather [hbm4b:s4+s28], $0x80, s24, s28, $0xb8;
	[tilespmem:$0x1FD80] =	vst v63  }
0xab: {  	_ =	swait.ge [sflag:s8], $0x4000  }
0xac: {  	[sflag:s8] =	ssyncset.done $0x0  }
0xad: {  	[sflag:s8] =	ssyncadd.s32 $0xFFFFC000  }
0xae: {  	[spmem:s1] =	stream.indirect.scatter.add.f32 [tilespmem:s29], [sflag:$0x7], $0x80, s23, s28, $0xb8;
	[tilespmem:$0x1FD80] =	vst v63  }
0xaf: {  	_ =	swait.ge [sflag:s7], $0x4000  }
0xb0: {  	[sflag:s7] =	ssyncset.done $0x0  }
0xb1: {  	s14 =	simm.s32 $0x9;
	[sflag:s7] =	ssyncadd.s32 $0xFFFFC000  }
0xb2: {  	[spmem:s1] =	stream.indirect.scatter.add.f32 [tilespmem:s3], [sflag:$0x8], $0x80, s25, s28, $0xb8;
	[tilespmem:$0x1FD80] =	vst v63  }
0xb3: {  	_ =	swait.ge [sflag:s14], $0x4000  }
0xb4: {  	[sflag:s14] =	ssyncset.done $0x0  }
0xb5: {  	[sflag:s14] =	ssyncadd.s32 $0xFFFFC000  }
0xb6: {  	_ =	swait.ge [sflag:s11], $0x4000  }
0xb7: {  	[sflag:s11] =	ssyncset.done $0x0  }
0xb8: {  	[sflag:s11] =	ssyncadd.s32 $0xFFFFC000  }
0xb9: {  	_ =	swait.ge [sflag:s12], $0x4000  }
0xba: {  	[sflag:s12] =	ssyncset.done $0x0  }
0xbb: {  	[sflag:s12] =	ssyncadd.s32 $0xFFFFC000  }
0xbc: {  	[bflag:$0x0] =	sbarrier.arrive $0xFFFF  }
0xbd: {  	s16 =	rddreg [dreg:$0xc]  }
0xbe: {  	s15 =	simm.s32 @p0 $0x1FCA;
	s17 =	rddreg [dreg:$0xe];
	s14 =	sadd.s32 @p0 $0x25080, s16  }
0xbf: {  	[hbm:s14], [sflag:s15] =	dma.local @p0 [spmem:s17], $0x2480  }
0xc0: {  	s14 =	simm.s32 @p0 $0xA  }
0xc1: {  	_ =	swait.ge @p0 [sflag:s14], $0x2480  }
0xc2: {  	[sflag:s14] =	ssyncset.done @p0 $0x0;
	s19 =	rddreg [dreg:$0x10]  }
0xc3: {  	[sflag:s14] =	ssyncadd.s32 @p0 $0xFFFFDB80;
	s14 =	rddreg [dreg:$0x3]  }
0xc4: {  	s14 =	sadd.s32 @!p0 s14, s16;
	s16 =	rddreg [dreg:$0xf]  }
0xc5: {  	[hbm:s14], [sflag:s16] =	dma.local @!p0 [spmem:s19], $0x2780  }
0xc6: {  	s14 =	simm.s32 @!p0 $0xA  }
0xc7: {  	_ =	swait.ge @!p0 [sflag:s14], $0x2780  }
0xc8: {  	s20 =	rddreg [dreg:$0x11]  }
0xc9: {  	s21 =	rddreg [dreg:$0xd];
	s20 =	sadd.s32 $0x1, s20  }
0xca: {  	p1 =	sne.s32 s20, s21  }
.Ltmp1:
0xcb: {  	_ = 	snop;
	(pc) =	sbr.rel @p1 .LBB2_1-.Ltmp1, $3  }
0xcc: {  	_ =	sdelay $0x1  }
0xcd: {  	[sflag:s14] =	ssyncset.done @!p0 $0x0  }
0xce: {  	[sflag:s14] =	ssyncadd.s32 @!p0 $0xFFFFD880  }
0xcf: {  	_ =	sfence.sel $0x180000  }
0xd0: {  	[bflag:$0x0] =	sbarrier.arrive $0xFFFF  }
0xd1: {  	_ =	strace $0x9000004A  }
0xd2: {  	s0 =	stileid.u32;
	[bflag:$0x2] =	sbarrier.arrive $0xFFFF  }
0xd3: {  	p0 =	sne.s32 s0, $0x0;
	s0 =	rddreg [dreg:$0x2]  }
0xd4: {  	s0 =	sadd.s32 @!p0 $0x100000, s0  }
0xd5: {  	[sflag:s0] =	ssyncadd.tile.s32 @!p0 $0x1;
	_ =	shalt  }
.Lfunc_end2:
_tile_overlayer_lowered:
.L_overlay_start_2:
0xd6: {  	(tag) =	ssettag $0x2  }
0xd7: {  	s0 =	rddreg [dreg:$0x0];
	s2 =	stileid.u32  }
0xd8: {  	s1 =	rddreg [dreg:$0x1];
	p0 =	sne.s32 s2, $0x0  }
0xd9: {  	s3 =	rddreg [dreg:$0x2];
	[bflag:$0x3] =	sbarrier.arrive $0xFFFF;
	s2 =	simm.s32 @!p0 $0x1C0A  }
0xda: {  	[timem:s3], [sflag:s2] =	dma.local @!p0 [hbm:s0], s1  }
0xdb: {  	s0 =	simm.s32 @!p0 $0xA  }
0xdc: {  	_ =	swait.ge @!p0 [sflag:s0], s1  }
0xdd: {  	s1 =	ssub.s32 @!p0 $0x0, s1;
	[sflag:s0] =	ssyncset.done @!p0 $0x0  }
0xde: {  	[sflag:s0] =	ssyncadd.s32 @!p0 s1  }
0xdf: {  	[bflag:$0x3] =	sbarrier.arrive $0xFFFF  }
0xe0: {  	_ =	shalt  }

// kernel: kernel.18.cloned.1.call-start
scs
__scs_entry_jumppad:
0x0: {  	(pc) =	sbr.rel $0x88, $3  }
0x1: {  	(tag) =	ssettag $0x0;
	lr =	simm.s32 $0x1  }
0x2: {  	[smem:$0x3F96] =	sst lr;
	_ =	strace $0xD0000000  }
0x3: {  	_ = 	snop  }
0x4: {  	_ = 	snop  }
0x5: {  	_ = 	snop  }
0x6: {  	_ = 	snop  }
0x7: {  	_ = 	snop  }
__scs_overlays_trampoline_lowered:
0x8: {  	[smem:$0x3FA5] =	sst s0  }
0x9: {  	[smem:$0x3FA6] =	sst s1  }
0xa: {  	[smem:$0x3FA7] =	sst s2  }
0xb: {  	[smem:$0x3FA8] =	sst s3  }
0xc: {  	[smem:$0x3FA9] =	sst s4  }
0xd: {  	[smem:$0x3FAA] =	sst s5  }
0xe: {  	[smem:$0x3FAB] =	sst s6  }
0xf: {  	[smem:$0x3FAC] =	sst s7  }
0x10: {  	[smem:$0x3FAD] =	sst s8  }
0x11: {  	[smem:$0x3FAE] =	sst s9;
	s0 =	simm.s32 @!p0 $0x0  }
0x12: {  	s1 =	sld [smem:$0x3F94];
	s0 =	simm.s32 @p0 $0x1  }
0x13: {  	[smem:$0x3FAF] =	sst s0;
	s0 =	simm.s32 @!p1 $0x0  }
0x14: {  	s2 =	sld [smem:$0x3F93];
	s0 =	simm.s32 @p1 $0x1  }
0x15: {  	[smem:$0x3FB0] =	sst s0;
	s0 =	simm.s32 @!p2 $0x0  }
0x16: {  	s3 =	sld [smem:$0x3FDB];
	s0 =	simm.s32 @p2 $0x1  }
0x17: {  	s4 =	simm.s32 $0x1BF5;
	[smem:$0x3FB2] =	sst s0  }
0x18: {  	s0 =	sld [smem:$0x3F95];
	_ =	swait.ge [sflag:s4], $0x0  }
0x19: {  	s7 =	sld [smem:$0x3F96]  }
0x1a: {  	s8 =	sadd.s32 $0xFFFFE003, lr  }
0x1b: {  	s9 =	sadd.s32 $0xFFFFFEF7, lr;
	s5 =	simm.s32 $0xFFFFFFFF;
	p2 =	slt.u32 s8, $0xFFFFF086  }
0x1c: {  	p1 =	slt.u32 s9, $0xF7A;
	s5 =	simm.s32 @!p2 $0x0  }
0x1d: {  	s5 =	simm.s32 @p1 $0x1;
	p0 =	seq.s32 s7, s2  }
0x1e: {  	s7 =	smul.u32 @!p0 $0xF7A, s2;
	p2 =	seq.s32 @!p0 s5, $0x0  }
0x1f: {  	s9 =	smul.u32 $0xF7A, s1;
	s8 =	simm.s32 @!p0 $0x1BF5;
	p2 =	por !p2, p0  }
0x20: {  	[sflag:s8] =	ssyncset.s32 @!p0 $0xFFFFF086;
	s6 =	sadd.s32 @!p0 s3, s7;
	s7 =	simm.s32 @!p0 $0x108  }
0x21: {  	s3 =	sadd.s32 s3, s9;
	s6 =	sadd.s32 @!p0 $0x88, s6;
	s7 =	simm.s32 @p2 $0x1082  }
0x22: {  	[simem:s7], [sflag:s8] =	dma.local @!p0 [hbm:s6], $0xF7A  }
0x23: {  	s9 =	sor.u32 $0xD0000000, s2;
	s6 =	simm.s32 $0x108;
	_ =	swait.ge @!p0 [sflag:s8], $0x0  }
0x24: {  	s3 =	sadd.s32 $0x88, s3;
	s6 =	simm.s32 @!p1 $0x1082;
	[sflag:s4] =	ssyncset.s32 $0xFFFFF086  }
0x25: {  	[simem:s6], [sflag:s4] =	dma.local [hbm:s3], $0xF7A  }
0x26: {  	[smem:$0x3F96] =	sst s1;
	(tag) =	ssettag s2;
	_ =	strace s9  }
0x27: {  	s1 =	sld [smem:$0x3FA6]  }
0x28: {  	s2 =	sld [smem:$0x3FA7]  }
0x29: {  	s4 =	sld [smem:$0x3FA9]  }
0x2a: {  	p0 =	seq.s32 s5, $0x0;
	s5 =	sld [smem:$0x3FAA]  }
0x2b: {  	s6 =	sld [smem:$0x3FAB]  }
0x2c: {  	s7 =	sld [smem:$0x3FAC]  }
0x2d: {  	s3 =	simm.s32 $0x108;
	s8 =	sld [smem:$0x3FAD]  }
0x2e: {  	s3 =	simm.s32 @!p0 $0x1082;
	s9 =	sld [smem:$0x3FAE]  }
0x2f: {  	lr =	sadd.s32 s0, s3;
	s0 =	sld [smem:$0x3FA5]  }
0x30: {  	s3 =	sld [smem:$0x3FA8]  }
0x31: {  	[smem:$0x3FB1] =	sst s10  }
0x32: {  	s10 =	sld [smem:$0x3FAF];
	_ =	sdelay $0x3  }
0x33: {  	p0 =	seq.s32 s10, $0x1;
	s10 =	sld [smem:$0x3FB1];
	_ =	sdelay $0x3  }
0x34: {  	[smem:$0x3FB1] =	sst s10  }
0x35: {  	s10 =	sld [smem:$0x3FB0];
	_ =	sdelay $0x3  }
0x36: {  	p1 =	seq.s32 s10, $0x1;
	s10 =	sld [smem:$0x3FB1];
	_ =	sdelay $0x3  }
0x37: {  	[smem:$0x3FB1] =	sst s10  }
0x38: {  	s10 =	sld [smem:$0x3FB2]  }
0x39: {  	_ = 	snop;
	(pc) =	sbr.ind lr, $3  }
0x3a: {  	_ = 	snop  }
0x3b: {  	_ = 	snop  }
0x3c: {  	p2 =	seq.s32 s10, $0x1;
	s10 =	sld [smem:$0x3FB1]  }
0x3d: {  	_ =	shalt  }
0x3e: {  	_ =	shalt  }
0x3f: {  	_ =	shalt  }
0x40: {  	_ =	shalt  }
0x41: {  	_ =	shalt  }
0x42: {  	_ =	shalt  }
0x43: {  	_ =	shalt  }
0x44: {  	_ =	shalt  }
0x45: {  	_ =	shalt  }
0x46: {  	_ =	shalt  }
0x47: {  	_ =	shalt  }
0x48: {  	_ =	shalt  }
0x49: {  	_ =	shalt  }
0x4a: {  	_ =	shalt  }
0x4b: {  	_ =	shalt  }
0x4c: {  	_ =	shalt  }
0x4d: {  	_ =	shalt  }
0x4e: {  	_ =	shalt  }
0x4f: {  	_ =	shalt  }
0x50: {  	_ =	shalt  }
0x51: {  	_ =	shalt  }
0x52: {  	_ =	shalt  }
0x53: {  	_ =	shalt  }
0x54: {  	_ =	shalt  }
0x55: {  	_ =	shalt  }
0x56: {  	_ =	shalt  }
0x57: {  	_ =	shalt  }
0x58: {  	_ =	shalt  }
0x59: {  	_ =	shalt  }
0x5a: {  	_ =	shalt  }
0x5b: {  	_ =	shalt  }
0x5c: {  	_ =	shalt  }
0x5d: {  	_ =	shalt  }
0x5e: {  	_ =	shalt  }
0x5f: {  	_ =	shalt  }
0x60: {  	_ =	shalt  }
0x61: {  	_ =	shalt  }
0x62: {  	_ =	shalt  }
0x63: {  	_ =	shalt  }
0x64: {  	_ =	shalt  }
0x65: {  	_ =	shalt  }
0x66: {  	_ =	shalt  }
0x67: {  	_ =	shalt  }
0x68: {  	_ =	shalt  }
0x69: {  	_ =	shalt  }
0x6a: {  	_ =	shalt  }
0x6b: {  	_ =	shalt  }
0x6c: {  	_ =	shalt  }
0x6d: {  	_ =	shalt  }
0x6e: {  	_ =	shalt  }
0x6f: {  	_ =	shalt  }
0x70: {  	_ =	shalt  }
0x71: {  	_ =	shalt  }
0x72: {  	_ =	shalt  }
0x73: {  	_ =	shalt  }
0x74: {  	_ =	shalt  }
0x75: {  	_ =	shalt  }
0x76: {  	_ =	shalt  }
0x77: {  	_ =	shalt  }
0x78: {  	_ =	shalt  }
0x79: {  	_ =	shalt  }
0x7a: {  	_ =	shalt  }
0x7b: {  	_ =	shalt  }
0x7c: {  	_ =	shalt  }
0x7d: {  	_ =	shalt  }
0x7e: {  	_ =	shalt  }
0x7f: {  	_ =	shalt  }
0x80: {  	_ =	shalt  }
0x81: {  	_ =	shalt  }
0x82: {  	_ =	shalt  }
0x83: {  	_ =	shalt  }
0x84: {  	_ =	shalt  }
0x85: {  	_ =	shalt  }
0x86: {  	_ =	shalt  }
0x87: {  	_ =	shalt  }
.Lfunc_end0:
.L_simem_size_0:
called_computation.2_lowered:
.L_overlay_start_0:
0x88: {  	s2 =	sld [smem:$0x3FD9]  }
0x89: {  	s3 =	sld [smem:$0x3FFE];
	_ =	sdelay $0x1  }
0x8a: {  	s1 =	srdreg.scid  }
0x8b: {  	s0 =	sand.u32 $0x1, s1  }
0x8c: {  	s16 =	sshll.u32 s0, $0xA;
	s2 =	sadd.s32 s3, s2  }
0x8d: {  	s2 =	sadd.s32 s2, s16  }
0x8e: {  	[smem:$0x3FBD] =	sst s2  }
0x8f: {  	_ = 	snop  }
0x90: {  	(tm) =	ssettm $0x1  }
0x91: {  	s17 =	sld [smem:$0x3FFB];
	_ =	sdelay $0x3  }
0x92: {  	_ =	strace s17  }
0x93: {  	s2 =	sld [smem:$0x3FFC];
	_ =	sdelay $0x3  }
0x94: {  	_ =	strace s2  }
0x95: {  	s2 =	sld [smem:$0x3FFD];
	_ =	sdelay $0x3  }
0x96: {  	_ =	strace s2  }
0x97: {  	_ =	strace $0x8FFFFFFF  }
0x98: {  	s18 =	sld [smem:$0x3FDB];
	_ =	sdelay $0x1  }
0x99: {  	s19 =	simm.s32 $_scs_section_size  }
0x9a: {  	s4 =	simm.s32 $_size__tile_overlayer_lowered;
	s5 =	simm.s32 $_tile_overlayer_lowered  }
0x9b: {  	s22 =	simm.s32 $0x1BFF;
	s21 =	sshll.u32 s5, $0x1;
	s2 =	sadd.s32 s19, s18  }
0x9c: {  	s6 =	simm.s32 $0x0;
	s20 =	sshll.u32 s4, $0x1;
	s4 =	sadd.s32 s21, s2  }
0x9d: {  	[timem:s6], [sflag:s22] =	dma.local [hbm:s4], s20  }
0x9e: {  	_ =	swait.ge [sflag:s22], s20  }
0x9f: {  	s3 =	ssub.s32 $0x0, s20;
	[sflag:s22] =	ssyncset.done $0x0  }
0xa0: {  	[sflag:s22] =	ssyncadd.s32 s3;
	_ =	sdelay $0x1  }
0xa1: {  	s23 =	simm.s32 $0x1B8B  }
0xa2: {  	_ =	swait.ge [sflag:s23], $0x1  }
0xa3: {  	[sflag:s23] =	ssyncset.done $0x0  }
0xa4: {  	s25 =	simm.s32 $0x1B8E;
	s24 =	sld [smem:$0x3FFE];
	[sflag:s23] =	ssyncadd.s32 $0xFFFFFFFF  }
0xa5: {  	s26 =	simm.s32 $execute0_lowered;
	[smem:$0x3FD2] =	sst s25  }
0xa6: {  	s4 =	sshll.u32 s26, $0x1;
	_ =	strace $0x8000004C;
	[dreg:$0x1] =	wrdreg $0xFFFFFFFF  }
0xa7: {  	s28 =	simm.s32 $_size_execute0_lowered;
	s2 =	sadd.s32 s2, s4;
	[dreg:$0x0] =	wrdreg $0x0  }
0xa8: {  	s4 =	sshll.u32 s28, $0x1;
	[dreg:$0x2] =	wrdreg s2  }
0xa9: {  	[dreg:$0x3] =	wrdreg s4  }
0xaa: {  	[dreg:$0x4] =	wrdreg $0xC0  }
0xab: {  	_ =	task [dreg:s6], $0x5FFFF  }
0xac: {  	[dreg:$0x1] =	wrdreg $0xFFFFFFFF  }
0xad: {  	[dreg:$0x0] =	wrdreg $0x60  }
0xae: {  	[dreg:$0x2] =	wrdreg s24  }
0xaf: {  	[dreg:$0x3] =	wrdreg $0x0  }
0xb0: {  	[dreg:$0x4] =	wrdreg $0x9  }
0xb1: {  	_ =	task.clear_ibuf [dreg:s6], $0x5FFFF;
	_ =	strace $0x9000004C  }
0xb2: {  	s29 =	simm.s32 $0x9;
	_ =	strace $0x8000004E  }
0xb3: {  	_ =	swait.ge [sflag:s29], $0x1  }
0xb4: {  	[sflag:s29] =	ssyncadd.s32 $0xFFFFFFFF  }
0xb5: {  	_ =	strace $0x9000004E  }
0xb6: {  	_ =	sfence  }
0xb7: {  	s30 =	sld [smem:$0x0];
	_ =	sdelay $0x2  }
0xb8: {  	s31 =	sshll.u32 s1, $0xD;
	s1 =	sshrl.u32 s1, $0x2  }
0xb9: {  	s3 =	sand.u32 $0x4000, s31;
	s1 =	sadd.s32 s1, s30  }
0xba: {  	s0 =	sor.u32 s3, s0;
	s1 =	sshll.u32 s1, $0x11  }
0xbb: {  	s0 =	sor.u32 s1, s0  }
0xbc: {  	s0 =	sadd.s32 $0x8F2B, s0  }
0xbd: {  	[sflag:s0] =	ssyncadd.remote.s32 $0x1  }
0xbe: {  	_ =	sfence.sel $0xFFFF  }
0xbf: {  	[dreg:$0x0] =	wrdreg $0xFFFFFFFF;
	(pc) =	sbr.abs _section_cstart, $3  }
0xc0: {  	[dreg:$0x1] =	wrdreg $0xFFFFFFFF  }
0xc1: {  	_ =	task.clear_ibuf [dreg:s6], $0x2FFFF;
	_ =	strace $0x9FFFFFFF  }
0xc2: {  	(tm) =	ssettm $0x7FFFFFFF  }
0xc3: {  	_ =	shalt  }
tec
execute0_lowered:
.L_overlay_start_1:
0x0: {  	(tag) =	ssettag $0x1  }
0x1: {  	s0 =	rddreg [dreg:$0x0]  }
0x2: {  	s1 =	rddreg [dreg:$0x1]  }
0x3: {  	s3 =	srdreg.scid;
	s2 =	simm.s32 $0x0;
	s12 =	stileid.u32  }
0x4: {  	s28 =	simm.s32 $0x80;
	s29 =	simm.s32 $0x13D80;
	s30 =	simm.s32 $0x13B80  }
0x5: {  	s31 =	simm.s32 $0x13D00;
	s3 =	sand.u32 $0x1, s3;
	s10 =	smul.u32 $0x4F000, s12  }
0x6: {  	[smem:$0x7FF] =	sst s2;
	s4 =	sadd.s32 $0x17E00, s0;
	s13 =	smul.u32 $0x2780, s12  }
0x7: {  	s5 =	sadd.s32 $0xDE00, s0;
	s6 =	sadd.s32 $0x3E00, s0;
	s25 =	smul.u32 $0x500, s12  }
0x8: {  	p0 =	seq.s32 s12, $0xF;
	s7 =	smul.u32 $0x27500, s3;
	_ =	strace $0x8000004D  }
0x9: {  	s8 =	ssub.s32 $0x2, s3;
	s9 =	sshll.u32 s3, $0x4;
	s23 =	smul.u32 $0x5000, s3  }
0xa: {  	s3 =	simm.s32 $0x17D80;
	s11 =	sshrl.u32 s8, $0x1;
	s9 =	sor.u32 s12, s9  }
0xb: {  	s10 =	sshrl.u32 s10, $0x2;
	[dreg:$0x3] =	wrdreg s13;
	s17 =	sadd.s32 s4, s13  }
0xc: {  	s13 =	simm.s32 $0x6;
	s7 =	sadd.s32 s7, s0;
	s8 =	ssub.s32 s8, s11  }
0xd: {  	s9 =	smul.u32 $0x500, s9;
	[dreg:$0x4] =	wrdreg s17;
	s0 =	sadd.s32 $0x3CE80, s0  }
0xe: {  	s10 =	sadd.s32 s10, s1;
	s11 =	sadd.s32 $0x128400, s1;
	[dreg:$0x5] =	wrdreg s0  }
0xf: {  	s7 =	sadd.s32 $0x3F400, s7;
	s26 =	smax.u32 s8, $0x1;
	s17 =	sshrl.u32 @p0 s11, $0x3  }
0x10: {  	s8 =	simm.s32 $0x4;
	s11 =	simm.s32 $0x7;
	[dreg:$0xc] =	wrdreg s7  }
0x11: {  	s18 =	sadd.s32 s5, s9;
	s19 =	sor.u32 $0x10, s9;
	[dreg:$0xd] =	wrdreg s26  }
0x12: {  	s20 =	sadd.s32 s6, s9;
	s9 =	sor.u32 $0x20, s9;
	[dreg:$0xe] =	wrdreg s17  }
0x13: {  	s7 =	sshll.u32 @!p0 s12, $0x6;
	s26 =	simm.s32 $0x1;
	[dreg:$0x6] =	wrdreg s18  }
0x14: {  	s12 =	simm.s32 $0x8;
	[dreg:$0x7] =	wrdreg s20;
	s21 =	sadd.s32 s5, s19  }
0x15: {  	s0 =	sadd.s32 s6, s19;
	s22 =	sadd.s32 s5, s9;
	s24 =	sadd.s32 s6, s9  }
0x16: {  	s18 =	sadd.s32 s25, s23;
	s16 =	sor.u32 @!p0 $0x1C0A, s7;
	[dreg:$0x8] =	wrdreg s21  }
0x17: {  	s19 =	sshrl.u32 @!p0 s10, $0x3;
	s23 =	simm.s32 $0x13C00;
	[dreg:$0x9] =	wrdreg s0  }
0x18: {  	s25 =	simm.s32 $0x13C80;
	s9 =	simm.s32 $0x3;
	[dreg:$0xa] =	wrdreg s22  }
0x19: {  	s10 =	simm.s32 $0x1BD80;
	s7 =	simm.s32 $0x5;
	[dreg:$0xb] =	wrdreg s24  }
0x1a: {  	s20 =	simm.s32 $0x0;
	s22 =	simm.s32 $0x13A80;
	[dreg:$0xf] =	wrdreg s16  }
0x1b: {  	s24 =	simm.s32 $0x13B00;
	s0 =	simm.s32 $0x2;
	[dreg:$0x10] =	wrdreg s19  }
.LBB2_1:
0x1c: {  	[dreg:$0x11] =	wrdreg s20  }
0x1d: {  	s14 =	simm.s32 @p0 $0x1FCA;
	s15 =	rddreg [dreg:$0x5]  }
0x1e: {  	[spmem:s17], [sflag:s14] =	dma.local @p0 [hbm:s15], $0x2480  }
0x1f: {  	s14 =	simm.s32 @p0 $0xA  }
0x20: {  	_ =	swait.ge @p0 [sflag:s14], $0x2480  }
0x21: {  	[sflag:s14] =	ssyncset.done @p0 $0x0  }
0x22: {  	[sflag:s14] =	ssyncadd.s32 @p0 $0xFFFFDB80;
	s14 =	rddreg [dreg:$0x4]  }
0x23: {  	[spmem:s19], [sflag:s16] =	dma.local @!p0 [hbm:s14], $0x2780  }
0x24: {  	s14 =	simm.s32 @!p0 $0xA  }
0x25: {  	_ =	swait.ge @!p0 [sflag:s14], $0x2780  }
0x26: {  	[sflag:s14] =	ssyncset.done @!p0 $0x0  }
0x27: {  	[sflag:s14] =	ssyncadd.s32 @!p0 $0xFFFFD880  }
0x28: {  	[bflag:$0x0] =	sbarrier.arrive $0xFFFF  }
0x29: {  	s15 =	rddreg [dreg:$0x6]  }
0x2a: {  	[tilespmem:s22], [sflag:$0x1] =	stream.linear.gather [hbm4b:s15+s2], $0x80, $0x38;
	[tilespmem:$0x1FD80] =	vst v63  }
0x2b: {  	s16 =	rddreg [dreg:$0x7]  }
0x2c: {  	[tilespmem:s23], [sflag:$0x1] =	stream.linear.gather [hbm4b:s16+s2], $0x80, $0x38;
	[tilespmem:$0x1FD80] =	vst v63  }
0x2d: {  	s17 =	rddreg [dreg:$0x8]  }
0x2e: {  	[tilespmem:s24], [sflag:$0x2] =	stream.linear.gather [hbm4b:s17+s2], $0x80, $0x38;
	[tilespmem:$0x1FD80] =	vst v63  }
0x2f: {  	s19 =	rddreg [dreg:$0x9]  }
0x30: {  	[tilespmem:s25], [sflag:$0x2] =	stream.linear.gather [hbm4b:s19+s2], $0x80, $0x38;
	[tilespmem:$0x1FD80] =	vst v63  }
0x31: {  	_ =	swait.ge [sflag:s26], $0x80  }
0x32: {  	[sflag:s26] =	ssyncset.done $0x0  }
0x33: {  	[sflag:s26] =	ssyncadd.s32 $0xFFFFFF80  }
0x34: {  	_ =	swait.ge [sflag:s26], $0x80  }
0x35: {  	[sflag:s26] =	ssyncset.done $0x0  }
0x36: {  	[sflag:s26] =	ssyncadd.s32 $0xFFFFFF80  }
0x37: {  	[tilespmem:s29], [sflag:$0x4] =	stream.indirect.gather [hbm4b:s4+s28], $0x80, s22, s28, $0xb8;
	[tilespmem:$0x1FD80] =	vst v63  }
0x38: {  	s20 =	rddreg [dreg:$0xa]  }
0x39: {  	[tilespmem:s30], [sflag:$0x3] =	stream.linear.gather [hbm4b:s20+s2], $0x80, $0x38;
	[tilespmem:$0x1FD80] =	vst v63  }
0x3a: {  	s21 =	rddreg [dreg:$0xb]  }
0x3b: {  	[tilespmem:s31], [sflag:$0x3] =	stream.linear.gather [hbm4b:s21+s2], $0x80, $0x38;
	[tilespmem:$0x1FD80] =	vst v63  }
0x3c: {  	_ =	swait.ge [sflag:s0], $0x80  }
0x3d: {  	[sflag:s0] =	ssyncset.done $0x0  }
0x3e: {  	[sflag:s0] =	ssyncadd.s32 $0xFFFFFF80  }
0x3f: {  	p1 =	por $0x1, $0x1;
	_ =	swait.ge [sflag:s0], $0x80  }
0x40: {  	s14 =	simm.s32 @!p1 $0x9;
	[sflag:s0] =	ssyncset.done $0x0  }
0x41: {  	s16 =	sadd.s32 @!p1 $0x20, s18;
	s17 =	simm.s32 @!p1 $0x20;
	[sflag:s0] =	ssyncadd.s32 $0xFFFFFF80  }
0x42: {  	[tilespmem:s3], [sflag:$0x5] =	stream.indirect.gather [hbm4b:s4+s28], $0x80, s24, s28, $0xb8;
	[tilespmem:$0x1FD80] =	vst v63  }
0x43: {  	s16 =	sand.u32 @!p1 $0xFFFFF80, s16;
	s17 =	sand.u32 @!p1 $0x70, s17;
	_ =	swait.ge @!p1 [sflag:s14], $0x4000  }
0x44: {  	s19 =	simm.s32 @!p1 $0x13B80;
	s16 =	sor.u32 @!p1 s17, s16;
	[sflag:s14] =	ssyncset.done @!p1 $0x0  }
0x45: {  	s17 =	sadd.s32 @!p1 s5, s16;
	[sflag:s14] =	ssyncadd.s32 @!p1 $0xFFFFC000;
	s14 =	simm.s32 @!p1 $0x0  }
0x46: {  	[tilespmem:s19], [sflag:$0x3] =	stream.linear.gather @!p1 [hbm4b:s17+s14], $0x80, $0x38;
	[tilespmem:$0x1FD80] =	vst v63  }
0x47: {  	s16 =	sadd.s32 @!p1 s6, s16;
	s17 =	simm.s32 @!p1 $0x13D00  }
0x48: {  	[tilespmem:s17], [sflag:$0x3] =	stream.linear.gather @!p1 [hbm4b:s16+s14], $0x80, $0x38;
	[tilespmem:$0x1FD80] =	vst v63  }
0x49: {  	_ =	swait.ge [sflag:s8], $0x4000  }
0x4a: {  	[sflag:s8] =	ssyncset.done $0x0  }
0x4b: {  	[sflag:s8] =	ssyncadd.s32 $0xFFFFC000  }
0x4c: {  	[spmem:s1] =	stream.indirect.scatter.add.f32 [tilespmem:s29], [sflag:$0x7], $0x80, s23, s28, $0xb8;
	[tilespmem:$0x1FD80] =	vst v63  }
0x4d: {  	_ =	swait.ge [sflag:s9], $0x80  }
0x4e: {  	[sflag:s9] =	ssyncset.done $0x0  }
0x4f: {  	[sflag:s9] =	ssyncadd.s32 $0xFFFFFF80  }
0x50: {  	_ =	swait.ge [sflag:s9], $0x80  }
0x51: {  	s15 =	sadd.s32 $0x40, s18;
	[sflag:s9] =	ssyncset.done $0x0  }
0x52: {  	s20 =	simm.s32 $0x30;
	s19 =	sadd.s32 $0xFFFFFFF0, s15;
	[sflag:s9] =	ssyncadd.s32 $0xFFFFFF80  }
0x53: {  	[tilespmem:s10], [sflag:$0x6] =	stream.indirect.gather [hbm4b:s4+s28], $0x80, s30, s28, $0xb8;
	[tilespmem:$0x1FD80] =	vst v63  }
0x54: {  	s16 =	sand.u32 $0xFFFFF80, s19;
	s17 =	sand.u32 $0x70, s20;
	_ =	swait.ge [sflag:s11], $0x4000  }
0x55: {  	s16 =	sor.u32 s17, s16;
	[sflag:s11] =	ssyncset.done $0x0  }
0x56: {  	s17 =	sadd.s32 s5, s16;
	[sflag:s11] =	ssyncadd.s32 $0xFFFFC000  }
0x57: {  	[tilespmem:s22], [sflag:$0x1] =	stream.linear.gather [hbm4b:s17+s2], $0x80, $0x38;
	[tilespmem:$0x1FD80] =	vst v63  }
0x58: {  	s16 =	sadd.s32 s6, s16  }
0x59: {  	[tilespmem:s23], [sflag:$0x1] =	stream.linear.gather [hbm4b:s16+s2], $0x80, $0x38;
	[tilespmem:$0x1FD80] =	vst v63  }
0x5a: {  	_ =	swait.ge [sflag:s7], $0x4000  }
0x5b: {  	[sflag:s7] =	ssyncset.done $0x0  }
0x5c: {  	[sflag:s7] =	ssyncadd.s32 $0xFFFFC000  }
0x5d: {  	[spmem:s1] =	stream.indirect.scatter.add.f32 [tilespmem:s3], [sflag:$0x8], $0x80, s25, s28, $0xb8;
	[tilespmem:$0x1FD80] =	vst v63  }
0x5e: {  	_ =	swait.ge [sflag:s26], $0x80  }
0x5f: {  	[sflag:s26] =	ssyncset.done $0x0  }
0x60: {  	[sflag:s26] =	ssyncadd.s32 $0xFFFFFF80  }
0x61: {  	_ =	swait.ge [sflag:s26], $0x80  }
0x62: {  	[sflag:s26] =	ssyncset.done $0x0  }
0x63: {  	s21 =	simm.s32 $0x40;
	[sflag:s26] =	ssyncadd.s32 $0xFFFFFF80  }
0x64: {  	[tilespmem:s29], [sflag:$0x4] =	stream.indirect.gather [hbm4b:s4+s28], $0x80, s22, s28, $0xb8;
	[tilespmem:$0x1FD80] =	vst v63  }
0x65: {  	s14 =	sand.u32 $0xFFFFF80, s15;
	s16 =	sand.u32 $0x70, s21;
	_ =	swait.ge [sflag:s12], $0x4000  }
0x66: {  	s14 =	sor.u32 s16, s14;
	[sflag:s12] =	ssyncset.done $0x0  }
0x67: {  	s16 =	sadd.s32 s5, s14;
	[sflag:s12] =	ssyncadd.s32 $0xFFFFC000  }
0x68: {  	[tilespmem:s24], [sflag:$0x2] =	stream.linear.gather [hbm4b:s16+s2], $0x80, $0x38;
	[tilespmem:$0x1FD80] =	vst v63  }
0x69: {  	s14 =	sadd.s32 s6, s14  }
0x6a: {  	[tilespmem:s25], [sflag:$0x2] =	stream.linear.gather [hbm4b:s14+s2], $0x80, $0x38;
	[tilespmem:$0x1FD80] =	vst v63  }
0x6b: {  	_ =	swait.ge [sflag:s13], $0x4000  }
0x6c: {  	s17 =	simm.s32 $0x70;
	[sflag:s13] =	ssyncset.done $0x0  }
.LBB2_2:
0x6d: {  	[sflag:s13] =	ssyncadd.s32 $0xFFFFC000;
	s14 =	smov.u32 s17;
	s17 =	sadd.s32 $0x30, s17  }
0x6e: {  	[spmem:s1] =	stream.indirect.scatter.add.f32 [tilespmem:s10], [sflag:$0x9], $0x80, s31, s28, $0xb8;
	[tilespmem:$0x1FD80] =	vst v63  }
0x6f: {  	p1 =	sne.s32 s17, $0x520;
	_ =	swait.ge [sflag:s0], $0x80  }
0x70: {  	[sflag:s0] =	ssyncset.done $0x0  }
0x71: {  	[sflag:s0] =	ssyncadd.s32 $0xFFFFFF80  }
0x72: {  	_ =	swait.ge [sflag:s0], $0x80  }
0x73: {  	p2 =	seq.s32 s14, $0x40;
	[sflag:s0] =	ssyncset.done $0x0  }
0x74: {  	s16 =	simm.s32 @!p2 $0x9;
	s19 =	sadd.s32 @!p2 $0xFFFFFFE0, s14;
	[sflag:s0] =	ssyncadd.s32 $0xFFFFFF80  }
0x75: {  	[tilespmem:s3], [sflag:$0x5] =	stream.indirect.gather [hbm4b:s4+s28], $0x80, s24, s28, $0xb8;
	[tilespmem:$0x1FD80] =	vst v63  }
0x76: {  	s20 =	sadd.s32 @!p2 s18, s19;
	s19 =	sand.u32 @!p2 $0x70, s19;
	_ =	swait.ge @!p2 [sflag:s16], $0x4000  }
0x77: {  	s21 =	simm.s32 @!p2 $0x13B80;
	s20 =	sand.u32 @!p2 $0xFFFFF80, s20;
	[sflag:s16] =	ssyncset.done @!p2 $0x0  }
0x78: {  	[sflag:s16] =	ssyncadd.s32 @!p2 $0xFFFFC000;
	s16 =	sor.u32 @!p2 s19, s20;
	s19 =	simm.s32 @!p2 $0x0  }
0x79: {  	s15 =	simm.s32 @!p2 $0x13D00;
	s20 =	sadd.s32 @!p2 s5, s16;
	s16 =	sadd.s32 @!p2 s6, s16  }
0x7a: {  	[tilespmem:s21], [sflag:$0x3] =	stream.linear.gather @!p2 [hbm4b:s20+s19], $0x80, $0x38;
	[tilespmem:$0x1FD80] =	vst v63  }
0x7b: {  	_ = 	snop  }
0x7c: {  	[tilespmem:s15], [sflag:$0x3] =	stream.linear.gather @!p2 [hbm4b:s16+s19], $0x80, $0x38;
	[tilespmem:$0x1FD80] =	vst v63  }
0x7d: {  	_ =	swait.ge [sflag:s8], $0x4000  }
0x7e: {  	[sflag:s8] =	ssyncset.done $0x0  }
0x7f: {  	[sflag:s8] =	ssyncadd.s32 $0xFFFFC000  }
0x80: {  	[spmem:s1] =	stream.indirect.scatter.add.f32 [tilespmem:s29], [sflag:$0x7], $0x80, s23, s28, $0xb8;
	[tilespmem:$0x1FD80] =	vst v63  }
0x81: {  	_ =	swait.ge [sflag:s9], $0x80  }
0x82: {  	[sflag:s9] =	ssyncset.done $0x0  }
0x83: {  	[sflag:s9] =	ssyncadd.s32 $0xFFFFFF80  }
0x84: {  	_ =	swait.ge [sflag:s9], $0x80  }
0x85: {  	s15 =	sadd.s32 s14, s18;
	[sflag:s9] =	ssyncset.done $0x0  }
0x86: {  	s19 =	sadd.s32 $0xFFFFFFF0, s14;
	s16 =	sadd.s32 $0xFFFFFFF0, s15;
	[sflag:s9] =	ssyncadd.s32 $0xFFFFFF80  }
0x87: {  	[tilespmem:s10], [sflag:$0x6] =	stream.indirect.gather [hbm4b:s4+s28], $0x80, s30, s28, $0xb8;
	[tilespmem:$0x1FD80] =	vst v63  }
0x88: {  	s19 =	sand.u32 $0x70, s19;
	s16 =	sand.u32 $0xFFFFF80, s16;
	_ =	swait.ge [sflag:s11], $0x4000  }
0x89: {  	s15 =	sand.u32 $0xFFFFF80, s15;
	s16 =	sor.u32 s19, s16;
	[sflag:s11] =	ssyncset.done $0x0  }
0x8a: {  	s19 =	sadd.s32 s5, s16;
	[sflag:s11] =	ssyncadd.s32 $0xFFFFC000  }
0x8b: {  	[tilespmem:s22], [sflag:$0x1] =	stream.linear.gather [hbm4b:s19+s2], $0x80, $0x38;
	[tilespmem:$0x1FD80] =	vst v63  }
0x8c: {  	s16 =	sadd.s32 s6, s16  }
0x8d: {  	[tilespmem:s23], [sflag:$0x1] =	stream.linear.gather [hbm4b:s16+s2], $0x80, $0x38;
	[tilespmem:$0x1FD80] =	vst v63  }
0x8e: {  	_ =	swait.ge [sflag:s7], $0x4000  }
0x8f: {  	[sflag:s7] =	ssyncset.done $0x0  }
0x90: {  	[sflag:s7] =	ssyncadd.s32 $0xFFFFC000  }
0x91: {  	[spmem:s1] =	stream.indirect.scatter.add.f32 [tilespmem:s3], [sflag:$0x8], $0x80, s25, s28, $0xb8;
	[tilespmem:$0x1FD80] =	vst v63  }
0x92: {  	_ =	swait.ge [sflag:s26], $0x80  }
0x93: {  	[sflag:s26] =	ssyncset.done $0x0  }
0x94: {  	[sflag:s26] =	ssyncadd.s32 $0xFFFFFF80  }
0x95: {  	_ =	swait.ge [sflag:s26], $0x80  }
0x96: {  	[sflag:s26] =	ssyncset.done $0x0  }
0x97: {  	s14 =	sand.u32 $0x70, s14;
	[sflag:s26] =	ssyncadd.s32 $0xFFFFFF80  }
0x98: {  	[tilespmem:s29], [sflag:$0x4] =	stream.indirect.gather [hbm4b:s4+s28], $0x80, s22, s28, $0xb8;
	[tilespmem:$0x1FD80] =	vst v63  }
0x99: {  	s14 =	sor.u32 s14, s15;
	_ =	swait.ge [sflag:s12], $0x4000  }
0x9a: {  	s15 =	sadd.s32 s5, s14;
	[sflag:s12] =	ssyncset.done $0x0  }
0x9b: {  	s14 =	sadd.s32 s6, s14;
	[sflag:s12] =	ssyncadd.s32 $0xFFFFC000  }
0x9c: {  	[tilespmem:s24], [sflag:$0x2] =	stream.linear.gather [hbm4b:s15+s2], $0x80, $0x38;
	[tilespmem:$0x1FD80] =	vst v63  }
.Ltmp0:
0x9d: {  	_ = 	snop;
	(pc) =	sbr.rel @p1 .LBB2_2-.Ltmp0, $4  }
0x9e: {  	_ = 	snop  }
0x9f: {  	[tilespmem:s25], [sflag:$0x2] =	stream.linear.gather [hbm4b:s14+s2], $0x80, $0x38;
	[tilespmem:$0x1FD80] =	vst v63  }
0xa0: {  	_ =	swait.ge [sflag:s13], $0x4000  }
0xa1: {  	[sflag:s13] =	ssyncset.done $0x0  }
0xa2: {  	[sflag:s13] =	ssyncadd.s32 $0xFFFFC000  }
0xa3: {  	[spmem:s1] =	stream.indirect.scatter.add.f32 [tilespmem:s10], [sflag:$0x9], $0x80, s31, s28, $0xb8;
	[tilespmem:$0x1FD80] =	vst v63  }
0xa4: {  	_ =	swait.ge [sflag:s0], $0x80  }
0xa5: {  	[sflag:s0] =	ssyncset.done $0x0  }
0xa6: {  	[sflag:s0] =	ssyncadd.s32 $0xFFFFFF80  }
0xa7: {  	_ =	swait.ge [sflag:s0], $0x80  }
0xa8: {  	[sflag:s0] =	ssyncset.done $0x0  }
0xa9: {  	[sflag:s0] =	ssyncadd.s32 $0xFFFFFF80  }
0xaa: {  	[tilespmem:s3], [sflag:$0x5] =	stream.indirect.gather [hbm4b:s4+s28], $0x80, s24, s28, $0xb8;
	[tilespmem:$0x1FD80] =	vst v63  }
0xab: {  	_ =	swait.ge [sflag:s8], $0x4000  }
0xac: {  	[sflag:s8] =	ssyncset.done $0x0  }
0xad: {  	[sflag:s8] =	ssyncadd.s32 $0xFFFFC000  }
0xae: {  	[spmem:s1] =	stream.indirect.scatter.add.f32 [tilespmem:s29], [sflag:$0x7], $0x80, s23, s28, $0xb8;
	[tilespmem:$0x1FD80] =	vst v63  }
0xaf: {  	_ =	swait.ge [sflag:s7], $0x4000  }
0xb0: {  	[sflag:s7] =	ssyncset.done $0x0  }
0xb1: {  	s14 =	simm.s32 $0x9;
	[sflag:s7] =	ssyncadd.s32 $0xFFFFC000  }
0xb2: {  	[spmem:s1] =	stream.indirect.scatter.add.f32 [tilespmem:s3], [sflag:$0x8], $0x80, s25, s28, $0xb8;
	[tilespmem:$0x1FD80] =	vst v63  }
0xb3: {  	_ =	swait.ge [sflag:s14], $0x4000  }
0xb4: {  	[sflag:s14] =	ssyncset.done $0x0  }
0xb5: {  	[sflag:s14] =	ssyncadd.s32 $0xFFFFC000  }
0xb6: {  	_ =	swait.ge [sflag:s11], $0x4000  }
0xb7: {  	[sflag:s11] =	ssyncset.done $0x0  }
0xb8: {  	[sflag:s11] =	ssyncadd.s32 $0xFFFFC000  }
0xb9: {  	_ =	swait.ge [sflag:s12], $0x4000  }
0xba: {  	[sflag:s12] =	ssyncset.done $0x0  }
0xbb: {  	[sflag:s12] =	ssyncadd.s32 $0xFFFFC000  }
0xbc: {  	[bflag:$0x0] =	sbarrier.arrive $0xFFFF  }
0xbd: {  	s16 =	rddreg [dreg:$0xc]  }
0xbe: {  	s15 =	simm.s32 @p0 $0x1FCA;
	s17 =	rddreg [dreg:$0xe];
	s14 =	sadd.s32 @p0 $0x25080, s16  }
0xbf: {  	[hbm:s14], [sflag:s15] =	dma.local @p0 [spmem:s17], $0x2480  }
0xc0: {  	s14 =	simm.s32 @p0 $0xA  }
0xc1: {  	_ =	swait.ge @p0 [sflag:s14], $0x2480  }
0xc2: {  	[sflag:s14] =	ssyncset.done @p0 $0x0;
	s19 =	rddreg [dreg:$0x10]  }
0xc3: {  	[sflag:s14] =	ssyncadd.s32 @p0 $0xFFFFDB80;
	s14 =	rddreg [dreg:$0x3]  }
0xc4: {  	s14 =	sadd.s32 @!p0 s14, s16;
	s16 =	rddreg [dreg:$0xf]  }
0xc5: {  	[hbm:s14], [sflag:s16] =	dma.local @!p0 [spmem:s19], $0x2780  }
0xc6: {  	s14 =	simm.s32 @!p0 $0xA  }
0xc7: {  	_ =	swait.ge @!p0 [sflag:s14], $0x2780  }
0xc8: {  	s20 =	rddreg [dreg:$0x11]  }
0xc9: {  	s21 =	rddreg [dreg:$0xd];
	s20 =	sadd.s32 $0x1, s20  }
0xca: {  	p1 =	sne.s32 s20, s21  }
.Ltmp1:
0xcb: {  	_ = 	snop;
	(pc) =	sbr.rel @p1 .LBB2_1-.Ltmp1, $3  }
0xcc: {  	_ =	sdelay $0x1  }
0xcd: {  	[sflag:s14] =	ssyncset.done @!p0 $0x0  }
0xce: {  	[sflag:s14] =	ssyncadd.s32 @!p0 $0xFFFFD880  }
0xcf: {  	_ =	sfence.sel $0x180000  }
0xd0: {  	[bflag:$0x0] =	sbarrier.arrive $0xFFFF  }
0xd1: {  	_ =	strace $0x9000004D  }
0xd2: {  	s0 =	stileid.u32;
	[bflag:$0x2] =	sbarrier.arrive $0xFFFF  }
0xd3: {  	p0 =	sne.s32 s0, $0x0;
	s0 =	rddreg [dreg:$0x2]  }
0xd4: {  	s0 =	sadd.s32 @!p0 $0x100000, s0  }
0xd5: {  	[sflag:s0] =	ssyncadd.tile.s32 @!p0 $0x1;
	_ =	shalt  }
.Lfunc_end2:
_tile_overlayer_lowered:
.L_overlay_start_2:
0xd6: {  	(tag) =	ssettag $0x2  }
0xd7: {  	s0 =	rddreg [dreg:$0x0];
	s2 =	stileid.u32  }
0xd8: {  	s1 =	rddreg [dreg:$0x1];
	p0 =	sne.s32 s2, $0x0  }
0xd9: {  	s3 =	rddreg [dreg:$0x2];
	[bflag:$0x3] =	sbarrier.arrive $0xFFFF;
	s2 =	simm.s32 @!p0 $0x1C0A  }
0xda: {  	[timem:s3], [sflag:s2] =	dma.local @!p0 [hbm:s0], s1  }
0xdb: {  	s0 =	simm.s32 @!p0 $0xA  }
0xdc: {  	_ =	swait.ge @!p0 [sflag:s0], s1  }
0xdd: {  	s1 =	ssub.s32 @!p0 $0x0, s1;
	[sflag:s0] =	ssyncset.done @!p0 $0x0  }
0xde: {  	[sflag:s0] =	ssyncadd.s32 @!p0 s1  }
0xdf: {  	[bflag:$0x3] =	sbarrier.arrive $0xFFFF  }
0xe0: {  	_ =	shalt  }

// kernel: kernel.21.cloned.1.call-start
scs
__scs_entry_jumppad:
0x0: {  	(pc) =	sbr.rel $0x88, $3  }
0x1: {  	(tag) =	ssettag $0x0;
	lr =	simm.s32 $0x1  }
0x2: {  	[smem:$0x3F96] =	sst lr;
	_ =	strace $0xD0000000  }
0x3: {  	_ = 	snop  }
0x4: {  	_ = 	snop  }
0x5: {  	_ = 	snop  }
0x6: {  	_ = 	snop  }
0x7: {  	_ = 	snop  }
__scs_overlays_trampoline_lowered:
0x8: {  	[smem:$0x3FA5] =	sst s0  }
0x9: {  	[smem:$0x3FA6] =	sst s1  }
0xa: {  	[smem:$0x3FA7] =	sst s2  }
0xb: {  	[smem:$0x3FA8] =	sst s3  }
0xc: {  	[smem:$0x3FA9] =	sst s4  }
0xd: {  	[smem:$0x3FAA] =	sst s5  }
0xe: {  	[smem:$0x3FAB] =	sst s6  }
0xf: {  	[smem:$0x3FAC] =	sst s7  }
0x10: {  	[smem:$0x3FAD] =	sst s8  }
0x11: {  	[smem:$0x3FAE] =	sst s9;
	s0 =	simm.s32 @!p0 $0x0  }
0x12: {  	s1 =	sld [smem:$0x3F94];
	s0 =	simm.s32 @p0 $0x1  }
0x13: {  	[smem:$0x3FAF] =	sst s0;
	s0 =	simm.s32 @!p1 $0x0  }
0x14: {  	s2 =	sld [smem:$0x3F93];
	s0 =	simm.s32 @p1 $0x1  }
0x15: {  	[smem:$0x3FB0] =	sst s0;
	s0 =	simm.s32 @!p2 $0x0  }
0x16: {  	s3 =	sld [smem:$0x3FDB];
	s0 =	simm.s32 @p2 $0x1  }
0x17: {  	s4 =	simm.s32 $0x1BF5;
	[smem:$0x3FB2] =	sst s0  }
0x18: {  	s0 =	sld [smem:$0x3F95];
	_ =	swait.ge [sflag:s4], $0x0  }
0x19: {  	s7 =	sld [smem:$0x3F96]  }
0x1a: {  	s8 =	sadd.s32 $0xFFFFE003, lr  }
0x1b: {  	s9 =	sadd.s32 $0xFFFFFEF7, lr;
	s5 =	simm.s32 $0xFFFFFFFF;
	p2 =	slt.u32 s8, $0xFFFFF086  }
0x1c: {  	p1 =	slt.u32 s9, $0xF7A;
	s5 =	simm.s32 @!p2 $0x0  }
0x1d: {  	s5 =	simm.s32 @p1 $0x1;
	p0 =	seq.s32 s7, s2  }
0x1e: {  	s7 =	smul.u32 @!p0 $0xF7A, s2;
	p2 =	seq.s32 @!p0 s5, $0x0  }
0x1f: {  	s9 =	smul.u32 $0xF7A, s1;
	s8 =	simm.s32 @!p0 $0x1BF5;
	p2 =	por !p2, p0  }
0x20: {  	[sflag:s8] =	ssyncset.s32 @!p0 $0xFFFFF086;
	s6 =	sadd.s32 @!p0 s3, s7;
	s7 =	simm.s32 @!p0 $0x108  }
0x21: {  	s3 =	sadd.s32 s3, s9;
	s6 =	sadd.s32 @!p0 $0x88, s6;
	s7 =	simm.s32 @p2 $0x1082  }
0x22: {  	[simem:s7], [sflag:s8] =	dma.local @!p0 [hbm:s6], $0xF7A  }
0x23: {  	s9 =	sor.u32 $0xD0000000, s2;
	s6 =	simm.s32 $0x108;
	_ =	swait.ge @!p0 [sflag:s8], $0x0  }
0x24: {  	s3 =	sadd.s32 $0x88, s3;
	s6 =	simm.s32 @!p1 $0x1082;
	[sflag:s4] =	ssyncset.s32 $0xFFFFF086  }
0x25: {  	[simem:s6], [sflag:s4] =	dma.local [hbm:s3], $0xF7A  }
0x26: {  	[smem:$0x3F96] =	sst s1;
	(tag) =	ssettag s2;
	_ =	strace s9  }
0x27: {  	s1 =	sld [smem:$0x3FA6]  }
0x28: {  	s2 =	sld [smem:$0x3FA7]  }
0x29: {  	s4 =	sld [smem:$0x3FA9]  }
0x2a: {  	p0 =	seq.s32 s5, $0x0;
	s5 =	sld [smem:$0x3FAA]  }
0x2b: {  	s6 =	sld [smem:$0x3FAB]  }
0x2c: {  	s7 =	sld [smem:$0x3FAC]  }
0x2d: {  	s3 =	simm.s32 $0x108;
	s8 =	sld [smem:$0x3FAD]  }
0x2e: {  	s3 =	simm.s32 @!p0 $0x1082;
	s9 =	sld [smem:$0x3FAE]  }
0x2f: {  	lr =	sadd.s32 s0, s3;
	s0 =	sld [smem:$0x3FA5]  }
0x30: {  	s3 =	sld [smem:$0x3FA8]  }
0x31: {  	[smem:$0x3FB1] =	sst s10  }
0x32: {  	s10 =	sld [smem:$0x3FAF];
	_ =	sdelay $0x3  }
0x33: {  	p0 =	seq.s32 s10, $0x1;
	s10 =	sld [smem:$0x3FB1];
	_ =	sdelay $0x3  }
0x34: {  	[smem:$0x3FB1] =	sst s10  }
0x35: {  	s10 =	sld [smem:$0x3FB0];
	_ =	sdelay $0x3  }
0x36: {  	p1 =	seq.s32 s10, $0x1;
	s10 =	sld [smem:$0x3FB1];
	_ =	sdelay $0x3  }
0x37: {  	[smem:$0x3FB1] =	sst s10  }
0x38: {  	s10 =	sld [smem:$0x3FB2]  }
0x39: {  	_ = 	snop;
	(pc) =	sbr.ind lr, $3  }
0x3a: {  	_ = 	snop  }
0x3b: {  	_ = 	snop  }
0x3c: {  	p2 =	seq.s32 s10, $0x1;
	s10 =	sld [smem:$0x3FB1]  }
0x3d: {  	_ =	shalt  }
0x3e: {  	_ =	shalt  }
0x3f: {  	_ =	shalt  }
0x40: {  	_ =	shalt  }
0x41: {  	_ =	shalt  }
0x42: {  	_ =	shalt  }
0x43: {  	_ =	shalt  }
0x44: {  	_ =	shalt  }
0x45: {  	_ =	shalt  }
0x46: {  	_ =	shalt  }
0x47: {  	_ =	shalt  }
0x48: {  	_ =	shalt  }
0x49: {  	_ =	shalt  }
0x4a: {  	_ =	shalt  }
0x4b: {  	_ =	shalt  }
0x4c: {  	_ =	shalt  }
0x4d: {  	_ =	shalt  }
0x4e: {  	_ =	shalt  }
0x4f: {  	_ =	shalt  }
0x50: {  	_ =	shalt  }
0x51: {  	_ =	shalt  }
0x52: {  	_ =	shalt  }
0x53: {  	_ =	shalt  }
0x54: {  	_ =	shalt  }
0x55: {  	_ =	shalt  }
0x56: {  	_ =	shalt  }
0x57: {  	_ =	shalt  }
0x58: {  	_ =	shalt  }
0x59: {  	_ =	shalt  }
0x5a: {  	_ =	shalt  }
0x5b: {  	_ =	shalt  }
0x5c: {  	_ =	shalt  }
0x5d: {  	_ =	shalt  }
0x5e: {  	_ =	shalt  }
0x5f: {  	_ =	shalt  }
0x60: {  	_ =	shalt  }
0x61: {  	_ =	shalt  }
0x62: {  	_ =	shalt  }
0x63: {  	_ =	shalt  }
0x64: {  	_ =	shalt  }
0x65: {  	_ =	shalt  }
0x66: {  	_ =	shalt  }
0x67: {  	_ =	shalt  }
0x68: {  	_ =	shalt  }
0x69: {  	_ =	shalt  }
0x6a: {  	_ =	shalt  }
0x6b: {  	_ =	shalt  }
0x6c: {  	_ =	shalt  }
0x6d: {  	_ =	shalt  }
0x6e: {  	_ =	shalt  }
0x6f: {  	_ =	shalt  }
0x70: {  	_ =	shalt  }
0x71: {  	_ =	shalt  }
0x72: {  	_ =	shalt  }
0x73: {  	_ =	shalt  }
0x74: {  	_ =	shalt  }
0x75: {  	_ =	shalt  }
0x76: {  	_ =	shalt  }
0x77: {  	_ =	shalt  }
0x78: {  	_ =	shalt  }
0x79: {  	_ =	shalt  }
0x7a: {  	_ =	shalt  }
0x7b: {  	_ =	shalt  }
0x7c: {  	_ =	shalt  }
0x7d: {  	_ =	shalt  }
0x7e: {  	_ =	shalt  }
0x7f: {  	_ =	shalt  }
0x80: {  	_ =	shalt  }
0x81: {  	_ =	shalt  }
0x82: {  	_ =	shalt  }
0x83: {  	_ =	shalt  }
0x84: {  	_ =	shalt  }
0x85: {  	_ =	shalt  }
0x86: {  	_ =	shalt  }
0x87: {  	_ =	shalt  }
.Lfunc_end0:
.L_simem_size_0:
called_computation.3_lowered:
.L_overlay_start_0:
0x88: {  	s2 =	sld [smem:$0x3FD9]  }
0x89: {  	s3 =	sld [smem:$0x3FFE];
	_ =	sdelay $0x1  }
0x8a: {  	s1 =	srdreg.scid  }
0x8b: {  	s0 =	sand.u32 $0x1, s1  }
0x8c: {  	s16 =	sshll.u32 s0, $0xA;
	s2 =	sadd.s32 s3, s2  }
0x8d: {  	s2 =	sadd.s32 s2, s16  }
0x8e: {  	[smem:$0x3FBD] =	sst s2  }
0x8f: {  	_ = 	snop  }
0x90: {  	(tm) =	ssettm $0x1  }
0x91: {  	s17 =	sld [smem:$0x3FFB];
	_ =	sdelay $0x3  }
0x92: {  	_ =	strace s17  }
0x93: {  	s2 =	sld [smem:$0x3FFC];
	_ =	sdelay $0x3  }
0x94: {  	_ =	strace s2  }
0x95: {  	s2 =	sld [smem:$0x3FFD];
	_ =	sdelay $0x3  }
0x96: {  	_ =	strace s2  }
0x97: {  	_ =	strace $0x8FFFFFFF  }
0x98: {  	s18 =	sld [smem:$0x3FDB];
	_ =	sdelay $0x1  }
0x99: {  	s19 =	simm.s32 $_scs_section_size  }
0x9a: {  	s4 =	simm.s32 $_size__tile_overlayer_lowered;
	s5 =	simm.s32 $_tile_overlayer_lowered  }
0x9b: {  	s22 =	simm.s32 $0x1BFF;
	s21 =	sshll.u32 s5, $0x1;
	s2 =	sadd.s32 s19, s18  }
0x9c: {  	s6 =	simm.s32 $0x0;
	s20 =	sshll.u32 s4, $0x1;
	s4 =	sadd.s32 s21, s2  }
0x9d: {  	[timem:s6], [sflag:s22] =	dma.local [hbm:s4], s20  }
0x9e: {  	_ =	swait.ge [sflag:s22], s20  }
0x9f: {  	s3 =	ssub.s32 $0x0, s20;
	[sflag:s22] =	ssyncset.done $0x0  }
0xa0: {  	[sflag:s22] =	ssyncadd.s32 s3;
	_ =	sdelay $0x1  }
0xa1: {  	s23 =	simm.s32 $0x1B8B  }
0xa2: {  	_ =	swait.ge [sflag:s23], $0x1  }
0xa3: {  	[sflag:s23] =	ssyncset.done $0x0  }
0xa4: {  	s25 =	simm.s32 $0x1B8E;
	s24 =	sld [smem:$0x3FFE];
	[sflag:s23] =	ssyncadd.s32 $0xFFFFFFFF  }
0xa5: {  	s26 =	simm.s32 $execute0_lowered;
	[smem:$0x3FD2] =	sst s25  }
0xa6: {  	s4 =	sshll.u32 s26, $0x1;
	_ =	strace $0x8000004F;
	[dreg:$0x1] =	wrdreg $0xFFFFFFFF  }
0xa7: {  	s28 =	simm.s32 $_size_execute0_lowered;
	s2 =	sadd.s32 s2, s4;
	[dreg:$0x0] =	wrdreg $0x0  }
0xa8: {  	s4 =	sshll.u32 s28, $0x1;
	[dreg:$0x2] =	wrdreg s2  }
0xa9: {  	[dreg:$0x3] =	wrdreg s4  }
0xaa: {  	[dreg:$0x4] =	wrdreg $0xC0  }
0xab: {  	_ =	task [dreg:s6], $0x5FFFF  }
0xac: {  	[dreg:$0x1] =	wrdreg $0xFFFFFFFF  }
0xad: {  	[dreg:$0x0] =	wrdreg $0x60  }
0xae: {  	[dreg:$0x2] =	wrdreg s24  }
0xaf: {  	[dreg:$0x3] =	wrdreg $0x0  }
0xb0: {  	[dreg:$0x4] =	wrdreg $0x9  }
0xb1: {  	_ =	task.clear_ibuf [dreg:s6], $0x5FFFF;
	_ =	strace $0x9000004F  }
0xb2: {  	s29 =	simm.s32 $0x9;
	_ =	strace $0x80000051  }
0xb3: {  	_ =	swait.ge [sflag:s29], $0x1  }
0xb4: {  	[sflag:s29] =	ssyncadd.s32 $0xFFFFFFFF  }
0xb5: {  	_ =	strace $0x90000051  }
0xb6: {  	_ =	sfence  }
0xb7: {  	s30 =	sld [smem:$0x0];
	_ =	sdelay $0x2  }
0xb8: {  	s31 =	sshll.u32 s1, $0xD;
	s1 =	sshrl.u32 s1, $0x2  }
0xb9: {  	s3 =	sand.u32 $0x4000, s31;
	s1 =	sadd.s32 s1, s30  }
0xba: {  	s0 =	sor.u32 s3, s0;
	s1 =	sshll.u32 s1, $0x11  }
0xbb: {  	s0 =	sor.u32 s1, s0  }
0xbc: {  	s0 =	sadd.s32 $0x8F2B, s0  }
0xbd: {  	[sflag:s0] =	ssyncadd.remote.s32 $0x1  }
0xbe: {  	_ =	sfence.sel $0xFFFF  }
0xbf: {  	[dreg:$0x0] =	wrdreg $0xFFFFFFFF;
	(pc) =	sbr.abs _section_cstart, $3  }
0xc0: {  	[dreg:$0x1] =	wrdreg $0xFFFFFFFF  }
0xc1: {  	_ =	task.clear_ibuf [dreg:s6], $0x2FFFF;
	_ =	strace $0x9FFFFFFF  }
0xc2: {  	(tm) =	ssettm $0x7FFFFFFF  }
0xc3: {  	_ =	shalt  }
tec
execute0_lowered:
.L_overlay_start_1:
0x0: {  	(tag) =	ssettag $0x1  }
0x1: {  	s0 =	rddreg [dreg:$0x0]  }
0x2: {  	s1 =	rddreg [dreg:$0x1]  }
0x3: {  	s3 =	srdreg.scid;
	s2 =	simm.s32 $0x0;
	s12 =	stileid.u32  }
0x4: {  	s28 =	simm.s32 $0x80;
	s29 =	simm.s32 $0x13D80;
	s30 =	simm.s32 $0x13B80  }
0x5: {  	s31 =	simm.s32 $0x13D00;
	s3 =	sand.u32 $0x1, s3;
	s10 =	smul.u32 $0x4F000, s12  }
0x6: {  	[smem:$0x7FF] =	sst s2;
	s4 =	sadd.s32 $0x17E00, s0;
	s13 =	smul.u32 $0x2780, s12  }
0x7: {  	s5 =	sadd.s32 $0xDE00, s0;
	s6 =	sadd.s32 $0x3E00, s0;
	s25 =	smul.u32 $0x500, s12  }
0x8: {  	p0 =	seq.s32 s12, $0xF;
	s7 =	smul.u32 $0x27500, s3;
	_ =	strace $0x80000050  }
0x9: {  	s8 =	ssub.s32 $0x2, s3;
	s9 =	sshll.u32 s3, $0x4;
	s23 =	smul.u32 $0x5000, s3  }
0xa: {  	s3 =	simm.s32 $0x17D80;
	s11 =	sshrl.u32 s8, $0x1;
	s9 =	sor.u32 s12, s9  }
0xb: {  	s10 =	sshrl.u32 s10, $0x2;
	[dreg:$0x3] =	wrdreg s13;
	s17 =	sadd.s32 s4, s13  }
0xc: {  	s13 =	simm.s32 $0x6;
	s7 =	sadd.s32 s7, s0;
	s8 =	ssub.s32 s8, s11  }
0xd: {  	s9 =	smul.u32 $0x500, s9;
	[dreg:$0x4] =	wrdreg s17;
	s0 =	sadd.s32 $0x3CE80, s0  }
0xe: {  	s10 =	sadd.s32 s10, s1;
	s11 =	sadd.s32 $0x128400, s1;
	[dreg:$0x5] =	wrdreg s0  }
0xf: {  	s7 =	sadd.s32 $0x3F400, s7;
	s26 =	smax.u32 s8, $0x1;
	s17 =	sshrl.u32 @p0 s11, $0x3  }
0x10: {  	s8 =	simm.s32 $0x4;
	s11 =	simm.s32 $0x7;
	[dreg:$0xc] =	wrdreg s7  }
0x11: {  	s18 =	sadd.s32 s5, s9;
	s19 =	sor.u32 $0x10, s9;
	[dreg:$0xd] =	wrdreg s26  }
0x12: {  	s20 =	sadd.s32 s6, s9;
	s9 =	sor.u32 $0x20, s9;
	[dreg:$0xe] =	wrdreg s17  }
0x13: {  	s7 =	sshll.u32 @!p0 s12, $0x6;
	s26 =	simm.s32 $0x1;
	[dreg:$0x6] =	wrdreg s18  }
0x14: {  	s12 =	simm.s32 $0x8;
	[dreg:$0x7] =	wrdreg s20;
	s21 =	sadd.s32 s5, s19  }
0x15: {  	s0 =	sadd.s32 s6, s19;
	s22 =	sadd.s32 s5, s9;
	s24 =	sadd.s32 s6, s9  }
0x16: {  	s18 =	sadd.s32 s25, s23;
	s16 =	sor.u32 @!p0 $0x1C0A, s7;
	[dreg:$0x8] =	wrdreg s21  }
0x17: {  	s19 =	sshrl.u32 @!p0 s10, $0x3;
	s23 =	simm.s32 $0x13C00;
	[dreg:$0x9] =	wrdreg s0  }
0x18: {  	s25 =	simm.s32 $0x13C80;
	s9 =	simm.s32 $0x3;
	[dreg:$0xa] =	wrdreg s22  }
0x19: {  	s10 =	simm.s32 $0x1BD80;
	s7 =	simm.s32 $0x5;
	[dreg:$0xb] =	wrdreg s24  }
0x1a: {  	s20 =	simm.s32 $0x0;
	s22 =	simm.s32 $0x13A80;
	[dreg:$0xf] =	wrdreg s16  }
0x1b: {  	s24 =	simm.s32 $0x13B00;
	s0 =	simm.s32 $0x2;
	[dreg:$0x10] =	wrdreg s19  }
.LBB2_1:
0x1c: {  	[dreg:$0x11] =	wrdreg s20  }
0x1d: {  	s14 =	simm.s32 @p0 $0x1FCA;
	s15 =	rddreg [dreg:$0x5]  }
0x1e: {  	[spmem:s17], [sflag:s14] =	dma.local @p0 [hbm:s15], $0x2480  }
0x1f: {  	s14 =	simm.s32 @p0 $0xA  }
0x20: {  	_ =	swait.ge @p0 [sflag:s14], $0x2480  }
0x21: {  	[sflag:s14] =	ssyncset.done @p0 $0x0  }
0x22: {  	[sflag:s14] =	ssyncadd.s32 @p0 $0xFFFFDB80;
	s14 =	rddreg [dreg:$0x4]  }
0x23: {  	[spmem:s19], [sflag:s16] =	dma.local @!p0 [hbm:s14], $0x2780  }
0x24: {  	s14 =	simm.s32 @!p0 $0xA  }
0x25: {  	_ =	swait.ge @!p0 [sflag:s14], $0x2780  }
0x26: {  	[sflag:s14] =	ssyncset.done @!p0 $0x0  }
0x27: {  	[sflag:s14] =	ssyncadd.s32 @!p0 $0xFFFFD880  }
0x28: {  	[bflag:$0x0] =	sbarrier.arrive $0xFFFF  }
0x29: {  	s15 =	rddreg [dreg:$0x6]  }
0x2a: {  	[tilespmem:s22], [sflag:$0x1] =	stream.linear.gather [hbm4b:s15+s2], $0x80, $0x38;
	[tilespmem:$0x1FD80] =	vst v63  }
0x2b: {  	s16 =	rddreg [dreg:$0x7]  }
0x2c: {  	[tilespmem:s23], [sflag:$0x1] =	stream.linear.gather [hbm4b:s16+s2], $0x80, $0x38;
	[tilespmem:$0x1FD80] =	vst v63  }
0x2d: {  	s17 =	rddreg [dreg:$0x8]  }
0x2e: {  	[tilespmem:s24], [sflag:$0x2] =	stream.linear.gather [hbm4b:s17+s2], $0x80, $0x38;
	[tilespmem:$0x1FD80] =	vst v63  }
0x2f: {  	s19 =	rddreg [dreg:$0x9]  }
0x30: {  	[tilespmem:s25], [sflag:$0x2] =	stream.linear.gather [hbm4b:s19+s2], $0x80, $0x38;
	[tilespmem:$0x1FD80] =	vst v63  }
0x31: {  	_ =	swait.ge [sflag:s26], $0x80  }
0x32: {  	[sflag:s26] =	ssyncset.done $0x0  }
0x33: {  	[sflag:s26] =	ssyncadd.s32 $0xFFFFFF80  }
0x34: {  	_ =	swait.ge [sflag:s26], $0x80  }
0x35: {  	[sflag:s26] =	ssyncset.done $0x0  }
0x36: {  	[sflag:s26] =	ssyncadd.s32 $0xFFFFFF80  }
0x37: {  	[tilespmem:s29], [sflag:$0x4] =	stream.indirect.gather [hbm4b:s4+s28], $0x80, s22, s28, $0xb8;
	[tilespmem:$0x1FD80] =	vst v63  }
0x38: {  	s20 =	rddreg [dreg:$0xa]  }
0x39: {  	[tilespmem:s30], [sflag:$0x3] =	stream.linear.gather [hbm4b:s20+s2], $0x80, $0x38;
	[tilespmem:$0x1FD80] =	vst v63  }
0x3a: {  	s21 =	rddreg [dreg:$0xb]  }
0x3b: {  	[tilespmem:s31], [sflag:$0x3] =	stream.linear.gather [hbm4b:s21+s2], $0x80, $0x38;
	[tilespmem:$0x1FD80] =	vst v63  }
0x3c: {  	_ =	swait.ge [sflag:s0], $0x80  }
0x3d: {  	[sflag:s0] =	ssyncset.done $0x0  }
0x3e: {  	[sflag:s0] =	ssyncadd.s32 $0xFFFFFF80  }
0x3f: {  	p1 =	por $0x1, $0x1;
	_ =	swait.ge [sflag:s0], $0x80  }
0x40: {  	s14 =	simm.s32 @!p1 $0x9;
	[sflag:s0] =	ssyncset.done $0x0  }
0x41: {  	s16 =	sadd.s32 @!p1 $0x20, s18;
	s17 =	simm.s32 @!p1 $0x20;
	[sflag:s0] =	ssyncadd.s32 $0xFFFFFF80  }
0x42: {  	[tilespmem:s3], [sflag:$0x5] =	stream.indirect.gather [hbm4b:s4+s28], $0x80, s24, s28, $0xb8;
	[tilespmem:$0x1FD80] =	vst v63  }
0x43: {  	s16 =	sand.u32 @!p1 $0xFFFFF80, s16;
	s17 =	sand.u32 @!p1 $0x70, s17;
	_ =	swait.ge @!p1 [sflag:s14], $0x4000  }
0x44: {  	s19 =	simm.s32 @!p1 $0x13B80;
	s16 =	sor.u32 @!p1 s17, s16;
	[sflag:s14] =	ssyncset.done @!p1 $0x0  }
0x45: {  	s17 =	sadd.s32 @!p1 s5, s16;
	[sflag:s14] =	ssyncadd.s32 @!p1 $0xFFFFC000;
	s14 =	simm.s32 @!p1 $0x0  }
0x46: {  	[tilespmem:s19], [sflag:$0x3] =	stream.linear.gather @!p1 [hbm4b:s17+s14], $0x80, $0x38;
	[tilespmem:$0x1FD80] =	vst v63  }
0x47: {  	s16 =	sadd.s32 @!p1 s6, s16;
	s17 =	simm.s32 @!p1 $0x13D00  }
0x48: {  	[tilespmem:s17], [sflag:$0x3] =	stream.linear.gather @!p1 [hbm4b:s16+s14], $0x80, $0x38;
	[tilespmem:$0x1FD80] =	vst v63  }
0x49: {  	_ =	swait.ge [sflag:s8], $0x4000  }
0x4a: {  	[sflag:s8] =	ssyncset.done $0x0  }
0x4b: {  	[sflag:s8] =	ssyncadd.s32 $0xFFFFC000  }
0x4c: {  	[spmem:s1] =	stream.indirect.scatter.add.f32 [tilespmem:s29], [sflag:$0x7], $0x80, s23, s28, $0xb8;
	[tilespmem:$0x1FD80] =	vst v63  }
0x4d: {  	_ =	swait.ge [sflag:s9], $0x80  }
0x4e: {  	[sflag:s9] =	ssyncset.done $0x0  }
0x4f: {  	[sflag:s9] =	ssyncadd.s32 $0xFFFFFF80  }
0x50: {  	_ =	swait.ge [sflag:s9], $0x80  }
0x51: {  	s15 =	sadd.s32 $0x40, s18;
	[sflag:s9] =	ssyncset.done $0x0  }
0x52: {  	s20 =	simm.s32 $0x30;
	s19 =	sadd.s32 $0xFFFFFFF0, s15;
	[sflag:s9] =	ssyncadd.s32 $0xFFFFFF80  }
0x53: {  	[tilespmem:s10], [sflag:$0x6] =	stream.indirect.gather [hbm4b:s4+s28], $0x80, s30, s28, $0xb8;
	[tilespmem:$0x1FD80] =	vst v63  }
0x54: {  	s16 =	sand.u32 $0xFFFFF80, s19;
	s17 =	sand.u32 $0x70, s20;
	_ =	swait.ge [sflag:s11], $0x4000  }
0x55: {  	s16 =	sor.u32 s17, s16;
	[sflag:s11] =	ssyncset.done $0x0  }
0x56: {  	s17 =	sadd.s32 s5, s16;
	[sflag:s11] =	ssyncadd.s32 $0xFFFFC000  }
0x57: {  	[tilespmem:s22], [sflag:$0x1] =	stream.linear.gather [hbm4b:s17+s2], $0x80, $0x38;
	[tilespmem:$0x1FD80] =	vst v63  }
0x58: {  	s16 =	sadd.s32 s6, s16  }
0x59: {  	[tilespmem:s23], [sflag:$0x1] =	stream.linear.gather [hbm4b:s16+s2], $0x80, $0x38;
	[tilespmem:$0x1FD80] =	vst v63  }
0x5a: {  	_ =	swait.ge [sflag:s7], $0x4000  }
0x5b: {  	[sflag:s7] =	ssyncset.done $0x0  }
0x5c: {  	[sflag:s7] =	ssyncadd.s32 $0xFFFFC000  }
0x5d: {  	[spmem:s1] =	stream.indirect.scatter.add.f32 [tilespmem:s3], [sflag:$0x8], $0x80, s25, s28, $0xb8;
	[tilespmem:$0x1FD80] =	vst v63  }
0x5e: {  	_ =	swait.ge [sflag:s26], $0x80  }
0x5f: {  	[sflag:s26] =	ssyncset.done $0x0  }
0x60: {  	[sflag:s26] =	ssyncadd.s32 $0xFFFFFF80  }
0x61: {  	_ =	swait.ge [sflag:s26], $0x80  }
0x62: {  	[sflag:s26] =	ssyncset.done $0x0  }
0x63: {  	s21 =	simm.s32 $0x40;
	[sflag:s26] =	ssyncadd.s32 $0xFFFFFF80  }
0x64: {  	[tilespmem:s29], [sflag:$0x4] =	stream.indirect.gather [hbm4b:s4+s28], $0x80, s22, s28, $0xb8;
	[tilespmem:$0x1FD80] =	vst v63  }
0x65: {  	s14 =	sand.u32 $0xFFFFF80, s15;
	s16 =	sand.u32 $0x70, s21;
	_ =	swait.ge [sflag:s12], $0x4000  }
0x66: {  	s14 =	sor.u32 s16, s14;
	[sflag:s12] =	ssyncset.done $0x0  }
0x67: {  	s16 =	sadd.s32 s5, s14;
	[sflag:s12] =	ssyncadd.s32 $0xFFFFC000  }
0x68: {  	[tilespmem:s24], [sflag:$0x2] =	stream.linear.gather [hbm4b:s16+s2], $0x80, $0x38;
	[tilespmem:$0x1FD80] =	vst v63  }
0x69: {  	s14 =	sadd.s32 s6, s14  }
0x6a: {  	[tilespmem:s25], [sflag:$0x2] =	stream.linear.gather [hbm4b:s14+s2], $0x80, $0x38;
	[tilespmem:$0x1FD80] =	vst v63  }
0x6b: {  	_ =	swait.ge [sflag:s13], $0x4000  }
0x6c: {  	s17 =	simm.s32 $0x70;
	[sflag:s13] =	ssyncset.done $0x0  }
.LBB2_2:
0x6d: {  	[sflag:s13] =	ssyncadd.s32 $0xFFFFC000;
	s14 =	smov.u32 s17;
	s17 =	sadd.s32 $0x30, s17  }
0x6e: {  	[spmem:s1] =	stream.indirect.scatter.add.f32 [tilespmem:s10], [sflag:$0x9], $0x80, s31, s28, $0xb8;
	[tilespmem:$0x1FD80] =	vst v63  }
0x6f: {  	p1 =	sne.s32 s17, $0x520;
	_ =	swait.ge [sflag:s0], $0x80  }
0x70: {  	[sflag:s0] =	ssyncset.done $0x0  }
0x71: {  	[sflag:s0] =	ssyncadd.s32 $0xFFFFFF80  }
0x72: {  	_ =	swait.ge [sflag:s0], $0x80  }
0x73: {  	p2 =	seq.s32 s14, $0x40;
	[sflag:s0] =	ssyncset.done $0x0  }
0x74: {  	s16 =	simm.s32 @!p2 $0x9;
	s19 =	sadd.s32 @!p2 $0xFFFFFFE0, s14;
	[sflag:s0] =	ssyncadd.s32 $0xFFFFFF80  }
0x75: {  	[tilespmem:s3], [sflag:$0x5] =	stream.indirect.gather [hbm4b:s4+s28], $0x80, s24, s28, $0xb8;
	[tilespmem:$0x1FD80] =	vst v63  }
0x76: {  	s20 =	sadd.s32 @!p2 s18, s19;
	s19 =	sand.u32 @!p2 $0x70, s19;
	_ =	swait.ge @!p2 [sflag:s16], $0x4000  }
0x77: {  	s21 =	simm.s32 @!p2 $0x13B80;
	s20 =	sand.u32 @!p2 $0xFFFFF80, s20;
	[sflag:s16] =	ssyncset.done @!p2 $0x0  }
0x78: {  	[sflag:s16] =	ssyncadd.s32 @!p2 $0xFFFFC000;
	s16 =	sor.u32 @!p2 s19, s20;
	s19 =	simm.s32 @!p2 $0x0  }
0x79: {  	s15 =	simm.s32 @!p2 $0x13D00;
	s20 =	sadd.s32 @!p2 s5, s16;
	s16 =	sadd.s32 @!p2 s6, s16  }
0x7a: {  	[tilespmem:s21], [sflag:$0x3] =	stream.linear.gather @!p2 [hbm4b:s20+s19], $0x80, $0x38;
	[tilespmem:$0x1FD80] =	vst v63  }
0x7b: {  	_ = 	snop  }
0x7c: {  	[tilespmem:s15], [sflag:$0x3] =	stream.linear.gather @!p2 [hbm4b:s16+s19], $0x80, $0x38;
	[tilespmem:$0x1FD80] =	vst v63  }
0x7d: {  	_ =	swait.ge [sflag:s8], $0x4000  }
0x7e: {  	[sflag:s8] =	ssyncset.done $0x0  }
0x7f: {  	[sflag:s8] =	ssyncadd.s32 $0xFFFFC000  }
0x80: {  	[spmem:s1] =	stream.indirect.scatter.add.f32 [tilespmem:s29], [sflag:$0x7], $0x80, s23, s28, $0xb8;
	[tilespmem:$0x1FD80] =	vst v63  }
0x81: {  	_ =	swait.ge [sflag:s9], $0x80  }
0x82: {  	[sflag:s9] =	ssyncset.done $0x0  }
0x83: {  	[sflag:s9] =	ssyncadd.s32 $0xFFFFFF80  }
0x84: {  	_ =	swait.ge [sflag:s9], $0x80  }
0x85: {  	s15 =	sadd.s32 s14, s18;
	[sflag:s9] =	ssyncset.done $0x0  }
0x86: {  	s19 =	sadd.s32 $0xFFFFFFF0, s14;
	s16 =	sadd.s32 $0xFFFFFFF0, s15;
	[sflag:s9] =	ssyncadd.s32 $0xFFFFFF80  }
0x87: {  	[tilespmem:s10], [sflag:$0x6] =	stream.indirect.gather [hbm4b:s4+s28], $0x80, s30, s28, $0xb8;
	[tilespmem:$0x1FD80] =	vst v63  }
0x88: {  	s19 =	sand.u32 $0x70, s19;
	s16 =	sand.u32 $0xFFFFF80, s16;
	_ =	swait.ge [sflag:s11], $0x4000  }
0x89: {  	s15 =	sand.u32 $0xFFFFF80, s15;
	s16 =	sor.u32 s19, s16;
	[sflag:s11] =	ssyncset.done $0x0  }
0x8a: {  	s19 =	sadd.s32 s5, s16;
	[sflag:s11] =	ssyncadd.s32 $0xFFFFC000  }
0x8b: {  	[tilespmem:s22], [sflag:$0x1] =	stream.linear.gather [hbm4b:s19+s2], $0x80, $0x38;
	[tilespmem:$0x1FD80] =	vst v63  }
0x8c: {  	s16 =	sadd.s32 s6, s16  }
0x8d: {  	[tilespmem:s23], [sflag:$0x1] =	stream.linear.gather [hbm4b:s16+s2], $0x80, $0x38;
	[tilespmem:$0x1FD80] =	vst v63  }
0x8e: {  	_ =	swait.ge [sflag:s7], $0x4000  }
0x8f: {  	[sflag:s7] =	ssyncset.done $0x0  }
0x90: {  	[sflag:s7] =	ssyncadd.s32 $0xFFFFC000  }
0x91: {  	[spmem:s1] =	stream.indirect.scatter.add.f32 [tilespmem:s3], [sflag:$0x8], $0x80, s25, s28, $0xb8;
	[tilespmem:$0x1FD80] =	vst v63  }
0x92: {  	_ =	swait.ge [sflag:s26], $0x80  }
0x93: {  	[sflag:s26] =	ssyncset.done $0x0  }
0x94: {  	[sflag:s26] =	ssyncadd.s32 $0xFFFFFF80  }
0x95: {  	_ =	swait.ge [sflag:s26], $0x80  }
0x96: {  	[sflag:s26] =	ssyncset.done $0x0  }
0x97: {  	s14 =	sand.u32 $0x70, s14;
	[sflag:s26] =	ssyncadd.s32 $0xFFFFFF80  }
0x98: {  	[tilespmem:s29], [sflag:$0x4] =	stream.indirect.gather [hbm4b:s4+s28], $0x80, s22, s28, $0xb8;
	[tilespmem:$0x1FD80] =	vst v63  }
0x99: {  	s14 =	sor.u32 s14, s15;
	_ =	swait.ge [sflag:s12], $0x4000  }
0x9a: {  	s15 =	sadd.s32 s5, s14;
	[sflag:s12] =	ssyncset.done $0x0  }
0x9b: {  	s14 =	sadd.s32 s6, s14;
	[sflag:s12] =	ssyncadd.s32 $0xFFFFC000  }
0x9c: {  	[tilespmem:s24], [sflag:$0x2] =	stream.linear.gather [hbm4b:s15+s2], $0x80, $0x38;
	[tilespmem:$0x1FD80] =	vst v63  }
.Ltmp0:
0x9d: {  	_ = 	snop;
	(pc) =	sbr.rel @p1 .LBB2_2-.Ltmp0, $4  }
0x9e: {  	_ = 	snop  }
0x9f: {  	[tilespmem:s25], [sflag:$0x2] =	stream.linear.gather [hbm4b:s14+s2], $0x80, $0x38;
	[tilespmem:$0x1FD80] =	vst v63  }
0xa0: {  	_ =	swait.ge [sflag:s13], $0x4000  }
0xa1: {  	[sflag:s13] =	ssyncset.done $0x0  }
0xa2: {  	[sflag:s13] =	ssyncadd.s32 $0xFFFFC000  }
0xa3: {  	[spmem:s1] =	stream.indirect.scatter.add.f32 [tilespmem:s10], [sflag:$0x9], $0x80, s31, s28, $0xb8;
	[tilespmem:$0x1FD80] =	vst v63  }
0xa4: {  	_ =	swait.ge [sflag:s0], $0x80  }
0xa5: {  	[sflag:s0] =	ssyncset.done $0x0  }
0xa6: {  	[sflag:s0] =	ssyncadd.s32 $0xFFFFFF80  }
0xa7: {  	_ =	swait.ge [sflag:s0], $0x80  }
0xa8: {  	[sflag:s0] =	ssyncset.done $0x0  }
0xa9: {  	[sflag:s0] =	ssyncadd.s32 $0xFFFFFF80  }
0xaa: {  	[tilespmem:s3], [sflag:$0x5] =	stream.indirect.gather [hbm4b:s4+s28], $0x80, s24, s28, $0xb8;
	[tilespmem:$0x1FD80] =	vst v63  }
0xab: {  	_ =	swait.ge [sflag:s8], $0x4000  }
0xac: {  	[sflag:s8] =	ssyncset.done $0x0  }
0xad: {  	[sflag:s8] =	ssyncadd.s32 $0xFFFFC000  }
0xae: {  	[spmem:s1] =	stream.indirect.scatter.add.f32 [tilespmem:s29], [sflag:$0x7], $0x80, s23, s28, $0xb8;
	[tilespmem:$0x1FD80] =	vst v63  }
0xaf: {  	_ =	swait.ge [sflag:s7], $0x4000  }
0xb0: {  	[sflag:s7] =	ssyncset.done $0x0  }
0xb1: {  	s14 =	simm.s32 $0x9;
	[sflag:s7] =	ssyncadd.s32 $0xFFFFC000  }
0xb2: {  	[spmem:s1] =	stream.indirect.scatter.add.f32 [tilespmem:s3], [sflag:$0x8], $0x80, s25, s28, $0xb8;
	[tilespmem:$0x1FD80] =	vst v63  }
0xb3: {  	_ =	swait.ge [sflag:s14], $0x4000  }
0xb4: {  	[sflag:s14] =	ssyncset.done $0x0  }
0xb5: {  	[sflag:s14] =	ssyncadd.s32 $0xFFFFC000  }
0xb6: {  	_ =	swait.ge [sflag:s11], $0x4000  }
0xb7: {  	[sflag:s11] =	ssyncset.done $0x0  }
0xb8: {  	[sflag:s11] =	ssyncadd.s32 $0xFFFFC000  }
0xb9: {  	_ =	swait.ge [sflag:s12], $0x4000  }
0xba: {  	[sflag:s12] =	ssyncset.done $0x0  }
0xbb: {  	[sflag:s12] =	ssyncadd.s32 $0xFFFFC000  }
0xbc: {  	[bflag:$0x0] =	sbarrier.arrive $0xFFFF  }
0xbd: {  	s16 =	rddreg [dreg:$0xc]  }
0xbe: {  	s15 =	simm.s32 @p0 $0x1FCA;
	s17 =	rddreg [dreg:$0xe];
	s14 =	sadd.s32 @p0 $0x25080, s16  }
0xbf: {  	[hbm:s14], [sflag:s15] =	dma.local @p0 [spmem:s17], $0x2480  }
0xc0: {  	s14 =	simm.s32 @p0 $0xA  }
0xc1: {  	_ =	swait.ge @p0 [sflag:s14], $0x2480  }
0xc2: {  	[sflag:s14] =	ssyncset.done @p0 $0x0;
	s19 =	rddreg [dreg:$0x10]  }
0xc3: {  	[sflag:s14] =	ssyncadd.s32 @p0 $0xFFFFDB80;
	s14 =	rddreg [dreg:$0x3]  }
0xc4: {  	s14 =	sadd.s32 @!p0 s14, s16;
	s16 =	rddreg [dreg:$0xf]  }
0xc5: {  	[hbm:s14], [sflag:s16] =	dma.local @!p0 [spmem:s19], $0x2780  }
0xc6: {  	s14 =	simm.s32 @!p0 $0xA  }
0xc7: {  	_ =	swait.ge @!p0 [sflag:s14], $0x2780  }
0xc8: {  	s20 =	rddreg [dreg:$0x11]  }
0xc9: {  	s21 =	rddreg [dreg:$0xd];
	s20 =	sadd.s32 $0x1, s20  }
0xca: {  	p1 =	sne.s32 s20, s21  }
.Ltmp1:
0xcb: {  	_ = 	snop;
	(pc) =	sbr.rel @p1 .LBB2_1-.Ltmp1, $3  }
0xcc: {  	_ =	sdelay $0x1  }
0xcd: {  	[sflag:s14] =	ssyncset.done @!p0 $0x0  }
0xce: {  	[sflag:s14] =	ssyncadd.s32 @!p0 $0xFFFFD880  }
0xcf: {  	_ =	sfence.sel $0x180000  }
0xd0: {  	[bflag:$0x0] =	sbarrier.arrive $0xFFFF  }
0xd1: {  	_ =	strace $0x90000050  }
0xd2: {  	s0 =	stileid.u32;
	[bflag:$0x2] =	sbarrier.arrive $0xFFFF  }
0xd3: {  	p0 =	sne.s32 s0, $0x0;
	s0 =	rddreg [dreg:$0x2]  }
0xd4: {  	s0 =	sadd.s32 @!p0 $0x100000, s0  }
0xd5: {  	[sflag:s0] =	ssyncadd.tile.s32 @!p0 $0x1;
	_ =	shalt  }
.Lfunc_end2:
_tile_overlayer_lowered:
.L_overlay_start_2:
0xd6: {  	(tag) =	ssettag $0x2  }
0xd7: {  	s0 =	rddreg [dreg:$0x0];
	s2 =	stileid.u32  }
0xd8: {  	s1 =	rddreg [dreg:$0x1];
	p0 =	sne.s32 s2, $0x0  }
0xd9: {  	s3 =	rddreg [dreg:$0x2];
	[bflag:$0x3] =	sbarrier.arrive $0xFFFF;
	s2 =	simm.s32 @!p0 $0x1C0A  }
0xda: {  	[timem:s3], [sflag:s2] =	dma.local @!p0 [hbm:s0], s1  }
0xdb: {  	s0 =	simm.s32 @!p0 $0xA  }
0xdc: {  	_ =	swait.ge @!p0 [sflag:s0], s1  }
0xdd: {  	s1 =	ssub.s32 @!p0 $0x0, s1;
	[sflag:s0] =	ssyncset.done @!p0 $0x0  }
0xde: {  	[sflag:s0] =	ssyncadd.s32 @!p0 s1  }
0xdf: {  	[bflag:$0x3] =	sbarrier.arrive $0xFFFF  }
0xe0: {  	_ =	shalt  }

// kernel: kernel.24.cloned.1.call-start
scs
__scs_entry_jumppad:
0x0: {  	(pc) =	sbr.rel $0x88, $3  }
0x1: {  	(tag) =	ssettag $0x0;
	lr =	simm.s32 $0x1  }
0x2: {  	[smem:$0x3F96] =	sst lr;
	_ =	strace $0xD0000000  }
0x3: {  	_ = 	snop  }
0x4: {  	_ = 	snop  }
0x5: {  	_ = 	snop  }
0x6: {  	_ = 	snop  }
0x7: {  	_ = 	snop  }
__scs_overlays_trampoline_lowered:
0x8: {  	[smem:$0x3FA5] =	sst s0  }
0x9: {  	[smem:$0x3FA6] =	sst s1  }
0xa: {  	[smem:$0x3FA7] =	sst s2  }
0xb: {  	[smem:$0x3FA8] =	sst s3  }
0xc: {  	[smem:$0x3FA9] =	sst s4  }
0xd: {  	[smem:$0x3FAA] =	sst s5  }
0xe: {  	[smem:$0x3FAB] =	sst s6  }
0xf: {  	[smem:$0x3FAC] =	sst s7  }
0x10: {  	[smem:$0x3FAD] =	sst s8  }
0x11: {  	[smem:$0x3FAE] =	sst s9;
	s0 =	simm.s32 @!p0 $0x0  }
0x12: {  	s1 =	sld [smem:$0x3F94];
	s0 =	simm.s32 @p0 $0x1  }
0x13: {  	[smem:$0x3FAF] =	sst s0;
	s0 =	simm.s32 @!p1 $0x0  }
0x14: {  	s2 =	sld [smem:$0x3F93];
	s0 =	simm.s32 @p1 $0x1  }
0x15: {  	[smem:$0x3FB0] =	sst s0;
	s0 =	simm.s32 @!p2 $0x0  }
0x16: {  	s3 =	sld [smem:$0x3FDB];
	s0 =	simm.s32 @p2 $0x1  }
0x17: {  	s4 =	simm.s32 $0x1BF5;
	[smem:$0x3FB2] =	sst s0  }
0x18: {  	s0 =	sld [smem:$0x3F95];
	_ =	swait.ge [sflag:s4], $0x0  }
0x19: {  	s7 =	sld [smem:$0x3F96]  }
0x1a: {  	s8 =	sadd.s32 $0xFFFFE003, lr  }
0x1b: {  	s9 =	sadd.s32 $0xFFFFFEF7, lr;
	s5 =	simm.s32 $0xFFFFFFFF;
	p2 =	slt.u32 s8, $0xFFFFF086  }
0x1c: {  	p1 =	slt.u32 s9, $0xF7A;
	s5 =	simm.s32 @!p2 $0x0  }
0x1d: {  	s5 =	simm.s32 @p1 $0x1;
	p0 =	seq.s32 s7, s2  }
0x1e: {  	s7 =	smul.u32 @!p0 $0xF7A, s2;
	p2 =	seq.s32 @!p0 s5, $0x0  }
0x1f: {  	s9 =	smul.u32 $0xF7A, s1;
	s8 =	simm.s32 @!p0 $0x1BF5;
	p2 =	por !p2, p0  }
0x20: {  	[sflag:s8] =	ssyncset.s32 @!p0 $0xFFFFF086;
	s6 =	sadd.s32 @!p0 s3, s7;
	s7 =	simm.s32 @!p0 $0x108  }
0x21: {  	s3 =	sadd.s32 s3, s9;
	s6 =	sadd.s32 @!p0 $0x88, s6;
	s7 =	simm.s32 @p2 $0x1082  }
0x22: {  	[simem:s7], [sflag:s8] =	dma.local @!p0 [hbm:s6], $0xF7A  }
0x23: {  	s9 =	sor.u32 $0xD0000000, s2;
	s6 =	simm.s32 $0x108;
	_ =	swait.ge @!p0 [sflag:s8], $0x0  }
0x24: {  	s3 =	sadd.s32 $0x88, s3;
	s6 =	simm.s32 @!p1 $0x1082;
	[sflag:s4] =	ssyncset.s32 $0xFFFFF086  }
0x25: {  	[simem:s6], [sflag:s4] =	dma.local [hbm:s3], $0xF7A  }
0x26: {  	[smem:$0x3F96] =	sst s1;
	(tag) =	ssettag s2;
	_ =	strace s9  }
0x27: {  	s1 =	sld [smem:$0x3FA6]  }
0x28: {  	s2 =	sld [smem:$0x3FA7]  }
0x29: {  	s4 =	sld [smem:$0x3FA9]  }
0x2a: {  	p0 =	seq.s32 s5, $0x0;
	s5 =	sld [smem:$0x3FAA]  }
0x2b: {  	s6 =	sld [smem:$0x3FAB]  }
0x2c: {  	s7 =	sld [smem:$0x3FAC]  }
0x2d: {  	s3 =	simm.s32 $0x108;
	s8 =	sld [smem:$0x3FAD]  }
0x2e: {  	s3 =	simm.s32 @!p0 $0x1082;
	s9 =	sld [smem:$0x3FAE]  }
0x2f: {  	lr =	sadd.s32 s0, s3;
	s0 =	sld [smem:$0x3FA5]  }
0x30: {  	s3 =	sld [smem:$0x3FA8]  }
0x31: {  	[smem:$0x3FB1] =	sst s10  }
0x32: {  	s10 =	sld [smem:$0x3FAF];
	_ =	sdelay $0x3  }
0x33: {  	p0 =	seq.s32 s10, $0x1;
	s10 =	sld [smem:$0x3FB1];
	_ =	sdelay $0x3  }
0x34: {  	[smem:$0x3FB1] =	sst s10  }
0x35: {  	s10 =	sld [smem:$0x3FB0];
	_ =	sdelay $0x3  }
0x36: {  	p1 =	seq.s32 s10, $0x1;
	s10 =	sld [smem:$0x3FB1];
	_ =	sdelay $0x3  }
0x37: {  	[smem:$0x3FB1] =	sst s10  }
0x38: {  	s10 =	sld [smem:$0x3FB2]  }
0x39: {  	_ = 	snop;
	(pc) =	sbr.ind lr, $3  }
0x3a: {  	_ = 	snop  }
0x3b: {  	_ = 	snop  }
0x3c: {  	p2 =	seq.s32 s10, $0x1;
	s10 =	sld [smem:$0x3FB1]  }
0x3d: {  	_ =	shalt  }
0x3e: {  	_ =	shalt  }
0x3f: {  	_ =	shalt  }
0x40: {  	_ =	shalt  }
0x41: {  	_ =	shalt  }
0x42: {  	_ =	shalt  }
0x43: {  	_ =	shalt  }
0x44: {  	_ =	shalt  }
0x45: {  	_ =	shalt  }
0x46: {  	_ =	shalt  }
0x47: {  	_ =	shalt  }
0x48: {  	_ =	shalt  }
0x49: {  	_ =	shalt  }
0x4a: {  	_ =	shalt  }
0x4b: {  	_ =	shalt  }
0x4c: {  	_ =	shalt  }
0x4d: {  	_ =	shalt  }
0x4e: {  	_ =	shalt  }
0x4f: {  	_ =	shalt  }
0x50: {  	_ =	shalt  }
0x51: {  	_ =	shalt  }
0x52: {  	_ =	shalt  }
0x53: {  	_ =	shalt  }
0x54: {  	_ =	shalt  }
0x55: {  	_ =	shalt  }
0x56: {  	_ =	shalt  }
0x57: {  	_ =	shalt  }
0x58: {  	_ =	shalt  }
0x59: {  	_ =	shalt  }
0x5a: {  	_ =	shalt  }
0x5b: {  	_ =	shalt  }
0x5c: {  	_ =	shalt  }
0x5d: {  	_ =	shalt  }
0x5e: {  	_ =	shalt  }
0x5f: {  	_ =	shalt  }
0x60: {  	_ =	shalt  }
0x61: {  	_ =	shalt  }
0x62: {  	_ =	shalt  }
0x63: {  	_ =	shalt  }
0x64: {  	_ =	shalt  }
0x65: {  	_ =	shalt  }
0x66: {  	_ =	shalt  }
0x67: {  	_ =	shalt  }
0x68: {  	_ =	shalt  }
0x69: {  	_ =	shalt  }
0x6a: {  	_ =	shalt  }
0x6b: {  	_ =	shalt  }
0x6c: {  	_ =	shalt  }
0x6d: {  	_ =	shalt  }
0x6e: {  	_ =	shalt  }
0x6f: {  	_ =	shalt  }
0x70: {  	_ =	shalt  }
0x71: {  	_ =	shalt  }
0x72: {  	_ =	shalt  }
0x73: {  	_ =	shalt  }
0x74: {  	_ =	shalt  }
0x75: {  	_ =	shalt  }
0x76: {  	_ =	shalt  }
0x77: {  	_ =	shalt  }
0x78: {  	_ =	shalt  }
0x79: {  	_ =	shalt  }
0x7a: {  	_ =	shalt  }
0x7b: {  	_ =	shalt  }
0x7c: {  	_ =	shalt  }
0x7d: {  	_ =	shalt  }
0x7e: {  	_ =	shalt  }
0x7f: {  	_ =	shalt  }
0x80: {  	_ =	shalt  }
0x81: {  	_ =	shalt  }
0x82: {  	_ =	shalt  }
0x83: {  	_ =	shalt  }
0x84: {  	_ =	shalt  }
0x85: {  	_ =	shalt  }
0x86: {  	_ =	shalt  }
0x87: {  	_ =	shalt  }
.Lfunc_end0:
.L_simem_size_0:
called_computation.4_lowered:
.L_overlay_start_0:
0x88: {  	s2 =	sld [smem:$0x3FD9]  }
0x89: {  	s3 =	sld [smem:$0x3FFE];
	_ =	sdelay $0x1  }
0x8a: {  	s1 =	srdreg.scid  }
0x8b: {  	s0 =	sand.u32 $0x1, s1  }
0x8c: {  	s16 =	sshll.u32 s0, $0xA;
	s2 =	sadd.s32 s3, s2  }
0x8d: {  	s2 =	sadd.s32 s2, s16  }
0x8e: {  	[smem:$0x3FBD] =	sst s2  }
0x8f: {  	_ = 	snop  }
0x90: {  	(tm) =	ssettm $0x1  }
0x91: {  	s17 =	sld [smem:$0x3FFB];
	_ =	sdelay $0x3  }
0x92: {  	_ =	strace s17  }
0x93: {  	s2 =	sld [smem:$0x3FFC];
	_ =	sdelay $0x3  }
0x94: {  	_ =	strace s2  }
0x95: {  	s2 =	sld [smem:$0x3FFD];
	_ =	sdelay $0x3  }
0x96: {  	_ =	strace s2  }
0x97: {  	_ =	strace $0x8FFFFFFF  }
0x98: {  	s18 =	sld [smem:$0x3FDB];
	_ =	sdelay $0x1  }
0x99: {  	s19 =	simm.s32 $_scs_section_size  }
0x9a: {  	s4 =	simm.s32 $_size__tile_overlayer_lowered;
	s5 =	simm.s32 $_tile_overlayer_lowered  }
0x9b: {  	s22 =	simm.s32 $0x1BFF;
	s21 =	sshll.u32 s5, $0x1;
	s2 =	sadd.s32 s19, s18  }
0x9c: {  	s6 =	simm.s32 $0x0;
	s20 =	sshll.u32 s4, $0x1;
	s4 =	sadd.s32 s21, s2  }
0x9d: {  	[timem:s6], [sflag:s22] =	dma.local [hbm:s4], s20  }
0x9e: {  	_ =	swait.ge [sflag:s22], s20  }
0x9f: {  	s3 =	ssub.s32 $0x0, s20;
	[sflag:s22] =	ssyncset.done $0x0  }
0xa0: {  	[sflag:s22] =	ssyncadd.s32 s3;
	_ =	sdelay $0x1  }
0xa1: {  	s23 =	simm.s32 $0x1B8B  }
0xa2: {  	_ =	swait.ge [sflag:s23], $0x1  }
0xa3: {  	[sflag:s23] =	ssyncset.done $0x0  }
0xa4: {  	s25 =	simm.s32 $0x1B8E;
	s24 =	sld [smem:$0x3FFE];
	[sflag:s23] =	ssyncadd.s32 $0xFFFFFFFF  }
0xa5: {  	s26 =	simm.s32 $execute0_lowered;
	[smem:$0x3FD2] =	sst s25  }
0xa6: {  	s4 =	sshll.u32 s26, $0x1;
	_ =	strace $0x80000052;
	[dreg:$0x1] =	wrdreg $0xFFFFFFFF  }
0xa7: {  	s28 =	simm.s32 $_size_execute0_lowered;
	s2 =	sadd.s32 s2, s4;
	[dreg:$0x0] =	wrdreg $0x0  }
0xa8: {  	s4 =	sshll.u32 s28, $0x1;
	[dreg:$0x2] =	wrdreg s2  }
0xa9: {  	[dreg:$0x3] =	wrdreg s4  }
0xaa: {  	[dreg:$0x4] =	wrdreg $0xC0  }
0xab: {  	_ =	task [dreg:s6], $0x5FFFF  }
0xac: {  	[dreg:$0x1] =	wrdreg $0xFFFFFFFF  }
0xad: {  	[dreg:$0x0] =	wrdreg $0x60  }
0xae: {  	[dreg:$0x2] =	wrdreg s24  }
0xaf: {  	[dreg:$0x3] =	wrdreg $0x0  }
0xb0: {  	[dreg:$0x4] =	wrdreg $0x9  }
0xb1: {  	_ =	task.clear_ibuf [dreg:s6], $0x5FFFF;
	_ =	strace $0x90000052  }
0xb2: {  	s29 =	simm.s32 $0x9;
	_ =	strace $0x80000054  }
0xb3: {  	_ =	swait.ge [sflag:s29], $0x1  }
0xb4: {  	[sflag:s29] =	ssyncadd.s32 $0xFFFFFFFF  }
0xb5: {  	_ =	strace $0x90000054  }
0xb6: {  	_ =	sfence  }
0xb7: {  	s30 =	sld [smem:$0x0];
	_ =	sdelay $0x2  }
0xb8: {  	s31 =	sshll.u32 s1, $0xD;
	s1 =	sshrl.u32 s1, $0x2  }
0xb9: {  	s3 =	sand.u32 $0x4000, s31;
	s1 =	sadd.s32 s1, s30  }
0xba: {  	s0 =	sor.u32 s3, s0;
	s1 =	sshll.u32 s1, $0x11  }
0xbb: {  	s0 =	sor.u32 s1, s0  }
0xbc: {  	s0 =	sadd.s32 $0x8F2B, s0  }
0xbd: {  	[sflag:s0] =	ssyncadd.remote.s32 $0x1  }
0xbe: {  	_ =	sfence.sel $0xFFFF  }
0xbf: {  	[dreg:$0x0] =	wrdreg $0xFFFFFFFF;
	(pc) =	sbr.abs _section_cstart, $3  }
0xc0: {  	[dreg:$0x1] =	wrdreg $0xFFFFFFFF  }
0xc1: {  	_ =	task.clear_ibuf [dreg:s6], $0x2FFFF;
	_ =	strace $0x9FFFFFFF  }
0xc2: {  	(tm) =	ssettm $0x7FFFFFFF  }
0xc3: {  	_ =	shalt  }
tec
execute0_lowered:
.L_overlay_start_1:
0x0: {  	(tag) =	ssettag $0x1  }
0x1: {  	s0 =	rddreg [dreg:$0x0]  }
0x2: {  	s1 =	rddreg [dreg:$0x1]  }
0x3: {  	s3 =	srdreg.scid;
	s2 =	simm.s32 $0x0;
	s12 =	stileid.u32  }
0x4: {  	s28 =	simm.s32 $0x80;
	s29 =	simm.s32 $0x13D80;
	s30 =	simm.s32 $0x13B80  }
0x5: {  	s31 =	simm.s32 $0x13D00;
	s3 =	sand.u32 $0x1, s3;
	s10 =	smul.u32 $0x4F000, s12  }
0x6: {  	[smem:$0x7FF] =	sst s2;
	s4 =	sadd.s32 $0x17E00, s0;
	s13 =	smul.u32 $0x2780, s12  }
0x7: {  	s5 =	sadd.s32 $0xDE00, s0;
	s6 =	sadd.s32 $0x3E00, s0;
	s25 =	smul.u32 $0x500, s12  }
0x8: {  	p0 =	seq.s32 s12, $0xF;
	s7 =	smul.u32 $0x27500, s3;
	_ =	strace $0x80000053  }
0x9: {  	s8 =	ssub.s32 $0x2, s3;
	s9 =	sshll.u32 s3, $0x4;
	s23 =	smul.u32 $0x5000, s3  }
0xa: {  	s3 =	simm.s32 $0x17D80;
	s11 =	sshrl.u32 s8, $0x1;
	s9 =	sor.u32 s12, s9  }
0xb: {  	s10 =	sshrl.u32 s10, $0x2;
	[dreg:$0x3] =	wrdreg s13;
	s17 =	sadd.s32 s4, s13  }
0xc: {  	s13 =	simm.s32 $0x6;
	s7 =	sadd.s32 s7, s0;
	s8 =	ssub.s32 s8, s11  }
0xd: {  	s9 =	smul.u32 $0x500, s9;
	[dreg:$0x4] =	wrdreg s17;
	s0 =	sadd.s32 $0x3CE80, s0  }
0xe: {  	s10 =	sadd.s32 s10, s1;
	s11 =	sadd.s32 $0x128400, s1;
	[dreg:$0x5] =	wrdreg s0  }
0xf: {  	s7 =	sadd.s32 $0x3F400, s7;
	s26 =	smax.u32 s8, $0x1;
	s17 =	sshrl.u32 @p0 s11, $0x3  }
0x10: {  	s8 =	simm.s32 $0x4;
	s11 =	simm.s32 $0x7;
	[dreg:$0xc] =	wrdreg s7  }
0x11: {  	s18 =	sadd.s32 s5, s9;
	s19 =	sor.u32 $0x10, s9;
	[dreg:$0xd] =	wrdreg s26  }
0x12: {  	s20 =	sadd.s32 s6, s9;
	s9 =	sor.u32 $0x20, s9;
	[dreg:$0xe] =	wrdreg s17  }
0x13: {  	s7 =	sshll.u32 @!p0 s12, $0x6;
	s26 =	simm.s32 $0x1;
	[dreg:$0x6] =	wrdreg s18  }
0x14: {  	s12 =	simm.s32 $0x8;
	[dreg:$0x7] =	wrdreg s20;
	s21 =	sadd.s32 s5, s19  }
0x15: {  	s0 =	sadd.s32 s6, s19;
	s22 =	sadd.s32 s5, s9;
	s24 =	sadd.s32 s6, s9  }
0x16: {  	s18 =	sadd.s32 s25, s23;
	s16 =	sor.u32 @!p0 $0x1C0A, s7;
	[dreg:$0x8] =	wrdreg s21  }
0x17: {  	s19 =	sshrl.u32 @!p0 s10, $0x3;
	s23 =	simm.s32 $0x13C00;
	[dreg:$0x9] =	wrdreg s0  }
0x18: {  	s25 =	simm.s32 $0x13C80;
	s9 =	simm.s32 $0x3;
	[dreg:$0xa] =	wrdreg s22  }
0x19: {  	s10 =	simm.s32 $0x1BD80;
	s7 =	simm.s32 $0x5;
	[dreg:$0xb] =	wrdreg s24  }
0x1a: {  	s20 =	simm.s32 $0x0;
	s22 =	simm.s32 $0x13A80;
	[dreg:$0xf] =	wrdreg s16  }
0x1b: {  	s24 =	simm.s32 $0x13B00;
	s0 =	simm.s32 $0x2;
	[dreg:$0x10] =	wrdreg s19  }
.LBB2_1:
0x1c: {  	[dreg:$0x11] =	wrdreg s20  }
0x1d: {  	s14 =	simm.s32 @p0 $0x1FCA;
	s15 =	rddreg [dreg:$0x5]  }
0x1e: {  	[spmem:s17], [sflag:s14] =	dma.local @p0 [hbm:s15], $0x2480  }
0x1f: {  	s14 =	simm.s32 @p0 $0xA  }
0x20: {  	_ =	swait.ge @p0 [sflag:s14], $0x2480  }
0x21: {  	[sflag:s14] =	ssyncset.done @p0 $0x0  }
0x22: {  	[sflag:s14] =	ssyncadd.s32 @p0 $0xFFFFDB80;
	s14 =	rddreg [dreg:$0x4]  }
0x23: {  	[spmem:s19], [sflag:s16] =	dma.local @!p0 [hbm:s14], $0x2780  }
0x24: {  	s14 =	simm.s32 @!p0 $0xA  }
0x25: {  	_ =	swait.ge @!p0 [sflag:s14], $0x2780  }
0x26: {  	[sflag:s14] =	ssyncset.done @!p0 $0x0  }
0x27: {  	[sflag:s14] =	ssyncadd.s32 @!p0 $0xFFFFD880  }
0x28: {  	[bflag:$0x0] =	sbarrier.arrive $0xFFFF  }
0x29: {  	s15 =	rddreg [dreg:$0x6]  }
0x2a: {  	[tilespmem:s22], [sflag:$0x1] =	stream.linear.gather [hbm4b:s15+s2], $0x80, $0x38;
	[tilespmem:$0x1FD80] =	vst v63  }
0x2b: {  	s16 =	rddreg [dreg:$0x7]  }
0x2c: {  	[tilespmem:s23], [sflag:$0x1] =	stream.linear.gather [hbm4b:s16+s2], $0x80, $0x38;
	[tilespmem:$0x1FD80] =	vst v63  }
0x2d: {  	s17 =	rddreg [dreg:$0x8]  }
0x2e: {  	[tilespmem:s24], [sflag:$0x2] =	stream.linear.gather [hbm4b:s17+s2], $0x80, $0x38;
	[tilespmem:$0x1FD80] =	vst v63  }
0x2f: {  	s19 =	rddreg [dreg:$0x9]  }
0x30: {  	[tilespmem:s25], [sflag:$0x2] =	stream.linear.gather [hbm4b:s19+s2], $0x80, $0x38;
	[tilespmem:$0x1FD80] =	vst v63  }
0x31: {  	_ =	swait.ge [sflag:s26], $0x80  }
0x32: {  	[sflag:s26] =	ssyncset.done $0x0  }
0x33: {  	[sflag:s26] =	ssyncadd.s32 $0xFFFFFF80  }
0x34: {  	_ =	swait.ge [sflag:s26], $0x80  }
0x35: {  	[sflag:s26] =	ssyncset.done $0x0  }
0x36: {  	[sflag:s26] =	ssyncadd.s32 $0xFFFFFF80  }
0x37: {  	[tilespmem:s29], [sflag:$0x4] =	stream.indirect.gather [hbm4b:s4+s28], $0x80, s22, s28, $0xb8;
	[tilespmem:$0x1FD80] =	vst v63  }
0x38: {  	s20 =	rddreg [dreg:$0xa]  }
0x39: {  	[tilespmem:s30], [sflag:$0x3] =	stream.linear.gather [hbm4b:s20+s2], $0x80, $0x38;
	[tilespmem:$0x1FD80] =	vst v63  }
0x3a: {  	s21 =	rddreg [dreg:$0xb]  }
0x3b: {  	[tilespmem:s31], [sflag:$0x3] =	stream.linear.gather [hbm4b:s21+s2], $0x80, $0x38;
	[tilespmem:$0x1FD80] =	vst v63  }
0x3c: {  	_ =	swait.ge [sflag:s0], $0x80  }
0x3d: {  	[sflag:s0] =	ssyncset.done $0x0  }
0x3e: {  	[sflag:s0] =	ssyncadd.s32 $0xFFFFFF80  }
0x3f: {  	p1 =	por $0x1, $0x1;
	_ =	swait.ge [sflag:s0], $0x80  }
0x40: {  	s14 =	simm.s32 @!p1 $0x9;
	[sflag:s0] =	ssyncset.done $0x0  }
0x41: {  	s16 =	sadd.s32 @!p1 $0x20, s18;
	s17 =	simm.s32 @!p1 $0x20;
	[sflag:s0] =	ssyncadd.s32 $0xFFFFFF80  }
0x42: {  	[tilespmem:s3], [sflag:$0x5] =	stream.indirect.gather [hbm4b:s4+s28], $0x80, s24, s28, $0xb8;
	[tilespmem:$0x1FD80] =	vst v63  }
0x43: {  	s16 =	sand.u32 @!p1 $0xFFFFF80, s16;
	s17 =	sand.u32 @!p1 $0x70, s17;
	_ =	swait.ge @!p1 [sflag:s14], $0x4000  }
0x44: {  	s19 =	simm.s32 @!p1 $0x13B80;
	s16 =	sor.u32 @!p1 s17, s16;
	[sflag:s14] =	ssyncset.done @!p1 $0x0  }
0x45: {  	s17 =	sadd.s32 @!p1 s5, s16;
	[sflag:s14] =	ssyncadd.s32 @!p1 $0xFFFFC000;
	s14 =	simm.s32 @!p1 $0x0  }
0x46: {  	[tilespmem:s19], [sflag:$0x3] =	stream.linear.gather @!p1 [hbm4b:s17+s14], $0x80, $0x38;
	[tilespmem:$0x1FD80] =	vst v63  }
0x47: {  	s16 =	sadd.s32 @!p1 s6, s16;
	s17 =	simm.s32 @!p1 $0x13D00  }
0x48: {  	[tilespmem:s17], [sflag:$0x3] =	stream.linear.gather @!p1 [hbm4b:s16+s14], $0x80, $0x38;
	[tilespmem:$0x1FD80] =	vst v63  }
0x49: {  	_ =	swait.ge [sflag:s8], $0x4000  }
0x4a: {  	[sflag:s8] =	ssyncset.done $0x0  }
0x4b: {  	[sflag:s8] =	ssyncadd.s32 $0xFFFFC000  }
0x4c: {  	[spmem:s1] =	stream.indirect.scatter.add.f32 [tilespmem:s29], [sflag:$0x7], $0x80, s23, s28, $0xb8;
	[tilespmem:$0x1FD80] =	vst v63  }
0x4d: {  	_ =	swait.ge [sflag:s9], $0x80  }
0x4e: {  	[sflag:s9] =	ssyncset.done $0x0  }
0x4f: {  	[sflag:s9] =	ssyncadd.s32 $0xFFFFFF80  }
0x50: {  	_ =	swait.ge [sflag:s9], $0x80  }
0x51: {  	s15 =	sadd.s32 $0x40, s18;
	[sflag:s9] =	ssyncset.done $0x0  }
0x52: {  	s20 =	simm.s32 $0x30;
	s19 =	sadd.s32 $0xFFFFFFF0, s15;
	[sflag:s9] =	ssyncadd.s32 $0xFFFFFF80  }
0x53: {  	[tilespmem:s10], [sflag:$0x6] =	stream.indirect.gather [hbm4b:s4+s28], $0x80, s30, s28, $0xb8;
	[tilespmem:$0x1FD80] =	vst v63  }
0x54: {  	s16 =	sand.u32 $0xFFFFF80, s19;
	s17 =	sand.u32 $0x70, s20;
	_ =	swait.ge [sflag:s11], $0x4000  }
0x55: {  	s16 =	sor.u32 s17, s16;
	[sflag:s11] =	ssyncset.done $0x0  }
0x56: {  	s17 =	sadd.s32 s5, s16;
	[sflag:s11] =	ssyncadd.s32 $0xFFFFC000  }
0x57: {  	[tilespmem:s22], [sflag:$0x1] =	stream.linear.gather [hbm4b:s17+s2], $0x80, $0x38;
	[tilespmem:$0x1FD80] =	vst v63  }
0x58: {  	s16 =	sadd.s32 s6, s16  }
0x59: {  	[tilespmem:s23], [sflag:$0x1] =	stream.linear.gather [hbm4b:s16+s2], $0x80, $0x38;
	[tilespmem:$0x1FD80] =	vst v63  }
0x5a: {  	_ =	swait.ge [sflag:s7], $0x4000  }
0x5b: {  	[sflag:s7] =	ssyncset.done $0x0  }
0x5c: {  	[sflag:s7] =	ssyncadd.s32 $0xFFFFC000  }
0x5d: {  	[spmem:s1] =	stream.indirect.scatter.add.f32 [tilespmem:s3], [sflag:$0x8], $0x80, s25, s28, $0xb8;
	[tilespmem:$0x1FD80] =	vst v63  }
0x5e: {  	_ =	swait.ge [sflag:s26], $0x80  }
0x5f: {  	[sflag:s26] =	ssyncset.done $0x0  }
0x60: {  	[sflag:s26] =	ssyncadd.s32 $0xFFFFFF80  }
0x61: {  	_ =	swait.ge [sflag:s26], $0x80  }
0x62: {  	[sflag:s26] =	ssyncset.done $0x0  }
0x63: {  	s21 =	simm.s32 $0x40;
	[sflag:s26] =	ssyncadd.s32 $0xFFFFFF80  }
0x64: {  	[tilespmem:s29], [sflag:$0x4] =	stream.indirect.gather [hbm4b:s4+s28], $0x80, s22, s28, $0xb8;
	[tilespmem:$0x1FD80] =	vst v63  }
0x65: {  	s14 =	sand.u32 $0xFFFFF80, s15;
	s16 =	sand.u32 $0x70, s21;
	_ =	swait.ge [sflag:s12], $0x4000  }
0x66: {  	s14 =	sor.u32 s16, s14;
	[sflag:s12] =	ssyncset.done $0x0  }
0x67: {  	s16 =	sadd.s32 s5, s14;
	[sflag:s12] =	ssyncadd.s32 $0xFFFFC000  }
0x68: {  	[tilespmem:s24], [sflag:$0x2] =	stream.linear.gather [hbm4b:s16+s2], $0x80, $0x38;
	[tilespmem:$0x1FD80] =	vst v63  }
0x69: {  	s14 =	sadd.s32 s6, s14  }
0x6a: {  	[tilespmem:s25], [sflag:$0x2] =	stream.linear.gather [hbm4b:s14+s2], $0x80, $0x38;
	[tilespmem:$0x1FD80] =	vst v63  }
0x6b: {  	_ =	swait.ge [sflag:s13], $0x4000  }
0x6c: {  	s17 =	simm.s32 $0x70;
	[sflag:s13] =	ssyncset.done $0x0  }
.LBB2_2:
0x6d: {  	[sflag:s13] =	ssyncadd.s32 $0xFFFFC000;
	s14 =	smov.u32 s17;
	s17 =	sadd.s32 $0x30, s17  }
0x6e: {  	[spmem:s1] =	stream.indirect.scatter.add.f32 [tilespmem:s10], [sflag:$0x9], $0x80, s31, s28, $0xb8;
	[tilespmem:$0x1FD80] =	vst v63  }
0x6f: {  	p1 =	sne.s32 s17, $0x520;
	_ =	swait.ge [sflag:s0], $0x80  }
0x70: {  	[sflag:s0] =	ssyncset.done $0x0  }
0x71: {  	[sflag:s0] =	ssyncadd.s32 $0xFFFFFF80  }
0x72: {  	_ =	swait.ge [sflag:s0], $0x80  }
0x73: {  	p2 =	seq.s32 s14, $0x40;
	[sflag:s0] =	ssyncset.done $0x0  }
0x74: {  	s16 =	simm.s32 @!p2 $0x9;
	s19 =	sadd.s32 @!p2 $0xFFFFFFE0, s14;
	[sflag:s0] =	ssyncadd.s32 $0xFFFFFF80  }
0x75: {  	[tilespmem:s3], [sflag:$0x5] =	stream.indirect.gather [hbm4b:s4+s28], $0x80, s24, s28, $0xb8;
	[tilespmem:$0x1FD80] =	vst v63  }
0x76: {  	s20 =	sadd.s32 @!p2 s18, s19;
	s19 =	sand.u32 @!p2 $0x70, s19;
	_ =	swait.ge @!p2 [sflag:s16], $0x4000  }
0x77: {  	s21 =	simm.s32 @!p2 $0x13B80;
	s20 =	sand.u32 @!p2 $0xFFFFF80, s20;
	[sflag:s16] =	ssyncset.done @!p2 $0x0  }
0x78: {  	[sflag:s16] =	ssyncadd.s32 @!p2 $0xFFFFC000;
	s16 =	sor.u32 @!p2 s19, s20;
	s19 =	simm.s32 @!p2 $0x0  }
0x79: {  	s15 =	simm.s32 @!p2 $0x13D00;
	s20 =	sadd.s32 @!p2 s5, s16;
	s16 =	sadd.s32 @!p2 s6, s16  }
0x7a: {  	[tilespmem:s21], [sflag:$0x3] =	stream.linear.gather @!p2 [hbm4b:s20+s19], $0x80, $0x38;
	[tilespmem:$0x1FD80] =	vst v63  }
0x7b: {  	_ = 	snop  }
0x7c: {  	[tilespmem:s15], [sflag:$0x3] =	stream.linear.gather @!p2 [hbm4b:s16+s19], $0x80, $0x38;
	[tilespmem:$0x1FD80] =	vst v63  }
0x7d: {  	_ =	swait.ge [sflag:s8], $0x4000  }
0x7e: {  	[sflag:s8] =	ssyncset.done $0x0  }
0x7f: {  	[sflag:s8] =	ssyncadd.s32 $0xFFFFC000  }
0x80: {  	[spmem:s1] =	stream.indirect.scatter.add.f32 [tilespmem:s29], [sflag:$0x7], $0x80, s23, s28, $0xb8;
	[tilespmem:$0x1FD80] =	vst v63  }
0x81: {  	_ =	swait.ge [sflag:s9], $0x80  }
0x82: {  	[sflag:s9] =	ssyncset.done $0x0  }
0x83: {  	[sflag:s9] =	ssyncadd.s32 $0xFFFFFF80  }
0x84: {  	_ =	swait.ge [sflag:s9], $0x80  }
0x85: {  	s15 =	sadd.s32 s14, s18;
	[sflag:s9] =	ssyncset.done $0x0  }
0x86: {  	s19 =	sadd.s32 $0xFFFFFFF0, s14;
	s16 =	sadd.s32 $0xFFFFFFF0, s15;
	[sflag:s9] =	ssyncadd.s32 $0xFFFFFF80  }
0x87: {  	[tilespmem:s10], [sflag:$0x6] =	stream.indirect.gather [hbm4b:s4+s28], $0x80, s30, s28, $0xb8;
	[tilespmem:$0x1FD80] =	vst v63  }
0x88: {  	s19 =	sand.u32 $0x70, s19;
	s16 =	sand.u32 $0xFFFFF80, s16;
	_ =	swait.ge [sflag:s11], $0x4000  }
0x89: {  	s15 =	sand.u32 $0xFFFFF80, s15;
	s16 =	sor.u32 s19, s16;
	[sflag:s11] =	ssyncset.done $0x0  }
0x8a: {  	s19 =	sadd.s32 s5, s16;
	[sflag:s11] =	ssyncadd.s32 $0xFFFFC000  }
0x8b: {  	[tilespmem:s22], [sflag:$0x1] =	stream.linear.gather [hbm4b:s19+s2], $0x80, $0x38;
	[tilespmem:$0x1FD80] =	vst v63  }
0x8c: {  	s16 =	sadd.s32 s6, s16  }
0x8d: {  	[tilespmem:s23], [sflag:$0x1] =	stream.linear.gather [hbm4b:s16+s2], $0x80, $0x38;
	[tilespmem:$0x1FD80] =	vst v63  }
0x8e: {  	_ =	swait.ge [sflag:s7], $0x4000  }
0x8f: {  	[sflag:s7] =	ssyncset.done $0x0  }
0x90: {  	[sflag:s7] =	ssyncadd.s32 $0xFFFFC000  }
0x91: {  	[spmem:s1] =	stream.indirect.scatter.add.f32 [tilespmem:s3], [sflag:$0x8], $0x80, s25, s28, $0xb8;
	[tilespmem:$0x1FD80] =	vst v63  }
0x92: {  	_ =	swait.ge [sflag:s26], $0x80  }
0x93: {  	[sflag:s26] =	ssyncset.done $0x0  }
0x94: {  	[sflag:s26] =	ssyncadd.s32 $0xFFFFFF80  }
0x95: {  	_ =	swait.ge [sflag:s26], $0x80  }
0x96: {  	[sflag:s26] =	ssyncset.done $0x0  }
0x97: {  	s14 =	sand.u32 $0x70, s14;
	[sflag:s26] =	ssyncadd.s32 $0xFFFFFF80  }
0x98: {  	[tilespmem:s29], [sflag:$0x4] =	stream.indirect.gather [hbm4b:s4+s28], $0x80, s22, s28, $0xb8;
	[tilespmem:$0x1FD80] =	vst v63  }
0x99: {  	s14 =	sor.u32 s14, s15;
	_ =	swait.ge [sflag:s12], $0x4000  }
0x9a: {  	s15 =	sadd.s32 s5, s14;
	[sflag:s12] =	ssyncset.done $0x0  }
0x9b: {  	s14 =	sadd.s32 s6, s14;
	[sflag:s12] =	ssyncadd.s32 $0xFFFFC000  }
0x9c: {  	[tilespmem:s24], [sflag:$0x2] =	stream.linear.gather [hbm4b:s15+s2], $0x80, $0x38;
	[tilespmem:$0x1FD80] =	vst v63  }
.Ltmp0:
0x9d: {  	_ = 	snop;
	(pc) =	sbr.rel @p1 .LBB2_2-.Ltmp0, $4  }
0x9e: {  	_ = 	snop  }
0x9f: {  	[tilespmem:s25], [sflag:$0x2] =	stream.linear.gather [hbm4b:s14+s2], $0x80, $0x38;
	[tilespmem:$0x1FD80] =	vst v63  }
0xa0: {  	_ =	swait.ge [sflag:s13], $0x4000  }
0xa1: {  	[sflag:s13] =	ssyncset.done $0x0  }
0xa2: {  	[sflag:s13] =	ssyncadd.s32 $0xFFFFC000  }
0xa3: {  	[spmem:s1] =	stream.indirect.scatter.add.f32 [tilespmem:s10], [sflag:$0x9], $0x80, s31, s28, $0xb8;
	[tilespmem:$0x1FD80] =	vst v63  }
0xa4: {  	_ =	swait.ge [sflag:s0], $0x80  }
0xa5: {  	[sflag:s0] =	ssyncset.done $0x0  }
0xa6: {  	[sflag:s0] =	ssyncadd.s32 $0xFFFFFF80  }
0xa7: {  	_ =	swait.ge [sflag:s0], $0x80  }
0xa8: {  	[sflag:s0] =	ssyncset.done $0x0  }
0xa9: {  	[sflag:s0] =	ssyncadd.s32 $0xFFFFFF80  }
0xaa: {  	[tilespmem:s3], [sflag:$0x5] =	stream.indirect.gather [hbm4b:s4+s28], $0x80, s24, s28, $0xb8;
	[tilespmem:$0x1FD80] =	vst v63  }
0xab: {  	_ =	swait.ge [sflag:s8], $0x4000  }
0xac: {  	[sflag:s8] =	ssyncset.done $0x0  }
0xad: {  	[sflag:s8] =	ssyncadd.s32 $0xFFFFC000  }
0xae: {  	[spmem:s1] =	stream.indirect.scatter.add.f32 [tilespmem:s29], [sflag:$0x7], $0x80, s23, s28, $0xb8;
	[tilespmem:$0x1FD80] =	vst v63  }
0xaf: {  	_ =	swait.ge [sflag:s7], $0x4000  }
0xb0: {  	[sflag:s7] =	ssyncset.done $0x0  }
0xb1: {  	s14 =	simm.s32 $0x9;
	[sflag:s7] =	ssyncadd.s32 $0xFFFFC000  }
0xb2: {  	[spmem:s1] =	stream.indirect.scatter.add.f32 [tilespmem:s3], [sflag:$0x8], $0x80, s25, s28, $0xb8;
	[tilespmem:$0x1FD80] =	vst v63  }
0xb3: {  	_ =	swait.ge [sflag:s14], $0x4000  }
0xb4: {  	[sflag:s14] =	ssyncset.done $0x0  }
0xb5: {  	[sflag:s14] =	ssyncadd.s32 $0xFFFFC000  }
0xb6: {  	_ =	swait.ge [sflag:s11], $0x4000  }
0xb7: {  	[sflag:s11] =	ssyncset.done $0x0  }
0xb8: {  	[sflag:s11] =	ssyncadd.s32 $0xFFFFC000  }
0xb9: {  	_ =	swait.ge [sflag:s12], $0x4000  }
0xba: {  	[sflag:s12] =	ssyncset.done $0x0  }
0xbb: {  	[sflag:s12] =	ssyncadd.s32 $0xFFFFC000  }
0xbc: {  	[bflag:$0x0] =	sbarrier.arrive $0xFFFF  }
0xbd: {  	s16 =	rddreg [dreg:$0xc]  }
0xbe: {  	s15 =	simm.s32 @p0 $0x1FCA;
	s17 =	rddreg [dreg:$0xe];
	s14 =	sadd.s32 @p0 $0x25080, s16  }
0xbf: {  	[hbm:s14], [sflag:s15] =	dma.local @p0 [spmem:s17], $0x2480  }
0xc0: {  	s14 =	simm.s32 @p0 $0xA  }
0xc1: {  	_ =	swait.ge @p0 [sflag:s14], $0x2480  }
0xc2: {  	[sflag:s14] =	ssyncset.done @p0 $0x0;
	s19 =	rddreg [dreg:$0x10]  }
0xc3: {  	[sflag:s14] =	ssyncadd.s32 @p0 $0xFFFFDB80;
	s14 =	rddreg [dreg:$0x3]  }
0xc4: {  	s14 =	sadd.s32 @!p0 s14, s16;
	s16 =	rddreg [dreg:$0xf]  }
0xc5: {  	[hbm:s14], [sflag:s16] =	dma.local @!p0 [spmem:s19], $0x2780  }
0xc6: {  	s14 =	simm.s32 @!p0 $0xA  }
0xc7: {  	_ =	swait.ge @!p0 [sflag:s14], $0x2780  }
0xc8: {  	s20 =	rddreg [dreg:$0x11]  }
0xc9: {  	s21 =	rddreg [dreg:$0xd];
	s20 =	sadd.s32 $0x1, s20  }
0xca: {  	p1 =	sne.s32 s20, s21  }
.Ltmp1:
0xcb: {  	_ = 	snop;
	(pc) =	sbr.rel @p1 .LBB2_1-.Ltmp1, $3  }
0xcc: {  	_ =	sdelay $0x1  }
0xcd: {  	[sflag:s14] =	ssyncset.done @!p0 $0x0  }
0xce: {  	[sflag:s14] =	ssyncadd.s32 @!p0 $0xFFFFD880  }
0xcf: {  	_ =	sfence.sel $0x180000  }
0xd0: {  	[bflag:$0x0] =	sbarrier.arrive $0xFFFF  }
0xd1: {  	_ =	strace $0x90000053  }
0xd2: {  	s0 =	stileid.u32;
	[bflag:$0x2] =	sbarrier.arrive $0xFFFF  }
0xd3: {  	p0 =	sne.s32 s0, $0x0;
	s0 =	rddreg [dreg:$0x2]  }
0xd4: {  	s0 =	sadd.s32 @!p0 $0x100000, s0  }
0xd5: {  	[sflag:s0] =	ssyncadd.tile.s32 @!p0 $0x1;
	_ =	shalt  }
.Lfunc_end2:
_tile_overlayer_lowered:
.L_overlay_start_2:
0xd6: {  	(tag) =	ssettag $0x2  }
0xd7: {  	s0 =	rddreg [dreg:$0x0];
	s2 =	stileid.u32  }
0xd8: {  	s1 =	rddreg [dreg:$0x1];
	p0 =	sne.s32 s2, $0x0  }
0xd9: {  	s3 =	rddreg [dreg:$0x2];
	[bflag:$0x3] =	sbarrier.arrive $0xFFFF;
	s2 =	simm.s32 @!p0 $0x1C0A  }
0xda: {  	[timem:s3], [sflag:s2] =	dma.local @!p0 [hbm:s0], s1  }
0xdb: {  	s0 =	simm.s32 @!p0 $0xA  }
0xdc: {  	_ =	swait.ge @!p0 [sflag:s0], s1  }
0xdd: {  	s1 =	ssub.s32 @!p0 $0x0, s1;
	[sflag:s0] =	ssyncset.done @!p0 $0x0  }
0xde: {  	[sflag:s0] =	ssyncadd.s32 @!p0 s1  }
0xdf: {  	[bflag:$0x3] =	sbarrier.arrive $0xFFFF  }
0xe0: {  	_ =	shalt  }

</sc_bundles>
